<compile_context>
chip_gen: v7x
topology: tpu7x:2x2x1
jax: 0.10.2.dev20260603
libtpu: 0.0.44.dev20260713+nightly
codegen_flags: <defaults>
</compile_context>

<pallas_src>
import functools

import jax
import jax.numpy as jnp
from jax import lax
from jax.experimental import pallas as pl
from jax.experimental.pallas import tpu as pltpu
from jax.experimental.pallas import tpu_sc as plsc

ROI_SIZE = 7
NMS_THRESH = 0.01
NMS_SIZE = 100
X_MIN, X_MAX = -40.0, 40.0
Z_MIN, Z_MAX = 0.0, 70.0
F_CAM, CU, CV = 180.0, 150.0, 45.0

NP_ROIS = 5120
R_PER_W = 160
BLK = 512
GRID_R, GRID_C = 8, NP_ROIS // 8
IMG_H, IMG_W = 90, 300
BEV_H, BEV_W = 175, 200
BEV_BASE = IMG_H * IMG_W
TAB_ROWS = BEV_BASE + BEV_H * BEV_W



def _prep_body(at_ref, msk_ref, idx_ref, w_ref):
    i = pl.program_id(0)
    f32 = jnp.float32
    cx = at_ref[0]
    cy = at_ref[1]
    cz = at_ref[2]
    dx = at_ref[3]
    dy = at_ref[4]
    dz = at_ref[5]
    mi = msk_ref[0, 0]
    mb = msk_ref[0, 1]
    hi = mi / (mi + mb)
    hb = mb / (mi + mb)

    bx1 = jnp.clip((cx - dx / 2.0 - X_MIN) / (X_MAX - X_MIN) * float(BEV_W), 0.0, BEV_W - 1.0)
    bx2 = jnp.clip((cx + dx / 2.0 - X_MIN) / (X_MAX - X_MIN) * float(BEV_W), 0.0, BEV_W - 1.0)
    by1 = jnp.clip((cz - dz / 2.0 - Z_MIN) / (Z_MAX - Z_MIN) * float(BEV_H), 0.0, BEV_H - 1.0)
    by2 = jnp.clip((cz + dz / 2.0 - Z_MIN) / (Z_MAX - Z_MIN) * float(BEV_H), 0.0, BEV_H - 1.0)

    zc = jnp.maximum(cz - dz / 2.0, 1.0)
    u1 = F_CAM * (cx - dx / 2.0) / zc + CU
    u2 = F_CAM * (cx + dx / 2.0) / zc + CU
    v1 = F_CAM * (cy - dy / 2.0) / zc + CV
    v2 = F_CAM * (cy + dy / 2.0) / zc + CV
    ix1 = jnp.clip(jnp.minimum(u1, u2), 0.0, IMG_W - 1.0)
    ix2 = jnp.clip(jnp.maximum(u1, u2), 0.0, IMG_W - 1.0)
    iy1 = jnp.clip(jnp.minimum(v1, v2), 0.0, IMG_H - 1.0)
    iy2 = jnp.clip(jnp.maximum(v1, v2), 0.0, IMG_H - 1.0)

    ifl = i.astype(f32) + 0.5

    def taps(x1, y1, x2, y2, jc, W, H, wscale, rowbase):
        bw = (x2 - x1) / float(ROI_SIZE)
        bh = (y2 - y1) / float(ROI_SIZE)
        gx = x1 + jc * bw - 0.5
        gy = y1 + ifl * bh - 0.5
        x0 = jnp.floor(gx)
        y0 = jnp.floor(gy)
        wx = gx - x0
        wy = gy - y0
        x0i = jnp.clip(x0.astype(jnp.int32), 0, W - 1)
        x1i = jnp.clip(x0i + 1, 0, W - 1)
        y0i = jnp.clip(y0.astype(jnp.int32), 0, H - 1)
        y1i = jnp.clip(y0i + 1, 0, H - 1)
        rows = [rowbase + y0i * W + x0i, rowbase + y0i * W + x1i,
                rowbase + y1i * W + x0i, rowbase + y1i * W + x1i]
        ws = [((1.0 - wy) * (1.0 - wx)) * wscale, ((1.0 - wy) * wx) * wscale,
              (wy * (1.0 - wx)) * wscale, (wy * wx) * wscale]
        return rows, ws

    for j in range(ROI_SIZE):
        jc = jnp.float32(j + 0.5)
        irows, iws = taps(ix1, iy1, ix2, iy2, jc, IMG_W, IMG_H, hi, 0)
        brows, bws = taps(bx1, by1, bx2, by2, jc, BEV_W, BEV_H, hb, BEV_BASE)
        for k in range(4):
            idx_ref[0, j * 8 + k] = irows[k]
            w_ref[0, j * 8 + k] = iws[k]
            idx_ref[0, j * 8 + 4 + k] = brows[k]
            w_ref[0, j * 8 + 4 + k] = bws[k]


def _run_prep(aT, masks):
    grid = (ROI_SIZE,)
    return pl.pallas_call(
        _prep_body,
        grid=grid,
        in_specs=[
            pl.BlockSpec((6, GRID_R, GRID_C), lambda i: (0, 0, 0)),
            pl.BlockSpec((1, 2), lambda i: (0, 0)),
        ],
        out_specs=[
            pl.BlockSpec((1, 56, GRID_R, GRID_C), lambda i: (i, 0, 0, 0)),
            pl.BlockSpec((1, 56, GRID_R, GRID_C), lambda i: (i, 0, 0, 0)),
        ],
        out_shape=[
            jax.ShapeDtypeStruct((ROI_SIZE, 56, GRID_R, GRID_C), jnp.int32),
            jax.ShapeDtypeStruct((ROI_SIZE, 56, GRID_R, GRID_C), jnp.float32),
        ],
    )(aT, masks)



_NC = 2
_NS = 16


def _sc_gather(table, idxT, wT):
    mesh = plsc.VectorSubcoreMesh(core_axis_name="c", subcore_axis_name="s")

    @functools.partial(
        pl.kernel,
        mesh=mesh,
        out_type=jax.ShapeDtypeStruct((NP_ROIS, 1568), jnp.float32),
        compiler_params=pltpu.CompilerParams(use_tc_tiling_on_sc=False,
                                             needs_layout_passes=False),
        scratch_types=[
            pltpu.VMEM((2, 1, 400), jnp.int32),
            pltpu.VMEM((2, 1, 400), jnp.float32),
            pltpu.VMEM((2, 392, 32), jnp.float32),
            pltpu.VMEM((2, 1, 1568), jnp.float32),
            pltpu.SemaphoreType.DMA,
            pltpu.SemaphoreType.DMA,
            pltpu.SemaphoreType.DMA,
            pltpu.SemaphoreType.DMA,
            pltpu.SemaphoreType.DMA,
            pltpu.SemaphoreType.DMA,
        ],
    )
    def k(tab_hbm, idx_hbm, w_hbm, feat_hbm, idx_v, w_v, rows_v, out_v,
          sem_i0, sem_i1, sem_g0, sem_g1, sem_w0, sem_w1):
        wid = lax.axis_index("s") * _NC + lax.axis_index("c")
        base = wid * R_PER_W
        sem_i = [sem_i0, sem_i1]
        sem_g = [sem_g0, sem_g1]
        sem_w = [sem_w0, sem_w1]
        iota49 = lax.broadcasted_iota(jnp.int32, (16,), 0) * 49
        lane_k = [jnp.full((16,), kk, jnp.int32) for kk in range(8)]

        def idx_copy(r, slot, do_wait):
            a = pltpu.make_async_copy(
                idx_hbm.at[pl.ds(base + r, 1), :], idx_v.at[slot], sem_i[slot])
            b = pltpu.make_async_copy(
                w_hbm.at[pl.ds(base + r, 1), :], w_v.at[slot], sem_i[slot])
            if do_wait:
                a.wait()
                b.wait()
            else:
                a.start()
                b.start()

        def gathers(slot, do_wait):
            for k7 in range(7):
                c = pltpu.make_async_copy(
                    tab_hbm.at[idx_v.at[slot, 0, pl.ds(56 * k7, 56)]],
                    rows_v.at[slot, pl.ds(56 * k7, 56)],
                    sem_g[slot])
                if do_wait:
                    c.wait()
                else:
                    c.start()

        def out_write(r, slot, do_wait):
            c = pltpu.make_async_copy(
                out_v.at[slot],
                feat_hbm.at[pl.ds(base + r, 1), :],
                sem_w[slot])
            if do_wait:
                c.wait()
            else:
                c.start()

        def blend(slot):
            def body(p, carry):
                pk = p * 8
                wvec = w_v[slot, 0, pl.ds(pk, 16)]
                wb = [wvec.at[lane_k[kk]].get(mode="promise_in_bounds")
                      for kk in range(8)]
                for half in range(2):
                    hs = pl.ds(half * 16, 16)
                    vi = rows_v[slot, pk, hs] * wb[0]
                    for k4 in range(1, 4):
                        vi = vi + rows_v[slot, pk + k4, hs] * wb[k4]
                    vb = rows_v[slot, pk + 4, hs] * wb[4]
                    for k4 in range(5, 8):
                        vb = vb + rows_v[slot, pk + k4, hs] * wb[k4]
                    plsc.store_scatter(out_v.at[slot, 0],
                                       [iota49 + (half * 16 * 49) + p],
                                       vi + vb)
                return carry
            lax.fori_loop(0, 49, body, 0, unroll=7)

        def outer(r, carry):
            idx_copy(r, 0, False)
            idx_copy(r, 0, True)
            gathers(0, False)
            gathers(0, True)
            blend(0)
            out_write(r, 0, False)
            out_write(r, 0, True)
            return carry

        lax.fori_loop(0, R_PER_W, outer, 0)

    return k(table, idxT, wT)



def _mlp_body(feat_ref, w1_ref, b1_ref, wh_ref, bh_ref, s_ref):
    h = jnp.dot(feat_ref[...], w1_ref[...], preferred_element_type=jnp.float32)
    h = jnp.maximum(h + b1_ref[...], 0.0)
    s = jnp.dot(h, wh_ref[...], preferred_element_type=jnp.float32)
    s_ref[...] = s + bh_ref[...]


def _run_mlp(feat_p, W1, b1, Wh, bh):
    grid = (NP_ROIS // BLK,)
    return pl.pallas_call(
        _mlp_body,
        grid=grid,
        in_specs=[
            pl.BlockSpec((BLK, 1568), lambda i: (i, 0)),
            pl.BlockSpec((1568, 256), lambda i: (0, 0)),
            pl.BlockSpec((1, 256), lambda i: (0, 0)),
            pl.BlockSpec((256, 128), lambda i: (0, 0)),
            pl.BlockSpec((1, 128), lambda i: (0, 0)),
        ],
        out_specs=pl.BlockSpec((BLK, 128), lambda i: (i, 0)),
        out_shape=jax.ShapeDtypeStruct((NP_ROIS, 128), jnp.float32),
    )(feat_p, W1, b1, Wh, bh)



def _nms_body(st_ref, at_ref, gp_ref, comb_ref):
    f32 = jnp.float32
    obj0 = st_ref[0]
    obj1 = st_ref[1]
    offs = [st_ref[2 + k] for k in range(10)]
    ang0 = st_ref[12]
    ang1 = st_ref[13]
    anc = [at_ref[k] for k in range(6)]
    g0 = gp_ref[0, 0]
    g1 = gp_ref[0, 1]
    g2 = gp_ref[0, 2]
    g3 = gp_ref[0, 3]

    pa = [anc[k] + offs[k] for k in range(6)]
    gyg = -(g0 * pa[0] + g2 * pa[2] + g3) / g1
    orient = jnp.arctan2(ang1, ang0)
    mx = jnp.maximum(obj0, obj1)
    e0 = jnp.exp(obj0 - mx)
    e1 = jnp.exp(obj1 - mx)
    esum = e0 + e1
    soft0 = e0 / esum
    soft1 = e1 / esum

    bx1 = pa[0] - pa[3] / 2.0
    by1 = pa[2] - pa[5] / 2.0
    bx2 = pa[0] + pa[3] / 2.0
    by2 = pa[2] + pa[5] / 2.0
    areas = (bx2 - bx1) * (by2 - by1)
    score = obj1

    ridx = jax.lax.broadcasted_iota(jnp.int32, (GRID_R, GRID_C), 0)
    cidx = jax.lax.broadcasted_iota(jnp.int32, (GRID_R, GRID_C), 1)
    idxg = ridx * GRID_C + cidx
    valid = idxg < 5000

    NEG = jnp.float32(-3.0e38)
    BIGI = jnp.int32(2 ** 30)

    gsc = jnp.where(valid, score, NEG)
    gm = jnp.max(gsc)
    gsel = jnp.min(jnp.where((gsc == gm) & valid, idxg, BIGI))

    lanes = jax.lax.broadcasted_iota(jnp.int32, (1, 128), 1)

    extract_grids = [soft0, soft1] + pa + offs + [gyg, orient, areas, bx1, by1, bx2, by2]

    def step(t, avail_i):
        avail = avail_i != 0
        s_av = jnp.where(avail, score, NEG)
        m = jnp.max(s_av)
        any_avail = m > NEG
        sel_cand = jnp.min(jnp.where((s_av == m) & avail, idxg, BIGI))
        sel = jnp.where(any_avail, sel_cand, gsel)
        eq = idxg == sel
        eqf = eq.astype(f32)
        vals = [jnp.sum(g * eqf) for g in extract_grids]
        ars = vals[20]
        x1s, y1s, x2s, y2s = vals[21], vals[22], vals[23], vals[24]
        xx1 = jnp.maximum(x1s, bx1)
        yy1 = jnp.maximum(y1s, by1)
        xx2 = jnp.minimum(x2s, bx2)
        yy2 = jnp.minimum(y2s, by2)
        inter = jnp.maximum(xx2 - xx1, 0.0) * jnp.maximum(yy2 - yy1, 0.0)
        ious = inter / (ars + areas - inter + 1e-8)
        avail_i = jnp.where((ious > NMS_THRESH) | eq, 0, avail_i)
        row = jnp.zeros((1, 128), f32)
        for k in range(20):
            row = jnp.where(lanes == k, vals[k], row)
        comb_ref[pl.ds(t, 1), :] = row
        return avail_i

    jax.lax.fori_loop(0, NMS_SIZE, step, valid.astype(jnp.int32))


def _run_nms(sT, aT, gp):
    return pl.pallas_call(
        _nms_body,
        in_specs=[
            pl.BlockSpec((16, GRID_R, GRID_C), lambda: (0, 0, 0)),
            pl.BlockSpec((6, GRID_R, GRID_C), lambda: (0, 0, 0)),
            pl.BlockSpec((1, 4), lambda: (0, 0)),
        ],
        out_specs=pl.BlockSpec((NMS_SIZE, 128), lambda: (0, 0)),
        out_shape=jax.ShapeDtypeStruct((NMS_SIZE, 128), jnp.float32),
    )(sT, aT, gp)



def kernel(img_feat_map, bev_feat_map, top_anchors, ground_plane, img_mask, bev_mask, W1, b1, Wc, bc, Wo, bo, Wa, ba):
    N = top_anchors.shape[0]

    timg = jnp.transpose(img_feat_map[0], (1, 2, 0)).reshape(BEV_BASE, 32)
    tbev = jnp.transpose(bev_feat_map[0], (1, 2, 0)).reshape(BEV_H * BEV_W, 32)
    table = jnp.concatenate([timg, tbev], axis=0)

    anchors_p = jnp.pad(top_anchors, ((0, NP_ROIS - N), (0, 0)))
    aT = jnp.transpose(anchors_p).reshape(6, GRID_R, GRID_C)
    masks = jnp.stack([img_mask[0], bev_mask[0]]).reshape(1, 2)

    idx4, w4 = _run_prep(aT, masks)
    idxT = jnp.pad(jnp.transpose(idx4.reshape(392, NP_ROIS)), ((0, 0), (0, 8)))
    wT = jnp.pad(jnp.transpose(w4.reshape(392, NP_ROIS)), ((0, 0), (0, 8)))

    feat_p = _sc_gather(table, idxT, wT)

    Wh = jnp.zeros((256, 128), jnp.float32)
    Wh = Wh.at[:, 0:2].set(Wc).at[:, 2:12].set(Wo).at[:, 12:14].set(Wa)
    bh = jnp.zeros((128,), jnp.float32)
    bh = bh.at[0:2].set(bc).at[2:12].set(bo).at[12:14].set(ba)

    s_all = _run_mlp(feat_p, W1, b1.reshape(1, 256), Wh, bh.reshape(1, 128))

    sT = jnp.transpose(s_all[:, :16]).reshape(16, GRID_R, GRID_C)
    gp = ground_plane.reshape(1, 4)

    comb = _run_nms(sT, aT, gp)

    top_scores_soft = comb[:NMS_SIZE, 0:2]
    top_pred_anchors = comb[:NMS_SIZE, 2:8]
    p4c = comb[:NMS_SIZE, 8:18]
    pa0 = comb[:NMS_SIZE, 2:3]
    gyc = comb[:NMS_SIZE, 18:19]
    pa25 = comb[:NMS_SIZE, 4:8]
    orient = comb[:NMS_SIZE, 19]
    predictions_box = jnp.concatenate([pa0, gyc, pa25, orient[:, None]], axis=1)
    return (top_scores_soft, (top_pred_anchors, p4c, predictions_box), orient)

# --- scband reference (transcript-rebuilt; emitter-appended) ---
"""Pipeline reference for scband-second-stage-detector2-79989470920837 (READ-ONLY COPY).

The authoritative reference and input builder live on the scoring server;
editing this copy changes nothing except your own understanding.
"""

import jax, jax.numpy as jnp
import numpy as np

ROI_SIZE = 7
NMS_THRESH = 0.01
NMS_SIZE = 100
X_MIN, X_MAX = -40.0, 40.0
Z_MIN, Z_MAX = 0.0, 70.0
F_CAM, CU, CV = 180.0, 150.0, 45.0


def project_to_bev(anchors, bev_h, bev_w):
    cx, cz = anchors[:, 0], anchors[:, 2]
    dx, dz = anchors[:, 3], anchors[:, 5]
    x1 = (cx - dx / 2.0 - X_MIN) / (X_MAX - X_MIN) * bev_w
    x2 = (cx + dx / 2.0 - X_MIN) / (X_MAX - X_MIN) * bev_w
    y1 = (cz - dz / 2.0 - Z_MIN) / (Z_MAX - Z_MIN) * bev_h
    y2 = (cz + dz / 2.0 - Z_MIN) / (Z_MAX - Z_MIN) * bev_h
    x1 = jnp.clip(x1, 0.0, bev_w - 1.0)
    x2 = jnp.clip(x2, 0.0, bev_w - 1.0)
    y1 = jnp.clip(y1, 0.0, bev_h - 1.0)
    y2 = jnp.clip(y2, 0.0, bev_h - 1.0)
    zero = jnp.zeros_like(x1)
    return jnp.stack([zero, x1, y1, x2, y2], axis=1)


def project_to_img(anchors, img_h, img_w):
    cx, cy, cz = anchors[:, 0], anchors[:, 1], anchors[:, 2]
    dx, dy, dz = anchors[:, 3], anchors[:, 4], anchors[:, 5]
    zc = jnp.maximum(cz - dz / 2.0, 1.0)
    u1 = F_CAM * (cx - dx / 2.0) / zc + CU
    u2 = F_CAM * (cx + dx / 2.0) / zc + CU
    v1 = F_CAM * (cy - dy / 2.0) / zc + CV
    v2 = F_CAM * (cy + dy / 2.0) / zc + CV
    x1 = jnp.clip(jnp.minimum(u1, u2), 0.0, img_w - 1.0)
    x2 = jnp.clip(jnp.maximum(u1, u2), 0.0, img_w - 1.0)
    y1 = jnp.clip(jnp.minimum(v1, v2), 0.0, img_h - 1.0)
    y2 = jnp.clip(jnp.maximum(v1, v2), 0.0, img_h - 1.0)
    zero = jnp.zeros_like(x1)
    return jnp.stack([zero, x1, y1, x2, y2], axis=1)


def roi_align(feat, rois, out_size):
    # feat: [C, H, W], rois: [N, 5] = (batch_idx, x1, y1, x2, y2), spatial_scale=1, aligned=True
    C, H, W = feat.shape
    N = rois.shape[0]
    x1, y1, x2, y2 = rois[:, 1], rois[:, 2], rois[:, 3], rois[:, 4]
    bw = (x2 - x1) / out_size
    bh = (y2 - y1) / out_size
    ii = jnp.arange(out_size, dtype=feat.dtype) + 0.5
    gx = x1[:, None] + ii[None, :] * bw[:, None] - 0.5
    gy = y1[:, None] + ii[None, :] * bh[:, None] - 0.5
    X = jnp.broadcast_to(gx[:, None, :], (N, out_size, out_size))
    Y = jnp.broadcast_to(gy[:, :, None], (N, out_size, out_size))
    x0 = jnp.floor(X)
    y0 = jnp.floor(Y)
    wx = X - x0
    wy = Y - y0
    x0i = jnp.clip(x0.astype(jnp.int32), 0, W - 1)
    x1i = jnp.clip(x0i + 1, 0, W - 1)
    y0i = jnp.clip(y0.astype(jnp.int32), 0, H - 1)
    y1i = jnp.clip(y0i + 1, 0, H - 1)
    def g(yi, xi):
        return feat[:, yi, xi]  # [C, N, S, S]
    v = (g(y0i, x0i) * ((1.0 - wy) * (1.0 - wx))[None]
         + g(y0i, x1i) * ((1.0 - wy) * wx)[None]
         + g(y1i, x0i) * (wy * (1.0 - wx))[None]
         + g(y1i, x1i) * (wy * wx)[None])
    return jnp.transpose(v, (1, 0, 2, 3))  # [N, C, S, S]


def nms(boxes, scores, thresh, max_out):
    boxes = jax.lax.stop_gradient(boxes)
    scores = jax.lax.stop_gradient(scores)
    order = jnp.argsort(-scores).astype(jnp.int32)
    b = boxes[order]
    areas = (b[:, 2] - b[:, 0]) * (b[:, 3] - b[:, 1])
    def step(suppressed, _):
        avail = jnp.logical_not(suppressed)
        idx = jnp.argmax(avail)
        xx1 = jnp.maximum(b[idx, 0], b[:, 0])
        yy1 = jnp.maximum(b[idx, 1], b[:, 1])
        xx2 = jnp.minimum(b[idx, 2], b[:, 2])
        yy2 = jnp.minimum(b[idx, 3], b[:, 3])
        inter = jnp.maximum(xx2 - xx1, 0.0) * jnp.maximum(yy2 - yy1, 0.0)
        ious = inter / (areas[idx] + areas - inter + 1e-8)
        suppressed = suppressed | (ious > thresh)
        suppressed = suppressed.at[idx].set(True)
        return suppressed, order[idx]
    _, keep = jax.lax.scan(step, jnp.zeros(boxes.shape[0], dtype=bool), None, length=max_out)
    return keep


def _forward(img_feat_map, bev_feat_map, top_anchors, ground_plane, img_mask, bev_mask, W1, b1, Wc, bc, Wo, bo, Wa, ba):
    bev_h = float(bev_feat_map.shape[2])
    bev_w = float(bev_feat_map.shape[3])
    img_h = float(img_feat_map.shape[2])
    img_w = float(img_feat_map.shape[3])
    bev_ins = project_to_bev(top_anchors, bev_h, bev_w)
    rgb_ins = project_to_img(top_anchors, img_h, img_w)
    rois_rgb = roi_align((img_mask[0] * img_feat_map)[0], rgb_ins, ROI_SIZE)
    rois_bev = roi_align((bev_mask[0] * bev_feat_map)[0], bev_ins, ROI_SIZE)
    fused = (rois_rgb + rois_bev) / (img_mask[0] + bev_mask[0])
    feat = fused.reshape(fused.shape[0], -1)
    h = jax.nn.relu(feat @ W1 + b1)
    obj_score = h @ Wc + bc
    offset_scores = h @ Wo + bo
    ang_scores = h @ Wa + ba
    obj_soft = jax.nn.softmax(obj_score, axis=1)
    orientations = jnp.arctan2(ang_scores[:, 1], ang_scores[:, 0])
    pred_anchors = top_anchors + offset_scores[:, :6]
    gy = -(ground_plane[0] * pred_anchors[:, 0] + ground_plane[2] * pred_anchors[:, 2] + ground_plane[3]) / ground_plane[1]
    predictions_4c = offset_scores
    predictions_box = jnp.concatenate([pred_anchors[:, 0:1], gy[:, None], pred_anchors[:, 2:6], orientations[:, None]], axis=1)
    pred_bev = jnp.stack([
        pred_anchors[:, 0] - pred_anchors[:, 3] / 2.0,
        pred_anchors[:, 2] - pred_anchors[:, 5] / 2.0,
        pred_anchors[:, 0] + pred_anchors[:, 3] / 2.0,
        pred_anchors[:, 2] + pred_anchors[:, 5] / 2.0], axis=1)
    top_pred_scores = jnp.max(obj_score[:, 1:], axis=1)
    top_indices = nms(pred_bev, top_pred_scores, NMS_THRESH, NMS_SIZE)
    top_scores_soft = obj_soft[top_indices]
    top_pred_anchors = pred_anchors[top_indices]
    top_pred_orientations = orientations[top_indices]
    return (top_scores_soft, (top_pred_anchors, predictions_4c[top_indices], predictions_box[top_indices]), top_pred_orientations)


def setup_inputs(seed: int = 0):
    key = jax.random.key(seed)
    ks = jax.random.split(key, 10)
    N = 5000
    C = 32
    img_feat_map = jax.random.normal(ks[0], (1, C, 90, 300), dtype=jnp.float32)
    bev_feat_map = jax.random.normal(ks[1], (1, C, 175, 200), dtype=jnp.float32)
    u = jax.random.uniform(ks[2], (N, 6), dtype=jnp.float32)
    cx = u[:, 0] * 76.0 - 38.0
    cy = u[:, 1] * 6.0 - 4.0
    cz = u[:, 2] * 64.0 + 3.0
    dx = u[:, 3] * 3.0 + 1.0
    dy = u[:, 4] * 1.5 + 1.0
    dz = u[:, 5] * 3.0 + 1.0
    top_anchors = jnp.stack([cx, cy, cz, dx, dy, dz], axis=1)
    ground_plane = jnp.array([0.0, -1.0, 0.0, 1.65], dtype=jnp.float32)
    img_mask = jnp.ones((1,), dtype=jnp.float32)
    bev_mask = jnp.ones((1,), dtype=jnp.float32)
    D = C * ROI_SIZE * ROI_SIZE
    W1 = jax.random.normal(ks[3], (D, 256), dtype=jnp.float32) * 0.02
    b1 = jnp.zeros((256,), dtype=jnp.float32)
    Wc = jax.random.normal(ks[4], (256, 2), dtype=jnp.float32) * 0.02
    bc = jnp.zeros((2,), dtype=jnp.float32)
    Wo = jax.random.normal(ks[5], (256, 10), dtype=jnp.float32) * 0.02
    bo = jnp.zeros((10,), dtype=jnp.float32)
    Wa = jax.random.normal(ks[6], (256, 2), dtype=jnp.float32) * 0.02
    ba = jnp.zeros((2,), dtype=jnp.float32)
    return {"img_feat_map": img_feat_map, "bev_feat_map": bev_feat_map, "top_anchors": top_anchors, "ground_plane": ground_plane, "img_mask": img_mask, "bev_mask": bev_mask, "W1": W1, "b1": b1, "Wc": Wc, "bc": bc, "Wo": Wo, "bo": bo, "Wa": Wa, "ba": ba}


def reference(img_feat_map, bev_feat_map, top_anchors, ground_plane, img_mask, bev_mask, W1, b1, Wc, bc, Wo, bo, Wa, ba):
    return _forward(img_feat_map, bev_feat_map, top_anchors, ground_plane, img_mask, bev_mask, W1, b1, Wc, bc, Wo, bo, Wa, ba)

if __name__ == "__main__":
    import jax
    _d = setup_inputs()
    print(jax.jit(kernel)(*tuple(_d.values())))

</pallas_src>

<mosaic_0001>
#map = affine_map<(d0, d1) -> (0, 0)>
module attributes {stable_mosaic.version = 14 : i64} {
  func.func @k(%arg0: i32, %arg1: i32, %arg2: memref<62000x32xf32, #tpu.memory_space<hbm>>, %arg3: memref<5120x400xi32, #tpu.memory_space<hbm>>, %arg4: memref<5120x400xf32, #tpu.memory_space<hbm>>, %arg5: memref<5120x1568xf32, #tpu.memory_space<hbm>>, %arg6: memref<2x1x400xi32, #tpu.memory_space<vmem>>, %arg7: memref<2x1x400xf32, #tpu.memory_space<vmem>>, %arg8: memref<2x392x32xf32, #tpu.memory_space<vmem>>, %arg9: memref<2x1x1568xf32, #tpu.memory_space<vmem>>, %arg10: memref<!tpu.dma_semaphore, #tpu.memory_space<semaphore_mem>>, %arg11: memref<!tpu.dma_semaphore, #tpu.memory_space<semaphore_mem>>, %arg12: memref<!tpu.dma_semaphore, #tpu.memory_space<semaphore_mem>>, %arg13: memref<!tpu.dma_semaphore, #tpu.memory_space<semaphore_mem>>, %arg14: memref<!tpu.dma_semaphore, #tpu.memory_space<semaphore_mem>>, %arg15: memref<!tpu.dma_semaphore, #tpu.memory_space<semaphore_mem>>) attributes {dimension_semantics = [#tpu.dimension_semantics<core_parallel>, #tpu.dimension_semantics<subcore_parallel>], iteration_bounds = array<i64: 2, 16>, scalar_prefetch = 0 : i64, scratch_operands = 10 : i64, tpu.core_type = #tpu.core_type<sc_vector_subcore>, window_params = [{transform_indices = #map}, {transform_indices = #map}, {transform_indices = #map}, {transform_indices = #map}]} {
    %mul3A = arith.constant 2 : i32
    %mul3A_0 = arith.muli %arg1, %mul3A : i32
    %add3A = arith.addi %mul3A_0, %arg0 : i32
    %mul3A_1 = arith.constant 160 : i32
    %mul3A_2 = arith.muli %add3A, %mul3A_1 : i32
    %iota3A = tpu.iota {dimensions = array<i32: 0>} : vector<16xi32>
    %mul3A_3 = arith.constant 49 : i32
    %mul3A_4 = vector.broadcast %mul3A_3 : i32 to vector<16xi32>
    %mul3A_5 = arith.muli %iota3A, %mul3A_4 : vector<16xi32>
    %broadcast_in_dim3A = arith.constant 0 : i32
    %broadcast_in_dim3A_6 = vector.broadcast %broadcast_in_dim3A : i32 to vector<16xi32>
    %broadcast_in_dim3A_7 = arith.constant 1 : i32
    %broadcast_in_dim3A_8 = vector.broadcast %broadcast_in_dim3A_7 : i32 to vector<16xi32>
    %broadcast_in_dim3A_9 = arith.constant 2 : i32
    %broadcast_in_dim3A_10 = vector.broadcast %broadcast_in_dim3A_9 : i32 to vector<16xi32>
    %broadcast_in_dim3A_11 = arith.constant 3 : i32
    %broadcast_in_dim3A_12 = vector.broadcast %broadcast_in_dim3A_11 : i32 to vector<16xi32>
    %broadcast_in_dim3A_13 = arith.constant 4 : i32
    %broadcast_in_dim3A_14 = vector.broadcast %broadcast_in_dim3A_13 : i32 to vector<16xi32>
    %broadcast_in_dim3A_15 = arith.constant 5 : i32
    %broadcast_in_dim3A_16 = vector.broadcast %broadcast_in_dim3A_15 : i32 to vector<16xi32>
    %broadcast_in_dim3A_17 = arith.constant 6 : i32
    %broadcast_in_dim3A_18 = vector.broadcast %broadcast_in_dim3A_17 : i32 to vector<16xi32>
    %broadcast_in_dim3A_19 = arith.constant 7 : i32
    %broadcast_in_dim3A_20 = vector.broadcast %broadcast_in_dim3A_19 : i32 to vector<16xi32>
    %scan3A = arith.constant 0 : i32
    %scan3A_21 = arith.constant 0 : i32
    %scan3A_22 = arith.constant 160 : i32
    %scan3A_23 = arith.addi %scan3A_21, %scan3A_22 : i32
    %scan3A_24 = arith.constant 1 : i32
    scf.for %scan3A_26 = %scan3A_21 to %scan3A_23 step %scan3A_24  : i32 {
      %add3A_27 = arith.addi %mul3A_2, %scan3A_26 : i32
      %add3A_28 = arith.addi %mul3A_2, %scan3A_26 : i32
      %dma_start3A = arith.constant 0 : i32
      %dma_start3A_29 = arith.constant 0 : i32
      %dma_start3A_30 = arith.constant 0 : i32
      %dma_start3A_31 = tpu.memref_slice %arg6[%dma_start3A, %dma_start3A_29, %dma_start3A_30] : memref<2x1x400xi32, #tpu.memory_space<vmem>> -> memref<1x1x400xi32, #tpu.memory_space<vmem>>
      %dma_start3A_32 = tpu.memref_squeeze %dma_start3A_31 : memref<1x1x400xi32, #tpu.memory_space<vmem>> -> memref<1x400xi32, #tpu.memory_space<vmem>>
      %dma_start3A_33 = arith.constant 0 : i32
      %dma_start3A_34 = tpu.memref_slice %arg3[%add3A_27, %dma_start3A_33] : memref<5120x400xi32, #tpu.memory_space<hbm>> -> memref<1x400xi32, #tpu.memory_space<hbm>>
      %dma_start3A_35 = arith.constant 0 : i32
      %dma_start3A_36 = arith.constant 0 : i32
      %dma_start3A_37 = tpu.memref_slice %arg6[%dma_start3A, %dma_start3A_35, %dma_start3A_36] : memref<2x1x400xi32, #tpu.memory_space<vmem>> -> memref<1x1x400xi32, #tpu.memory_space<vmem>>
      %dma_start3A_38 = tpu.memref_squeeze %dma_start3A_37 : memref<1x1x400xi32, #tpu.memory_space<vmem>> -> memref<1x400xi32, #tpu.memory_space<vmem>>
      %dma_start3A_39 = arith.constant 0 : i32
      %dma_start3A_40 = tpu.memref_slice %arg3[%add3A_27, %dma_start3A_39] : memref<5120x400xi32, #tpu.memory_space<hbm>> -> memref<1x400xi32, #tpu.memory_space<hbm>>
      tpu.enqueue_dma source(%dma_start3A_40 : memref<1x400xi32, #tpu.memory_space<hbm>>) target(%dma_start3A_38 : memref<1x400xi32, #tpu.memory_space<vmem>>) target_semaphore(%arg10 : memref<!tpu.dma_semaphore, #tpu.memory_space<semaphore_mem>>)
      %dma_start3A_41 = arith.constant 0 : i32
      %dma_start3A_42 = arith.constant 0 : i32
      %dma_start3A_43 = arith.constant 0 : i32
      %dma_start3A_44 = tpu.memref_slice %arg7[%dma_start3A_41, %dma_start3A_42, %dma_start3A_43] : memref<2x1x400xf32, #tpu.memory_space<vmem>> -> memref<1x1x400xf32, #tpu.memory_space<vmem>>
      %dma_start3A_45 = tpu.memref_squeeze %dma_start3A_44 : memref<1x1x400xf32, #tpu.memory_space<vmem>> -> memref<1x400xf32, #tpu.memory_space<vmem>>
      %dma_start3A_46 = arith.constant 0 : i32
      %dma_start3A_47 = tpu.memref_slice %arg4[%add3A_28, %dma_start3A_46] : memref<5120x400xf32, #tpu.memory_space<hbm>> -> memref<1x400xf32, #tpu.memory_space<hbm>>
      %dma_start3A_48 = arith.constant 0 : i32
      %dma_start3A_49 = arith.constant 0 : i32
      %dma_start3A_50 = tpu.memref_slice %arg7[%dma_start3A_41, %dma_start3A_48, %dma_start3A_49] : memref<2x1x400xf32, #tpu.memory_space<vmem>> -> memref<1x1x400xf32, #tpu.memory_space<vmem>>
      %dma_start3A_51 = tpu.memref_squeeze %dma_start3A_50 : memref<1x1x400xf32, #tpu.memory_space<vmem>> -> memref<1x400xf32, #tpu.memory_space<vmem>>
      %dma_start3A_52 = arith.constant 0 : i32
      %dma_start3A_53 = tpu.memref_slice %arg4[%add3A_28, %dma_start3A_52] : memref<5120x400xf32, #tpu.memory_space<hbm>> -> memref<1x400xf32, #tpu.memory_space<hbm>>
      tpu.enqueue_dma source(%dma_start3A_53 : memref<1x400xf32, #tpu.memory_space<hbm>>) target(%dma_start3A_51 : memref<1x400xf32, #tpu.memory_space<vmem>>) target_semaphore(%arg10 : memref<!tpu.dma_semaphore, #tpu.memory_space<semaphore_mem>>)
      %add3A_54 = arith.addi %mul3A_2, %scan3A_26 : i32
      %add3A_55 = arith.addi %mul3A_2, %scan3A_26 : i32
      %dma_wait3A = arith.constant 0 : i32
      %dma_wait3A_56 = arith.constant 0 : i32
      %dma_wait3A_57 = arith.constant 0 : i32
      %dma_wait3A_58 = tpu.memref_slice %arg6[%dma_wait3A, %dma_wait3A_56, %dma_wait3A_57] : memref<2x1x400xi32, #tpu.memory_space<vmem>> -> memref<1x1x400xi32, #tpu.memory_space<vmem>>
      %dma_wait3A_59 = tpu.memref_squeeze %dma_wait3A_58 : memref<1x1x400xi32, #tpu.memory_space<vmem>> -> memref<1x400xi32, #tpu.memory_space<vmem>>
      %dma_wait3A_60 = arith.constant 0 : i32
      %dma_wait3A_61 = tpu.memref_slice %arg3[%add3A_54, %dma_wait3A_60] : memref<5120x400xi32, #tpu.memory_space<hbm>> -> memref<1x400xi32, #tpu.memory_space<hbm>>
      %dma_wait3A_62 = arith.constant 0 : i32
      %dma_wait3A_63 = arith.constant 0 : i32
      %dma_wait3A_64 = tpu.memref_slice %arg6[%dma_wait3A, %dma_wait3A_62, %dma_wait3A_63] : memref<2x1x400xi32, #tpu.memory_space<vmem>> -> memref<1x1x400xi32, #tpu.memory_space<vmem>>
      %dma_wait3A_65 = tpu.memref_squeeze %dma_wait3A_64 : memref<1x1x400xi32, #tpu.memory_space<vmem>> -> memref<1x400xi32, #tpu.memory_space<vmem>>
      %dma_wait3A_66 = arith.constant 0 : i32
      %dma_wait3A_67 = tpu.memref_slice %arg3[%add3A_54, %dma_wait3A_66] : memref<5120x400xi32, #tpu.memory_space<hbm>> -> memref<1x400xi32, #tpu.memory_space<hbm>>
      tpu.wait_dma2 semaphore(%arg10 : memref<!tpu.dma_semaphore, #tpu.memory_space<semaphore_mem>>) src(%dma_wait3A_67 : memref<1x400xi32, #tpu.memory_space<hbm>>) dst(%dma_wait3A_65 : memref<1x400xi32, #tpu.memory_space<vmem>>)
      %dma_wait3A_68 = arith.constant 0 : i32
      %dma_wait3A_69 = arith.constant 0 : i32
      %dma_wait3A_70 = arith.constant 0 : i32
      %dma_wait3A_71 = tpu.memref_slice %arg7[%dma_wait3A_68, %dma_wait3A_69, %dma_wait3A_70] : memref<2x1x400xf32, #tpu.memory_space<vmem>> -> memref<1x1x400xf32, #tpu.memory_space<vmem>>
      %dma_wait3A_72 = tpu.memref_squeeze %dma_wait3A_71 : memref<1x1x400xf32, #tpu.memory_space<vmem>> -> memref<1x400xf32, #tpu.memory_space<vmem>>
      %dma_wait3A_73 = arith.constant 0 : i32
      %dma_wait3A_74 = tpu.memref_slice %arg4[%add3A_55, %dma_wait3A_73] : memref<5120x400xf32, #tpu.memory_space<hbm>> -> memref<1x400xf32, #tpu.memory_space<hbm>>
      %dma_wait3A_75 = arith.constant 0 : i32
      %dma_wait3A_76 = arith.constant 0 : i32
      %dma_wait3A_77 = tpu.memref_slice %arg7[%dma_wait3A_68, %dma_wait3A_75, %dma_wait3A_76] : memref<2x1x400xf32, #tpu.memory_space<vmem>> -> memref<1x1x400xf32, #tpu.memory_space<vmem>>
      %dma_wait3A_78 = tpu.memref_squeeze %dma_wait3A_77 : memref<1x1x400xf32, #tpu.memory_space<vmem>> -> memref<1x400xf32, #tpu.memory_space<vmem>>
      %dma_wait3A_79 = arith.constant 0 : i32
      %dma_wait3A_80 = tpu.memref_slice %arg4[%add3A_55, %dma_wait3A_79] : memref<5120x400xf32, #tpu.memory_space<hbm>> -> memref<1x400xf32, #tpu.memory_space<hbm>>
      tpu.wait_dma2 semaphore(%arg10 : memref<!tpu.dma_semaphore, #tpu.memory_space<semaphore_mem>>) src(%dma_wait3A_80 : memref<1x400xf32, #tpu.memory_space<hbm>>) dst(%dma_wait3A_78 : memref<1x400xf32, #tpu.memory_space<vmem>>)
      %dma_start3A_81 = arith.constant 0 : i32
      %dma_start3A_82 = arith.constant 0 : i32
      %dma_start3A_83 = arith.constant 0 : i32
      %dma_start3A_84 = arith.constant 0 : i32
      %dma_start3A_85 = arith.constant 0 : i32
      %dma_start3A_86 = tpu.memref_slice %arg8[%dma_start3A_83, %dma_start3A_84, %dma_start3A_85] : memref<2x392x32xf32, #tpu.memory_space<vmem>> -> memref<1x56x32xf32, #tpu.memory_space<vmem>>
      %dma_start3A_87 = tpu.memref_squeeze %dma_start3A_86 : memref<1x56x32xf32, #tpu.memory_space<vmem>> -> memref<56x32xf32, #tpu.memory_space<vmem>>
      %dma_start3A_88 = arith.constant 0 : i32
      %dma_start3A_89 = tpu.memref_slice %arg6[%dma_start3A_81, %dma_start3A_82, %dma_start3A_88] : memref<2x1x400xi32, #tpu.memory_space<vmem>> -> memref<1x1x56xi32, #tpu.memory_space<vmem>>
      %dma_start3A_90 = tpu.memref_squeeze %dma_start3A_89 : memref<1x1x56xi32, #tpu.memory_space<vmem>> -> memref<56xi32, #tpu.memory_space<vmem>>
      %dma_start3A_91 = arith.constant 0 : i32
      %dma_start3A_92 = arith.constant 0 : i32
      %dma_start3A_93 = tpu.memref_slice %arg2[%dma_start3A_91, %dma_start3A_92] : memref<62000x32xf32, #tpu.memory_space<hbm>> -> memref<62000x32xf32, #tpu.memory_space<hbm>>
      tpu.enqueue_indirect_dma source(%dma_start3A_93 : memref<62000x32xf32, #tpu.memory_space<hbm>>) target(%dma_start3A_87 : memref<56x32xf32, #tpu.memory_space<vmem>>) offsets(%dma_start3A_90 : memref<56xi32, #tpu.memory_space<vmem>>) semaphore(%arg12 : memref<!tpu.dma_semaphore, #tpu.memory_space<semaphore_mem>>)
      %dma_start3A_94 = arith.constant 0 : i32
      %dma_start3A_95 = arith.constant 0 : i32
      %dma_start3A_96 = arith.constant 0 : i32
      %dma_start3A_97 = arith.constant 56 : i32
      %dma_start3A_98 = arith.constant 0 : i32
      %dma_start3A_99 = tpu.memref_slice %arg8[%dma_start3A_96, %dma_start3A_97, %dma_start3A_98] : memref<2x392x32xf32, #tpu.memory_space<vmem>> -> memref<1x56x32xf32, #tpu.memory_space<vmem>>
      %dma_start3A_100 = tpu.memref_squeeze %dma_start3A_99 : memref<1x56x32xf32, #tpu.memory_space<vmem>> -> memref<56x32xf32, #tpu.memory_space<vmem>>
      %dma_start3A_101 = arith.constant 56 : i32
      %dma_start3A_102 = tpu.memref_slice %arg6[%dma_start3A_94, %dma_start3A_95, %dma_start3A_101] : memref<2x1x400xi32, #tpu.memory_space<vmem>> -> memref<1x1x56xi32, #tpu.memory_space<vmem>>
      %dma_start3A_103 = tpu.memref_squeeze %dma_start3A_102 : memref<1x1x56xi32, #tpu.memory_space<vmem>> -> memref<56xi32, #tpu.memory_space<vmem>>
      %dma_start3A_104 = arith.constant 0 : i32
      %dma_start3A_105 = arith.constant 0 : i32
      %dma_start3A_106 = tpu.memref_slice %arg2[%dma_start3A_104, %dma_start3A_105] : memref<62000x32xf32, #tpu.memory_space<hbm>> -> memref<62000x32xf32, #tpu.memory_space<hbm>>
      tpu.enqueue_indirect_dma source(%dma_start3A_106 : memref<62000x32xf32, #tpu.memory_space<hbm>>) target(%dma_start3A_100 : memref<56x32xf32, #tpu.memory_space<vmem>>) offsets(%dma_start3A_103 : memref<56xi32, #tpu.memory_space<vmem>>) semaphore(%arg12 : memref<!tpu.dma_semaphore, #tpu.memory_space<semaphore_mem>>)
      %dma_start3A_107 = arith.constant 0 : i32
      %dma_start3A_108 = arith.constant 0 : i32
      %dma_start3A_109 = arith.constant 0 : i32
      %dma_start3A_110 = arith.constant 112 : i32
      %dma_start3A_111 = arith.constant 0 : i32
      %dma_start3A_112 = tpu.memref_slice %arg8[%dma_start3A_109, %dma_start3A_110, %dma_start3A_111] : memref<2x392x32xf32, #tpu.memory_space<vmem>> -> memref<1x56x32xf32, #tpu.memory_space<vmem>>
      %dma_start3A_113 = tpu.memref_squeeze %dma_start3A_112 : memref<1x56x32xf32, #tpu.memory_space<vmem>> -> memref<56x32xf32, #tpu.memory_space<vmem>>
      %dma_start3A_114 = arith.constant 112 : i32
      %dma_start3A_115 = tpu.memref_slice %arg6[%dma_start3A_107, %dma_start3A_108, %dma_start3A_114] : memref<2x1x400xi32, #tpu.memory_space<vmem>> -> memref<1x1x56xi32, #tpu.memory_space<vmem>>
      %dma_start3A_116 = tpu.memref_squeeze %dma_start3A_115 : memref<1x1x56xi32, #tpu.memory_space<vmem>> -> memref<56xi32, #tpu.memory_space<vmem>>
      %dma_start3A_117 = arith.constant 0 : i32
      %dma_start3A_118 = arith.constant 0 : i32
      %dma_start3A_119 = tpu.memref_slice %arg2[%dma_start3A_117, %dma_start3A_118] : memref<62000x32xf32, #tpu.memory_space<hbm>> -> memref<62000x32xf32, #tpu.memory_space<hbm>>
      tpu.enqueue_indirect_dma source(%dma_start3A_119 : memref<62000x32xf32, #tpu.memory_space<hbm>>) target(%dma_start3A_113 : memref<56x32xf32, #tpu.memory_space<vmem>>) offsets(%dma_start3A_116 : memref<56xi32, #tpu.memory_space<vmem>>) semaphore(%arg12 : memref<!tpu.dma_semaphore, #tpu.memory_space<semaphore_mem>>)
      %dma_start3A_120 = arith.constant 0 : i32
      %dma_start3A_121 = arith.constant 0 : i32
      %dma_start3A_122 = arith.constant 0 : i32
      %dma_start3A_123 = arith.constant 168 : i32
      %dma_start3A_124 = arith.constant 0 : i32
      %dma_start3A_125 = tpu.memref_slice %arg8[%dma_start3A_122, %dma_start3A_123, %dma_start3A_124] : memref<2x392x32xf32, #tpu.memory_space<vmem>> -> memref<1x56x32xf32, #tpu.memory_space<vmem>>
      %dma_start3A_126 = tpu.memref_squeeze %dma_start3A_125 : memref<1x56x32xf32, #tpu.memory_space<vmem>> -> memref<56x32xf32, #tpu.memory_space<vmem>>
      %dma_start3A_127 = arith.constant 168 : i32
      %dma_start3A_128 = tpu.memref_slice %arg6[%dma_start3A_120, %dma_start3A_121, %dma_start3A_127] : memref<2x1x400xi32, #tpu.memory_space<vmem>> -> memref<1x1x56xi32, #tpu.memory_space<vmem>>
      %dma_start3A_129 = tpu.memref_squeeze %dma_start3A_128 : memref<1x1x56xi32, #tpu.memory_space<vmem>> -> memref<56xi32, #tpu.memory_space<vmem>>
      %dma_start3A_130 = arith.constant 0 : i32
      %dma_start3A_131 = arith.constant 0 : i32
      %dma_start3A_132 = tpu.memref_slice %arg2[%dma_start3A_130, %dma_start3A_131] : memref<62000x32xf32, #tpu.memory_space<hbm>> -> memref<62000x32xf32, #tpu.memory_space<hbm>>
      tpu.enqueue_indirect_dma source(%dma_start3A_132 : memref<62000x32xf32, #tpu.memory_space<hbm>>) target(%dma_start3A_126 : memref<56x32xf32, #tpu.memory_space<vmem>>) offsets(%dma_start3A_129 : memref<56xi32, #tpu.memory_space<vmem>>) semaphore(%arg12 : memref<!tpu.dma_semaphore, #tpu.memory_space<semaphore_mem>>)
      %dma_start3A_133 = arith.constant 0 : i32
      %dma_start3A_134 = arith.constant 0 : i32
      %dma_start3A_135 = arith.constant 0 : i32
      %dma_start3A_136 = arith.constant 224 : i32
      %dma_start3A_137 = arith.constant 0 : i32
      %dma_start3A_138 = tpu.memref_slice %arg8[%dma_start3A_135, %dma_start3A_136, %dma_start3A_137] : memref<2x392x32xf32, #tpu.memory_space<vmem>> -> memref<1x56x32xf32, #tpu.memory_space<vmem>>
      %dma_start3A_139 = tpu.memref_squeeze %dma_start3A_138 : memref<1x56x32xf32, #tpu.memory_space<vmem>> -> memref<56x32xf32, #tpu.memory_space<vmem>>
      %dma_start3A_140 = arith.constant 224 : i32
      %dma_start3A_141 = tpu.memref_slice %arg6[%dma_start3A_133, %dma_start3A_134, %dma_start3A_140] : memref<2x1x400xi32, #tpu.memory_space<vmem>> -> memref<1x1x56xi32, #tpu.memory_space<vmem>>
      %dma_start3A_142 = tpu.memref_squeeze %dma_start3A_141 : memref<1x1x56xi32, #tpu.memory_space<vmem>> -> memref<56xi32, #tpu.memory_space<vmem>>
      %dma_start3A_143 = arith.constant 0 : i32
      %dma_start3A_144 = arith.constant 0 : i32
      %dma_start3A_145 = tpu.memref_slice %arg2[%dma_start3A_143, %dma_start3A_144] : memref<62000x32xf32, #tpu.memory_space<hbm>> -> memref<62000x32xf32, #tpu.memory_space<hbm>>
      tpu.enqueue_indirect_dma source(%dma_start3A_145 : memref<62000x32xf32, #tpu.memory_space<hbm>>) target(%dma_start3A_139 : memref<56x32xf32, #tpu.memory_space<vmem>>) offsets(%dma_start3A_142 : memref<56xi32, #tpu.memory_space<vmem>>) semaphore(%arg12 : memref<!tpu.dma_semaphore, #tpu.memory_space<semaphore_mem>>)
      %dma_start3A_146 = arith.constant 0 : i32
      %dma_start3A_147 = arith.constant 0 : i32
      %dma_start3A_148 = arith.constant 0 : i32
      %dma_start3A_149 = arith.constant 280 : i32
      %dma_start3A_150 = arith.constant 0 : i32
      %dma_start3A_151 = tpu.memref_slice %arg8[%dma_start3A_148, %dma_start3A_149, %dma_start3A_150] : memref<2x392x32xf32, #tpu.memory_space<vmem>> -> memref<1x56x32xf32, #tpu.memory_space<vmem>>
      %dma_start3A_152 = tpu.memref_squeeze %dma_start3A_151 : memref<1x56x32xf32, #tpu.memory_space<vmem>> -> memref<56x32xf32, #tpu.memory_space<vmem>>
      %dma_start3A_153 = arith.constant 280 : i32
      %dma_start3A_154 = tpu.memref_slice %arg6[%dma_start3A_146, %dma_start3A_147, %dma_start3A_153] : memref<2x1x400xi32, #tpu.memory_space<vmem>> -> memref<1x1x56xi32, #tpu.memory_space<vmem>>
      %dma_start3A_155 = tpu.memref_squeeze %dma_start3A_154 : memref<1x1x56xi32, #tpu.memory_space<vmem>> -> memref<56xi32, #tpu.memory_space<vmem>>
      %dma_start3A_156 = arith.constant 0 : i32
      %dma_start3A_157 = arith.constant 0 : i32
      %dma_start3A_158 = tpu.memref_slice %arg2[%dma_start3A_156, %dma_start3A_157] : memref<62000x32xf32, #tpu.memory_space<hbm>> -> memref<62000x32xf32, #tpu.memory_space<hbm>>
      tpu.enqueue_indirect_dma source(%dma_start3A_158 : memref<62000x32xf32, #tpu.memory_space<hbm>>) target(%dma_start3A_152 : memref<56x32xf32, #tpu.memory_space<vmem>>) offsets(%dma_start3A_155 : memref<56xi32, #tpu.memory_space<vmem>>) semaphore(%arg12 : memref<!tpu.dma_semaphore, #tpu.memory_space<semaphore_mem>>)
      %dma_start3A_159 = arith.constant 0 : i32
      %dma_start3A_160 = arith.constant 0 : i32
      %dma_start3A_161 = arith.constant 0 : i32
      %dma_start3A_162 = arith.constant 336 : i32
      %dma_start3A_163 = arith.constant 0 : i32
      %dma_start3A_164 = tpu.memref_slice %arg8[%dma_start3A_161, %dma_start3A_162, %dma_start3A_163] : memref<2x392x32xf32, #tpu.memory_space<vmem>> -> memref<1x56x32xf32, #tpu.memory_space<vmem>>
      %dma_start3A_165 = tpu.memref_squeeze %dma_start3A_164 : memref<1x56x32xf32, #tpu.memory_space<vmem>> -> memref<56x32xf32, #tpu.memory_space<vmem>>
      %dma_start3A_166 = arith.constant 336 : i32
      %dma_start3A_167 = tpu.memref_slice %arg6[%dma_start3A_159, %dma_start3A_160, %dma_start3A_166] : memref<2x1x400xi32, #tpu.memory_space<vmem>> -> memref<1x1x56xi32, #tpu.memory_space<vmem>>
      %dma_start3A_168 = tpu.memref_squeeze %dma_start3A_167 : memref<1x1x56xi32, #tpu.memory_space<vmem>> -> memref<56xi32, #tpu.memory_space<vmem>>
      %dma_start3A_169 = arith.constant 0 : i32
      %dma_start3A_170 = arith.constant 0 : i32
      %dma_start3A_171 = tpu.memref_slice %arg2[%dma_start3A_169, %dma_start3A_170] : memref<62000x32xf32, #tpu.memory_space<hbm>> -> memref<62000x32xf32, #tpu.memory_space<hbm>>
      tpu.enqueue_indirect_dma source(%dma_start3A_171 : memref<62000x32xf32, #tpu.memory_space<hbm>>) target(%dma_start3A_165 : memref<56x32xf32, #tpu.memory_space<vmem>>) offsets(%dma_start3A_168 : memref<56xi32, #tpu.memory_space<vmem>>) semaphore(%arg12 : memref<!tpu.dma_semaphore, #tpu.memory_space<semaphore_mem>>)
      %dma_wait3A_172 = arith.constant 0 : i32
      %dma_wait3A_173 = arith.constant 0 : i32
      %dma_wait3A_174 = arith.constant 0 : i32
      %dma_wait3A_175 = arith.constant 0 : i32
      %dma_wait3A_176 = arith.constant 0 : i32
      %dma_wait3A_177 = tpu.memref_slice %arg8[%dma_wait3A_174, %dma_wait3A_175, %dma_wait3A_176] : memref<2x392x32xf32, #tpu.memory_space<vmem>> -> memref<1x56x32xf32, #tpu.memory_space<vmem>>
      %dma_wait3A_178 = tpu.memref_squeeze %dma_wait3A_177 : memref<1x56x32xf32, #tpu.memory_space<vmem>> -> memref<56x32xf32, #tpu.memory_space<vmem>>
      %dma_wait3A_179 = arith.constant 0 : i32
      %dma_wait3A_180 = tpu.memref_slice %arg6[%dma_wait3A_172, %dma_wait3A_173, %dma_wait3A_179] : memref<2x1x400xi32, #tpu.memory_space<vmem>> -> memref<1x1x56xi32, #tpu.memory_space<vmem>>
      %dma_wait3A_181 = tpu.memref_squeeze %dma_wait3A_180 : memref<1x1x56xi32, #tpu.memory_space<vmem>> -> memref<56xi32, #tpu.memory_space<vmem>>
      %dma_wait3A_182 = arith.constant 0 : i32
      %dma_wait3A_183 = arith.constant 0 : i32
      %dma_wait3A_184 = tpu.memref_slice %arg2[%dma_wait3A_182, %dma_wait3A_183] : memref<62000x32xf32, #tpu.memory_space<hbm>> -> memref<62000x32xf32, #tpu.memory_space<hbm>>
      tpu.wait_indirect_dma semaphore(%arg12 : memref<!tpu.dma_semaphore, #tpu.memory_space<semaphore_mem>>) src(%dma_wait3A_184 : memref<62000x32xf32, #tpu.memory_space<hbm>>) dst(%dma_wait3A_178 : memref<56x32xf32, #tpu.memory_space<vmem>>)
      %dma_wait3A_185 = arith.constant 0 : i32
      %dma_wait3A_186 = arith.constant 0 : i32
      %dma_wait3A_187 = arith.constant 0 : i32
      %dma_wait3A_188 = arith.constant 56 : i32
      %dma_wait3A_189 = arith.constant 0 : i32
      %dma_wait3A_190 = tpu.memref_slice %arg8[%dma_wait3A_187, %dma_wait3A_188, %dma_wait3A_189] : memref<2x392x32xf32, #tpu.memory_space<vmem>> -> memref<1x56x32xf32, #tpu.memory_space<vmem>>
      %dma_wait3A_191 = tpu.memref_squeeze %dma_wait3A_190 : memref<1x56x32xf32, #tpu.memory_space<vmem>> -> memref<56x32xf32, #tpu.memory_space<vmem>>
      %dma_wait3A_192 = arith.constant 56 : i32
      %dma_wait3A_193 = tpu.memref_slice %arg6[%dma_wait3A_185, %dma_wait3A_186, %dma_wait3A_192] : memref<2x1x400xi32, #tpu.memory_space<vmem>> -> memref<1x1x56xi32, #tpu.memory_space<vmem>>
      %dma_wait3A_194 = tpu.memref_squeeze %dma_wait3A_193 : memref<1x1x56xi32, #tpu.memory_space<vmem>> -> memref<56xi32, #tpu.memory_space<vmem>>
      %dma_wait3A_195 = arith.constant 0 : i32
      %dma_wait3A_196 = arith.constant 0 : i32
      %dma_wait3A_197 = tpu.memref_slice %arg2[%dma_wait3A_195, %dma_wait3A_196] : memref<62000x32xf32, #tpu.memory_space<hbm>> -> memref<62000x32xf32, #tpu.memory_space<hbm>>
      tpu.wait_indirect_dma semaphore(%arg12 : memref<!tpu.dma_semaphore, #tpu.memory_space<semaphore_mem>>) src(%dma_wait3A_197 : memref<62000x32xf32, #tpu.memory_space<hbm>>) dst(%dma_wait3A_191 : memref<56x32xf32, #tpu.memory_space<vmem>>)
      %dma_wait3A_198 = arith.constant 0 : i32
      %dma_wait3A_199 = arith.constant 0 : i32
      %dma_wait3A_200 = arith.constant 0 : i32
      %dma_wait3A_201 = arith.constant 112 : i32
      %dma_wait3A_202 = arith.constant 0 : i32
      %dma_wait3A_203 = tpu.memref_slice %arg8[%dma_wait3A_200, %dma_wait3A_201, %dma_wait3A_202] : memref<2x392x32xf32, #tpu.memory_space<vmem>> -> memref<1x56x32xf32, #tpu.memory_space<vmem>>
      %dma_wait3A_204 = tpu.memref_squeeze %dma_wait3A_203 : memref<1x56x32xf32, #tpu.memory_space<vmem>> -> memref<56x32xf32, #tpu.memory_space<vmem>>
      %dma_wait3A_205 = arith.constant 112 : i32
      %dma_wait3A_206 = tpu.memref_slice %arg6[%dma_wait3A_198, %dma_wait3A_199, %dma_wait3A_205] : memref<2x1x400xi32, #tpu.memory_space<vmem>> -> memref<1x1x56xi32, #tpu.memory_space<vmem>>
      %dma_wait3A_207 = tpu.memref_squeeze %dma_wait3A_206 : memref<1x1x56xi32, #tpu.memory_space<vmem>> -> memref<56xi32, #tpu.memory_space<vmem>>
      %dma_wait3A_208 = arith.constant 0 : i32
      %dma_wait3A_209 = arith.constant 0 : i32
      %dma_wait3A_210 = tpu.memref_slice %arg2[%dma_wait3A_208, %dma_wait3A_209] : memref<62000x32xf32, #tpu.memory_space<hbm>> -> memref<62000x32xf32, #tpu.memory_space<hbm>>
      tpu.wait_indirect_dma semaphore(%arg12 : memref<!tpu.dma_semaphore, #tpu.memory_space<semaphore_mem>>) src(%dma_wait3A_210 : memref<62000x32xf32, #tpu.memory_space<hbm>>) dst(%dma_wait3A_204 : memref<56x32xf32, #tpu.memory_space<vmem>>)
      %dma_wait3A_211 = arith.constant 0 : i32
      %dma_wait3A_212 = arith.constant 0 : i32
      %dma_wait3A_213 = arith.constant 0 : i32
      %dma_wait3A_214 = arith.constant 168 : i32
      %dma_wait3A_215 = arith.constant 0 : i32
      %dma_wait3A_216 = tpu.memref_slice %arg8[%dma_wait3A_213, %dma_wait3A_214, %dma_wait3A_215] : memref<2x392x32xf32, #tpu.memory_space<vmem>> -> memref<1x56x32xf32, #tpu.memory_space<vmem>>
      %dma_wait3A_217 = tpu.memref_squeeze %dma_wait3A_216 : memref<1x56x32xf32, #tpu.memory_space<vmem>> -> memref<56x32xf32, #tpu.memory_space<vmem>>
      %dma_wait3A_218 = arith.constant 168 : i32
      %dma_wait3A_219 = tpu.memref_slice %arg6[%dma_wait3A_211, %dma_wait3A_212, %dma_wait3A_218] : memref<2x1x400xi32, #tpu.memory_space<vmem>> -> memref<1x1x56xi32, #tpu.memory_space<vmem>>
      %dma_wait3A_220 = tpu.memref_squeeze %dma_wait3A_219 : memref<1x1x56xi32, #tpu.memory_space<vmem>> -> memref<56xi32, #tpu.memory_space<vmem>>
      %dma_wait3A_221 = arith.constant 0 : i32
      %dma_wait3A_222 = arith.constant 0 : i32
      %dma_wait3A_223 = tpu.memref_slice %arg2[%dma_wait3A_221, %dma_wait3A_222] : memref<62000x32xf32, #tpu.memory_space<hbm>> -> memref<62000x32xf32, #tpu.memory_space<hbm>>
      tpu.wait_indirect_dma semaphore(%arg12 : memref<!tpu.dma_semaphore, #tpu.memory_space<semaphore_mem>>) src(%dma_wait3A_223 : memref<62000x32xf32, #tpu.memory_space<hbm>>) dst(%dma_wait3A_217 : memref<56x32xf32, #tpu.memory_space<vmem>>)
      %dma_wait3A_224 = arith.constant 0 : i32
      %dma_wait3A_225 = arith.constant 0 : i32
      %dma_wait3A_226 = arith.constant 0 : i32
      %dma_wait3A_227 = arith.constant 224 : i32
      %dma_wait3A_228 = arith.constant 0 : i32
      %dma_wait3A_229 = tpu.memref_slice %arg8[%dma_wait3A_226, %dma_wait3A_227, %dma_wait3A_228] : memref<2x392x32xf32, #tpu.memory_space<vmem>> -> memref<1x56x32xf32, #tpu.memory_space<vmem>>
      %dma_wait3A_230 = tpu.memref_squeeze %dma_wait3A_229 : memref<1x56x32xf32, #tpu.memory_space<vmem>> -> memref<56x32xf32, #tpu.memory_space<vmem>>
      %dma_wait3A_231 = arith.constant 224 : i32
      %dma_wait3A_232 = tpu.memref_slice %arg6[%dma_wait3A_224, %dma_wait3A_225, %dma_wait3A_231] : memref<2x1x400xi32, #tpu.memory_space<vmem>> -> memref<1x1x56xi32, #tpu.memory_space<vmem>>
      %dma_wait3A_233 = tpu.memref_squeeze %dma_wait3A_232 : memref<1x1x56xi32, #tpu.memory_space<vmem>> -> memref<56xi32, #tpu.memory_space<vmem>>
      %dma_wait3A_234 = arith.constant 0 : i32
      %dma_wait3A_235 = arith.constant 0 : i32
      %dma_wait3A_236 = tpu.memref_slice %arg2[%dma_wait3A_234, %dma_wait3A_235] : memref<62000x32xf32, #tpu.memory_space<hbm>> -> memref<62000x32xf32, #tpu.memory_space<hbm>>
      tpu.wait_indirect_dma semaphore(%arg12 : memref<!tpu.dma_semaphore, #tpu.memory_space<semaphore_mem>>) src(%dma_wait3A_236 : memref<62000x32xf32, #tpu.memory_space<hbm>>) dst(%dma_wait3A_230 : memref<56x32xf32, #tpu.memory_space<vmem>>)
      %dma_wait3A_237 = arith.constant 0 : i32
      %dma_wait3A_238 = arith.constant 0 : i32
      %dma_wait3A_239 = arith.constant 0 : i32
      %dma_wait3A_240 = arith.constant 280 : i32
      %dma_wait3A_241 = arith.constant 0 : i32
      %dma_wait3A_242 = tpu.memref_slice %arg8[%dma_wait3A_239, %dma_wait3A_240, %dma_wait3A_241] : memref<2x392x32xf32, #tpu.memory_space<vmem>> -> memref<1x56x32xf32, #tpu.memory_space<vmem>>
      %dma_wait3A_243 = tpu.memref_squeeze %dma_wait3A_242 : memref<1x56x32xf32, #tpu.memory_space<vmem>> -> memref<56x32xf32, #tpu.memory_space<vmem>>
      %dma_wait3A_244 = arith.constant 280 : i32
      %dma_wait3A_245 = tpu.memref_slice %arg6[%dma_wait3A_237, %dma_wait3A_238, %dma_wait3A_244] : memref<2x1x400xi32, #tpu.memory_space<vmem>> -> memref<1x1x56xi32, #tpu.memory_space<vmem>>
      %dma_wait3A_246 = tpu.memref_squeeze %dma_wait3A_245 : memref<1x1x56xi32, #tpu.memory_space<vmem>> -> memref<56xi32, #tpu.memory_space<vmem>>
      %dma_wait3A_247 = arith.constant 0 : i32
      %dma_wait3A_248 = arith.constant 0 : i32
      %dma_wait3A_249 = tpu.memref_slice %arg2[%dma_wait3A_247, %dma_wait3A_248] : memref<62000x32xf32, #tpu.memory_space<hbm>> -> memref<62000x32xf32, #tpu.memory_space<hbm>>
      tpu.wait_indirect_dma semaphore(%arg12 : memref<!tpu.dma_semaphore, #tpu.memory_space<semaphore_mem>>) src(%dma_wait3A_249 : memref<62000x32xf32, #tpu.memory_space<hbm>>) dst(%dma_wait3A_243 : memref<56x32xf32, #tpu.memory_space<vmem>>)
      %dma_wait3A_250 = arith.constant 0 : i32
      %dma_wait3A_251 = arith.constant 0 : i32
      %dma_wait3A_252 = arith.constant 0 : i32
      %dma_wait3A_253 = arith.constant 336 : i32
      %dma_wait3A_254 = arith.constant 0 : i32
      %dma_wait3A_255 = tpu.memref_slice %arg8[%dma_wait3A_252, %dma_wait3A_253, %dma_wait3A_254] : memref<2x392x32xf32, #tpu.memory_space<vmem>> -> memref<1x56x32xf32, #tpu.memory_space<vmem>>
      %dma_wait3A_256 = tpu.memref_squeeze %dma_wait3A_255 : memref<1x56x32xf32, #tpu.memory_space<vmem>> -> memref<56x32xf32, #tpu.memory_space<vmem>>
      %dma_wait3A_257 = arith.constant 336 : i32
      %dma_wait3A_258 = tpu.memref_slice %arg6[%dma_wait3A_250, %dma_wait3A_251, %dma_wait3A_257] : memref<2x1x400xi32, #tpu.memory_space<vmem>> -> memref<1x1x56xi32, #tpu.memory_space<vmem>>
      %dma_wait3A_259 = tpu.memref_squeeze %dma_wait3A_258 : memref<1x1x56xi32, #tpu.memory_space<vmem>> -> memref<56xi32, #tpu.memory_space<vmem>>
      %dma_wait3A_260 = arith.constant 0 : i32
      %dma_wait3A_261 = arith.constant 0 : i32
      %dma_wait3A_262 = tpu.memref_slice %arg2[%dma_wait3A_260, %dma_wait3A_261] : memref<62000x32xf32, #tpu.memory_space<hbm>> -> memref<62000x32xf32, #tpu.memory_space<hbm>>
      tpu.wait_indirect_dma semaphore(%arg12 : memref<!tpu.dma_semaphore, #tpu.memory_space<semaphore_mem>>) src(%dma_wait3A_262 : memref<62000x32xf32, #tpu.memory_space<hbm>>) dst(%dma_wait3A_256 : memref<56x32xf32, #tpu.memory_space<vmem>>)
      %scan3A_263 = arith.constant 0 : i32
      %scan3A_264 = arith.constant 0 : i32
      %scan3A_265 = arith.constant 49 : i32
      %scan3A_266 = arith.addi %scan3A_264, %scan3A_265 : i32
      %scan3A_267 = arith.constant 7 : i32
      scf.for %scan3A_297 = %scan3A_264 to %scan3A_266 step %scan3A_267  : i32 {
        %mul3A_298 = arith.constant 8 : i32
        %mul3A_299 = arith.muli %scan3A_297, %mul3A_298 : i32
        %get3A = arith.constant 0 : i32
        %get3A_300 = arith.constant 0 : i32
        %get3A_301 = arith.index_cast %get3A : i32 to index
        %get3A_302 = arith.index_cast %get3A_300 : i32 to index
        %get3A_303 = arith.index_cast %mul3A_299 : i32 to index
        %get3A_304 = tpu.vector_load %arg7[%get3A_301, %get3A_302, %get3A_303] {strides = array<i32>} : memref<2x1x400xf32, #tpu.memory_space<vmem>>, vector<16xf32>,
        %lt3A = arith.constant 0 : i32
        %lt3A_305 = vector.broadcast %lt3A : i32 to vector<16xi32>
        %lt3A_306 = arith.cmpi slt, %broadcast_in_dim3A_6, %lt3A_305 : vector<16xi32>
        %add3A_307 = arith.constant 16 : i32
        %add3A_308 = vector.broadcast %add3A_307 : i32 to vector<16xi32>
        %add3A_309 = arith.addi %broadcast_in_dim3A_6, %add3A_308 : vector<16xi32>
        %select_n3A = arith.select %lt3A_306, %add3A_309, %broadcast_in_dim3A_6 : vector<16xi1>, vector<16xi32>
        %broadcast_in_dim3A_310 = vector.shape_cast %select_n3A : vector<16xi32> to vector<16x1xi32>
        %gather3A = vector.shape_cast %broadcast_in_dim3A_310 : vector<16x1xi32> to vector<16xi32>
        %gather3A_311 = tpu.dynamic_gather %get3A_304[%gather3A] in [0] : vector<16xf32>, vector<16xi32> -> vector<16xf32>
        %lt3A_312 = arith.constant 0 : i32
        %lt3A_313 = vector.broadcast %lt3A_312 : i32 to vector<16xi32>
        %lt3A_314 = arith.cmpi slt, %broadcast_in_dim3A_8, %lt3A_313 : vector<16xi32>
        %add3A_315 = arith.constant 16 : i32
        %add3A_316 = vector.broadcast %add3A_315 : i32 to vector<16xi32>
        %add3A_317 = arith.addi %broadcast_in_dim3A_8, %add3A_316 : vector<16xi32>
        %select_n3A_318 = arith.select %lt3A_314, %add3A_317, %broadcast_in_dim3A_8 : vector<16xi1>, vector<16xi32>
        %broadcast_in_dim3A_319 = vector.shape_cast %select_n3A_318 : vector<16xi32> to vector<16x1xi32>
        %gather3A_320 = vector.shape_cast %broadcast_in_dim3A_319 : vector<16x1xi32> to vector<16xi32>
        %gather3A_321 = tpu.dynamic_gather %get3A_304[%gather3A_320] in [0] : vector<16xf32>, vector<16xi32> -> vector<16xf32>
        %lt3A_322 = arith.constant 0 : i32
        %lt3A_323 = vector.broadcast %lt3A_322 : i32 to vector<16xi32>
        %lt3A_324 = arith.cmpi slt, %broadcast_in_dim3A_10, %lt3A_323 : vector<16xi32>
        %add3A_325 = arith.constant 16 : i32
        %add3A_326 = vector.broadcast %add3A_325 : i32 to vector<16xi32>
        %add3A_327 = arith.addi %broadcast_in_dim3A_10, %add3A_326 : vector<16xi32>
        %select_n3A_328 = arith.select %lt3A_324, %add3A_327, %broadcast_in_dim3A_10 : vector<16xi1>, vector<16xi32>
        %broadcast_in_dim3A_329 = vector.shape_cast %select_n3A_328 : vector<16xi32> to vector<16x1xi32>
        %gather3A_330 = vector.shape_cast %broadcast_in_dim3A_329 : vector<16x1xi32> to vector<16xi32>
        %gather3A_331 = tpu.dynamic_gather %get3A_304[%gather3A_330] in [0] : vector<16xf32>, vector<16xi32> -> vector<16xf32>
        %lt3A_332 = arith.constant 0 : i32
        %lt3A_333 = vector.broadcast %lt3A_332 : i32 to vector<16xi32>
        %lt3A_334 = arith.cmpi slt, %broadcast_in_dim3A_12, %lt3A_333 : vector<16xi32>
        %add3A_335 = arith.constant 16 : i32
        %add3A_336 = vector.broadcast %add3A_335 : i32 to vector<16xi32>
        %add3A_337 = arith.addi %broadcast_in_dim3A_12, %add3A_336 : vector<16xi32>
        %select_n3A_338 = arith.select %lt3A_334, %add3A_337, %broadcast_in_dim3A_12 : vector<16xi1>, vector<16xi32>
        %broadcast_in_dim3A_339 = vector.shape_cast %select_n3A_338 : vector<16xi32> to vector<16x1xi32>
        %gather3A_340 = vector.shape_cast %broadcast_in_dim3A_339 : vector<16x1xi32> to vector<16xi32>
        %gather3A_341 = tpu.dynamic_gather %get3A_304[%gather3A_340] in [0] : vector<16xf32>, vector<16xi32> -> vector<16xf32>
        %lt3A_342 = arith.constant 0 : i32
        %lt3A_343 = vector.broadcast %lt3A_342 : i32 to vector<16xi32>
        %lt3A_344 = arith.cmpi slt, %broadcast_in_dim3A_14, %lt3A_343 : vector<16xi32>
        %add3A_345 = arith.constant 16 : i32
        %add3A_346 = vector.broadcast %add3A_345 : i32 to vector<16xi32>
        %add3A_347 = arith.addi %broadcast_in_dim3A_14, %add3A_346 : vector<16xi32>
        %select_n3A_348 = arith.select %lt3A_344, %add3A_347, %broadcast_in_dim3A_14 : vector<16xi1>, vector<16xi32>
        %broadcast_in_dim3A_349 = vector.shape_cast %select_n3A_348 : vector<16xi32> to vector<16x1xi32>
        %gather3A_350 = vector.shape_cast %broadcast_in_dim3A_349 : vector<16x1xi32> to vector<16xi32>
        %gather3A_351 = tpu.dynamic_gather %get3A_304[%gather3A_350] in [0] : vector<16xf32>, vector<16xi32> -> vector<16xf32>
        %lt3A_352 = arith.constant 0 : i32
        %lt3A_353 = vector.broadcast %lt3A_352 : i32 to vector<16xi32>
        %lt3A_354 = arith.cmpi slt, %broadcast_in_dim3A_16, %lt3A_353 : vector<16xi32>
        %add3A_355 = arith.constant 16 : i32
        %add3A_356 = vector.broadcast %add3A_355 : i32 to vector<16xi32>
        %add3A_357 = arith.addi %broadcast_in_dim3A_16, %add3A_356 : vector<16xi32>
        %select_n3A_358 = arith.select %lt3A_354, %add3A_357, %broadcast_in_dim3A_16 : vector<16xi1>, vector<16xi32>
        %broadcast_in_dim3A_359 = vector.shape_cast %select_n3A_358 : vector<16xi32> to vector<16x1xi32>
        %gather3A_360 = vector.shape_cast %broadcast_in_dim3A_359 : vector<16x1xi32> to vector<16xi32>
        %gather3A_361 = tpu.dynamic_gather %get3A_304[%gather3A_360] in [0] : vector<16xf32>, vector<16xi32> -> vector<16xf32>
        %lt3A_362 = arith.constant 0 : i32
        %lt3A_363 = vector.broadcast %lt3A_362 : i32 to vector<16xi32>
        %lt3A_364 = arith.cmpi slt, %broadcast_in_dim3A_18, %lt3A_363 : vector<16xi32>
        %add3A_365 = arith.constant 16 : i32
        %add3A_366 = vector.broadcast %add3A_365 : i32 to vector<16xi32>
        %add3A_367 = arith.addi %broadcast_in_dim3A_18, %add3A_366 : vector<16xi32>
        %select_n3A_368 = arith.select %lt3A_364, %add3A_367, %broadcast_in_dim3A_18 : vector<16xi1>, vector<16xi32>
        %broadcast_in_dim3A_369 = vector.shape_cast %select_n3A_368 : vector<16xi32> to vector<16x1xi32>
        %gather3A_370 = vector.shape_cast %broadcast_in_dim3A_369 : vector<16x1xi32> to vector<16xi32>
        %gather3A_371 = tpu.dynamic_gather %get3A_304[%gather3A_370] in [0] : vector<16xf32>, vector<16xi32> -> vector<16xf32>
        %lt3A_372 = arith.constant 0 : i32
        %lt3A_373 = vector.broadcast %lt3A_372 : i32 to vector<16xi32>
        %lt3A_374 = arith.cmpi slt, %broadcast_in_dim3A_20, %lt3A_373 : vector<16xi32>
        %add3A_375 = arith.constant 16 : i32
        %add3A_376 = vector.broadcast %add3A_375 : i32 to vector<16xi32>
        %add3A_377 = arith.addi %broadcast_in_dim3A_20, %add3A_376 : vector<16xi32>
        %select_n3A_378 = arith.select %lt3A_374, %add3A_377, %broadcast_in_dim3A_20 : vector<16xi1>, vector<16xi32>
        %broadcast_in_dim3A_379 = vector.shape_cast %select_n3A_378 : vector<16xi32> to vector<16x1xi32>
        %gather3A_380 = vector.shape_cast %broadcast_in_dim3A_379 : vector<16x1xi32> to vector<16xi32>
        %gather3A_381 = tpu.dynamic_gather %get3A_304[%gather3A_380] in [0] : vector<16xf32>, vector<16xi32> -> vector<16xf32>
        %get3A_382 = arith.constant 0 : i32
        %get3A_383 = arith.index_cast %get3A_382 : i32 to index
        %get3A_384 = arith.index_cast %mul3A_299 : i32 to index
        %get3A_385 = arith.constant 0 : index
        %get3A_386 = tpu.vector_load %arg8[%get3A_383, %get3A_384, %get3A_385] {strides = array<i32>} : memref<2x392x32xf32, #tpu.memory_space<vmem>>, vector<16xf32>,
        %mul3A_387 = arith.mulf %get3A_386, %gather3A_311 : vector<16xf32>
        %add3A_388 = arith.constant 1 : i32
        %add3A_389 = arith.addi %mul3A_299, %add3A_388 : i32
        %get3A_390 = arith.constant 0 : i32
        %get3A_391 = arith.index_cast %get3A_390 : i32 to index
        %get3A_392 = arith.index_cast %add3A_389 : i32 to index
        %get3A_393 = arith.constant 0 : index
        %get3A_394 = tpu.vector_load %arg8[%get3A_391, %get3A_392, %get3A_393] {strides = array<i32>} : memref<2x392x32xf32, #tpu.memory_space<vmem>>, vector<16xf32>,
        %mul3A_395 = arith.mulf %get3A_394, %gather3A_321 : vector<16xf32>
        %add3A_396 = arith.addf %mul3A_387, %mul3A_395 : vector<16xf32>
        %add3A_397 = arith.constant 2 : i32
        %add3A_398 = arith.addi %mul3A_299, %add3A_397 : i32
        %get3A_399 = arith.constant 0 : i32
        %get3A_400 = arith.index_cast %get3A_399 : i32 to index
        %get3A_401 = arith.index_cast %add3A_398 : i32 to index
        %get3A_402 = arith.constant 0 : index
        %get3A_403 = tpu.vector_load %arg8[%get3A_400, %get3A_401, %get3A_402] {strides = array<i32>} : memref<2x392x32xf32, #tpu.memory_space<vmem>>, vector<16xf32>,
        %mul3A_404 = arith.mulf %get3A_403, %gather3A_331 : vector<16xf32>
        %add3A_405 = arith.addf %add3A_396, %mul3A_404 : vector<16xf32>
        %add3A_406 = arith.constant 3 : i32
        %add3A_407 = arith.addi %mul3A_299, %add3A_406 : i32
        %get3A_408 = arith.constant 0 : i32
        %get3A_409 = arith.index_cast %get3A_408 : i32 to index
        %get3A_410 = arith.index_cast %add3A_407 : i32 to index
        %get3A_411 = arith.constant 0 : index
        %get3A_412 = tpu.vector_load %arg8[%get3A_409, %get3A_410, %get3A_411] {strides = array<i32>} : memref<2x392x32xf32, #tpu.memory_space<vmem>>, vector<16xf32>,
        %mul3A_413 = arith.mulf %get3A_412, %gather3A_341 : vector<16xf32>
        %add3A_414 = arith.addf %add3A_405, %mul3A_413 : vector<16xf32>
        %add3A_415 = arith.constant 4 : i32
        %add3A_416 = arith.addi %mul3A_299, %add3A_415 : i32
        %get3A_417 = arith.constant 0 : i32
        %get3A_418 = arith.index_cast %get3A_417 : i32 to index
        %get3A_419 = arith.index_cast %add3A_416 : i32 to index
        %get3A_420 = arith.constant 0 : index
        %get3A_421 = tpu.vector_load %arg8[%get3A_418, %get3A_419, %get3A_420] {strides = array<i32>} : memref<2x392x32xf32, #tpu.memory_space<vmem>>, vector<16xf32>,
        %mul3A_422 = arith.mulf %get3A_421, %gather3A_351 : vector<16xf32>
        %add3A_423 = arith.constant 5 : i32
        %add3A_424 = arith.addi %mul3A_299, %add3A_423 : i32
        %get3A_425 = arith.constant 0 : i32
        %get3A_426 = arith.index_cast %get3A_425 : i32 to index
        %get3A_427 = arith.index_cast %add3A_424 : i32 to index
        %get3A_428 = arith.constant 0 : index
        %get3A_429 = tpu.vector_load %arg8[%get3A_426, %get3A_427, %get3A_428] {strides = array<i32>} : memref<2x392x32xf32, #tpu.memory_space<vmem>>, vector<16xf32>,
        %mul3A_430 = arith.mulf %get3A_429, %gather3A_361 : vector<16xf32>
        %add3A_431 = arith.addf %mul3A_422, %mul3A_430 : vector<16xf32>
        %add3A_432 = arith.constant 6 : i32
        %add3A_433 = arith.addi %mul3A_299, %add3A_432 : i32
        %get3A_434 = arith.constant 0 : i32
        %get3A_435 = arith.index_cast %get3A_434 : i32 to index
        %get3A_436 = arith.index_cast %add3A_433 : i32 to index
        %get3A_437 = arith.constant 0 : index
        %get3A_438 = tpu.vector_load %arg8[%get3A_435, %get3A_436, %get3A_437] {strides = array<i32>} : memref<2x392x32xf32, #tpu.memory_space<vmem>>, vector<16xf32>,
        %mul3A_439 = arith.mulf %get3A_438, %gather3A_371 : vector<16xf32>
        %add3A_440 = arith.addf %add3A_431, %mul3A_439 : vector<16xf32>
        %add3A_441 = arith.constant 7 : i32
        %add3A_442 = arith.addi %mul3A_299, %add3A_441 : i32
        %get3A_443 = arith.constant 0 : i32
        %get3A_444 = arith.index_cast %get3A_443 : i32 to index
        %get3A_445 = arith.index_cast %add3A_442 : i32 to index
        %get3A_446 = arith.constant 0 : index
        %get3A_447 = tpu.vector_load %arg8[%get3A_444, %get3A_445, %get3A_446] {strides = array<i32>} : memref<2x392x32xf32, #tpu.memory_space<vmem>>, vector<16xf32>,
        %mul3A_448 = arith.mulf %get3A_447, %gather3A_381 : vector<16xf32>
        %add3A_449 = arith.addf %add3A_440, %mul3A_448 : vector<16xf32>
        %add3A_450 = arith.constant 0 : i32
        %add3A_451 = vector.broadcast %add3A_450 : i32 to vector<16xi32>
        %add3A_452 = arith.addi %mul3A_5, %add3A_451 : vector<16xi32>
        %add3A_453 = vector.broadcast %scan3A_297 : i32 to vector<16xi32>
        %add3A_454 = arith.addi %add3A_452, %add3A_453 : vector<16xi32>
        %add3A_455 = arith.addf %add3A_414, %add3A_449 : vector<16xf32>
        %scatter3A = arith.constant 0 : i32
        %scatter3A_456 = arith.constant 0 : i32
        %scatter3A_457 = arith.constant 0 : i32
        %scatter3A_458 = tpu.memref_slice %arg9[%scatter3A, %scatter3A_456, %scatter3A_457] : memref<2x1x1568xf32, #tpu.memory_space<vmem>> -> memref<1x1x1568xf32, #tpu.memory_space<vmem>>
        %scatter3A_459 = tpu.memref_squeeze %scatter3A_458 : memref<1x1x1568xf32, #tpu.memory_space<vmem>> -> memref<1568xf32, #tpu.memory_space<vmem>>
        tpu.vector_store_idx %scatter3A_459[%add3A_454], %add3A_455 : memref<1568xf32, #tpu.memory_space<vmem>>[vector<16xi32>], vector<16xf32>,
        %get3A_460 = arith.constant 0 : i32
        %get3A_461 = arith.index_cast %get3A_460 : i32 to index
        %get3A_462 = arith.index_cast %mul3A_299 : i32 to index
        %get3A_463 = arith.constant 16 : index
        %get3A_464 = tpu.vector_load %arg8[%get3A_461, %get3A_462, %get3A_463] {strides = array<i32>} : memref<2x392x32xf32, #tpu.memory_space<vmem>>, vector<16xf32>,
        %mul3A_465 = arith.mulf %get3A_464, %gather3A_311 : vector<16xf32>
        %add3A_466 = arith.constant 1 : i32
        %add3A_467 = arith.addi %mul3A_299, %add3A_466 : i32
        %get3A_468 = arith.constant 0 : i32
        %get3A_469 = arith.index_cast %get3A_468 : i32 to index
        %get3A_470 = arith.index_cast %add3A_467 : i32 to index
        %get3A_471 = arith.constant 16 : index
        %get3A_472 = tpu.vector_load %arg8[%get3A_469, %get3A_470, %get3A_471] {strides = array<i32>} : memref<2x392x32xf32, #tpu.memory_space<vmem>>, vector<16xf32>,
        %mul3A_473 = arith.mulf %get3A_472, %gather3A_321 : vector<16xf32>
        %add3A_474 = arith.addf %mul3A_465, %mul3A_473 : vector<16xf32>
        %add3A_475 = arith.constant 2 : i32
        %add3A_476 = arith.addi %mul3A_299, %add3A_475 : i32
        %get3A_477 = arith.constant 0 : i32
        %get3A_478 = arith.index_cast %get3A_477 : i32 to index
        %get3A_479 = arith.index_cast %add3A_476 : i32 to index
        %get3A_480 = arith.constant 16 : index
        %get3A_481 = tpu.vector_load %arg8[%get3A_478, %get3A_479, %get3A_480] {strides = array<i32>} : memref<2x392x32xf32, #tpu.memory_space<vmem>>, vector<16xf32>,
        %mul3A_482 = arith.mulf %get3A_481, %gather3A_331 : vector<16xf32>
        %add3A_483 = arith.addf %add3A_474, %mul3A_482 : vector<16xf32>
        %add3A_484 = arith.constant 3 : i32
        %add3A_485 = arith.addi %mul3A_299, %add3A_484 : i32
        %get3A_486 = arith.constant 0 : i32
        %get3A_487 = arith.index_cast %get3A_486 : i32 to index
        %get3A_488 = arith.index_cast %add3A_485 : i32 to index
        %get3A_489 = arith.constant 16 : index
        %get3A_490 = tpu.vector_load %arg8[%get3A_487, %get3A_488, %get3A_489] {strides = array<i32>} : memref<2x392x32xf32, #tpu.memory_space<vmem>>, vector<16xf32>,
        %mul3A_491 = arith.mulf %get3A_490, %gather3A_341 : vector<16xf32>
        %add3A_492 = arith.addf %add3A_483, %mul3A_491 : vector<16xf32>
        %add3A_493 = arith.constant 4 : i32
        %add3A_494 = arith.addi %mul3A_299, %add3A_493 : i32
        %get3A_495 = arith.constant 0 : i32
        %get3A_496 = arith.index_cast %get3A_495 : i32 to index
        %get3A_497 = arith.index_cast %add3A_494 : i32 to index
        %get3A_498 = arith.constant 16 : index
        %get3A_499 = tpu.vector_load %arg8[%get3A_496, %get3A_497, %get3A_498] {strides = array<i32>} : memref<2x392x32xf32, #tpu.memory_space<vmem>>, vector<16xf32>,
        %mul3A_500 = arith.mulf %get3A_499, %gather3A_351 : vector<16xf32>
        %add3A_501 = arith.constant 5 : i32
        %add3A_502 = arith.addi %mul3A_299, %add3A_501 : i32
        %get3A_503 = arith.constant 0 : i32
        %get3A_504 = arith.index_cast %get3A_503 : i32 to index
        %get3A_505 = arith.index_cast %add3A_502 : i32 to index
        %get3A_506 = arith.constant 16 : index
        %get3A_507 = tpu.vector_load %arg8[%get3A_504, %get3A_505, %get3A_506] {strides = array<i32>} : memref<2x392x32xf32, #tpu.memory_space<vmem>>, vector<16xf32>,
        %mul3A_508 = arith.mulf %get3A_507, %gather3A_361 : vector<16xf32>
        %add3A_509 = arith.addf %mul3A_500, %mul3A_508 : vector<16xf32>
        %add3A_510 = arith.constant 6 : i32
        %add3A_511 = arith.addi %mul3A_299, %add3A_510 : i32
        %get3A_512 = arith.constant 0 : i32
        %get3A_513 = arith.index_cast %get3A_512 : i32 to index
        %get3A_514 = arith.index_cast %add3A_511 : i32 to index
        %get3A_515 = arith.constant 16 : index
        %get3A_516 = tpu.vector_load %arg8[%get3A_513, %get3A_514, %get3A_515] {strides = array<i32>} : memref<2x392x32xf32, #tpu.memory_space<vmem>>, vector<16xf32>,
        %mul3A_517 = arith.mulf %get3A_516, %gather3A_371 : vector<16xf32>
        %add3A_518 = arith.addf %add3A_509, %mul3A_517 : vector<16xf32>
        %add3A_519 = arith.constant 7 : i32
        %add3A_520 = arith.addi %mul3A_299, %add3A_519 : i32
        %get3A_521 = arith.constant 0 : i32
        %get3A_522 = arith.index_cast %get3A_521 : i32 to index
        %get3A_523 = arith.index_cast %add3A_520 : i32 to index
        %get3A_524 = arith.constant 16 : index
        %get3A_525 = tpu.vector_load %arg8[%get3A_522, %get3A_523, %get3A_524] {strides = array<i32>} : memref<2x392x32xf32, #tpu.memory_space<vmem>>, vector<16xf32>,
        %mul3A_526 = arith.mulf %get3A_525, %gather3A_381 : vector<16xf32>
        %add3A_527 = arith.addf %add3A_518, %mul3A_526 : vector<16xf32>
        %add3A_528 = arith.constant 784 : i32
        %add3A_529 = vector.broadcast %add3A_528 : i32 to vector<16xi32>
        %add3A_530 = arith.addi %mul3A_5, %add3A_529 : vector<16xi32>
        %add3A_531 = vector.broadcast %scan3A_297 : i32 to vector<16xi32>
        %add3A_532 = arith.addi %add3A_530, %add3A_531 : vector<16xi32>
        %add3A_533 = arith.addf %add3A_492, %add3A_527 : vector<16xf32>
        %scatter3A_534 = arith.constant 0 : i32
        %scatter3A_535 = arith.constant 0 : i32
        %scatter3A_536 = arith.constant 0 : i32
        %scatter3A_537 = tpu.memref_slice %arg9[%scatter3A_534, %scatter3A_535, %scatter3A_536] : memref<2x1x1568xf32, #tpu.memory_space<vmem>> -> memref<1x1x1568xf32, #tpu.memory_space<vmem>>
        %scatter3A_538 = tpu.memref_squeeze %scatter3A_537 : memref<1x1x1568xf32, #tpu.memory_space<vmem>> -> memref<1568xf32, #tpu.memory_space<vmem>>
        tpu.vector_store_idx %scatter3A_538[%add3A_532], %add3A_533 : memref<1568xf32, #tpu.memory_space<vmem>>[vector<16xi32>], vector<16xf32>,
        %scan3A_539 = arith.constant 1 : i32
        %scan3A_540 = arith.addi %scan3A_297, %scan3A_539 : i32
        %mul3A_541 = arith.constant 8 : i32
        %mul3A_542 = arith.muli %scan3A_540, %mul3A_541 : i32
        %get3A_543 = arith.constant 0 : i32
        %get3A_544 = arith.constant 0 : i32
        %get3A_545 = arith.index_cast %get3A_543 : i32 to index
        %get3A_546 = arith.index_cast %get3A_544 : i32 to index
        %get3A_547 = arith.index_cast %mul3A_542 : i32 to index
        %get3A_548 = tpu.vector_load %arg7[%get3A_545, %get3A_546, %get3A_547] {strides = array<i32>} : memref<2x1x400xf32, #tpu.memory_space<vmem>>, vector<16xf32>,
        %lt3A_549 = arith.constant 0 : i32
        %lt3A_550 = vector.broadcast %lt3A_549 : i32 to vector<16xi32>
        %lt3A_551 = arith.cmpi slt, %broadcast_in_dim3A_6, %lt3A_550 : vector<16xi32>
        %add3A_552 = arith.constant 16 : i32
        %add3A_553 = vector.broadcast %add3A_552 : i32 to vector<16xi32>
        %add3A_554 = arith.addi %broadcast_in_dim3A_6, %add3A_553 : vector<16xi32>
        %select_n3A_555 = arith.select %lt3A_551, %add3A_554, %broadcast_in_dim3A_6 : vector<16xi1>, vector<16xi32>
        %broadcast_in_dim3A_556 = vector.shape_cast %select_n3A_555 : vector<16xi32> to vector<16x1xi32>
        %gather3A_557 = vector.shape_cast %broadcast_in_dim3A_556 : vector<16x1xi32> to vector<16xi32>
        %gather3A_558 = tpu.dynamic_gather %get3A_548[%gather3A_557] in [0] : vector<16xf32>, vector<16xi32> -> vector<16xf32>
        %lt3A_559 = arith.constant 0 : i32
        %lt3A_560 = vector.broadcast %lt3A_559 : i32 to vector<16xi32>
        %lt3A_561 = arith.cmpi slt, %broadcast_in_dim3A_8, %lt3A_560 : vector<16xi32>
        %add3A_562 = arith.constant 16 : i32
        %add3A_563 = vector.broadcast %add3A_562 : i32 to vector<16xi32>
        %add3A_564 = arith.addi %broadcast_in_dim3A_8, %add3A_563 : vector<16xi32>
        %select_n3A_565 = arith.select %lt3A_561, %add3A_564, %broadcast_in_dim3A_8 : vector<16xi1>, vector<16xi32>
        %broadcast_in_dim3A_566 = vector.shape_cast %select_n3A_565 : vector<16xi32> to vector<16x1xi32>
        %gather3A_567 = vector.shape_cast %broadcast_in_dim3A_566 : vector<16x1xi32> to vector<16xi32>
        %gather3A_568 = tpu.dynamic_gather %get3A_548[%gather3A_567] in [0] : vector<16xf32>, vector<16xi32> -> vector<16xf32>
        %lt3A_569 = arith.constant 0 : i32
        %lt3A_570 = vector.broadcast %lt3A_569 : i32 to vector<16xi32>
        %lt3A_571 = arith.cmpi slt, %broadcast_in_dim3A_10, %lt3A_570 : vector<16xi32>
        %add3A_572 = arith.constant 16 : i32
        %add3A_573 = vector.broadcast %add3A_572 : i32 to vector<16xi32>
        %add3A_574 = arith.addi %broadcast_in_dim3A_10, %add3A_573 : vector<16xi32>
        %select_n3A_575 = arith.select %lt3A_571, %add3A_574, %broadcast_in_dim3A_10 : vector<16xi1>, vector<16xi32>
        %broadcast_in_dim3A_576 = vector.shape_cast %select_n3A_575 : vector<16xi32> to vector<16x1xi32>
        %gather3A_577 = vector.shape_cast %broadcast_in_dim3A_576 : vector<16x1xi32> to vector<16xi32>
        %gather3A_578 = tpu.dynamic_gather %get3A_548[%gather3A_577] in [0] : vector<16xf32>, vector<16xi32> -> vector<16xf32>
        %lt3A_579 = arith.constant 0 : i32
        %lt3A_580 = vector.broadcast %lt3A_579 : i32 to vector<16xi32>
        %lt3A_581 = arith.cmpi slt, %broadcast_in_dim3A_12, %lt3A_580 : vector<16xi32>
        %add3A_582 = arith.constant 16 : i32
        %add3A_583 = vector.broadcast %add3A_582 : i32 to vector<16xi32>
        %add3A_584 = arith.addi %broadcast_in_dim3A_12, %add3A_583 : vector<16xi32>
        %select_n3A_585 = arith.select %lt3A_581, %add3A_584, %broadcast_in_dim3A_12 : vector<16xi1>, vector<16xi32>
        %broadcast_in_dim3A_586 = vector.shape_cast %select_n3A_585 : vector<16xi32> to vector<16x1xi32>
        %gather3A_587 = vector.shape_cast %broadcast_in_dim3A_586 : vector<16x1xi32> to vector<16xi32>
        %gather3A_588 = tpu.dynamic_gather %get3A_548[%gather3A_587] in [0] : vector<16xf32>, vector<16xi32> -> vector<16xf32>
        %lt3A_589 = arith.constant 0 : i32
        %lt3A_590 = vector.broadcast %lt3A_589 : i32 to vector<16xi32>
        %lt3A_591 = arith.cmpi slt, %broadcast_in_dim3A_14, %lt3A_590 : vector<16xi32>
        %add3A_592 = arith.constant 16 : i32
        %add3A_593 = vector.broadcast %add3A_592 : i32 to vector<16xi32>
        %add3A_594 = arith.addi %broadcast_in_dim3A_14, %add3A_593 : vector<16xi32>
        %select_n3A_595 = arith.select %lt3A_591, %add3A_594, %broadcast_in_dim3A_14 : vector<16xi1>, vector<16xi32>
        %broadcast_in_dim3A_596 = vector.shape_cast %select_n3A_595 : vector<16xi32> to vector<16x1xi32>
        %gather3A_597 = vector.shape_cast %broadcast_in_dim3A_596 : vector<16x1xi32> to vector<16xi32>
        %gather3A_598 = tpu.dynamic_gather %get3A_548[%gather3A_597] in [0] : vector<16xf32>, vector<16xi32> -> vector<16xf32>
        %lt3A_599 = arith.constant 0 : i32
        %lt3A_600 = vector.broadcast %lt3A_599 : i32 to vector<16xi32>
        %lt3A_601 = arith.cmpi slt, %broadcast_in_dim3A_16, %lt3A_600 : vector<16xi32>
        %add3A_602 = arith.constant 16 : i32
        %add3A_603 = vector.broadcast %add3A_602 : i32 to vector<16xi32>
        %add3A_604 = arith.addi %broadcast_in_dim3A_16, %add3A_603 : vector<16xi32>
        %select_n3A_605 = arith.select %lt3A_601, %add3A_604, %broadcast_in_dim3A_16 : vector<16xi1>, vector<16xi32>
        %broadcast_in_dim3A_606 = vector.shape_cast %select_n3A_605 : vector<16xi32> to vector<16x1xi32>
        %gather3A_607 = vector.shape_cast %broadcast_in_dim3A_606 : vector<16x1xi32> to vector<16xi32>
        %gather3A_608 = tpu.dynamic_gather %get3A_548[%gather3A_607] in [0] : vector<16xf32>, vector<16xi32> -> vector<16xf32>
        %lt3A_609 = arith.constant 0 : i32
        %lt3A_610 = vector.broadcast %lt3A_609 : i32 to vector<16xi32>
        %lt3A_611 = arith.cmpi slt, %broadcast_in_dim3A_18, %lt3A_610 : vector<16xi32>
        %add3A_612 = arith.constant 16 : i32
        %add3A_613 = vector.broadcast %add3A_612 : i32 to vector<16xi32>
        %add3A_614 = arith.addi %broadcast_in_dim3A_18, %add3A_613 : vector<16xi32>
        %select_n3A_615 = arith.select %lt3A_611, %add3A_614, %broadcast_in_dim3A_18 : vector<16xi1>, vector<16xi32>
        %broadcast_in_dim3A_616 = vector.shape_cast %select_n3A_615 : vector<16xi32> to vector<16x1xi32>
        %gather3A_617 = vector.shape_cast %broadcast_in_dim3A_616 : vector<16x1xi32> to vector<16xi32>
        %gather3A_618 = tpu.dynamic_gather %get3A_548[%gather3A_617] in [0] : vector<16xf32>, vector<16xi32> -> vector<16xf32>
        %lt3A_619 = arith.constant 0 : i32
        %lt3A_620 = vector.broadcast %lt3A_619 : i32 to vector<16xi32>
        %lt3A_621 = arith.cmpi slt, %broadcast_in_dim3A_20, %lt3A_620 : vector<16xi32>
        %add3A_622 = arith.constant 16 : i32
        %add3A_623 = vector.broadcast %add3A_622 : i32 to vector<16xi32>
        %add3A_624 = arith.addi %broadcast_in_dim3A_20, %add3A_623 : vector<16xi32>
        %select_n3A_625 = arith.select %lt3A_621, %add3A_624, %broadcast_in_dim3A_20 : vector<16xi1>, vector<16xi32>
        %broadcast_in_dim3A_626 = vector.shape_cast %select_n3A_625 : vector<16xi32> to vector<16x1xi32>
        %gather3A_627 = vector.shape_cast %broadcast_in_dim3A_626 : vector<16x1xi32> to vector<16xi32>
        %gather3A_628 = tpu.dynamic_gather %get3A_548[%gather3A_627] in [0] : vector<16xf32>, vector<16xi32> -> vector<16xf32>
        %get3A_629 = arith.constant 0 : i32
        %get3A_630 = arith.index_cast %get3A_629 : i32 to index
        %get3A_631 = arith.index_cast %mul3A_542 : i32 to index
        %get3A_632 = arith.constant 0 : index
        %get3A_633 = tpu.vector_load %arg8[%get3A_630, %get3A_631, %get3A_632] {strides = array<i32>} : memref<2x392x32xf32, #tpu.memory_space<vmem>>, vector<16xf32>,
        %mul3A_634 = arith.mulf %get3A_633, %gather3A_558 : vector<16xf32>
        %add3A_635 = arith.constant 1 : i32
        %add3A_636 = arith.addi %mul3A_542, %add3A_635 : i32
        %get3A_637 = arith.constant 0 : i32
        %get3A_638 = arith.index_cast %get3A_637 : i32 to index
        %get3A_639 = arith.index_cast %add3A_636 : i32 to index
        %get3A_640 = arith.constant 0 : index
        %get3A_641 = tpu.vector_load %arg8[%get3A_638, %get3A_639, %get3A_640] {strides = array<i32>} : memref<2x392x32xf32, #tpu.memory_space<vmem>>, vector<16xf32>,
        %mul3A_642 = arith.mulf %get3A_641, %gather3A_568 : vector<16xf32>
        %add3A_643 = arith.addf %mul3A_634, %mul3A_642 : vector<16xf32>
        %add3A_644 = arith.constant 2 : i32
        %add3A_645 = arith.addi %mul3A_542, %add3A_644 : i32
        %get3A_646 = arith.constant 0 : i32
        %get3A_647 = arith.index_cast %get3A_646 : i32 to index
        %get3A_648 = arith.index_cast %add3A_645 : i32 to index
        %get3A_649 = arith.constant 0 : index
        %get3A_650 = tpu.vector_load %arg8[%get3A_647, %get3A_648, %get3A_649] {strides = array<i32>} : memref<2x392x32xf32, #tpu.memory_space<vmem>>, vector<16xf32>,
        %mul3A_651 = arith.mulf %get3A_650, %gather3A_578 : vector<16xf32>
        %add3A_652 = arith.addf %add3A_643, %mul3A_651 : vector<16xf32>
        %add3A_653 = arith.constant 3 : i32
        %add3A_654 = arith.addi %mul3A_542, %add3A_653 : i32
        %get3A_655 = arith.constant 0 : i32
        %get3A_656 = arith.index_cast %get3A_655 : i32 to index
        %get3A_657 = arith.index_cast %add3A_654 : i32 to index
        %get3A_658 = arith.constant 0 : index
        %get3A_659 = tpu.vector_load %arg8[%get3A_656, %get3A_657, %get3A_658] {strides = array<i32>} : memref<2x392x32xf32, #tpu.memory_space<vmem>>, vector<16xf32>,
        %mul3A_660 = arith.mulf %get3A_659, %gather3A_588 : vector<16xf32>
        %add3A_661 = arith.addf %add3A_652, %mul3A_660 : vector<16xf32>
        %add3A_662 = arith.constant 4 : i32
        %add3A_663 = arith.addi %mul3A_542, %add3A_662 : i32
        %get3A_664 = arith.constant 0 : i32
        %get3A_665 = arith.index_cast %get3A_664 : i32 to index
        %get3A_666 = arith.index_cast %add3A_663 : i32 to index
        %get3A_667 = arith.constant 0 : index
        %get3A_668 = tpu.vector_load %arg8[%get3A_665, %get3A_666, %get3A_667] {strides = array<i32>} : memref<2x392x32xf32, #tpu.memory_space<vmem>>, vector<16xf32>,
        %mul3A_669 = arith.mulf %get3A_668, %gather3A_598 : vector<16xf32>
        %add3A_670 = arith.constant 5 : i32
        %add3A_671 = arith.addi %mul3A_542, %add3A_670 : i32
        %get3A_672 = arith.constant 0 : i32
        %get3A_673 = arith.index_cast %get3A_672 : i32 to index
        %get3A_674 = arith.index_cast %add3A_671 : i32 to index
        %get3A_675 = arith.constant 0 : index
        %get3A_676 = tpu.vector_load %arg8[%get3A_673, %get3A_674, %get3A_675] {strides = array<i32>} : memref<2x392x32xf32, #tpu.memory_space<vmem>>, vector<16xf32>,
        %mul3A_677 = arith.mulf %get3A_676, %gather3A_608 : vector<16xf32>
        %add3A_678 = arith.addf %mul3A_669, %mul3A_677 : vector<16xf32>
        %add3A_679 = arith.constant 6 : i32
        %add3A_680 = arith.addi %mul3A_542, %add3A_679 : i32
        %get3A_681 = arith.constant 0 : i32
        %get3A_682 = arith.index_cast %get3A_681 : i32 to index
        %get3A_683 = arith.index_cast %add3A_680 : i32 to index
        %get3A_684 = arith.constant 0 : index
        %get3A_685 = tpu.vector_load %arg8[%get3A_682, %get3A_683, %get3A_684] {strides = array<i32>} : memref<2x392x32xf32, #tpu.memory_space<vmem>>, vector<16xf32>,
        %mul3A_686 = arith.mulf %get3A_685, %gather3A_618 : vector<16xf32>
        %add3A_687 = arith.addf %add3A_678, %mul3A_686 : vector<16xf32>
        %add3A_688 = arith.constant 7 : i32
        %add3A_689 = arith.addi %mul3A_542, %add3A_688 : i32
        %get3A_690 = arith.constant 0 : i32
        %get3A_691 = arith.index_cast %get3A_690 : i32 to index
        %get3A_692 = arith.index_cast %add3A_689 : i32 to index
        %get3A_693 = arith.constant 0 : index
        %get3A_694 = tpu.vector_load %arg8[%get3A_691, %get3A_692, %get3A_693] {strides = array<i32>} : memref<2x392x32xf32, #tpu.memory_space<vmem>>, vector<16xf32>,
        %mul3A_695 = arith.mulf %get3A_694, %gather3A_628 : vector<16xf32>
        %add3A_696 = arith.addf %add3A_687, %mul3A_695 : vector<16xf32>
        %add3A_697 = arith.constant 0 : i32
        %add3A_698 = vector.broadcast %add3A_697 : i32 to vector<16xi32>
        %add3A_699 = arith.addi %mul3A_5, %add3A_698 : vector<16xi32>
        %add3A_700 = vector.broadcast %scan3A_540 : i32 to vector<16xi32>
        %add3A_701 = arith.addi %add3A_699, %add3A_700 : vector<16xi32>
        %add3A_702 = arith.addf %add3A_661, %add3A_696 : vector<16xf32>
        %scatter3A_703 = arith.constant 0 : i32
        %scatter3A_704 = arith.constant 0 : i32
        %scatter3A_705 = arith.constant 0 : i32
        %scatter3A_706 = tpu.memref_slice %arg9[%scatter3A_703, %scatter3A_704, %scatter3A_705] : memref<2x1x1568xf32, #tpu.memory_space<vmem>> -> memref<1x1x1568xf32, #tpu.memory_space<vmem>>
        %scatter3A_707 = tpu.memref_squeeze %scatter3A_706 : memref<1x1x1568xf32, #tpu.memory_space<vmem>> -> memref<1568xf32, #tpu.memory_space<vmem>>
        tpu.vector_store_idx %scatter3A_707[%add3A_701], %add3A_702 : memref<1568xf32, #tpu.memory_space<vmem>>[vector<16xi32>], vector<16xf32>,
        %get3A_708 = arith.constant 0 : i32
        %get3A_709 = arith.index_cast %get3A_708 : i32 to index
        %get3A_710 = arith.index_cast %mul3A_542 : i32 to index
        %get3A_711 = arith.constant 16 : index
        %get3A_712 = tpu.vector_load %arg8[%get3A_709, %get3A_710, %get3A_711] {strides = array<i32>} : memref<2x392x32xf32, #tpu.memory_space<vmem>>, vector<16xf32>,
        %mul3A_713 = arith.mulf %get3A_712, %gather3A_558 : vector<16xf32>
        %add3A_714 = arith.constant 1 : i32
        %add3A_715 = arith.addi %mul3A_542, %add3A_714 : i32
        %get3A_716 = arith.constant 0 : i32
        %get3A_717 = arith.index_cast %get3A_716 : i32 to index
        %get3A_718 = arith.index_cast %add3A_715 : i32 to index
        %get3A_719 = arith.constant 16 : index
        %get3A_720 = tpu.vector_load %arg8[%get3A_717, %get3A_718, %get3A_719] {strides = array<i32>} : memref<2x392x32xf32, #tpu.memory_space<vmem>>, vector<16xf32>,
        %mul3A_721 = arith.mulf %get3A_720, %gather3A_568 : vector<16xf32>
        %add3A_722 = arith.addf %mul3A_713, %mul3A_721 : vector<16xf32>
        %add3A_723 = arith.constant 2 : i32
        %add3A_724 = arith.addi %mul3A_542, %add3A_723 : i32
        %get3A_725 = arith.constant 0 : i32
        %get3A_726 = arith.index_cast %get3A_725 : i32 to index
        %get3A_727 = arith.index_cast %add3A_724 : i32 to index
        %get3A_728 = arith.constant 16 : index
        %get3A_729 = tpu.vector_load %arg8[%get3A_726, %get3A_727, %get3A_728] {strides = array<i32>} : memref<2x392x32xf32, #tpu.memory_space<vmem>>, vector<16xf32>,
        %mul3A_730 = arith.mulf %get3A_729, %gather3A_578 : vector<16xf32>
        %add3A_731 = arith.addf %add3A_722, %mul3A_730 : vector<16xf32>
        %add3A_732 = arith.constant 3 : i32
        %add3A_733 = arith.addi %mul3A_542, %add3A_732 : i32
        %get3A_734 = arith.constant 0 : i32
        %get3A_735 = arith.index_cast %get3A_734 : i32 to index
        %get3A_736 = arith.index_cast %add3A_733 : i32 to index
        %get3A_737 = arith.constant 16 : index
        %get3A_738 = tpu.vector_load %arg8[%get3A_735, %get3A_736, %get3A_737] {strides = array<i32>} : memref<2x392x32xf32, #tpu.memory_space<vmem>>, vector<16xf32>,
        %mul3A_739 = arith.mulf %get3A_738, %gather3A_588 : vector<16xf32>
        %add3A_740 = arith.addf %add3A_731, %mul3A_739 : vector<16xf32>
        %add3A_741 = arith.constant 4 : i32
        %add3A_742 = arith.addi %mul3A_542, %add3A_741 : i32
        %get3A_743 = arith.constant 0 : i32
        %get3A_744 = arith.index_cast %get3A_743 : i32 to index
        %get3A_745 = arith.index_cast %add3A_742 : i32 to index
        %get3A_746 = arith.constant 16 : index
        %get3A_747 = tpu.vector_load %arg8[%get3A_744, %get3A_745, %get3A_746] {strides = array<i32>} : memref<2x392x32xf32, #tpu.memory_space<vmem>>, vector<16xf32>,
        %mul3A_748 = arith.mulf %get3A_747, %gather3A_598 : vector<16xf32>
        %add3A_749 = arith.constant 5 : i32
        %add3A_750 = arith.addi %mul3A_542, %add3A_749 : i32
        %get3A_751 = arith.constant 0 : i32
        %get3A_752 = arith.index_cast %get3A_751 : i32 to index
        %get3A_753 = arith.index_cast %add3A_750 : i32 to index
        %get3A_754 = arith.constant 16 : index
        %get3A_755 = tpu.vector_load %arg8[%get3A_752, %get3A_753, %get3A_754] {strides = array<i32>} : memref<2x392x32xf32, #tpu.memory_space<vmem>>, vector<16xf32>,
        %mul3A_756 = arith.mulf %get3A_755, %gather3A_608 : vector<16xf32>
        %add3A_757 = arith.addf %mul3A_748, %mul3A_756 : vector<16xf32>
        %add3A_758 = arith.constant 6 : i32
        %add3A_759 = arith.addi %mul3A_542, %add3A_758 : i32
        %get3A_760 = arith.constant 0 : i32
        %get3A_761 = arith.index_cast %get3A_760 : i32 to index
        %get3A_762 = arith.index_cast %add3A_759 : i32 to index
        %get3A_763 = arith.constant 16 : index
        %get3A_764 = tpu.vector_load %arg8[%get3A_761, %get3A_762, %get3A_763] {strides = array<i32>} : memref<2x392x32xf32, #tpu.memory_space<vmem>>, vector<16xf32>,
        %mul3A_765 = arith.mulf %get3A_764, %gather3A_618 : vector<16xf32>
        %add3A_766 = arith.addf %add3A_757, %mul3A_765 : vector<16xf32>
        %add3A_767 = arith.constant 7 : i32
        %add3A_768 = arith.addi %mul3A_542, %add3A_767 : i32
        %get3A_769 = arith.constant 0 : i32
        %get3A_770 = arith.index_cast %get3A_769 : i32 to index
        %get3A_771 = arith.index_cast %add3A_768 : i32 to index
        %get3A_772 = arith.constant 16 : index
        %get3A_773 = tpu.vector_load %arg8[%get3A_770, %get3A_771, %get3A_772] {strides = array<i32>} : memref<2x392x32xf32, #tpu.memory_space<vmem>>, vector<16xf32>,
        %mul3A_774 = arith.mulf %get3A_773, %gather3A_628 : vector<16xf32>
        %add3A_775 = arith.addf %add3A_766, %mul3A_774 : vector<16xf32>
        %add3A_776 = arith.constant 784 : i32
        %add3A_777 = vector.broadcast %add3A_776 : i32 to vector<16xi32>
        %add3A_778 = arith.addi %mul3A_5, %add3A_777 : vector<16xi32>
        %add3A_779 = vector.broadcast %scan3A_540 : i32 to vector<16xi32>
        %add3A_780 = arith.addi %add3A_778, %add3A_779 : vector<16xi32>
        %add3A_781 = arith.addf %add3A_740, %add3A_775 : vector<16xf32>
        %scatter3A_782 = arith.constant 0 : i32
        %scatter3A_783 = arith.constant 0 : i32
        %scatter3A_784 = arith.constant 0 : i32
        %scatter3A_785 = tpu.memref_slice %arg9[%scatter3A_782, %scatter3A_783, %scatter3A_784] : memref<2x1x1568xf32, #tpu.memory_space<vmem>> -> memref<1x1x1568xf32, #tpu.memory_space<vmem>>
        %scatter3A_786 = tpu.memref_squeeze %scatter3A_785 : memref<1x1x1568xf32, #tpu.memory_space<vmem>> -> memref<1568xf32, #tpu.memory_space<vmem>>
        tpu.vector_store_idx %scatter3A_786[%add3A_780], %add3A_781 : memref<1568xf32, #tpu.memory_space<vmem>>[vector<16xi32>], vector<16xf32>,
        %scan3A_787 = arith.constant 2 : i32
        %scan3A_788 = arith.addi %scan3A_297, %scan3A_787 : i32
        %mul3A_789 = arith.constant 8 : i32
        %mul3A_790 = arith.muli %scan3A_788, %mul3A_789 : i32
        %get3A_791 = arith.constant 0 : i32
        %get3A_792 = arith.constant 0 : i32
        %get3A_793 = arith.index_cast %get3A_791 : i32 to index
        %get3A_794 = arith.index_cast %get3A_792 : i32 to index
        %get3A_795 = arith.index_cast %mul3A_790 : i32 to index
        %get3A_796 = tpu.vector_load %arg7[%get3A_793, %get3A_794, %get3A_795] {strides = array<i32>} : memref<2x1x400xf32, #tpu.memory_space<vmem>>, vector<16xf32>,
        %lt3A_797 = arith.constant 0 : i32
        %lt3A_798 = vector.broadcast %lt3A_797 : i32 to vector<16xi32>
        %lt3A_799 = arith.cmpi slt, %broadcast_in_dim3A_6, %lt3A_798 : vector<16xi32>
        %add3A_800 = arith.constant 16 : i32
        %add3A_801 = vector.broadcast %add3A_800 : i32 to vector<16xi32>
        %add3A_802 = arith.addi %broadcast_in_dim3A_6, %add3A_801 : vector<16xi32>
        %select_n3A_803 = arith.select %lt3A_799, %add3A_802, %broadcast_in_dim3A_6 : vector<16xi1>, vector<16xi32>
        %broadcast_in_dim3A_804 = vector.shape_cast %select_n3A_803 : vector<16xi32> to vector<16x1xi32>
        %gather3A_805 = vector.shape_cast %broadcast_in_dim3A_804 : vector<16x1xi32> to vector<16xi32>
        %gather3A_806 = tpu.dynamic_gather %get3A_796[%gather3A_805] in [0] : vector<16xf32>, vector<16xi32> -> vector<16xf32>
        %lt3A_807 = arith.constant 0 : i32
        %lt3A_808 = vector.broadcast %lt3A_807 : i32 to vector<16xi32>
        %lt3A_809 = arith.cmpi slt, %broadcast_in_dim3A_8, %lt3A_808 : vector<16xi32>
        %add3A_810 = arith.constant 16 : i32
        %add3A_811 = vector.broadcast %add3A_810 : i32 to vector<16xi32>
        %add3A_812 = arith.addi %broadcast_in_dim3A_8, %add3A_811 : vector<16xi32>
        %select_n3A_813 = arith.select %lt3A_809, %add3A_812, %broadcast_in_dim3A_8 : vector<16xi1>, vector<16xi32>
        %broadcast_in_dim3A_814 = vector.shape_cast %select_n3A_813 : vector<16xi32> to vector<16x1xi32>
        %gather3A_815 = vector.shape_cast %broadcast_in_dim3A_814 : vector<16x1xi32> to vector<16xi32>
        %gather3A_816 = tpu.dynamic_gather %get3A_796[%gather3A_815] in [0] : vector<16xf32>, vector<16xi32> -> vector<16xf32>
        %lt3A_817 = arith.constant 0 : i32
        %lt3A_818 = vector.broadcast %lt3A_817 : i32 to vector<16xi32>
        %lt3A_819 = arith.cmpi slt, %broadcast_in_dim3A_10, %lt3A_818 : vector<16xi32>
        %add3A_820 = arith.constant 16 : i32
        %add3A_821 = vector.broadcast %add3A_820 : i32 to vector<16xi32>
        %add3A_822 = arith.addi %broadcast_in_dim3A_10, %add3A_821 : vector<16xi32>
        %select_n3A_823 = arith.select %lt3A_819, %add3A_822, %broadcast_in_dim3A_10 : vector<16xi1>, vector<16xi32>
        %broadcast_in_dim3A_824 = vector.shape_cast %select_n3A_823 : vector<16xi32> to vector<16x1xi32>
        %gather3A_825 = vector.shape_cast %broadcast_in_dim3A_824 : vector<16x1xi32> to vector<16xi32>
        %gather3A_826 = tpu.dynamic_gather %get3A_796[%gather3A_825] in [0] : vector<16xf32>, vector<16xi32> -> vector<16xf32>
        %lt3A_827 = arith.constant 0 : i32
        %lt3A_828 = vector.broadcast %lt3A_827 : i32 to vector<16xi32>
        %lt3A_829 = arith.cmpi slt, %broadcast_in_dim3A_12, %lt3A_828 : vector<16xi32>
        %add3A_830 = arith.constant 16 : i32
        %add3A_831 = vector.broadcast %add3A_830 : i32 to vector<16xi32>
        %add3A_832 = arith.addi %broadcast_in_dim3A_12, %add3A_831 : vector<16xi32>
        %select_n3A_833 = arith.select %lt3A_829, %add3A_832, %broadcast_in_dim3A_12 : vector<16xi1>, vector<16xi32>
        %broadcast_in_dim3A_834 = vector.shape_cast %select_n3A_833 : vector<16xi32> to vector<16x1xi32>
        %gather3A_835 = vector.shape_cast %broadcast_in_dim3A_834 : vector<16x1xi32> to vector<16xi32>
        %gather3A_836 = tpu.dynamic_gather %get3A_796[%gather3A_835] in [0] : vector<16xf32>, vector<16xi32> -> vector<16xf32>
        %lt3A_837 = arith.constant 0 : i32
        %lt3A_838 = vector.broadcast %lt3A_837 : i32 to vector<16xi32>
        %lt3A_839 = arith.cmpi slt, %broadcast_in_dim3A_14, %lt3A_838 : vector<16xi32>
        %add3A_840 = arith.constant 16 : i32
        %add3A_841 = vector.broadcast %add3A_840 : i32 to vector<16xi32>
        %add3A_842 = arith.addi %broadcast_in_dim3A_14, %add3A_841 : vector<16xi32>
        %select_n3A_843 = arith.select %lt3A_839, %add3A_842, %broadcast_in_dim3A_14 : vector<16xi1>, vector<16xi32>
        %broadcast_in_dim3A_844 = vector.shape_cast %select_n3A_843 : vector<16xi32> to vector<16x1xi32>
        %gather3A_845 = vector.shape_cast %broadcast_in_dim3A_844 : vector<16x1xi32> to vector<16xi32>
        %gather3A_846 = tpu.dynamic_gather %get3A_796[%gather3A_845] in [0] : vector<16xf32>, vector<16xi32> -> vector<16xf32>
        %lt3A_847 = arith.constant 0 : i32
        %lt3A_848 = vector.broadcast %lt3A_847 : i32 to vector<16xi32>
        %lt3A_849 = arith.cmpi slt, %broadcast_in_dim3A_16, %lt3A_848 : vector<16xi32>
        %add3A_850 = arith.constant 16 : i32
        %add3A_851 = vector.broadcast %add3A_850 : i32 to vector<16xi32>
        %add3A_852 = arith.addi %broadcast_in_dim3A_16, %add3A_851 : vector<16xi32>
        %select_n3A_853 = arith.select %lt3A_849, %add3A_852, %broadcast_in_dim3A_16 : vector<16xi1>, vector<16xi32>
        %broadcast_in_dim3A_854 = vector.shape_cast %select_n3A_853 : vector<16xi32> to vector<16x1xi32>
        %gather3A_855 = vector.shape_cast %broadcast_in_dim3A_854 : vector<16x1xi32> to vector<16xi32>
        %gather3A_856 = tpu.dynamic_gather %get3A_796[%gather3A_855] in [0] : vector<16xf32>, vector<16xi32> -> vector<16xf32>
        %lt3A_857 = arith.constant 0 : i32
        %lt3A_858 = vector.broadcast %lt3A_857 : i32 to vector<16xi32>
        %lt3A_859 = arith.cmpi slt, %broadcast_in_dim3A_18, %lt3A_858 : vector<16xi32>
        %add3A_860 = arith.constant 16 : i32
        %add3A_861 = vector.broadcast %add3A_860 : i32 to vector<16xi32>
        %add3A_862 = arith.addi %broadcast_in_dim3A_18, %add3A_861 : vector<16xi32>
        %select_n3A_863 = arith.select %lt3A_859, %add3A_862, %broadcast_in_dim3A_18 : vector<16xi1>, vector<16xi32>
        %broadcast_in_dim3A_864 = vector.shape_cast %select_n3A_863 : vector<16xi32> to vector<16x1xi32>
        %gather3A_865 = vector.shape_cast %broadcast_in_dim3A_864 : vector<16x1xi32> to vector<16xi32>
        %gather3A_866 = tpu.dynamic_gather %get3A_796[%gather3A_865] in [0] : vector<16xf32>, vector<16xi32> -> vector<16xf32>
        %lt3A_867 = arith.constant 0 : i32
        %lt3A_868 = vector.broadcast %lt3A_867 : i32 to vector<16xi32>
        %lt3A_869 = arith.cmpi slt, %broadcast_in_dim3A_20, %lt3A_868 : vector<16xi32>
        %add3A_870 = arith.constant 16 : i32
        %add3A_871 = vector.broadcast %add3A_870 : i32 to vector<16xi32>
        %add3A_872 = arith.addi %broadcast_in_dim3A_20, %add3A_871 : vector<16xi32>
        %select_n3A_873 = arith.select %lt3A_869, %add3A_872, %broadcast_in_dim3A_20 : vector<16xi1>, vector<16xi32>
        %broadcast_in_dim3A_874 = vector.shape_cast %select_n3A_873 : vector<16xi32> to vector<16x1xi32>
        %gather3A_875 = vector.shape_cast %broadcast_in_dim3A_874 : vector<16x1xi32> to vector<16xi32>
        %gather3A_876 = tpu.dynamic_gather %get3A_796[%gather3A_875] in [0] : vector<16xf32>, vector<16xi32> -> vector<16xf32>
        %get3A_877 = arith.constant 0 : i32
        %get3A_878 = arith.index_cast %get3A_877 : i32 to index
        %get3A_879 = arith.index_cast %mul3A_790 : i32 to index
        %get3A_880 = arith.constant 0 : index
        %get3A_881 = tpu.vector_load %arg8[%get3A_878, %get3A_879, %get3A_880] {strides = array<i32>} : memref<2x392x32xf32, #tpu.memory_space<vmem>>, vector<16xf32>,
        %mul3A_882 = arith.mulf %get3A_881, %gather3A_806 : vector<16xf32>
        %add3A_883 = arith.constant 1 : i32
        %add3A_884 = arith.addi %mul3A_790, %add3A_883 : i32
        %get3A_885 = arith.constant 0 : i32
        %get3A_886 = arith.index_cast %get3A_885 : i32 to index
        %get3A_887 = arith.index_cast %add3A_884 : i32 to index
        %get3A_888 = arith.constant 0 : index
        %get3A_889 = tpu.vector_load %arg8[%get3A_886, %get3A_887, %get3A_888] {strides = array<i32>} : memref<2x392x32xf32, #tpu.memory_space<vmem>>, vector<16xf32>,
        %mul3A_890 = arith.mulf %get3A_889, %gather3A_816 : vector<16xf32>
        %add3A_891 = arith.addf %mul3A_882, %mul3A_890 : vector<16xf32>
        %add3A_892 = arith.constant 2 : i32
        %add3A_893 = arith.addi %mul3A_790, %add3A_892 : i32
        %get3A_894 = arith.constant 0 : i32
        %get3A_895 = arith.index_cast %get3A_894 : i32 to index
        %get3A_896 = arith.index_cast %add3A_893 : i32 to index
        %get3A_897 = arith.constant 0 : index
        %get3A_898 = tpu.vector_load %arg8[%get3A_895, %get3A_896, %get3A_897] {strides = array<i32>} : memref<2x392x32xf32, #tpu.memory_space<vmem>>, vector<16xf32>,
        %mul3A_899 = arith.mulf %get3A_898, %gather3A_826 : vector<16xf32>
        %add3A_900 = arith.addf %add3A_891, %mul3A_899 : vector<16xf32>
        %add3A_901 = arith.constant 3 : i32
        %add3A_902 = arith.addi %mul3A_790, %add3A_901 : i32
        %get3A_903 = arith.constant 0 : i32
        %get3A_904 = arith.index_cast %get3A_903 : i32 to index
        %get3A_905 = arith.index_cast %add3A_902 : i32 to index
        %get3A_906 = arith.constant 0 : index
        %get3A_907 = tpu.vector_load %arg8[%get3A_904, %get3A_905, %get3A_906] {strides = array<i32>} : memref<2x392x32xf32, #tpu.memory_space<vmem>>, vector<16xf32>,
        %mul3A_908 = arith.mulf %get3A_907, %gather3A_836 : vector<16xf32>
        %add3A_909 = arith.addf %add3A_900, %mul3A_908 : vector<16xf32>
        %add3A_910 = arith.constant 4 : i32
        %add3A_911 = arith.addi %mul3A_790, %add3A_910 : i32
        %get3A_912 = arith.constant 0 : i32
        %get3A_913 = arith.index_cast %get3A_912 : i32 to index
        %get3A_914 = arith.index_cast %add3A_911 : i32 to index
        %get3A_915 = arith.constant 0 : index
        %get3A_916 = tpu.vector_load %arg8[%get3A_913, %get3A_914, %get3A_915] {strides = array<i32>} : memref<2x392x32xf32, #tpu.memory_space<vmem>>, vector<16xf32>,
        %mul3A_917 = arith.mulf %get3A_916, %gather3A_846 : vector<16xf32>
        %add3A_918 = arith.constant 5 : i32
        %add3A_919 = arith.addi %mul3A_790, %add3A_918 : i32
        %get3A_920 = arith.constant 0 : i32
        %get3A_921 = arith.index_cast %get3A_920 : i32 to index
        %get3A_922 = arith.index_cast %add3A_919 : i32 to index
        %get3A_923 = arith.constant 0 : index
        %get3A_924 = tpu.vector_load %arg8[%get3A_921, %get3A_922, %get3A_923] {strides = array<i32>} : memref<2x392x32xf32, #tpu.memory_space<vmem>>, vector<16xf32>,
        %mul3A_925 = arith.mulf %get3A_924, %gather3A_856 : vector<16xf32>
        %add3A_926 = arith.addf %mul3A_917, %mul3A_925 : vector<16xf32>
        %add3A_927 = arith.constant 6 : i32
        %add3A_928 = arith.addi %mul3A_790, %add3A_927 : i32
        %get3A_929 = arith.constant 0 : i32
        %get3A_930 = arith.index_cast %get3A_929 : i32 to index
        %get3A_931 = arith.index_cast %add3A_928 : i32 to index
        %get3A_932 = arith.constant 0 : index
        %get3A_933 = tpu.vector_load %arg8[%get3A_930, %get3A_931, %get3A_932] {strides = array<i32>} : memref<2x392x32xf32, #tpu.memory_space<vmem>>, vector<16xf32>,
        %mul3A_934 = arith.mulf %get3A_933, %gather3A_866 : vector<16xf32>
        %add3A_935 = arith.addf %add3A_926, %mul3A_934 : vector<16xf32>
        %add3A_936 = arith.constant 7 : i32
        %add3A_937 = arith.addi %mul3A_790, %add3A_936 : i32
        %get3A_938 = arith.constant 0 : i32
        %get3A_939 = arith.index_cast %get3A_938 : i32 to index
        %get3A_940 = arith.index_cast %add3A_937 : i32 to index
        %get3A_941 = arith.constant 0 : index
        %get3A_942 = tpu.vector_load %arg8[%get3A_939, %get3A_940, %get3A_941] {strides = array<i32>} : memref<2x392x32xf32, #tpu.memory_space<vmem>>, vector<16xf32>,
        %mul3A_943 = arith.mulf %get3A_942, %gather3A_876 : vector<16xf32>
        %add3A_944 = arith.addf %add3A_935, %mul3A_943 : vector<16xf32>
        %add3A_945 = arith.constant 0 : i32
        %add3A_946 = vector.broadcast %add3A_945 : i32 to vector<16xi32>
        %add3A_947 = arith.addi %mul3A_5, %add3A_946 : vector<16xi32>
        %add3A_948 = vector.broadcast %scan3A_788 : i32 to vector<16xi32>
        %add3A_949 = arith.addi %add3A_947, %add3A_948 : vector<16xi32>
        %add3A_950 = arith.addf %add3A_909, %add3A_944 : vector<16xf32>
        %scatter3A_951 = arith.constant 0 : i32
        %scatter3A_952 = arith.constant 0 : i32
        %scatter3A_953 = arith.constant 0 : i32
        %scatter3A_954 = tpu.memref_slice %arg9[%scatter3A_951, %scatter3A_952, %scatter3A_953] : memref<2x1x1568xf32, #tpu.memory_space<vmem>> -> memref<1x1x1568xf32, #tpu.memory_space<vmem>>
        %scatter3A_955 = tpu.memref_squeeze %scatter3A_954 : memref<1x1x1568xf32, #tpu.memory_space<vmem>> -> memref<1568xf32, #tpu.memory_space<vmem>>
        tpu.vector_store_idx %scatter3A_955[%add3A_949], %add3A_950 : memref<1568xf32, #tpu.memory_space<vmem>>[vector<16xi32>], vector<16xf32>,
        %get3A_956 = arith.constant 0 : i32
        %get3A_957 = arith.index_cast %get3A_956 : i32 to index
        %get3A_958 = arith.index_cast %mul3A_790 : i32 to index
        %get3A_959 = arith.constant 16 : index
        %get3A_960 = tpu.vector_load %arg8[%get3A_957, %get3A_958, %get3A_959] {strides = array<i32>} : memref<2x392x32xf32, #tpu.memory_space<vmem>>, vector<16xf32>,
        %mul3A_961 = arith.mulf %get3A_960, %gather3A_806 : vector<16xf32>
        %add3A_962 = arith.constant 1 : i32
        %add3A_963 = arith.addi %mul3A_790, %add3A_962 : i32
        %get3A_964 = arith.constant 0 : i32
        %get3A_965 = arith.index_cast %get3A_964 : i32 to index
        %get3A_966 = arith.index_cast %add3A_963 : i32 to index
        %get3A_967 = arith.constant 16 : index
        %get3A_968 = tpu.vector_load %arg8[%get3A_965, %get3A_966, %get3A_967] {strides = array<i32>} : memref<2x392x32xf32, #tpu.memory_space<vmem>>, vector<16xf32>,
        %mul3A_969 = arith.mulf %get3A_968, %gather3A_816 : vector<16xf32>
        %add3A_970 = arith.addf %mul3A_961, %mul3A_969 : vector<16xf32>
        %add3A_971 = arith.constant 2 : i32
        %add3A_972 = arith.addi %mul3A_790, %add3A_971 : i32
        %get3A_973 = arith.constant 0 : i32
        %get3A_974 = arith.index_cast %get3A_973 : i32 to index
        %get3A_975 = arith.index_cast %add3A_972 : i32 to index
        %get3A_976 = arith.constant 16 : index
        %get3A_977 = tpu.vector_load %arg8[%get3A_974, %get3A_975, %get3A_976] {strides = array<i32>} : memref<2x392x32xf32, #tpu.memory_space<vmem>>, vector<16xf32>,
        %mul3A_978 = arith.mulf %get3A_977, %gather3A_826 : vector<16xf32>
        %add3A_979 = arith.addf %add3A_970, %mul3A_978 : vector<16xf32>
        %add3A_980 = arith.constant 3 : i32
        %add3A_981 = arith.addi %mul3A_790, %add3A_980 : i32
        %get3A_982 = arith.constant 0 : i32
        %get3A_983 = arith.index_cast %get3A_982 : i32 to index
        %get3A_984 = arith.index_cast %add3A_981 : i32 to index
        %get3A_985 = arith.constant 16 : index
        %get3A_986 = tpu.vector_load %arg8[%get3A_983, %get3A_984, %get3A_985] {strides = array<i32>} : memref<2x392x32xf32, #tpu.memory_space<vmem>>, vector<16xf32>,
        %mul3A_987 = arith.mulf %get3A_986, %gather3A_836 : vector<16xf32>
        %add3A_988 = arith.addf %add3A_979, %mul3A_987 : vector<16xf32>
        %add3A_989 = arith.constant 4 : i32
        %add3A_990 = arith.addi %mul3A_790, %add3A_989 : i32
        %get3A_991 = arith.constant 0 : i32
        %get3A_992 = arith.index_cast %get3A_991 : i32 to index
        %get3A_993 = arith.index_cast %add3A_990 : i32 to index
        %get3A_994 = arith.constant 16 : index
        %get3A_995 = tpu.vector_load %arg8[%get3A_992, %get3A_993, %get3A_994] {strides = array<i32>} : memref<2x392x32xf32, #tpu.memory_space<vmem>>, vector<16xf32>,
        %mul3A_996 = arith.mulf %get3A_995, %gather3A_846 : vector<16xf32>
        %add3A_997 = arith.constant 5 : i32
        %add3A_998 = arith.addi %mul3A_790, %add3A_997 : i32
        %get3A_999 = arith.constant 0 : i32
        %get3A_1000 = arith.index_cast %get3A_999 : i32 to index
        %get3A_1001 = arith.index_cast %add3A_998 : i32 to index
        %get3A_1002 = arith.constant 16 : index
        %get3A_1003 = tpu.vector_load %arg8[%get3A_1000, %get3A_1001, %get3A_1002] {strides = array<i32>} : memref<2x392x32xf32, #tpu.memory_space<vmem>>, vector<16xf32>,
        %mul3A_1004 = arith.mulf %get3A_1003, %gather3A_856 : vector<16xf32>
        %add3A_1005 = arith.addf %mul3A_996, %mul3A_1004 : vector<16xf32>
        %add3A_1006 = arith.constant 6 : i32
        %add3A_1007 = arith.addi %mul3A_790, %add3A_1006 : i32
        %get3A_1008 = arith.constant 0 : i32
        %get3A_1009 = arith.index_cast %get3A_1008 : i32 to index
        %get3A_1010 = arith.index_cast %add3A_1007 : i32 to index
        %get3A_1011 = arith.constant 16 : index
        %get3A_1012 = tpu.vector_load %arg8[%get3A_1009, %get3A_1010, %get3A_1011] {strides = array<i32>} : memref<2x392x32xf32, #tpu.memory_space<vmem>>, vector<16xf32>,
        %mul3A_1013 = arith.mulf %get3A_1012, %gather3A_866 : vector<16xf32>
        %add3A_1014 = arith.addf %add3A_1005, %mul3A_1013 : vector<16xf32>
        %add3A_1015 = arith.constant 7 : i32
        %add3A_1016 = arith.addi %mul3A_790, %add3A_1015 : i32
        %get3A_1017 = arith.constant 0 : i32
        %get3A_1018 = arith.index_cast %get3A_1017 : i32 to index
        %get3A_1019 = arith.index_cast %add3A_1016 : i32 to index
        %get3A_1020 = arith.constant 16 : index
        %get3A_1021 = tpu.vector_load %arg8[%get3A_1018, %get3A_1019, %get3A_1020] {strides = array<i32>} : memref<2x392x32xf32, #tpu.memory_space<vmem>>, vector<16xf32>,
        %mul3A_1022 = arith.mulf %get3A_1021, %gather3A_876 : vector<16xf32>
        %add3A_1023 = arith.addf %add3A_1014, %mul3A_1022 : vector<16xf32>
        %add3A_1024 = arith.constant 784 : i32
        %add3A_1025 = vector.broadcast %add3A_1024 : i32 to vector<16xi32>
        %add3A_1026 = arith.addi %mul3A_5, %add3A_1025 : vector<16xi32>
        %add3A_1027 = vector.broadcast %scan3A_788 : i32 to vector<16xi32>
        %add3A_1028 = arith.addi %add3A_1026, %add3A_1027 : vector<16xi32>
        %add3A_1029 = arith.addf %add3A_988, %add3A_1023 : vector<16xf32>
        %scatter3A_1030 = arith.constant 0 : i32
        %scatter3A_1031 = arith.constant 0 : i32
        %scatter3A_1032 = arith.constant 0 : i32
        %scatter3A_1033 = tpu.memref_slice %arg9[%scatter3A_1030, %scatter3A_1031, %scatter3A_1032] : memref<2x1x1568xf32, #tpu.memory_space<vmem>> -> memref<1x1x1568xf32, #tpu.memory_space<vmem>>
        %scatter3A_1034 = tpu.memref_squeeze %scatter3A_1033 : memref<1x1x1568xf32, #tpu.memory_space<vmem>> -> memref<1568xf32, #tpu.memory_space<vmem>>
        tpu.vector_store_idx %scatter3A_1034[%add3A_1028], %add3A_1029 : memref<1568xf32, #tpu.memory_space<vmem>>[vector<16xi32>], vector<16xf32>,
        %scan3A_1035 = arith.constant 3 : i32
        %scan3A_1036 = arith.addi %scan3A_297, %scan3A_1035 : i32
        %mul3A_1037 = arith.constant 8 : i32
        %mul3A_1038 = arith.muli %scan3A_1036, %mul3A_1037 : i32
        %get3A_1039 = arith.constant 0 : i32
        %get3A_1040 = arith.constant 0 : i32
        %get3A_1041 = arith.index_cast %get3A_1039 : i32 to index
        %get3A_1042 = arith.index_cast %get3A_1040 : i32 to index
        %get3A_1043 = arith.index_cast %mul3A_1038 : i32 to index
        %get3A_1044 = tpu.vector_load %arg7[%get3A_1041, %get3A_1042, %get3A_1043] {strides = array<i32>} : memref<2x1x400xf32, #tpu.memory_space<vmem>>, vector<16xf32>,
        %lt3A_1045 = arith.constant 0 : i32
        %lt3A_1046 = vector.broadcast %lt3A_1045 : i32 to vector<16xi32>
        %lt3A_1047 = arith.cmpi slt, %broadcast_in_dim3A_6, %lt3A_1046 : vector<16xi32>
        %add3A_1048 = arith.constant 16 : i32
        %add3A_1049 = vector.broadcast %add3A_1048 : i32 to vector<16xi32>
        %add3A_1050 = arith.addi %broadcast_in_dim3A_6, %add3A_1049 : vector<16xi32>
        %select_n3A_1051 = arith.select %lt3A_1047, %add3A_1050, %broadcast_in_dim3A_6 : vector<16xi1>, vector<16xi32>
        %broadcast_in_dim3A_1052 = vector.shape_cast %select_n3A_1051 : vector<16xi32> to vector<16x1xi32>
        %gather3A_1053 = vector.shape_cast %broadcast_in_dim3A_1052 : vector<16x1xi32> to vector<16xi32>
        %gather3A_1054 = tpu.dynamic_gather %get3A_1044[%gather3A_1053] in [0] : vector<16xf32>, vector<16xi32> -> vector<16xf32>
        %lt3A_1055 = arith.constant 0 : i32
        %lt3A_1056 = vector.broadcast %lt3A_1055 : i32 to vector<16xi32>
        %lt3A_1057 = arith.cmpi slt, %broadcast_in_dim3A_8, %lt3A_1056 : vector<16xi32>
        %add3A_1058 = arith.constant 16 : i32
        %add3A_1059 = vector.broadcast %add3A_1058 : i32 to vector<16xi32>
        %add3A_1060 = arith.addi %broadcast_in_dim3A_8, %add3A_1059 : vector<16xi32>
        %select_n3A_1061 = arith.select %lt3A_1057, %add3A_1060, %broadcast_in_dim3A_8 : vector<16xi1>, vector<16xi32>
        %broadcast_in_dim3A_1062 = vector.shape_cast %select_n3A_1061 : vector<16xi32> to vector<16x1xi32>
        %gather3A_1063 = vector.shape_cast %broadcast_in_dim3A_1062 : vector<16x1xi32> to vector<16xi32>
        %gather3A_1064 = tpu.dynamic_gather %get3A_1044[%gather3A_1063] in [0] : vector<16xf32>, vector<16xi32> -> vector<16xf32>
        %lt3A_1065 = arith.constant 0 : i32
        %lt3A_1066 = vector.broadcast %lt3A_1065 : i32 to vector<16xi32>
        %lt3A_1067 = arith.cmpi slt, %broadcast_in_dim3A_10, %lt3A_1066 : vector<16xi32>
        %add3A_1068 = arith.constant 16 : i32
        %add3A_1069 = vector.broadcast %add3A_1068 : i32 to vector<16xi32>
        %add3A_1070 = arith.addi %broadcast_in_dim3A_10, %add3A_1069 : vector<16xi32>
        %select_n3A_1071 = arith.select %lt3A_1067, %add3A_1070, %broadcast_in_dim3A_10 : vector<16xi1>, vector<16xi32>
        %broadcast_in_dim3A_1072 = vector.shape_cast %select_n3A_1071 : vector<16xi32> to vector<16x1xi32>
        %gather3A_1073 = vector.shape_cast %broadcast_in_dim3A_1072 : vector<16x1xi32> to vector<16xi32>
        %gather3A_1074 = tpu.dynamic_gather %get3A_1044[%gather3A_1073] in [0] : vector<16xf32>, vector<16xi32> -> vector<16xf32>
        %lt3A_1075 = arith.constant 0 : i32
        %lt3A_1076 = vector.broadcast %lt3A_1075 : i32 to vector<16xi32>
        %lt3A_1077 = arith.cmpi slt, %broadcast_in_dim3A_12, %lt3A_1076 : vector<16xi32>
        %add3A_1078 = arith.constant 16 : i32
        %add3A_1079 = vector.broadcast %add3A_1078 : i32 to vector<16xi32>
        %add3A_1080 = arith.addi %broadcast_in_dim3A_12, %add3A_1079 : vector<16xi32>
        %select_n3A_1081 = arith.select %lt3A_1077, %add3A_1080, %broadcast_in_dim3A_12 : vector<16xi1>, vector<16xi32>
        %broadcast_in_dim3A_1082 = vector.shape_cast %select_n3A_1081 : vector<16xi32> to vector<16x1xi32>
        %gather3A_1083 = vector.shape_cast %broadcast_in_dim3A_1082 : vector<16x1xi32> to vector<16xi32>
        %gather3A_1084 = tpu.dynamic_gather %get3A_1044[%gather3A_1083] in [0] : vector<16xf32>, vector<16xi32> -> vector<16xf32>
        %lt3A_1085 = arith.constant 0 : i32
        %lt3A_1086 = vector.broadcast %lt3A_1085 : i32 to vector<16xi32>
        %lt3A_1087 = arith.cmpi slt, %broadcast_in_dim3A_14, %lt3A_1086 : vector<16xi32>
        %add3A_1088 = arith.constant 16 : i32
        %add3A_1089 = vector.broadcast %add3A_1088 : i32 to vector<16xi32>
        %add3A_1090 = arith.addi %broadcast_in_dim3A_14, %add3A_1089 : vector<16xi32>
        %select_n3A_1091 = arith.select %lt3A_1087, %add3A_1090, %broadcast_in_dim3A_14 : vector<16xi1>, vector<16xi32>
        %broadcast_in_dim3A_1092 = vector.shape_cast %select_n3A_1091 : vector<16xi32> to vector<16x1xi32>
        %gather3A_1093 = vector.shape_cast %broadcast_in_dim3A_1092 : vector<16x1xi32> to vector<16xi32>
        %gather3A_1094 = tpu.dynamic_gather %get3A_1044[%gather3A_1093] in [0] : vector<16xf32>, vector<16xi32> -> vector<16xf32>
        %lt3A_1095 = arith.constant 0 : i32
        %lt3A_1096 = vector.broadcast %lt3A_1095 : i32 to vector<16xi32>
        %lt3A_1097 = arith.cmpi slt, %broadcast_in_dim3A_16, %lt3A_1096 : vector<16xi32>
        %add3A_1098 = arith.constant 16 : i32
        %add3A_1099 = vector.broadcast %add3A_1098 : i32 to vector<16xi32>
        %add3A_1100 = arith.addi %broadcast_in_dim3A_16, %add3A_1099 : vector<16xi32>
        %select_n3A_1101 = arith.select %lt3A_1097, %add3A_1100, %broadcast_in_dim3A_16 : vector<16xi1>, vector<16xi32>
        %broadcast_in_dim3A_1102 = vector.shape_cast %select_n3A_1101 : vector<16xi32> to vector<16x1xi32>
        %gather3A_1103 = vector.shape_cast %broadcast_in_dim3A_1102 : vector<16x1xi32> to vector<16xi32>
        %gather3A_1104 = tpu.dynamic_gather %get3A_1044[%gather3A_1103] in [0] : vector<16xf32>, vector<16xi32> -> vector<16xf32>
        %lt3A_1105 = arith.constant 0 : i32
        %lt3A_1106 = vector.broadcast %lt3A_1105 : i32 to vector<16xi32>
        %lt3A_1107 = arith.cmpi slt, %broadcast_in_dim3A_18, %lt3A_1106 : vector<16xi32>
        %add3A_1108 = arith.constant 16 : i32
        %add3A_1109 = vector.broadcast %add3A_1108 : i32 to vector<16xi32>
        %add3A_1110 = arith.addi %broadcast_in_dim3A_18, %add3A_1109 : vector<16xi32>
        %select_n3A_1111 = arith.select %lt3A_1107, %add3A_1110, %broadcast_in_dim3A_18 : vector<16xi1>, vector<16xi32>
        %broadcast_in_dim3A_1112 = vector.shape_cast %select_n3A_1111 : vector<16xi32> to vector<16x1xi32>
        %gather3A_1113 = vector.shape_cast %broadcast_in_dim3A_1112 : vector<16x1xi32> to vector<16xi32>
        %gather3A_1114 = tpu.dynamic_gather %get3A_1044[%gather3A_1113] in [0] : vector<16xf32>, vector<16xi32> -> vector<16xf32>
        %lt3A_1115 = arith.constant 0 : i32
        %lt3A_1116 = vector.broadcast %lt3A_1115 : i32 to vector<16xi32>
        %lt3A_1117 = arith.cmpi slt, %broadcast_in_dim3A_20, %lt3A_1116 : vector<16xi32>
        %add3A_1118 = arith.constant 16 : i32
        %add3A_1119 = vector.broadcast %add3A_1118 : i32 to vector<16xi32>
        %add3A_1120 = arith.addi %broadcast_in_dim3A_20, %add3A_1119 : vector<16xi32>
        %select_n3A_1121 = arith.select %lt3A_1117, %add3A_1120, %broadcast_in_dim3A_20 : vector<16xi1>, vector<16xi32>
        %broadcast_in_dim3A_1122 = vector.shape_cast %select_n3A_1121 : vector<16xi32> to vector<16x1xi32>
        %gather3A_1123 = vector.shape_cast %broadcast_in_dim3A_1122 : vector<16x1xi32> to vector<16xi32>
        %gather3A_1124 = tpu.dynamic_gather %get3A_1044[%gather3A_1123] in [0] : vector<16xf32>, vector<16xi32> -> vector<16xf32>
        %get3A_1125 = arith.constant 0 : i32
        %get3A_1126 = arith.index_cast %get3A_1125 : i32 to index
        %get3A_1127 = arith.index_cast %mul3A_1038 : i32 to index
        %get3A_1128 = arith.constant 0 : index
        %get3A_1129 = tpu.vector_load %arg8[%get3A_1126, %get3A_1127, %get3A_1128] {strides = array<i32>} : memref<2x392x32xf32, #tpu.memory_space<vmem>>, vector<16xf32>,
        %mul3A_1130 = arith.mulf %get3A_1129, %gather3A_1054 : vector<16xf32>
        %add3A_1131 = arith.constant 1 : i32
        %add3A_1132 = arith.addi %mul3A_1038, %add3A_1131 : i32
        %get3A_1133 = arith.constant 0 : i32
        %get3A_1134 = arith.index_cast %get3A_1133 : i32 to index
        %get3A_1135 = arith.index_cast %add3A_1132 : i32 to index
        %get3A_1136 = arith.constant 0 : index
        %get3A_1137 = tpu.vector_load %arg8[%get3A_1134, %get3A_1135, %get3A_1136] {strides = array<i32>} : memref<2x392x32xf32, #tpu.memory_space<vmem>>, vector<16xf32>,
        %mul3A_1138 = arith.mulf %get3A_1137, %gather3A_1064 : vector<16xf32>
        %add3A_1139 = arith.addf %mul3A_1130, %mul3A_1138 : vector<16xf32>
        %add3A_1140 = arith.constant 2 : i32
        %add3A_1141 = arith.addi %mul3A_1038, %add3A_1140 : i32
        %get3A_1142 = arith.constant 0 : i32
        %get3A_1143 = arith.index_cast %get3A_1142 : i32 to index
        %get3A_1144 = arith.index_cast %add3A_1141 : i32 to index
        %get3A_1145 = arith.constant 0 : index
        %get3A_1146 = tpu.vector_load %arg8[%get3A_1143, %get3A_1144, %get3A_1145] {strides = array<i32>} : memref<2x392x32xf32, #tpu.memory_space<vmem>>, vector<16xf32>,
        %mul3A_1147 = arith.mulf %get3A_1146, %gather3A_1074 : vector<16xf32>
        %add3A_1148 = arith.addf %add3A_1139, %mul3A_1147 : vector<16xf32>
        %add3A_1149 = arith.constant 3 : i32
        %add3A_1150 = arith.addi %mul3A_1038, %add3A_1149 : i32
        %get3A_1151 = arith.constant 0 : i32
        %get3A_1152 = arith.index_cast %get3A_1151 : i32 to index
        %get3A_1153 = arith.index_cast %add3A_1150 : i32 to index
        %get3A_1154 = arith.constant 0 : index
        %get3A_1155 = tpu.vector_load %arg8[%get3A_1152, %get3A_1153, %get3A_1154] {strides = array<i32>} : memref<2x392x32xf32, #tpu.memory_space<vmem>>, vector<16xf32>,
        %mul3A_1156 = arith.mulf %get3A_1155, %gather3A_1084 : vector<16xf32>
        %add3A_1157 = arith.addf %add3A_1148, %mul3A_1156 : vector<16xf32>
        %add3A_1158 = arith.constant 4 : i32
        %add3A_1159 = arith.addi %mul3A_1038, %add3A_1158 : i32
        %get3A_1160 = arith.constant 0 : i32
        %get3A_1161 = arith.index_cast %get3A_1160 : i32 to index
        %get3A_1162 = arith.index_cast %add3A_1159 : i32 to index
        %get3A_1163 = arith.constant 0 : index
        %get3A_1164 = tpu.vector_load %arg8[%get3A_1161, %get3A_1162, %get3A_1163] {strides = array<i32>} : memref<2x392x32xf32, #tpu.memory_space<vmem>>, vector<16xf32>,
        %mul3A_1165 = arith.mulf %get3A_1164, %gather3A_1094 : vector<16xf32>
        %add3A_1166 = arith.constant 5 : i32
        %add3A_1167 = arith.addi %mul3A_1038, %add3A_1166 : i32
        %get3A_1168 = arith.constant 0 : i32
        %get3A_1169 = arith.index_cast %get3A_1168 : i32 to index
        %get3A_1170 = arith.index_cast %add3A_1167 : i32 to index
        %get3A_1171 = arith.constant 0 : index
        %get3A_1172 = tpu.vector_load %arg8[%get3A_1169, %get3A_1170, %get3A_1171] {strides = array<i32>} : memref<2x392x32xf32, #tpu.memory_space<vmem>>, vector<16xf32>,
        %mul3A_1173 = arith.mulf %get3A_1172, %gather3A_1104 : vector<16xf32>
        %add3A_1174 = arith.addf %mul3A_1165, %mul3A_1173 : vector<16xf32>
        %add3A_1175 = arith.constant 6 : i32
        %add3A_1176 = arith.addi %mul3A_1038, %add3A_1175 : i32
        %get3A_1177 = arith.constant 0 : i32
        %get3A_1178 = arith.index_cast %get3A_1177 : i32 to index
        %get3A_1179 = arith.index_cast %add3A_1176 : i32 to index
        %get3A_1180 = arith.constant 0 : index
        %get3A_1181 = tpu.vector_load %arg8[%get3A_1178, %get3A_1179, %get3A_1180] {strides = array<i32>} : memref<2x392x32xf32, #tpu.memory_space<vmem>>, vector<16xf32>,
        %mul3A_1182 = arith.mulf %get3A_1181, %gather3A_1114 : vector<16xf32>
        %add3A_1183 = arith.addf %add3A_1174, %mul3A_1182 : vector<16xf32>
        %add3A_1184 = arith.constant 7 : i32
        %add3A_1185 = arith.addi %mul3A_1038, %add3A_1184 : i32
        %get3A_1186 = arith.constant 0 : i32
        %get3A_1187 = arith.index_cast %get3A_1186 : i32 to index
        %get3A_1188 = arith.index_cast %add3A_1185 : i32 to index
        %get3A_1189 = arith.constant 0 : index
        %get3A_1190 = tpu.vector_load %arg8[%get3A_1187, %get3A_1188, %get3A_1189] {strides = array<i32>} : memref<2x392x32xf32, #tpu.memory_space<vmem>>, vector<16xf32>,
        %mul3A_1191 = arith.mulf %get3A_1190, %gather3A_1124 : vector<16xf32>
        %add3A_1192 = arith.addf %add3A_1183, %mul3A_1191 : vector<16xf32>
        %add3A_1193 = arith.constant 0 : i32
        %add3A_1194 = vector.broadcast %add3A_1193 : i32 to vector<16xi32>
        %add3A_1195 = arith.addi %mul3A_5, %add3A_1194 : vector<16xi32>
        %add3A_1196 = vector.broadcast %scan3A_1036 : i32 to vector<16xi32>
        %add3A_1197 = arith.addi %add3A_1195, %add3A_1196 : vector<16xi32>
        %add3A_1198 = arith.addf %add3A_1157, %add3A_1192 : vector<16xf32>
        %scatter3A_1199 = arith.constant 0 : i32
        %scatter3A_1200 = arith.constant 0 : i32
        %scatter3A_1201 = arith.constant 0 : i32
        %scatter3A_1202 = tpu.memref_slice %arg9[%scatter3A_1199, %scatter3A_1200, %scatter3A_1201] : memref<2x1x1568xf32, #tpu.memory_space<vmem>> -> memref<1x1x1568xf32, #tpu.memory_space<vmem>>
        %scatter3A_1203 = tpu.memref_squeeze %scatter3A_1202 : memref<1x1x1568xf32, #tpu.memory_space<vmem>> -> memref<1568xf32, #tpu.memory_space<vmem>>
        tpu.vector_store_idx %scatter3A_1203[%add3A_1197], %add3A_1198 : memref<1568xf32, #tpu.memory_space<vmem>>[vector<16xi32>], vector<16xf32>,
        %get3A_1204 = arith.constant 0 : i32
        %get3A_1205 = arith.index_cast %get3A_1204 : i32 to index
        %get3A_1206 = arith.index_cast %mul3A_1038 : i32 to index
        %get3A_1207 = arith.constant 16 : index
        %get3A_1208 = tpu.vector_load %arg8[%get3A_1205, %get3A_1206, %get3A_1207] {strides = array<i32>} : memref<2x392x32xf32, #tpu.memory_space<vmem>>, vector<16xf32>,
        %mul3A_1209 = arith.mulf %get3A_1208, %gather3A_1054 : vector<16xf32>
        %add3A_1210 = arith.constant 1 : i32
        %add3A_1211 = arith.addi %mul3A_1038, %add3A_1210 : i32
        %get3A_1212 = arith.constant 0 : i32
        %get3A_1213 = arith.index_cast %get3A_1212 : i32 to index
        %get3A_1214 = arith.index_cast %add3A_1211 : i32 to index
        %get3A_1215 = arith.constant 16 : index
        %get3A_1216 = tpu.vector_load %arg8[%get3A_1213, %get3A_1214, %get3A_1215] {strides = array<i32>} : memref<2x392x32xf32, #tpu.memory_space<vmem>>, vector<16xf32>,
        %mul3A_1217 = arith.mulf %get3A_1216, %gather3A_1064 : vector<16xf32>
        %add3A_1218 = arith.addf %mul3A_1209, %mul3A_1217 : vector<16xf32>
        %add3A_1219 = arith.constant 2 : i32
        %add3A_1220 = arith.addi %mul3A_1038, %add3A_1219 : i32
        %get3A_1221 = arith.constant 0 : i32
        %get3A_1222 = arith.index_cast %get3A_1221 : i32 to index
        %get3A_1223 = arith.index_cast %add3A_1220 : i32 to index
        %get3A_1224 = arith.constant 16 : index
        %get3A_1225 = tpu.vector_load %arg8[%get3A_1222, %get3A_1223, %get3A_1224] {strides = array<i32>} : memref<2x392x32xf32, #tpu.memory_space<vmem>>, vector<16xf32>,
        %mul3A_1226 = arith.mulf %get3A_1225, %gather3A_1074 : vector<16xf32>
        %add3A_1227 = arith.addf %add3A_1218, %mul3A_1226 : vector<16xf32>
        %add3A_1228 = arith.constant 3 : i32
        %add3A_1229 = arith.addi %mul3A_1038, %add3A_1228 : i32
        %get3A_1230 = arith.constant 0 : i32
        %get3A_1231 = arith.index_cast %get3A_1230 : i32 to index
        %get3A_1232 = arith.index_cast %add3A_1229 : i32 to index
        %get3A_1233 = arith.constant 16 : index
        %get3A_1234 = tpu.vector_load %arg8[%get3A_1231, %get3A_1232, %get3A_1233] {strides = array<i32>} : memref<2x392x32xf32, #tpu.memory_space<vmem>>, vector<16xf32>,
        %mul3A_1235 = arith.mulf %get3A_1234, %gather3A_1084 : vector<16xf32>
        %add3A_1236 = arith.addf %add3A_1227, %mul3A_1235 : vector<16xf32>
        %add3A_1237 = arith.constant 4 : i32
        %add3A_1238 = arith.addi %mul3A_1038, %add3A_1237 : i32
        %get3A_1239 = arith.constant 0 : i32
        %get3A_1240 = arith.index_cast %get3A_1239 : i32 to index
        %get3A_1241 = arith.index_cast %add3A_1238 : i32 to index
        %get3A_1242 = arith.constant 16 : index
        %get3A_1243 = tpu.vector_load %arg8[%get3A_1240, %get3A_1241, %get3A_1242] {strides = array<i32>} : memref<2x392x32xf32, #tpu.memory_space<vmem>>, vector<16xf32>,
        %mul3A_1244 = arith.mulf %get3A_1243, %gather3A_1094 : vector<16xf32>
        %add3A_1245 = arith.constant 5 : i32
        %add3A_1246 = arith.addi %mul3A_1038, %add3A_1245 : i32
        %get3A_1247 = arith.constant 0 : i32
        %get3A_1248 = arith.index_cast %get3A_1247 : i32 to index
        %get3A_1249 = arith.index_cast %add3A_1246 : i32 to index
        %get3A_1250 = arith.constant 16 : index
        %get3A_1251 = tpu.vector_load %arg8[%get3A_1248, %get3A_1249, %get3A_1250] {strides = array<i32>} : memref<2x392x32xf32, #tpu.memory_space<vmem>>, vector<16xf32>,
        %mul3A_1252 = arith.mulf %get3A_1251, %gather3A_1104 : vector<16xf32>
        %add3A_1253 = arith.addf %mul3A_1244, %mul3A_1252 : vector<16xf32>
        %add3A_1254 = arith.constant 6 : i32
        %add3A_1255 = arith.addi %mul3A_1038, %add3A_1254 : i32
        %get3A_1256 = arith.constant 0 : i32
        %get3A_1257 = arith.index_cast %get3A_1256 : i32 to index
        %get3A_1258 = arith.index_cast %add3A_1255 : i32 to index
        %get3A_1259 = arith.constant 16 : index
        %get3A_1260 = tpu.vector_load %arg8[%get3A_1257, %get3A_1258, %get3A_1259] {strides = array<i32>} : memref<2x392x32xf32, #tpu.memory_space<vmem>>, vector<16xf32>,
        %mul3A_1261 = arith.mulf %get3A_1260, %gather3A_1114 : vector<16xf32>
        %add3A_1262 = arith.addf %add3A_1253, %mul3A_1261 : vector<16xf32>
        %add3A_1263 = arith.constant 7 : i32
        %add3A_1264 = arith.addi %mul3A_1038, %add3A_1263 : i32
        %get3A_1265 = arith.constant 0 : i32
        %get3A_1266 = arith.index_cast %get3A_1265 : i32 to index
        %get3A_1267 = arith.index_cast %add3A_1264 : i32 to index
        %get3A_1268 = arith.constant 16 : index
        %get3A_1269 = tpu.vector_load %arg8[%get3A_1266, %get3A_1267, %get3A_1268] {strides = array<i32>} : memref<2x392x32xf32, #tpu.memory_space<vmem>>, vector<16xf32>,
        %mul3A_1270 = arith.mulf %get3A_1269, %gather3A_1124 : vector<16xf32>
        %add3A_1271 = arith.addf %add3A_1262, %mul3A_1270 : vector<16xf32>
        %add3A_1272 = arith.constant 784 : i32
        %add3A_1273 = vector.broadcast %add3A_1272 : i32 to vector<16xi32>
        %add3A_1274 = arith.addi %mul3A_5, %add3A_1273 : vector<16xi32>
        %add3A_1275 = vector.broadcast %scan3A_1036 : i32 to vector<16xi32>
        %add3A_1276 = arith.addi %add3A_1274, %add3A_1275 : vector<16xi32>
        %add3A_1277 = arith.addf %add3A_1236, %add3A_1271 : vector<16xf32>
        %scatter3A_1278 = arith.constant 0 : i32
        %scatter3A_1279 = arith.constant 0 : i32
        %scatter3A_1280 = arith.constant 0 : i32
        %scatter3A_1281 = tpu.memref_slice %arg9[%scatter3A_1278, %scatter3A_1279, %scatter3A_1280] : memref<2x1x1568xf32, #tpu.memory_space<vmem>> -> memref<1x1x1568xf32, #tpu.memory_space<vmem>>
        %scatter3A_1282 = tpu.memref_squeeze %scatter3A_1281 : memref<1x1x1568xf32, #tpu.memory_space<vmem>> -> memref<1568xf32, #tpu.memory_space<vmem>>
        tpu.vector_store_idx %scatter3A_1282[%add3A_1276], %add3A_1277 : memref<1568xf32, #tpu.memory_space<vmem>>[vector<16xi32>], vector<16xf32>,
        %scan3A_1283 = arith.constant 4 : i32
        %scan3A_1284 = arith.addi %scan3A_297, %scan3A_1283 : i32
        %mul3A_1285 = arith.constant 8 : i32
        %mul3A_1286 = arith.muli %scan3A_1284, %mul3A_1285 : i32
        %get3A_1287 = arith.constant 0 : i32
        %get3A_1288 = arith.constant 0 : i32
        %get3A_1289 = arith.index_cast %get3A_1287 : i32 to index
        %get3A_1290 = arith.index_cast %get3A_1288 : i32 to index
        %get3A_1291 = arith.index_cast %mul3A_1286 : i32 to index
        %get3A_1292 = tpu.vector_load %arg7[%get3A_1289, %get3A_1290, %get3A_1291] {strides = array<i32>} : memref<2x1x400xf32, #tpu.memory_space<vmem>>, vector<16xf32>,
        %lt3A_1293 = arith.constant 0 : i32
        %lt3A_1294 = vector.broadcast %lt3A_1293 : i32 to vector<16xi32>
        %lt3A_1295 = arith.cmpi slt, %broadcast_in_dim3A_6, %lt3A_1294 : vector<16xi32>
        %add3A_1296 = arith.constant 16 : i32
        %add3A_1297 = vector.broadcast %add3A_1296 : i32 to vector<16xi32>
        %add3A_1298 = arith.addi %broadcast_in_dim3A_6, %add3A_1297 : vector<16xi32>
        %select_n3A_1299 = arith.select %lt3A_1295, %add3A_1298, %broadcast_in_dim3A_6 : vector<16xi1>, vector<16xi32>
        %broadcast_in_dim3A_1300 = vector.shape_cast %select_n3A_1299 : vector<16xi32> to vector<16x1xi32>
        %gather3A_1301 = vector.shape_cast %broadcast_in_dim3A_1300 : vector<16x1xi32> to vector<16xi32>
        %gather3A_1302 = tpu.dynamic_gather %get3A_1292[%gather3A_1301] in [0] : vector<16xf32>, vector<16xi32> -> vector<16xf32>
        %lt3A_1303 = arith.constant 0 : i32
        %lt3A_1304 = vector.broadcast %lt3A_1303 : i32 to vector<16xi32>
        %lt3A_1305 = arith.cmpi slt, %broadcast_in_dim3A_8, %lt3A_1304 : vector<16xi32>
        %add3A_1306 = arith.constant 16 : i32
        %add3A_1307 = vector.broadcast %add3A_1306 : i32 to vector<16xi32>
        %add3A_1308 = arith.addi %broadcast_in_dim3A_8, %add3A_1307 : vector<16xi32>
        %select_n3A_1309 = arith.select %lt3A_1305, %add3A_1308, %broadcast_in_dim3A_8 : vector<16xi1>, vector<16xi32>
        %broadcast_in_dim3A_1310 = vector.shape_cast %select_n3A_1309 : vector<16xi32> to vector<16x1xi32>
        %gather3A_1311 = vector.shape_cast %broadcast_in_dim3A_1310 : vector<16x1xi32> to vector<16xi32>
        %gather3A_1312 = tpu.dynamic_gather %get3A_1292[%gather3A_1311] in [0] : vector<16xf32>, vector<16xi32> -> vector<16xf32>
        %lt3A_1313 = arith.constant 0 : i32
        %lt3A_1314 = vector.broadcast %lt3A_1313 : i32 to vector<16xi32>
        %lt3A_1315 = arith.cmpi slt, %broadcast_in_dim3A_10, %lt3A_1314 : vector<16xi32>
        %add3A_1316 = arith.constant 16 : i32
        %add3A_1317 = vector.broadcast %add3A_1316 : i32 to vector<16xi32>
        %add3A_1318 = arith.addi %broadcast_in_dim3A_10, %add3A_1317 : vector<16xi32>
        %select_n3A_1319 = arith.select %lt3A_1315, %add3A_1318, %broadcast_in_dim3A_10 : vector<16xi1>, vector<16xi32>
        %broadcast_in_dim3A_1320 = vector.shape_cast %select_n3A_1319 : vector<16xi32> to vector<16x1xi32>
        %gather3A_1321 = vector.shape_cast %broadcast_in_dim3A_1320 : vector<16x1xi32> to vector<16xi32>
        %gather3A_1322 = tpu.dynamic_gather %get3A_1292[%gather3A_1321] in [0] : vector<16xf32>, vector<16xi32> -> vector<16xf32>
        %lt3A_1323 = arith.constant 0 : i32
        %lt3A_1324 = vector.broadcast %lt3A_1323 : i32 to vector<16xi32>
        %lt3A_1325 = arith.cmpi slt, %broadcast_in_dim3A_12, %lt3A_1324 : vector<16xi32>
        %add3A_1326 = arith.constant 16 : i32
        %add3A_1327 = vector.broadcast %add3A_1326 : i32 to vector<16xi32>
        %add3A_1328 = arith.addi %broadcast_in_dim3A_12, %add3A_1327 : vector<16xi32>
        %select_n3A_1329 = arith.select %lt3A_1325, %add3A_1328, %broadcast_in_dim3A_12 : vector<16xi1>, vector<16xi32>
        %broadcast_in_dim3A_1330 = vector.shape_cast %select_n3A_1329 : vector<16xi32> to vector<16x1xi32>
        %gather3A_1331 = vector.shape_cast %broadcast_in_dim3A_1330 : vector<16x1xi32> to vector<16xi32>
        %gather3A_1332 = tpu.dynamic_gather %get3A_1292[%gather3A_1331] in [0] : vector<16xf32>, vector<16xi32> -> vector<16xf32>
        %lt3A_1333 = arith.constant 0 : i32
        %lt3A_1334 = vector.broadcast %lt3A_1333 : i32 to vector<16xi32>
        %lt3A_1335 = arith.cmpi slt, %broadcast_in_dim3A_14, %lt3A_1334 : vector<16xi32>
        %add3A_1336 = arith.constant 16 : i32
        %add3A_1337 = vector.broadcast %add3A_1336 : i32 to vector<16xi32>
        %add3A_1338 = arith.addi %broadcast_in_dim3A_14, %add3A_1337 : vector<16xi32>
        %select_n3A_1339 = arith.select %lt3A_1335, %add3A_1338, %broadcast_in_dim3A_14 : vector<16xi1>, vector<16xi32>
        %broadcast_in_dim3A_1340 = vector.shape_cast %select_n3A_1339 : vector<16xi32> to vector<16x1xi32>
        %gather3A_1341 = vector.shape_cast %broadcast_in_dim3A_1340 : vector<16x1xi32> to vector<16xi32>
        %gather3A_1342 = tpu.dynamic_gather %get3A_1292[%gather3A_1341] in [0] : vector<16xf32>, vector<16xi32> -> vector<16xf32>
        %lt3A_1343 = arith.constant 0 : i32
        %lt3A_1344 = vector.broadcast %lt3A_1343 : i32 to vector<16xi32>
        %lt3A_1345 = arith.cmpi slt, %broadcast_in_dim3A_16, %lt3A_1344 : vector<16xi32>
        %add3A_1346 = arith.constant 16 : i32
        %add3A_1347 = vector.broadcast %add3A_1346 : i32 to vector<16xi32>
        %add3A_1348 = arith.addi %broadcast_in_dim3A_16, %add3A_1347 : vector<16xi32>
        %select_n3A_1349 = arith.select %lt3A_1345, %add3A_1348, %broadcast_in_dim3A_16 : vector<16xi1>, vector<16xi32>
        %broadcast_in_dim3A_1350 = vector.shape_cast %select_n3A_1349 : vector<16xi32> to vector<16x1xi32>
        %gather3A_1351 = vector.shape_cast %broadcast_in_dim3A_1350 : vector<16x1xi32> to vector<16xi32>
        %gather3A_1352 = tpu.dynamic_gather %get3A_1292[%gather3A_1351] in [0] : vector<16xf32>, vector<16xi32> -> vector<16xf32>
        %lt3A_1353 = arith.constant 0 : i32
        %lt3A_1354 = vector.broadcast %lt3A_1353 : i32 to vector<16xi32>
        %lt3A_1355 = arith.cmpi slt, %broadcast_in_dim3A_18, %lt3A_1354 : vector<16xi32>
        %add3A_1356 = arith.constant 16 : i32
        %add3A_1357 = vector.broadcast %add3A_1356 : i32 to vector<16xi32>
        %add3A_1358 = arith.addi %broadcast_in_dim3A_18, %add3A_1357 : vector<16xi32>
        %select_n3A_1359 = arith.select %lt3A_1355, %add3A_1358, %broadcast_in_dim3A_18 : vector<16xi1>, vector<16xi32>
        %broadcast_in_dim3A_1360 = vector.shape_cast %select_n3A_1359 : vector<16xi32> to vector<16x1xi32>
        %gather3A_1361 = vector.shape_cast %broadcast_in_dim3A_1360 : vector<16x1xi32> to vector<16xi32>
        %gather3A_1362 = tpu.dynamic_gather %get3A_1292[%gather3A_1361] in [0] : vector<16xf32>, vector<16xi32> -> vector<16xf32>
        %lt3A_1363 = arith.constant 0 : i32
        %lt3A_1364 = vector.broadcast %lt3A_1363 : i32 to vector<16xi32>
        %lt3A_1365 = arith.cmpi slt, %broadcast_in_dim3A_20, %lt3A_1364 : vector<16xi32>
        %add3A_1366 = arith.constant 16 : i32
        %add3A_1367 = vector.broadcast %add3A_1366 : i32 to vector<16xi32>
        %add3A_1368 = arith.addi %broadcast_in_dim3A_20, %add3A_1367 : vector<16xi32>
        %select_n3A_1369 = arith.select %lt3A_1365, %add3A_1368, %broadcast_in_dim3A_20 : vector<16xi1>, vector<16xi32>
        %broadcast_in_dim3A_1370 = vector.shape_cast %select_n3A_1369 : vector<16xi32> to vector<16x1xi32>
        %gather3A_1371 = vector.shape_cast %broadcast_in_dim3A_1370 : vector<16x1xi32> to vector<16xi32>
        %gather3A_1372 = tpu.dynamic_gather %get3A_1292[%gather3A_1371] in [0] : vector<16xf32>, vector<16xi32> -> vector<16xf32>
        %get3A_1373 = arith.constant 0 : i32
        %get3A_1374 = arith.index_cast %get3A_1373 : i32 to index
        %get3A_1375 = arith.index_cast %mul3A_1286 : i32 to index
        %get3A_1376 = arith.constant 0 : index
        %get3A_1377 = tpu.vector_load %arg8[%get3A_1374, %get3A_1375, %get3A_1376] {strides = array<i32>} : memref<2x392x32xf32, #tpu.memory_space<vmem>>, vector<16xf32>,
        %mul3A_1378 = arith.mulf %get3A_1377, %gather3A_1302 : vector<16xf32>
        %add3A_1379 = arith.constant 1 : i32
        %add3A_1380 = arith.addi %mul3A_1286, %add3A_1379 : i32
        %get3A_1381 = arith.constant 0 : i32
        %get3A_1382 = arith.index_cast %get3A_1381 : i32 to index
        %get3A_1383 = arith.index_cast %add3A_1380 : i32 to index
        %get3A_1384 = arith.constant 0 : index
        %get3A_1385 = tpu.vector_load %arg8[%get3A_1382, %get3A_1383, %get3A_1384] {strides = array<i32>} : memref<2x392x32xf32, #tpu.memory_space<vmem>>, vector<16xf32>,
        %mul3A_1386 = arith.mulf %get3A_1385, %gather3A_1312 : vector<16xf32>
        %add3A_1387 = arith.addf %mul3A_1378, %mul3A_1386 : vector<16xf32>
        %add3A_1388 = arith.constant 2 : i32
        %add3A_1389 = arith.addi %mul3A_1286, %add3A_1388 : i32
        %get3A_1390 = arith.constant 0 : i32
        %get3A_1391 = arith.index_cast %get3A_1390 : i32 to index
        %get3A_1392 = arith.index_cast %add3A_1389 : i32 to index
        %get3A_1393 = arith.constant 0 : index
        %get3A_1394 = tpu.vector_load %arg8[%get3A_1391, %get3A_1392, %get3A_1393] {strides = array<i32>} : memref<2x392x32xf32, #tpu.memory_space<vmem>>, vector<16xf32>,
        %mul3A_1395 = arith.mulf %get3A_1394, %gather3A_1322 : vector<16xf32>
        %add3A_1396 = arith.addf %add3A_1387, %mul3A_1395 : vector<16xf32>
        %add3A_1397 = arith.constant 3 : i32
        %add3A_1398 = arith.addi %mul3A_1286, %add3A_1397 : i32
        %get3A_1399 = arith.constant 0 : i32
        %get3A_1400 = arith.index_cast %get3A_1399 : i32 to index
        %get3A_1401 = arith.index_cast %add3A_1398 : i32 to index
        %get3A_1402 = arith.constant 0 : index
        %get3A_1403 = tpu.vector_load %arg8[%get3A_1400, %get3A_1401, %get3A_1402] {strides = array<i32>} : memref<2x392x32xf32, #tpu.memory_space<vmem>>, vector<16xf32>,
        %mul3A_1404 = arith.mulf %get3A_1403, %gather3A_1332 : vector<16xf32>
        %add3A_1405 = arith.addf %add3A_1396, %mul3A_1404 : vector<16xf32>
        %add3A_1406 = arith.constant 4 : i32
        %add3A_1407 = arith.addi %mul3A_1286, %add3A_1406 : i32
        %get3A_1408 = arith.constant 0 : i32
        %get3A_1409 = arith.index_cast %get3A_1408 : i32 to index
        %get3A_1410 = arith.index_cast %add3A_1407 : i32 to index
        %get3A_1411 = arith.constant 0 : index
        %get3A_1412 = tpu.vector_load %arg8[%get3A_1409, %get3A_1410, %get3A_1411] {strides = array<i32>} : memref<2x392x32xf32, #tpu.memory_space<vmem>>, vector<16xf32>,
        %mul3A_1413 = arith.mulf %get3A_1412, %gather3A_1342 : vector<16xf32>
        %add3A_1414 = arith.constant 5 : i32
        %add3A_1415 = arith.addi %mul3A_1286, %add3A_1414 : i32
        %get3A_1416 = arith.constant 0 : i32
        %get3A_1417 = arith.index_cast %get3A_1416 : i32 to index
        %get3A_1418 = arith.index_cast %add3A_1415 : i32 to index
        %get3A_1419 = arith.constant 0 : index
        %get3A_1420 = tpu.vector_load %arg8[%get3A_1417, %get3A_1418, %get3A_1419] {strides = array<i32>} : memref<2x392x32xf32, #tpu.memory_space<vmem>>, vector<16xf32>,
        %mul3A_1421 = arith.mulf %get3A_1420, %gather3A_1352 : vector<16xf32>
        %add3A_1422 = arith.addf %mul3A_1413, %mul3A_1421 : vector<16xf32>
        %add3A_1423 = arith.constant 6 : i32
        %add3A_1424 = arith.addi %mul3A_1286, %add3A_1423 : i32
        %get3A_1425 = arith.constant 0 : i32
        %get3A_1426 = arith.index_cast %get3A_1425 : i32 to index
        %get3A_1427 = arith.index_cast %add3A_1424 : i32 to index
        %get3A_1428 = arith.constant 0 : index
        %get3A_1429 = tpu.vector_load %arg8[%get3A_1426, %get3A_1427, %get3A_1428] {strides = array<i32>} : memref<2x392x32xf32, #tpu.memory_space<vmem>>, vector<16xf32>,
        %mul3A_1430 = arith.mulf %get3A_1429, %gather3A_1362 : vector<16xf32>
        %add3A_1431 = arith.addf %add3A_1422, %mul3A_1430 : vector<16xf32>
        %add3A_1432 = arith.constant 7 : i32
        %add3A_1433 = arith.addi %mul3A_1286, %add3A_1432 : i32
        %get3A_1434 = arith.constant 0 : i32
        %get3A_1435 = arith.index_cast %get3A_1434 : i32 to index
        %get3A_1436 = arith.index_cast %add3A_1433 : i32 to index
        %get3A_1437 = arith.constant 0 : index
        %get3A_1438 = tpu.vector_load %arg8[%get3A_1435, %get3A_1436, %get3A_1437] {strides = array<i32>} : memref<2x392x32xf32, #tpu.memory_space<vmem>>, vector<16xf32>,
        %mul3A_1439 = arith.mulf %get3A_1438, %gather3A_1372 : vector<16xf32>
        %add3A_1440 = arith.addf %add3A_1431, %mul3A_1439 : vector<16xf32>
        %add3A_1441 = arith.constant 0 : i32
        %add3A_1442 = vector.broadcast %add3A_1441 : i32 to vector<16xi32>
        %add3A_1443 = arith.addi %mul3A_5, %add3A_1442 : vector<16xi32>
        %add3A_1444 = vector.broadcast %scan3A_1284 : i32 to vector<16xi32>
        %add3A_1445 = arith.addi %add3A_1443, %add3A_1444 : vector<16xi32>
        %add3A_1446 = arith.addf %add3A_1405, %add3A_1440 : vector<16xf32>
        %scatter3A_1447 = arith.constant 0 : i32
        %scatter3A_1448 = arith.constant 0 : i32
        %scatter3A_1449 = arith.constant 0 : i32
        %scatter3A_1450 = tpu.memref_slice %arg9[%scatter3A_1447, %scatter3A_1448, %scatter3A_1449] : memref<2x1x1568xf32, #tpu.memory_space<vmem>> -> memref<1x1x1568xf32, #tpu.memory_space<vmem>>
        %scatter3A_1451 = tpu.memref_squeeze %scatter3A_1450 : memref<1x1x1568xf32, #tpu.memory_space<vmem>> -> memref<1568xf32, #tpu.memory_space<vmem>>
        tpu.vector_store_idx %scatter3A_1451[%add3A_1445], %add3A_1446 : memref<1568xf32, #tpu.memory_space<vmem>>[vector<16xi32>], vector<16xf32>,
        %get3A_1452 = arith.constant 0 : i32
        %get3A_1453 = arith.index_cast %get3A_1452 : i32 to index
        %get3A_1454 = arith.index_cast %mul3A_1286 : i32 to index
        %get3A_1455 = arith.constant 16 : index
        %get3A_1456 = tpu.vector_load %arg8[%get3A_1453, %get3A_1454, %get3A_1455] {strides = array<i32>} : memref<2x392x32xf32, #tpu.memory_space<vmem>>, vector<16xf32>,
        %mul3A_1457 = arith.mulf %get3A_1456, %gather3A_1302 : vector<16xf32>
        %add3A_1458 = arith.constant 1 : i32
        %add3A_1459 = arith.addi %mul3A_1286, %add3A_1458 : i32
        %get3A_1460 = arith.constant 0 : i32
        %get3A_1461 = arith.index_cast %get3A_1460 : i32 to index
        %get3A_1462 = arith.index_cast %add3A_1459 : i32 to index
        %get3A_1463 = arith.constant 16 : index
        %get3A_1464 = tpu.vector_load %arg8[%get3A_1461, %get3A_1462, %get3A_1463] {strides = array<i32>} : memref<2x392x32xf32, #tpu.memory_space<vmem>>, vector<16xf32>,
        %mul3A_1465 = arith.mulf %get3A_1464, %gather3A_1312 : vector<16xf32>
        %add3A_1466 = arith.addf %mul3A_1457, %mul3A_1465 : vector<16xf32>
        %add3A_1467 = arith.constant 2 : i32
        %add3A_1468 = arith.addi %mul3A_1286, %add3A_1467 : i32
        %get3A_1469 = arith.constant 0 : i32
        %get3A_1470 = arith.index_cast %get3A_1469 : i32 to index
        %get3A_1471 = arith.index_cast %add3A_1468 : i32 to index
        %get3A_1472 = arith.constant 16 : index
        %get3A_1473 = tpu.vector_load %arg8[%get3A_1470, %get3A_1471, %get3A_1472] {strides = array<i32>} : memref<2x392x32xf32, #tpu.memory_space<vmem>>, vector<16xf32>,
        %mul3A_1474 = arith.mulf %get3A_1473, %gather3A_1322 : vector<16xf32>
        %add3A_1475 = arith.addf %add3A_1466, %mul3A_1474 : vector<16xf32>
        %add3A_1476 = arith.constant 3 : i32
        %add3A_1477 = arith.addi %mul3A_1286, %add3A_1476 : i32
        %get3A_1478 = arith.constant 0 : i32
        %get3A_1479 = arith.index_cast %get3A_1478 : i32 to index
        %get3A_1480 = arith.index_cast %add3A_1477 : i32 to index
        %get3A_1481 = arith.constant 16 : index
        %get3A_1482 = tpu.vector_load %arg8[%get3A_1479, %get3A_1480, %get3A_1481] {strides = array<i32>} : memref<2x392x32xf32, #tpu.memory_space<vmem>>, vector<16xf32>,
        %mul3A_1483 = arith.mulf %get3A_1482, %gather3A_1332 : vector<16xf32>
        %add3A_1484 = arith.addf %add3A_1475, %mul3A_1483 : vector<16xf32>
        %add3A_1485 = arith.constant 4 : i32
        %add3A_1486 = arith.addi %mul3A_1286, %add3A_1485 : i32
        %get3A_1487 = arith.constant 0 : i32
        %get3A_1488 = arith.index_cast %get3A_1487 : i32 to index
        %get3A_1489 = arith.index_cast %add3A_1486 : i32 to index
        %get3A_1490 = arith.constant 16 : index
        %get3A_1491 = tpu.vector_load %arg8[%get3A_1488, %get3A_1489, %get3A_1490] {strides = array<i32>} : memref<2x392x32xf32, #tpu.memory_space<vmem>>, vector<16xf32>,
        %mul3A_1492 = arith.mulf %get3A_1491, %gather3A_1342 : vector<16xf32>
        %add3A_1493 = arith.constant 5 : i32
        %add3A_1494 = arith.addi %mul3A_1286, %add3A_1493 : i32
        %get3A_1495 = arith.constant 0 : i32
        %get3A_1496 = arith.index_cast %get3A_1495 : i32 to index
        %get3A_1497 = arith.index_cast %add3A_1494 : i32 to index
        %get3A_1498 = arith.constant 16 : index
        %get3A_1499 = tpu.vector_load %arg8[%get3A_1496, %get3A_1497, %get3A_1498] {strides = array<i32>} : memref<2x392x32xf32, #tpu.memory_space<vmem>>, vector<16xf32>,
        %mul3A_1500 = arith.mulf %get3A_1499, %gather3A_1352 : vector<16xf32>
        %add3A_1501 = arith.addf %mul3A_1492, %mul3A_1500 : vector<16xf32>
        %add3A_1502 = arith.constant 6 : i32
        %add3A_1503 = arith.addi %mul3A_1286, %add3A_1502 : i32
        %get3A_1504 = arith.constant 0 : i32
        %get3A_1505 = arith.index_cast %get3A_1504 : i32 to index
        %get3A_1506 = arith.index_cast %add3A_1503 : i32 to index
        %get3A_1507 = arith.constant 16 : index
        %get3A_1508 = tpu.vector_load %arg8[%get3A_1505, %get3A_1506, %get3A_1507] {strides = array<i32>} : memref<2x392x32xf32, #tpu.memory_space<vmem>>, vector<16xf32>,
        %mul3A_1509 = arith.mulf %get3A_1508, %gather3A_1362 : vector<16xf32>
        %add3A_1510 = arith.addf %add3A_1501, %mul3A_1509 : vector<16xf32>
        %add3A_1511 = arith.constant 7 : i32
        %add3A_1512 = arith.addi %mul3A_1286, %add3A_1511 : i32
        %get3A_1513 = arith.constant 0 : i32
        %get3A_1514 = arith.index_cast %get3A_1513 : i32 to index
        %get3A_1515 = arith.index_cast %add3A_1512 : i32 to index
        %get3A_1516 = arith.constant 16 : index
        %get3A_1517 = tpu.vector_load %arg8[%get3A_1514, %get3A_1515, %get3A_1516] {strides = array<i32>} : memref<2x392x32xf32, #tpu.memory_space<vmem>>, vector<16xf32>,
        %mul3A_1518 = arith.mulf %get3A_1517, %gather3A_1372 : vector<16xf32>
        %add3A_1519 = arith.addf %add3A_1510, %mul3A_1518 : vector<16xf32>
        %add3A_1520 = arith.constant 784 : i32
        %add3A_1521 = vector.broadcast %add3A_1520 : i32 to vector<16xi32>
        %add3A_1522 = arith.addi %mul3A_5, %add3A_1521 : vector<16xi32>
        %add3A_1523 = vector.broadcast %scan3A_1284 : i32 to vector<16xi32>
        %add3A_1524 = arith.addi %add3A_1522, %add3A_1523 : vector<16xi32>
        %add3A_1525 = arith.addf %add3A_1484, %add3A_1519 : vector<16xf32>
        %scatter3A_1526 = arith.constant 0 : i32
        %scatter3A_1527 = arith.constant 0 : i32
        %scatter3A_1528 = arith.constant 0 : i32
        %scatter3A_1529 = tpu.memref_slice %arg9[%scatter3A_1526, %scatter3A_1527, %scatter3A_1528] : memref<2x1x1568xf32, #tpu.memory_space<vmem>> -> memref<1x1x1568xf32, #tpu.memory_space<vmem>>
        %scatter3A_1530 = tpu.memref_squeeze %scatter3A_1529 : memref<1x1x1568xf32, #tpu.memory_space<vmem>> -> memref<1568xf32, #tpu.memory_space<vmem>>
        tpu.vector_store_idx %scatter3A_1530[%add3A_1524], %add3A_1525 : memref<1568xf32, #tpu.memory_space<vmem>>[vector<16xi32>], vector<16xf32>,
        %scan3A_1531 = arith.constant 5 : i32
        %scan3A_1532 = arith.addi %scan3A_297, %scan3A_1531 : i32
        %mul3A_1533 = arith.constant 8 : i32
        %mul3A_1534 = arith.muli %scan3A_1532, %mul3A_1533 : i32
        %get3A_1535 = arith.constant 0 : i32
        %get3A_1536 = arith.constant 0 : i32
        %get3A_1537 = arith.index_cast %get3A_1535 : i32 to index
        %get3A_1538 = arith.index_cast %get3A_1536 : i32 to index
        %get3A_1539 = arith.index_cast %mul3A_1534 : i32 to index
        %get3A_1540 = tpu.vector_load %arg7[%get3A_1537, %get3A_1538, %get3A_1539] {strides = array<i32>} : memref<2x1x400xf32, #tpu.memory_space<vmem>>, vector<16xf32>,
        %lt3A_1541 = arith.constant 0 : i32
        %lt3A_1542 = vector.broadcast %lt3A_1541 : i32 to vector<16xi32>
        %lt3A_1543 = arith.cmpi slt, %broadcast_in_dim3A_6, %lt3A_1542 : vector<16xi32>
        %add3A_1544 = arith.constant 16 : i32
        %add3A_1545 = vector.broadcast %add3A_1544 : i32 to vector<16xi32>
        %add3A_1546 = arith.addi %broadcast_in_dim3A_6, %add3A_1545 : vector<16xi32>
        %select_n3A_1547 = arith.select %lt3A_1543, %add3A_1546, %broadcast_in_dim3A_6 : vector<16xi1>, vector<16xi32>
        %broadcast_in_dim3A_1548 = vector.shape_cast %select_n3A_1547 : vector<16xi32> to vector<16x1xi32>
        %gather3A_1549 = vector.shape_cast %broadcast_in_dim3A_1548 : vector<16x1xi32> to vector<16xi32>
        %gather3A_1550 = tpu.dynamic_gather %get3A_1540[%gather3A_1549] in [0] : vector<16xf32>, vector<16xi32> -> vector<16xf32>
        %lt3A_1551 = arith.constant 0 : i32
        %lt3A_1552 = vector.broadcast %lt3A_1551 : i32 to vector<16xi32>
        %lt3A_1553 = arith.cmpi slt, %broadcast_in_dim3A_8, %lt3A_1552 : vector<16xi32>
        %add3A_1554 = arith.constant 16 : i32
        %add3A_1555 = vector.broadcast %add3A_1554 : i32 to vector<16xi32>
        %add3A_1556 = arith.addi %broadcast_in_dim3A_8, %add3A_1555 : vector<16xi32>
        %select_n3A_1557 = arith.select %lt3A_1553, %add3A_1556, %broadcast_in_dim3A_8 : vector<16xi1>, vector<16xi32>
        %broadcast_in_dim3A_1558 = vector.shape_cast %select_n3A_1557 : vector<16xi32> to vector<16x1xi32>
        %gather3A_1559 = vector.shape_cast %broadcast_in_dim3A_1558 : vector<16x1xi32> to vector<16xi32>
        %gather3A_1560 = tpu.dynamic_gather %get3A_1540[%gather3A_1559] in [0] : vector<16xf32>, vector<16xi32> -> vector<16xf32>
        %lt3A_1561 = arith.constant 0 : i32
        %lt3A_1562 = vector.broadcast %lt3A_1561 : i32 to vector<16xi32>
        %lt3A_1563 = arith.cmpi slt, %broadcast_in_dim3A_10, %lt3A_1562 : vector<16xi32>
        %add3A_1564 = arith.constant 16 : i32
        %add3A_1565 = vector.broadcast %add3A_1564 : i32 to vector<16xi32>
        %add3A_1566 = arith.addi %broadcast_in_dim3A_10, %add3A_1565 : vector<16xi32>
        %select_n3A_1567 = arith.select %lt3A_1563, %add3A_1566, %broadcast_in_dim3A_10 : vector<16xi1>, vector<16xi32>
        %broadcast_in_dim3A_1568 = vector.shape_cast %select_n3A_1567 : vector<16xi32> to vector<16x1xi32>
        %gather3A_1569 = vector.shape_cast %broadcast_in_dim3A_1568 : vector<16x1xi32> to vector<16xi32>
        %gather3A_1570 = tpu.dynamic_gather %get3A_1540[%gather3A_1569] in [0] : vector<16xf32>, vector<16xi32> -> vector<16xf32>
        %lt3A_1571 = arith.constant 0 : i32
        %lt3A_1572 = vector.broadcast %lt3A_1571 : i32 to vector<16xi32>
        %lt3A_1573 = arith.cmpi slt, %broadcast_in_dim3A_12, %lt3A_1572 : vector<16xi32>
        %add3A_1574 = arith.constant 16 : i32
        %add3A_1575 = vector.broadcast %add3A_1574 : i32 to vector<16xi32>
        %add3A_1576 = arith.addi %broadcast_in_dim3A_12, %add3A_1575 : vector<16xi32>
        %select_n3A_1577 = arith.select %lt3A_1573, %add3A_1576, %broadcast_in_dim3A_12 : vector<16xi1>, vector<16xi32>
        %broadcast_in_dim3A_1578 = vector.shape_cast %select_n3A_1577 : vector<16xi32> to vector<16x1xi32>
        %gather3A_1579 = vector.shape_cast %broadcast_in_dim3A_1578 : vector<16x1xi32> to vector<16xi32>
        %gather3A_1580 = tpu.dynamic_gather %get3A_1540[%gather3A_1579] in [0] : vector<16xf32>, vector<16xi32> -> vector<16xf32>
        %lt3A_1581 = arith.constant 0 : i32
        %lt3A_1582 = vector.broadcast %lt3A_1581 : i32 to vector<16xi32>
        %lt3A_1583 = arith.cmpi slt, %broadcast_in_dim3A_14, %lt3A_1582 : vector<16xi32>
        %add3A_1584 = arith.constant 16 : i32
        %add3A_1585 = vector.broadcast %add3A_1584 : i32 to vector<16xi32>
        %add3A_1586 = arith.addi %broadcast_in_dim3A_14, %add3A_1585 : vector<16xi32>
        %select_n3A_1587 = arith.select %lt3A_1583, %add3A_1586, %broadcast_in_dim3A_14 : vector<16xi1>, vector<16xi32>
        %broadcast_in_dim3A_1588 = vector.shape_cast %select_n3A_1587 : vector<16xi32> to vector<16x1xi32>
        %gather3A_1589 = vector.shape_cast %broadcast_in_dim3A_1588 : vector<16x1xi32> to vector<16xi32>
        %gather3A_1590 = tpu.dynamic_gather %get3A_1540[%gather3A_1589] in [0] : vector<16xf32>, vector<16xi32> -> vector<16xf32>
        %lt3A_1591 = arith.constant 0 : i32
        %lt3A_1592 = vector.broadcast %lt3A_1591 : i32 to vector<16xi32>
        %lt3A_1593 = arith.cmpi slt, %broadcast_in_dim3A_16, %lt3A_1592 : vector<16xi32>
        %add3A_1594 = arith.constant 16 : i32
        %add3A_1595 = vector.broadcast %add3A_1594 : i32 to vector<16xi32>
        %add3A_1596 = arith.addi %broadcast_in_dim3A_16, %add3A_1595 : vector<16xi32>
        %select_n3A_1597 = arith.select %lt3A_1593, %add3A_1596, %broadcast_in_dim3A_16 : vector<16xi1>, vector<16xi32>
        %broadcast_in_dim3A_1598 = vector.shape_cast %select_n3A_1597 : vector<16xi32> to vector<16x1xi32>
        %gather3A_1599 = vector.shape_cast %broadcast_in_dim3A_1598 : vector<16x1xi32> to vector<16xi32>
        %gather3A_1600 = tpu.dynamic_gather %get3A_1540[%gather3A_1599] in [0] : vector<16xf32>, vector<16xi32> -> vector<16xf32>
        %lt3A_1601 = arith.constant 0 : i32
        %lt3A_1602 = vector.broadcast %lt3A_1601 : i32 to vector<16xi32>
        %lt3A_1603 = arith.cmpi slt, %broadcast_in_dim3A_18, %lt3A_1602 : vector<16xi32>
        %add3A_1604 = arith.constant 16 : i32
        %add3A_1605 = vector.broadcast %add3A_1604 : i32 to vector<16xi32>
        %add3A_1606 = arith.addi %broadcast_in_dim3A_18, %add3A_1605 : vector<16xi32>
        %select_n3A_1607 = arith.select %lt3A_1603, %add3A_1606, %broadcast_in_dim3A_18 : vector<16xi1>, vector<16xi32>
        %broadcast_in_dim3A_1608 = vector.shape_cast %select_n3A_1607 : vector<16xi32> to vector<16x1xi32>
        %gather3A_1609 = vector.shape_cast %broadcast_in_dim3A_1608 : vector<16x1xi32> to vector<16xi32>
        %gather3A_1610 = tpu.dynamic_gather %get3A_1540[%gather3A_1609] in [0] : vector<16xf32>, vector<16xi32> -> vector<16xf32>
        %lt3A_1611 = arith.constant 0 : i32
        %lt3A_1612 = vector.broadcast %lt3A_1611 : i32 to vector<16xi32>
        %lt3A_1613 = arith.cmpi slt, %broadcast_in_dim3A_20, %lt3A_1612 : vector<16xi32>
        %add3A_1614 = arith.constant 16 : i32
        %add3A_1615 = vector.broadcast %add3A_1614 : i32 to vector<16xi32>
        %add3A_1616 = arith.addi %broadcast_in_dim3A_20, %add3A_1615 : vector<16xi32>
        %select_n3A_1617 = arith.select %lt3A_1613, %add3A_1616, %broadcast_in_dim3A_20 : vector<16xi1>, vector<16xi32>
        %broadcast_in_dim3A_1618 = vector.shape_cast %select_n3A_1617 : vector<16xi32> to vector<16x1xi32>
        %gather3A_1619 = vector.shape_cast %broadcast_in_dim3A_1618 : vector<16x1xi32> to vector<16xi32>
        %gather3A_1620 = tpu.dynamic_gather %get3A_1540[%gather3A_1619] in [0] : vector<16xf32>, vector<16xi32> -> vector<16xf32>
        %get3A_1621 = arith.constant 0 : i32
        %get3A_1622 = arith.index_cast %get3A_1621 : i32 to index
        %get3A_1623 = arith.index_cast %mul3A_1534 : i32 to index
        %get3A_1624 = arith.constant 0 : index
        %get3A_1625 = tpu.vector_load %arg8[%get3A_1622, %get3A_1623, %get3A_1624] {strides = array<i32>} : memref<2x392x32xf32, #tpu.memory_space<vmem>>, vector<16xf32>,
        %mul3A_1626 = arith.mulf %get3A_1625, %gather3A_1550 : vector<16xf32>
        %add3A_1627 = arith.constant 1 : i32
        %add3A_1628 = arith.addi %mul3A_1534, %add3A_1627 : i32
        %get3A_1629 = arith.constant 0 : i32
        %get3A_1630 = arith.index_cast %get3A_1629 : i32 to index
        %get3A_1631 = arith.index_cast %add3A_1628 : i32 to index
        %get3A_1632 = arith.constant 0 : index
        %get3A_1633 = tpu.vector_load %arg8[%get3A_1630, %get3A_1631, %get3A_1632] {strides = array<i32>} : memref<2x392x32xf32, #tpu.memory_space<vmem>>, vector<16xf32>,
        %mul3A_1634 = arith.mulf %get3A_1633, %gather3A_1560 : vector<16xf32>
        %add3A_1635 = arith.addf %mul3A_1626, %mul3A_1634 : vector<16xf32>
        %add3A_1636 = arith.constant 2 : i32
        %add3A_1637 = arith.addi %mul3A_1534, %add3A_1636 : i32
        %get3A_1638 = arith.constant 0 : i32
        %get3A_1639 = arith.index_cast %get3A_1638 : i32 to index
        %get3A_1640 = arith.index_cast %add3A_1637 : i32 to index
        %get3A_1641 = arith.constant 0 : index
        %get3A_1642 = tpu.vector_load %arg8[%get3A_1639, %get3A_1640, %get3A_1641] {strides = array<i32>} : memref<2x392x32xf32, #tpu.memory_space<vmem>>, vector<16xf32>,
        %mul3A_1643 = arith.mulf %get3A_1642, %gather3A_1570 : vector<16xf32>
        %add3A_1644 = arith.addf %add3A_1635, %mul3A_1643 : vector<16xf32>
        %add3A_1645 = arith.constant 3 : i32
        %add3A_1646 = arith.addi %mul3A_1534, %add3A_1645 : i32
        %get3A_1647 = arith.constant 0 : i32
        %get3A_1648 = arith.index_cast %get3A_1647 : i32 to index
        %get3A_1649 = arith.index_cast %add3A_1646 : i32 to index
        %get3A_1650 = arith.constant 0 : index
        %get3A_1651 = tpu.vector_load %arg8[%get3A_1648, %get3A_1649, %get3A_1650] {strides = array<i32>} : memref<2x392x32xf32, #tpu.memory_space<vmem>>, vector<16xf32>,
        %mul3A_1652 = arith.mulf %get3A_1651, %gather3A_1580 : vector<16xf32>
        %add3A_1653 = arith.addf %add3A_1644, %mul3A_1652 : vector<16xf32>
        %add3A_1654 = arith.constant 4 : i32
        %add3A_1655 = arith.addi %mul3A_1534, %add3A_1654 : i32
        %get3A_1656 = arith.constant 0 : i32
        %get3A_1657 = arith.index_cast %get3A_1656 : i32 to index
        %get3A_1658 = arith.index_cast %add3A_1655 : i32 to index
        %get3A_1659 = arith.constant 0 : index
        %get3A_1660 = tpu.vector_load %arg8[%get3A_1657, %get3A_1658, %get3A_1659] {strides = array<i32>} : memref<2x392x32xf32, #tpu.memory_space<vmem>>, vector<16xf32>,
        %mul3A_1661 = arith.mulf %get3A_1660, %gather3A_1590 : vector<16xf32>
        %add3A_1662 = arith.constant 5 : i32
        %add3A_1663 = arith.addi %mul3A_1534, %add3A_1662 : i32
        %get3A_1664 = arith.constant 0 : i32
        %get3A_1665 = arith.index_cast %get3A_1664 : i32 to index
        %get3A_1666 = arith.index_cast %add3A_1663 : i32 to index
        %get3A_1667 = arith.constant 0 : index
        %get3A_1668 = tpu.vector_load %arg8[%get3A_1665, %get3A_1666, %get3A_1667] {strides = array<i32>} : memref<2x392x32xf32, #tpu.memory_space<vmem>>, vector<16xf32>,
        %mul3A_1669 = arith.mulf %get3A_1668, %gather3A_1600 : vector<16xf32>
        %add3A_1670 = arith.addf %mul3A_1661, %mul3A_1669 : vector<16xf32>
        %add3A_1671 = arith.constant 6 : i32
        %add3A_1672 = arith.addi %mul3A_1534, %add3A_1671 : i32
        %get3A_1673 = arith.constant 0 : i32
        %get3A_1674 = arith.index_cast %get3A_1673 : i32 to index
        %get3A_1675 = arith.index_cast %add3A_1672 : i32 to index
        %get3A_1676 = arith.constant 0 : index
        %get3A_1677 = tpu.vector_load %arg8[%get3A_1674, %get3A_1675, %get3A_1676] {strides = array<i32>} : memref<2x392x32xf32, #tpu.memory_space<vmem>>, vector<16xf32>,
        %mul3A_1678 = arith.mulf %get3A_1677, %gather3A_1610 : vector<16xf32>
        %add3A_1679 = arith.addf %add3A_1670, %mul3A_1678 : vector<16xf32>
        %add3A_1680 = arith.constant 7 : i32
        %add3A_1681 = arith.addi %mul3A_1534, %add3A_1680 : i32
        %get3A_1682 = arith.constant 0 : i32
        %get3A_1683 = arith.index_cast %get3A_1682 : i32 to index
        %get3A_1684 = arith.index_cast %add3A_1681 : i32 to index
        %get3A_1685 = arith.constant 0 : index
        %get3A_1686 = tpu.vector_load %arg8[%get3A_1683, %get3A_1684, %get3A_1685] {strides = array<i32>} : memref<2x392x32xf32, #tpu.memory_space<vmem>>, vector<16xf32>,
        %mul3A_1687 = arith.mulf %get3A_1686, %gather3A_1620 : vector<16xf32>
        %add3A_1688 = arith.addf %add3A_1679, %mul3A_1687 : vector<16xf32>
        %add3A_1689 = arith.constant 0 : i32
        %add3A_1690 = vector.broadcast %add3A_1689 : i32 to vector<16xi32>
        %add3A_1691 = arith.addi %mul3A_5, %add3A_1690 : vector<16xi32>
        %add3A_1692 = vector.broadcast %scan3A_1532 : i32 to vector<16xi32>
        %add3A_1693 = arith.addi %add3A_1691, %add3A_1692 : vector<16xi32>
        %add3A_1694 = arith.addf %add3A_1653, %add3A_1688 : vector<16xf32>
        %scatter3A_1695 = arith.constant 0 : i32
        %scatter3A_1696 = arith.constant 0 : i32
        %scatter3A_1697 = arith.constant 0 : i32
        %scatter3A_1698 = tpu.memref_slice %arg9[%scatter3A_1695, %scatter3A_1696, %scatter3A_1697] : memref<2x1x1568xf32, #tpu.memory_space<vmem>> -> memref<1x1x1568xf32, #tpu.memory_space<vmem>>
        %scatter3A_1699 = tpu.memref_squeeze %scatter3A_1698 : memref<1x1x1568xf32, #tpu.memory_space<vmem>> -> memref<1568xf32, #tpu.memory_space<vmem>>
        tpu.vector_store_idx %scatter3A_1699[%add3A_1693], %add3A_1694 : memref<1568xf32, #tpu.memory_space<vmem>>[vector<16xi32>], vector<16xf32>,
        %get3A_1700 = arith.constant 0 : i32
        %get3A_1701 = arith.index_cast %get3A_1700 : i32 to index
        %get3A_1702 = arith.index_cast %mul3A_1534 : i32 to index
        %get3A_1703 = arith.constant 16 : index
        %get3A_1704 = tpu.vector_load %arg8[%get3A_1701, %get3A_1702, %get3A_1703] {strides = array<i32>} : memref<2x392x32xf32, #tpu.memory_space<vmem>>, vector<16xf32>,
        %mul3A_1705 = arith.mulf %get3A_1704, %gather3A_1550 : vector<16xf32>
        %add3A_1706 = arith.constant 1 : i32
        %add3A_1707 = arith.addi %mul3A_1534, %add3A_1706 : i32
        %get3A_1708 = arith.constant 0 : i32
        %get3A_1709 = arith.index_cast %get3A_1708 : i32 to index
        %get3A_1710 = arith.index_cast %add3A_1707 : i32 to index
        %get3A_1711 = arith.constant 16 : index
        %get3A_1712 = tpu.vector_load %arg8[%get3A_1709, %get3A_1710, %get3A_1711] {strides = array<i32>} : memref<2x392x32xf32, #tpu.memory_space<vmem>>, vector<16xf32>,
        %mul3A_1713 = arith.mulf %get3A_1712, %gather3A_1560 : vector<16xf32>
        %add3A_1714 = arith.addf %mul3A_1705, %mul3A_1713 : vector<16xf32>
        %add3A_1715 = arith.constant 2 : i32
        %add3A_1716 = arith.addi %mul3A_1534, %add3A_1715 : i32
        %get3A_1717 = arith.constant 0 : i32
        %get3A_1718 = arith.index_cast %get3A_1717 : i32 to index
        %get3A_1719 = arith.index_cast %add3A_1716 : i32 to index
        %get3A_1720 = arith.constant 16 : index
        %get3A_1721 = tpu.vector_load %arg8[%get3A_1718, %get3A_1719, %get3A_1720] {strides = array<i32>} : memref<2x392x32xf32, #tpu.memory_space<vmem>>, vector<16xf32>,
        %mul3A_1722 = arith.mulf %get3A_1721, %gather3A_1570 : vector<16xf32>
        %add3A_1723 = arith.addf %add3A_1714, %mul3A_1722 : vector<16xf32>
        %add3A_1724 = arith.constant 3 : i32
        %add3A_1725 = arith.addi %mul3A_1534, %add3A_1724 : i32
        %get3A_1726 = arith.constant 0 : i32
        %get3A_1727 = arith.index_cast %get3A_1726 : i32 to index
        %get3A_1728 = arith.index_cast %add3A_1725 : i32 to index
        %get3A_1729 = arith.constant 16 : index
        %get3A_1730 = tpu.vector_load %arg8[%get3A_1727, %get3A_1728, %get3A_1729] {strides = array<i32>} : memref<2x392x32xf32, #tpu.memory_space<vmem>>, vector<16xf32>,
        %mul3A_1731 = arith.mulf %get3A_1730, %gather3A_1580 : vector<16xf32>
        %add3A_1732 = arith.addf %add3A_1723, %mul3A_1731 : vector<16xf32>
        %add3A_1733 = arith.constant 4 : i32
        %add3A_1734 = arith.addi %mul3A_1534, %add3A_1733 : i32
        %get3A_1735 = arith.constant 0 : i32
        %get3A_1736 = arith.index_cast %get3A_1735 : i32 to index
        %get3A_1737 = arith.index_cast %add3A_1734 : i32 to index
        %get3A_1738 = arith.constant 16 : index
        %get3A_1739 = tpu.vector_load %arg8[%get3A_1736, %get3A_1737, %get3A_1738] {strides = array<i32>} : memref<2x392x32xf32, #tpu.memory_space<vmem>>, vector<16xf32>,
        %mul3A_1740 = arith.mulf %get3A_1739, %gather3A_1590 : vector<16xf32>
        %add3A_1741 = arith.constant 5 : i32
        %add3A_1742 = arith.addi %mul3A_1534, %add3A_1741 : i32
        %get3A_1743 = arith.constant 0 : i32
        %get3A_1744 = arith.index_cast %get3A_1743 : i32 to index
        %get3A_1745 = arith.index_cast %add3A_1742 : i32 to index
        %get3A_1746 = arith.constant 16 : index
        %get3A_1747 = tpu.vector_load %arg8[%get3A_1744, %get3A_1745, %get3A_1746] {strides = array<i32>} : memref<2x392x32xf32, #tpu.memory_space<vmem>>, vector<16xf32>,
        %mul3A_1748 = arith.mulf %get3A_1747, %gather3A_1600 : vector<16xf32>
        %add3A_1749 = arith.addf %mul3A_1740, %mul3A_1748 : vector<16xf32>
        %add3A_1750 = arith.constant 6 : i32
        %add3A_1751 = arith.addi %mul3A_1534, %add3A_1750 : i32
        %get3A_1752 = arith.constant 0 : i32
        %get3A_1753 = arith.index_cast %get3A_1752 : i32 to index
        %get3A_1754 = arith.index_cast %add3A_1751 : i32 to index
        %get3A_1755 = arith.constant 16 : index
        %get3A_1756 = tpu.vector_load %arg8[%get3A_1753, %get3A_1754, %get3A_1755] {strides = array<i32>} : memref<2x392x32xf32, #tpu.memory_space<vmem>>, vector<16xf32>,
        %mul3A_1757 = arith.mulf %get3A_1756, %gather3A_1610 : vector<16xf32>
        %add3A_1758 = arith.addf %add3A_1749, %mul3A_1757 : vector<16xf32>
        %add3A_1759 = arith.constant 7 : i32
        %add3A_1760 = arith.addi %mul3A_1534, %add3A_1759 : i32
        %get3A_1761 = arith.constant 0 : i32
        %get3A_1762 = arith.index_cast %get3A_1761 : i32 to index
        %get3A_1763 = arith.index_cast %add3A_1760 : i32 to index
        %get3A_1764 = arith.constant 16 : index
        %get3A_1765 = tpu.vector_load %arg8[%get3A_1762, %get3A_1763, %get3A_1764] {strides = array<i32>} : memref<2x392x32xf32, #tpu.memory_space<vmem>>, vector<16xf32>,
        %mul3A_1766 = arith.mulf %get3A_1765, %gather3A_1620 : vector<16xf32>
        %add3A_1767 = arith.addf %add3A_1758, %mul3A_1766 : vector<16xf32>
        %add3A_1768 = arith.constant 784 : i32
        %add3A_1769 = vector.broadcast %add3A_1768 : i32 to vector<16xi32>
        %add3A_1770 = arith.addi %mul3A_5, %add3A_1769 : vector<16xi32>
        %add3A_1771 = vector.broadcast %scan3A_1532 : i32 to vector<16xi32>
        %add3A_1772 = arith.addi %add3A_1770, %add3A_1771 : vector<16xi32>
        %add3A_1773 = arith.addf %add3A_1732, %add3A_1767 : vector<16xf32>
        %scatter3A_1774 = arith.constant 0 : i32
        %scatter3A_1775 = arith.constant 0 : i32
        %scatter3A_1776 = arith.constant 0 : i32
        %scatter3A_1777 = tpu.memref_slice %arg9[%scatter3A_1774, %scatter3A_1775, %scatter3A_1776] : memref<2x1x1568xf32, #tpu.memory_space<vmem>> -> memref<1x1x1568xf32, #tpu.memory_space<vmem>>
        %scatter3A_1778 = tpu.memref_squeeze %scatter3A_1777 : memref<1x1x1568xf32, #tpu.memory_space<vmem>> -> memref<1568xf32, #tpu.memory_space<vmem>>
        tpu.vector_store_idx %scatter3A_1778[%add3A_1772], %add3A_1773 : memref<1568xf32, #tpu.memory_space<vmem>>[vector<16xi32>], vector<16xf32>,
        %scan3A_1779 = arith.constant 6 : i32
        %scan3A_1780 = arith.addi %scan3A_297, %scan3A_1779 : i32
        %mul3A_1781 = arith.constant 8 : i32
        %mul3A_1782 = arith.muli %scan3A_1780, %mul3A_1781 : i32
        %get3A_1783 = arith.constant 0 : i32
        %get3A_1784 = arith.constant 0 : i32
        %get3A_1785 = arith.index_cast %get3A_1783 : i32 to index
        %get3A_1786 = arith.index_cast %get3A_1784 : i32 to index
        %get3A_1787 = arith.index_cast %mul3A_1782 : i32 to index
        %get3A_1788 = tpu.vector_load %arg7[%get3A_1785, %get3A_1786, %get3A_1787] {strides = array<i32>} : memref<2x1x400xf32, #tpu.memory_space<vmem>>, vector<16xf32>,
        %lt3A_1789 = arith.constant 0 : i32
        %lt3A_1790 = vector.broadcast %lt3A_1789 : i32 to vector<16xi32>
        %lt3A_1791 = arith.cmpi slt, %broadcast_in_dim3A_6, %lt3A_1790 : vector<16xi32>
        %add3A_1792 = arith.constant 16 : i32
        %add3A_1793 = vector.broadcast %add3A_1792 : i32 to vector<16xi32>
        %add3A_1794 = arith.addi %broadcast_in_dim3A_6, %add3A_1793 : vector<16xi32>
        %select_n3A_1795 = arith.select %lt3A_1791, %add3A_1794, %broadcast_in_dim3A_6 : vector<16xi1>, vector<16xi32>
        %broadcast_in_dim3A_1796 = vector.shape_cast %select_n3A_1795 : vector<16xi32> to vector<16x1xi32>
        %gather3A_1797 = vector.shape_cast %broadcast_in_dim3A_1796 : vector<16x1xi32> to vector<16xi32>
        %gather3A_1798 = tpu.dynamic_gather %get3A_1788[%gather3A_1797] in [0] : vector<16xf32>, vector<16xi32> -> vector<16xf32>
        %lt3A_1799 = arith.constant 0 : i32
        %lt3A_1800 = vector.broadcast %lt3A_1799 : i32 to vector<16xi32>
        %lt3A_1801 = arith.cmpi slt, %broadcast_in_dim3A_8, %lt3A_1800 : vector<16xi32>
        %add3A_1802 = arith.constant 16 : i32
        %add3A_1803 = vector.broadcast %add3A_1802 : i32 to vector<16xi32>
        %add3A_1804 = arith.addi %broadcast_in_dim3A_8, %add3A_1803 : vector<16xi32>
        %select_n3A_1805 = arith.select %lt3A_1801, %add3A_1804, %broadcast_in_dim3A_8 : vector<16xi1>, vector<16xi32>
        %broadcast_in_dim3A_1806 = vector.shape_cast %select_n3A_1805 : vector<16xi32> to vector<16x1xi32>
        %gather3A_1807 = vector.shape_cast %broadcast_in_dim3A_1806 : vector<16x1xi32> to vector<16xi32>
        %gather3A_1808 = tpu.dynamic_gather %get3A_1788[%gather3A_1807] in [0] : vector<16xf32>, vector<16xi32> -> vector<16xf32>
        %lt3A_1809 = arith.constant 0 : i32
        %lt3A_1810 = vector.broadcast %lt3A_1809 : i32 to vector<16xi32>
        %lt3A_1811 = arith.cmpi slt, %broadcast_in_dim3A_10, %lt3A_1810 : vector<16xi32>
        %add3A_1812 = arith.constant 16 : i32
        %add3A_1813 = vector.broadcast %add3A_1812 : i32 to vector<16xi32>
        %add3A_1814 = arith.addi %broadcast_in_dim3A_10, %add3A_1813 : vector<16xi32>
        %select_n3A_1815 = arith.select %lt3A_1811, %add3A_1814, %broadcast_in_dim3A_10 : vector<16xi1>, vector<16xi32>
        %broadcast_in_dim3A_1816 = vector.shape_cast %select_n3A_1815 : vector<16xi32> to vector<16x1xi32>
        %gather3A_1817 = vector.shape_cast %broadcast_in_dim3A_1816 : vector<16x1xi32> to vector<16xi32>
        %gather3A_1818 = tpu.dynamic_gather %get3A_1788[%gather3A_1817] in [0] : vector<16xf32>, vector<16xi32> -> vector<16xf32>
        %lt3A_1819 = arith.constant 0 : i32
        %lt3A_1820 = vector.broadcast %lt3A_1819 : i32 to vector<16xi32>
        %lt3A_1821 = arith.cmpi slt, %broadcast_in_dim3A_12, %lt3A_1820 : vector<16xi32>
        %add3A_1822 = arith.constant 16 : i32
        %add3A_1823 = vector.broadcast %add3A_1822 : i32 to vector<16xi32>
        %add3A_1824 = arith.addi %broadcast_in_dim3A_12, %add3A_1823 : vector<16xi32>
        %select_n3A_1825 = arith.select %lt3A_1821, %add3A_1824, %broadcast_in_dim3A_12 : vector<16xi1>, vector<16xi32>
        %broadcast_in_dim3A_1826 = vector.shape_cast %select_n3A_1825 : vector<16xi32> to vector<16x1xi32>
        %gather3A_1827 = vector.shape_cast %broadcast_in_dim3A_1826 : vector<16x1xi32> to vector<16xi32>
        %gather3A_1828 = tpu.dynamic_gather %get3A_1788[%gather3A_1827] in [0] : vector<16xf32>, vector<16xi32> -> vector<16xf32>
        %lt3A_1829 = arith.constant 0 : i32
        %lt3A_1830 = vector.broadcast %lt3A_1829 : i32 to vector<16xi32>
        %lt3A_1831 = arith.cmpi slt, %broadcast_in_dim3A_14, %lt3A_1830 : vector<16xi32>
        %add3A_1832 = arith.constant 16 : i32
        %add3A_1833 = vector.broadcast %add3A_1832 : i32 to vector<16xi32>
        %add3A_1834 = arith.addi %broadcast_in_dim3A_14, %add3A_1833 : vector<16xi32>
        %select_n3A_1835 = arith.select %lt3A_1831, %add3A_1834, %broadcast_in_dim3A_14 : vector<16xi1>, vector<16xi32>
        %broadcast_in_dim3A_1836 = vector.shape_cast %select_n3A_1835 : vector<16xi32> to vector<16x1xi32>
        %gather3A_1837 = vector.shape_cast %broadcast_in_dim3A_1836 : vector<16x1xi32> to vector<16xi32>
        %gather3A_1838 = tpu.dynamic_gather %get3A_1788[%gather3A_1837] in [0] : vector<16xf32>, vector<16xi32> -> vector<16xf32>
        %lt3A_1839 = arith.constant 0 : i32
        %lt3A_1840 = vector.broadcast %lt3A_1839 : i32 to vector<16xi32>
        %lt3A_1841 = arith.cmpi slt, %broadcast_in_dim3A_16, %lt3A_1840 : vector<16xi32>
        %add3A_1842 = arith.constant 16 : i32
        %add3A_1843 = vector.broadcast %add3A_1842 : i32 to vector<16xi32>
        %add3A_1844 = arith.addi %broadcast_in_dim3A_16, %add3A_1843 : vector<16xi32>
        %select_n3A_1845 = arith.select %lt3A_1841, %add3A_1844, %broadcast_in_dim3A_16 : vector<16xi1>, vector<16xi32>
        %broadcast_in_dim3A_1846 = vector.shape_cast %select_n3A_1845 : vector<16xi32> to vector<16x1xi32>
        %gather3A_1847 = vector.shape_cast %broadcast_in_dim3A_1846 : vector<16x1xi32> to vector<16xi32>
        %gather3A_1848 = tpu.dynamic_gather %get3A_1788[%gather3A_1847] in [0] : vector<16xf32>, vector<16xi32> -> vector<16xf32>
        %lt3A_1849 = arith.constant 0 : i32
        %lt3A_1850 = vector.broadcast %lt3A_1849 : i32 to vector<16xi32>
        %lt3A_1851 = arith.cmpi slt, %broadcast_in_dim3A_18, %lt3A_1850 : vector<16xi32>
        %add3A_1852 = arith.constant 16 : i32
        %add3A_1853 = vector.broadcast %add3A_1852 : i32 to vector<16xi32>
        %add3A_1854 = arith.addi %broadcast_in_dim3A_18, %add3A_1853 : vector<16xi32>
        %select_n3A_1855 = arith.select %lt3A_1851, %add3A_1854, %broadcast_in_dim3A_18 : vector<16xi1>, vector<16xi32>
        %broadcast_in_dim3A_1856 = vector.shape_cast %select_n3A_1855 : vector<16xi32> to vector<16x1xi32>
        %gather3A_1857 = vector.shape_cast %broadcast_in_dim3A_1856 : vector<16x1xi32> to vector<16xi32>
        %gather3A_1858 = tpu.dynamic_gather %get3A_1788[%gather3A_1857] in [0] : vector<16xf32>, vector<16xi32> -> vector<16xf32>
        %lt3A_1859 = arith.constant 0 : i32
        %lt3A_1860 = vector.broadcast %lt3A_1859 : i32 to vector<16xi32>
        %lt3A_1861 = arith.cmpi slt, %broadcast_in_dim3A_20, %lt3A_1860 : vector<16xi32>
        %add3A_1862 = arith.constant 16 : i32
        %add3A_1863 = vector.broadcast %add3A_1862 : i32 to vector<16xi32>
        %add3A_1864 = arith.addi %broadcast_in_dim3A_20, %add3A_1863 : vector<16xi32>
        %select_n3A_1865 = arith.select %lt3A_1861, %add3A_1864, %broadcast_in_dim3A_20 : vector<16xi1>, vector<16xi32>
        %broadcast_in_dim3A_1866 = vector.shape_cast %select_n3A_1865 : vector<16xi32> to vector<16x1xi32>
        %gather3A_1867 = vector.shape_cast %broadcast_in_dim3A_1866 : vector<16x1xi32> to vector<16xi32>
        %gather3A_1868 = tpu.dynamic_gather %get3A_1788[%gather3A_1867] in [0] : vector<16xf32>, vector<16xi32> -> vector<16xf32>
        %get3A_1869 = arith.constant 0 : i32
        %get3A_1870 = arith.index_cast %get3A_1869 : i32 to index
        %get3A_1871 = arith.index_cast %mul3A_1782 : i32 to index
        %get3A_1872 = arith.constant 0 : index
        %get3A_1873 = tpu.vector_load %arg8[%get3A_1870, %get3A_1871, %get3A_1872] {strides = array<i32>} : memref<2x392x32xf32, #tpu.memory_space<vmem>>, vector<16xf32>,
        %mul3A_1874 = arith.mulf %get3A_1873, %gather3A_1798 : vector<16xf32>
        %add3A_1875 = arith.constant 1 : i32
        %add3A_1876 = arith.addi %mul3A_1782, %add3A_1875 : i32
        %get3A_1877 = arith.constant 0 : i32
        %get3A_1878 = arith.index_cast %get3A_1877 : i32 to index
        %get3A_1879 = arith.index_cast %add3A_1876 : i32 to index
        %get3A_1880 = arith.constant 0 : index
        %get3A_1881 = tpu.vector_load %arg8[%get3A_1878, %get3A_1879, %get3A_1880] {strides = array<i32>} : memref<2x392x32xf32, #tpu.memory_space<vmem>>, vector<16xf32>,
        %mul3A_1882 = arith.mulf %get3A_1881, %gather3A_1808 : vector<16xf32>
        %add3A_1883 = arith.addf %mul3A_1874, %mul3A_1882 : vector<16xf32>
        %add3A_1884 = arith.constant 2 : i32
        %add3A_1885 = arith.addi %mul3A_1782, %add3A_1884 : i32
        %get3A_1886 = arith.constant 0 : i32
        %get3A_1887 = arith.index_cast %get3A_1886 : i32 to index
        %get3A_1888 = arith.index_cast %add3A_1885 : i32 to index
        %get3A_1889 = arith.constant 0 : index
        %get3A_1890 = tpu.vector_load %arg8[%get3A_1887, %get3A_1888, %get3A_1889] {strides = array<i32>} : memref<2x392x32xf32, #tpu.memory_space<vmem>>, vector<16xf32>,
        %mul3A_1891 = arith.mulf %get3A_1890, %gather3A_1818 : vector<16xf32>
        %add3A_1892 = arith.addf %add3A_1883, %mul3A_1891 : vector<16xf32>
        %add3A_1893 = arith.constant 3 : i32
        %add3A_1894 = arith.addi %mul3A_1782, %add3A_1893 : i32
        %get3A_1895 = arith.constant 0 : i32
        %get3A_1896 = arith.index_cast %get3A_1895 : i32 to index
        %get3A_1897 = arith.index_cast %add3A_1894 : i32 to index
        %get3A_1898 = arith.constant 0 : index
        %get3A_1899 = tpu.vector_load %arg8[%get3A_1896, %get3A_1897, %get3A_1898] {strides = array<i32>} : memref<2x392x32xf32, #tpu.memory_space<vmem>>, vector<16xf32>,
        %mul3A_1900 = arith.mulf %get3A_1899, %gather3A_1828 : vector<16xf32>
        %add3A_1901 = arith.addf %add3A_1892, %mul3A_1900 : vector<16xf32>
        %add3A_1902 = arith.constant 4 : i32
        %add3A_1903 = arith.addi %mul3A_1782, %add3A_1902 : i32
        %get3A_1904 = arith.constant 0 : i32
        %get3A_1905 = arith.index_cast %get3A_1904 : i32 to index
        %get3A_1906 = arith.index_cast %add3A_1903 : i32 to index
        %get3A_1907 = arith.constant 0 : index
        %get3A_1908 = tpu.vector_load %arg8[%get3A_1905, %get3A_1906, %get3A_1907] {strides = array<i32>} : memref<2x392x32xf32, #tpu.memory_space<vmem>>, vector<16xf32>,
        %mul3A_1909 = arith.mulf %get3A_1908, %gather3A_1838 : vector<16xf32>
        %add3A_1910 = arith.constant 5 : i32
        %add3A_1911 = arith.addi %mul3A_1782, %add3A_1910 : i32
        %get3A_1912 = arith.constant 0 : i32
        %get3A_1913 = arith.index_cast %get3A_1912 : i32 to index
        %get3A_1914 = arith.index_cast %add3A_1911 : i32 to index
        %get3A_1915 = arith.constant 0 : index
        %get3A_1916 = tpu.vector_load %arg8[%get3A_1913, %get3A_1914, %get3A_1915] {strides = array<i32>} : memref<2x392x32xf32, #tpu.memory_space<vmem>>, vector<16xf32>,
        %mul3A_1917 = arith.mulf %get3A_1916, %gather3A_1848 : vector<16xf32>
        %add3A_1918 = arith.addf %mul3A_1909, %mul3A_1917 : vector<16xf32>
        %add3A_1919 = arith.constant 6 : i32
        %add3A_1920 = arith.addi %mul3A_1782, %add3A_1919 : i32
        %get3A_1921 = arith.constant 0 : i32
        %get3A_1922 = arith.index_cast %get3A_1921 : i32 to index
        %get3A_1923 = arith.index_cast %add3A_1920 : i32 to index
        %get3A_1924 = arith.constant 0 : index
        %get3A_1925 = tpu.vector_load %arg8[%get3A_1922, %get3A_1923, %get3A_1924] {strides = array<i32>} : memref<2x392x32xf32, #tpu.memory_space<vmem>>, vector<16xf32>,
        %mul3A_1926 = arith.mulf %get3A_1925, %gather3A_1858 : vector<16xf32>
        %add3A_1927 = arith.addf %add3A_1918, %mul3A_1926 : vector<16xf32>
        %add3A_1928 = arith.constant 7 : i32
        %add3A_1929 = arith.addi %mul3A_1782, %add3A_1928 : i32
        %get3A_1930 = arith.constant 0 : i32
        %get3A_1931 = arith.index_cast %get3A_1930 : i32 to index
        %get3A_1932 = arith.index_cast %add3A_1929 : i32 to index
        %get3A_1933 = arith.constant 0 : index
        %get3A_1934 = tpu.vector_load %arg8[%get3A_1931, %get3A_1932, %get3A_1933] {strides = array<i32>} : memref<2x392x32xf32, #tpu.memory_space<vmem>>, vector<16xf32>,
        %mul3A_1935 = arith.mulf %get3A_1934, %gather3A_1868 : vector<16xf32>
        %add3A_1936 = arith.addf %add3A_1927, %mul3A_1935 : vector<16xf32>
        %add3A_1937 = arith.constant 0 : i32
        %add3A_1938 = vector.broadcast %add3A_1937 : i32 to vector<16xi32>
        %add3A_1939 = arith.addi %mul3A_5, %add3A_1938 : vector<16xi32>
        %add3A_1940 = vector.broadcast %scan3A_1780 : i32 to vector<16xi32>
        %add3A_1941 = arith.addi %add3A_1939, %add3A_1940 : vector<16xi32>
        %add3A_1942 = arith.addf %add3A_1901, %add3A_1936 : vector<16xf32>
        %scatter3A_1943 = arith.constant 0 : i32
        %scatter3A_1944 = arith.constant 0 : i32
        %scatter3A_1945 = arith.constant 0 : i32
        %scatter3A_1946 = tpu.memref_slice %arg9[%scatter3A_1943, %scatter3A_1944, %scatter3A_1945] : memref<2x1x1568xf32, #tpu.memory_space<vmem>> -> memref<1x1x1568xf32, #tpu.memory_space<vmem>>
        %scatter3A_1947 = tpu.memref_squeeze %scatter3A_1946 : memref<1x1x1568xf32, #tpu.memory_space<vmem>> -> memref<1568xf32, #tpu.memory_space<vmem>>
        tpu.vector_store_idx %scatter3A_1947[%add3A_1941], %add3A_1942 : memref<1568xf32, #tpu.memory_space<vmem>>[vector<16xi32>], vector<16xf32>,
        %get3A_1948 = arith.constant 0 : i32
        %get3A_1949 = arith.index_cast %get3A_1948 : i32 to index
        %get3A_1950 = arith.index_cast %mul3A_1782 : i32 to index
        %get3A_1951 = arith.constant 16 : index
        %get3A_1952 = tpu.vector_load %arg8[%get3A_1949, %get3A_1950, %get3A_1951] {strides = array<i32>} : memref<2x392x32xf32, #tpu.memory_space<vmem>>, vector<16xf32>,
        %mul3A_1953 = arith.mulf %get3A_1952, %gather3A_1798 : vector<16xf32>
        %add3A_1954 = arith.constant 1 : i32
        %add3A_1955 = arith.addi %mul3A_1782, %add3A_1954 : i32
        %get3A_1956 = arith.constant 0 : i32
        %get3A_1957 = arith.index_cast %get3A_1956 : i32 to index
        %get3A_1958 = arith.index_cast %add3A_1955 : i32 to index
        %get3A_1959 = arith.constant 16 : index
        %get3A_1960 = tpu.vector_load %arg8[%get3A_1957, %get3A_1958, %get3A_1959] {strides = array<i32>} : memref<2x392x32xf32, #tpu.memory_space<vmem>>, vector<16xf32>,
        %mul3A_1961 = arith.mulf %get3A_1960, %gather3A_1808 : vector<16xf32>
        %add3A_1962 = arith.addf %mul3A_1953, %mul3A_1961 : vector<16xf32>
        %add3A_1963 = arith.constant 2 : i32
        %add3A_1964 = arith.addi %mul3A_1782, %add3A_1963 : i32
        %get3A_1965 = arith.constant 0 : i32
        %get3A_1966 = arith.index_cast %get3A_1965 : i32 to index
        %get3A_1967 = arith.index_cast %add3A_1964 : i32 to index
        %get3A_1968 = arith.constant 16 : index
        %get3A_1969 = tpu.vector_load %arg8[%get3A_1966, %get3A_1967, %get3A_1968] {strides = array<i32>} : memref<2x392x32xf32, #tpu.memory_space<vmem>>, vector<16xf32>,
        %mul3A_1970 = arith.mulf %get3A_1969, %gather3A_1818 : vector<16xf32>
        %add3A_1971 = arith.addf %add3A_1962, %mul3A_1970 : vector<16xf32>
        %add3A_1972 = arith.constant 3 : i32
        %add3A_1973 = arith.addi %mul3A_1782, %add3A_1972 : i32
        %get3A_1974 = arith.constant 0 : i32
        %get3A_1975 = arith.index_cast %get3A_1974 : i32 to index
        %get3A_1976 = arith.index_cast %add3A_1973 : i32 to index
        %get3A_1977 = arith.constant 16 : index
        %get3A_1978 = tpu.vector_load %arg8[%get3A_1975, %get3A_1976, %get3A_1977] {strides = array<i32>} : memref<2x392x32xf32, #tpu.memory_space<vmem>>, vector<16xf32>,
        %mul3A_1979 = arith.mulf %get3A_1978, %gather3A_1828 : vector<16xf32>
        %add3A_1980 = arith.addf %add3A_1971, %mul3A_1979 : vector<16xf32>
        %add3A_1981 = arith.constant 4 : i32
        %add3A_1982 = arith.addi %mul3A_1782, %add3A_1981 : i32
        %get3A_1983 = arith.constant 0 : i32
        %get3A_1984 = arith.index_cast %get3A_1983 : i32 to index
        %get3A_1985 = arith.index_cast %add3A_1982 : i32 to index
        %get3A_1986 = arith.constant 16 : index
        %get3A_1987 = tpu.vector_load %arg8[%get3A_1984, %get3A_1985, %get3A_1986] {strides = array<i32>} : memref<2x392x32xf32, #tpu.memory_space<vmem>>, vector<16xf32>,
        %mul3A_1988 = arith.mulf %get3A_1987, %gather3A_1838 : vector<16xf32>
        %add3A_1989 = arith.constant 5 : i32
        %add3A_1990 = arith.addi %mul3A_1782, %add3A_1989 : i32
        %get3A_1991 = arith.constant 0 : i32
        %get3A_1992 = arith.index_cast %get3A_1991 : i32 to index
        %get3A_1993 = arith.index_cast %add3A_1990 : i32 to index
        %get3A_1994 = arith.constant 16 : index
        %get3A_1995 = tpu.vector_load %arg8[%get3A_1992, %get3A_1993, %get3A_1994] {strides = array<i32>} : memref<2x392x32xf32, #tpu.memory_space<vmem>>, vector<16xf32>,
        %mul3A_1996 = arith.mulf %get3A_1995, %gather3A_1848 : vector<16xf32>
        %add3A_1997 = arith.addf %mul3A_1988, %mul3A_1996 : vector<16xf32>
        %add3A_1998 = arith.constant 6 : i32
        %add3A_1999 = arith.addi %mul3A_1782, %add3A_1998 : i32
        %get3A_2000 = arith.constant 0 : i32
        %get3A_2001 = arith.index_cast %get3A_2000 : i32 to index
        %get3A_2002 = arith.index_cast %add3A_1999 : i32 to index
        %get3A_2003 = arith.constant 16 : index
        %get3A_2004 = tpu.vector_load %arg8[%get3A_2001, %get3A_2002, %get3A_2003] {strides = array<i32>} : memref<2x392x32xf32, #tpu.memory_space<vmem>>, vector<16xf32>,
        %mul3A_2005 = arith.mulf %get3A_2004, %gather3A_1858 : vector<16xf32>
        %add3A_2006 = arith.addf %add3A_1997, %mul3A_2005 : vector<16xf32>
        %add3A_2007 = arith.constant 7 : i32
        %add3A_2008 = arith.addi %mul3A_1782, %add3A_2007 : i32
        %get3A_2009 = arith.constant 0 : i32
        %get3A_2010 = arith.index_cast %get3A_2009 : i32 to index
        %get3A_2011 = arith.index_cast %add3A_2008 : i32 to index
        %get3A_2012 = arith.constant 16 : index
        %get3A_2013 = tpu.vector_load %arg8[%get3A_2010, %get3A_2011, %get3A_2012] {strides = array<i32>} : memref<2x392x32xf32, #tpu.memory_space<vmem>>, vector<16xf32>,
        %mul3A_2014 = arith.mulf %get3A_2013, %gather3A_1868 : vector<16xf32>
        %add3A_2015 = arith.addf %add3A_2006, %mul3A_2014 : vector<16xf32>
        %add3A_2016 = arith.constant 784 : i32
        %add3A_2017 = vector.broadcast %add3A_2016 : i32 to vector<16xi32>
        %add3A_2018 = arith.addi %mul3A_5, %add3A_2017 : vector<16xi32>
        %add3A_2019 = vector.broadcast %scan3A_1780 : i32 to vector<16xi32>
        %add3A_2020 = arith.addi %add3A_2018, %add3A_2019 : vector<16xi32>
        %add3A_2021 = arith.addf %add3A_1980, %add3A_2015 : vector<16xf32>
        %scatter3A_2022 = arith.constant 0 : i32
        %scatter3A_2023 = arith.constant 0 : i32
        %scatter3A_2024 = arith.constant 0 : i32
        %scatter3A_2025 = tpu.memref_slice %arg9[%scatter3A_2022, %scatter3A_2023, %scatter3A_2024] : memref<2x1x1568xf32, #tpu.memory_space<vmem>> -> memref<1x1x1568xf32, #tpu.memory_space<vmem>>
        %scatter3A_2026 = tpu.memref_squeeze %scatter3A_2025 : memref<1x1x1568xf32, #tpu.memory_space<vmem>> -> memref<1568xf32, #tpu.memory_space<vmem>>
        tpu.vector_store_idx %scatter3A_2026[%add3A_2020], %add3A_2021 : memref<1568xf32, #tpu.memory_space<vmem>>[vector<16xi32>], vector<16xf32>,
      }
      %scan3A_268 = arith.constant 49 : i32
      %add3A_269 = arith.addi %mul3A_2, %scan3A_26 : i32
      %dma_start3A_270 = arith.constant 0 : i32
      %dma_start3A_271 = arith.constant 0 : i32
      %dma_start3A_272 = arith.constant 0 : i32
      %dma_start3A_273 = tpu.memref_slice %arg9[%dma_start3A_270, %dma_start3A_271, %dma_start3A_272] : memref<2x1x1568xf32, #tpu.memory_space<vmem>> -> memref<1x1x1568xf32, #tpu.memory_space<vmem>>
      %dma_start3A_274 = tpu.memref_squeeze %dma_start3A_273 : memref<1x1x1568xf32, #tpu.memory_space<vmem>> -> memref<1x1568xf32, #tpu.memory_space<vmem>>
      %dma_start3A_275 = arith.constant 0 : i32
      %dma_start3A_276 = tpu.memref_slice %arg5[%add3A_269, %dma_start3A_275] : memref<5120x1568xf32, #tpu.memory_space<hbm>> -> memref<1x1568xf32, #tpu.memory_space<hbm>>
      %dma_start3A_277 = arith.constant 0 : i32
      %dma_start3A_278 = tpu.memref_slice %arg5[%add3A_269, %dma_start3A_277] : memref<5120x1568xf32, #tpu.memory_space<hbm>> -> memref<1x1568xf32, #tpu.memory_space<hbm>>
      %dma_start3A_279 = arith.constant 0 : i32
      %dma_start3A_280 = arith.constant 0 : i32
      %dma_start3A_281 = tpu.memref_slice %arg9[%dma_start3A_270, %dma_start3A_279, %dma_start3A_280] : memref<2x1x1568xf32, #tpu.memory_space<vmem>> -> memref<1x1x1568xf32, #tpu.memory_space<vmem>>
      %dma_start3A_282 = tpu.memref_squeeze %dma_start3A_281 : memref<1x1x1568xf32, #tpu.memory_space<vmem>> -> memref<1x1568xf32, #tpu.memory_space<vmem>>
      tpu.enqueue_dma source(%dma_start3A_282 : memref<1x1568xf32, #tpu.memory_space<vmem>>) target(%dma_start3A_278 : memref<1x1568xf32, #tpu.memory_space<hbm>>) target_semaphore(%arg14 : memref<!tpu.dma_semaphore, #tpu.memory_space<semaphore_mem>>)
      %add3A_283 = arith.addi %mul3A_2, %scan3A_26 : i32
      %dma_wait3A_284 = arith.constant 0 : i32
      %dma_wait3A_285 = arith.constant 0 : i32
      %dma_wait3A_286 = arith.constant 0 : i32
      %dma_wait3A_287 = tpu.memref_slice %arg9[%dma_wait3A_284, %dma_wait3A_285, %dma_wait3A_286] : memref<2x1x1568xf32, #tpu.memory_space<vmem>> -> memref<1x1x1568xf32, #tpu.memory_space<vmem>>
      %dma_wait3A_288 = tpu.memref_squeeze %dma_wait3A_287 : memref<1x1x1568xf32, #tpu.memory_space<vmem>> -> memref<1x1568xf32, #tpu.memory_space<vmem>>
      %dma_wait3A_289 = arith.constant 0 : i32
      %dma_wait3A_290 = tpu.memref_slice %arg5[%add3A_283, %dma_wait3A_289] : memref<5120x1568xf32, #tpu.memory_space<hbm>> -> memref<1x1568xf32, #tpu.memory_space<hbm>>
      %dma_wait3A_291 = arith.constant 0 : i32
      %dma_wait3A_292 = tpu.memref_slice %arg5[%add3A_283, %dma_wait3A_291] : memref<5120x1568xf32, #tpu.memory_space<hbm>> -> memref<1x1568xf32, #tpu.memory_space<hbm>>
      %dma_wait3A_293 = arith.constant 0 : i32
      %dma_wait3A_294 = arith.constant 0 : i32
      %dma_wait3A_295 = tpu.memref_slice %arg9[%dma_wait3A_284, %dma_wait3A_293, %dma_wait3A_294] : memref<2x1x1568xf32, #tpu.memory_space<vmem>> -> memref<1x1x1568xf32, #tpu.memory_space<vmem>>
      %dma_wait3A_296 = tpu.memref_squeeze %dma_wait3A_295 : memref<1x1x1568xf32, #tpu.memory_space<vmem>> -> memref<1x1568xf32, #tpu.memory_space<vmem>>
      tpu.wait_dma2 semaphore(%arg14 : memref<!tpu.dma_semaphore, #tpu.memory_space<semaphore_mem>>) src(%dma_wait3A_296 : memref<1x1568xf32, #tpu.memory_space<vmem>>) dst(%dma_wait3A_292 : memref<1x1568xf32, #tpu.memory_space<hbm>>)
    }
    %scan3A_25 = arith.constant 160 : i32
    return
  }
}

module attributes {stable_mosaic.version = 14 : i64} {
  func.func @_prep_body(%arg0: i32, %arg1: memref<6x8x640xf32, #tpu.memory_space<vmem>>, %arg2: memref<1x2xf32, #tpu.memory_space<vmem>>, %arg3: memref<1x56x8x640xi32, #tpu.memory_space<vmem>>, %arg4: memref<1x56x8x640xf32, #tpu.memory_space<vmem>>) attributes {dimension_semantics = [#tpu.dimension_semantics<arbitrary>], iteration_bounds = array<i64: 7>, scalar_prefetch = 0 : i64, scratch_operands = 0 : i64, tpu.core_type = #tpu.core_type<tc>, window_params = [{pipeline_mode = #tpu.pipeline_mode<synchronous>, transform_indices = @transform_0, window_bounds = array<i64: 6, 8, 640>}, {pipeline_mode = #tpu.pipeline_mode<synchronous>, transform_indices = @transform_1, window_bounds = array<i64: 1, 2>}, {transform_indices = @transform_2, window_bounds = array<i64: 1, 56, 8, 640>}, {transform_indices = @transform_3, window_bounds = array<i64: 1, 56, 8, 640>}]} {
    %get3A = arith.constant 0 : index
    %get3A_0 = arith.constant 0 : index
    %get3A_1 = arith.constant 0 : index
    %get3A_2 = vector.load %arg1[%get3A, %get3A_0, %get3A_1] : memref<6x8x640xf32, #tpu.memory_space<vmem>>, vector<1x8x640xf32>
    %get3A_3 = vector.shape_cast %get3A_2 : vector<1x8x640xf32> to vector<8x640xf32>
    %get3A_4 = arith.constant 1 : index
    %get3A_5 = arith.constant 0 : index
    %get3A_6 = arith.constant 0 : index
    %get3A_7 = vector.load %arg1[%get3A_4, %get3A_5, %get3A_6] : memref<6x8x640xf32, #tpu.memory_space<vmem>>, vector<1x8x640xf32>
    %get3A_8 = vector.shape_cast %get3A_7 : vector<1x8x640xf32> to vector<8x640xf32>
    %get3A_9 = arith.constant 2 : index
    %get3A_10 = arith.constant 0 : index
    %get3A_11 = arith.constant 0 : index
    %get3A_12 = vector.load %arg1[%get3A_9, %get3A_10, %get3A_11] : memref<6x8x640xf32, #tpu.memory_space<vmem>>, vector<1x8x640xf32>
    %get3A_13 = vector.shape_cast %get3A_12 : vector<1x8x640xf32> to vector<8x640xf32>
    %get3A_14 = arith.constant 3 : index
    %get3A_15 = arith.constant 0 : index
    %get3A_16 = arith.constant 0 : index
    %get3A_17 = vector.load %arg1[%get3A_14, %get3A_15, %get3A_16] : memref<6x8x640xf32, #tpu.memory_space<vmem>>, vector<1x8x640xf32>
    %get3A_18 = vector.shape_cast %get3A_17 : vector<1x8x640xf32> to vector<8x640xf32>
    %get3A_19 = arith.constant 4 : index
    %get3A_20 = arith.constant 0 : index
    %get3A_21 = arith.constant 0 : index
    %get3A_22 = vector.load %arg1[%get3A_19, %get3A_20, %get3A_21] : memref<6x8x640xf32, #tpu.memory_space<vmem>>, vector<1x8x640xf32>
    %get3A_23 = vector.shape_cast %get3A_22 : vector<1x8x640xf32> to vector<8x640xf32>
    %get3A_24 = arith.constant 5 : index
    %get3A_25 = arith.constant 0 : index
    %get3A_26 = arith.constant 0 : index
    %get3A_27 = vector.load %arg1[%get3A_24, %get3A_25, %get3A_26] : memref<6x8x640xf32, #tpu.memory_space<vmem>>, vector<1x8x640xf32>
    %get3A_28 = vector.shape_cast %get3A_27 : vector<1x8x640xf32> to vector<8x640xf32>
    %get3A_29 = arith.constant 0 : index
    %get3A_30 = arith.constant 0 : index
    %get3A_31 = vector.load %arg2[%get3A_29, %get3A_30] : memref<1x2xf32, #tpu.memory_space<vmem>>, vector<1x1xf32>
    %get3A_32 = vector.extract %get3A_31[0, 0] : f32 from vector<1x1xf32>
    %get3A_33 = arith.constant 0 : index
    %get3A_34 = arith.constant 1 : index
    %get3A_35 = vector.load %arg2[%get3A_33, %get3A_34] : memref<1x2xf32, #tpu.memory_space<vmem>>, vector<1x1xf32>
    %get3A_36 = vector.extract %get3A_35[0, 0] : f32 from vector<1x1xf32>
    %add3A = arith.addf %get3A_32, %get3A_36 : f32
    %div3A = arith.divf %get3A_32, %add3A : f32
    %add3A_37 = arith.addf %get3A_32, %get3A_36 : f32
    %div3A_38 = arith.divf %get3A_36, %add3A_37 : f32
    %div3A_39 = arith.constant 2.000000e+00 : f32
    %div3A_40 = vector.broadcast %div3A_39 : f32 to vector<8x640xf32>
    %div3A_41 = arith.divf %get3A_18, %div3A_40 : vector<8x640xf32>
    %sub3A = arith.subf %get3A_3, %div3A_41 : vector<8x640xf32>
    %sub3A_42 = arith.constant -4.000000e+01 : f32
    %sub3A_43 = vector.broadcast %sub3A_42 : f32 to vector<8x640xf32>
    %sub3A_44 = arith.subf %sub3A, %sub3A_43 : vector<8x640xf32>
    %div3A_45 = arith.constant 8.000000e+01 : f32
    %div3A_46 = vector.broadcast %div3A_45 : f32 to vector<8x640xf32>
    %div3A_47 = arith.divf %sub3A_44, %div3A_46 : vector<8x640xf32>
    %mul3A = arith.constant 2.000000e+02 : f32
    %mul3A_48 = vector.broadcast %mul3A : f32 to vector<8x640xf32>
    %mul3A_49 = arith.mulf %div3A_47, %mul3A_48 : vector<8x640xf32>
    %jit3A = arith.constant 0.000000e+00 : f32
    %jit3A_50 = arith.constant 1.990000e+02 : f32
    %max3A = vector.broadcast %jit3A : f32 to vector<8x640xf32>
    %max3A_51 = arith.maximumf %max3A, %mul3A_49 : vector<8x640xf32>
    %min3A = vector.broadcast %jit3A_50 : f32 to vector<8x640xf32>
    %min3A_52 = arith.minimumf %min3A, %max3A_51 : vector<8x640xf32>
    %div3A_53 = arith.constant 2.000000e+00 : f32
    %div3A_54 = vector.broadcast %div3A_53 : f32 to vector<8x640xf32>
    %div3A_55 = arith.divf %get3A_18, %div3A_54 : vector<8x640xf32>
    %add3A_56 = arith.addf %get3A_3, %div3A_55 : vector<8x640xf32>
    %sub3A_57 = arith.constant -4.000000e+01 : f32
    %sub3A_58 = vector.broadcast %sub3A_57 : f32 to vector<8x640xf32>
    %sub3A_59 = arith.subf %add3A_56, %sub3A_58 : vector<8x640xf32>
    %div3A_60 = arith.constant 8.000000e+01 : f32
    %div3A_61 = vector.broadcast %div3A_60 : f32 to vector<8x640xf32>
    %div3A_62 = arith.divf %sub3A_59, %div3A_61 : vector<8x640xf32>
    %mul3A_63 = arith.constant 2.000000e+02 : f32
    %mul3A_64 = vector.broadcast %mul3A_63 : f32 to vector<8x640xf32>
    %mul3A_65 = arith.mulf %div3A_62, %mul3A_64 : vector<8x640xf32>
    %jit3A_66 = arith.constant 0.000000e+00 : f32
    %jit3A_67 = arith.constant 1.990000e+02 : f32
    %max3A_68 = vector.broadcast %jit3A_66 : f32 to vector<8x640xf32>
    %max3A_69 = arith.maximumf %max3A_68, %mul3A_65 : vector<8x640xf32>
    %min3A_70 = vector.broadcast %jit3A_67 : f32 to vector<8x640xf32>
    %min3A_71 = arith.minimumf %min3A_70, %max3A_69 : vector<8x640xf32>
    %div3A_72 = arith.constant 2.000000e+00 : f32
    %div3A_73 = vector.broadcast %div3A_72 : f32 to vector<8x640xf32>
    %div3A_74 = arith.divf %get3A_28, %div3A_73 : vector<8x640xf32>
    %sub3A_75 = arith.subf %get3A_13, %div3A_74 : vector<8x640xf32>
    %sub3A_76 = arith.constant 0.000000e+00 : f32
    %sub3A_77 = vector.broadcast %sub3A_76 : f32 to vector<8x640xf32>
    %sub3A_78 = arith.subf %sub3A_75, %sub3A_77 : vector<8x640xf32>
    %div3A_79 = arith.constant 7.000000e+01 : f32
    %div3A_80 = vector.broadcast %div3A_79 : f32 to vector<8x640xf32>
    %div3A_81 = arith.divf %sub3A_78, %div3A_80 : vector<8x640xf32>
    %mul3A_82 = arith.constant 1.750000e+02 : f32
    %mul3A_83 = vector.broadcast %mul3A_82 : f32 to vector<8x640xf32>
    %mul3A_84 = arith.mulf %div3A_81, %mul3A_83 : vector<8x640xf32>
    %jit3A_85 = arith.constant 0.000000e+00 : f32
    %jit3A_86 = arith.constant 1.740000e+02 : f32
    %max3A_87 = vector.broadcast %jit3A_85 : f32 to vector<8x640xf32>
    %max3A_88 = arith.maximumf %max3A_87, %mul3A_84 : vector<8x640xf32>
    %min3A_89 = vector.broadcast %jit3A_86 : f32 to vector<8x640xf32>
    %min3A_90 = arith.minimumf %min3A_89, %max3A_88 : vector<8x640xf32>
    %div3A_91 = arith.constant 2.000000e+00 : f32
    %div3A_92 = vector.broadcast %div3A_91 : f32 to vector<8x640xf32>
    %div3A_93 = arith.divf %get3A_28, %div3A_92 : vector<8x640xf32>
    %add3A_94 = arith.addf %get3A_13, %div3A_93 : vector<8x640xf32>
    %sub3A_95 = arith.constant 0.000000e+00 : f32
    %sub3A_96 = vector.broadcast %sub3A_95 : f32 to vector<8x640xf32>
    %sub3A_97 = arith.subf %add3A_94, %sub3A_96 : vector<8x640xf32>
    %div3A_98 = arith.constant 7.000000e+01 : f32
    %div3A_99 = vector.broadcast %div3A_98 : f32 to vector<8x640xf32>
    %div3A_100 = arith.divf %sub3A_97, %div3A_99 : vector<8x640xf32>
    %mul3A_101 = arith.constant 1.750000e+02 : f32
    %mul3A_102 = vector.broadcast %mul3A_101 : f32 to vector<8x640xf32>
    %mul3A_103 = arith.mulf %div3A_100, %mul3A_102 : vector<8x640xf32>
    %jit3A_104 = arith.constant 0.000000e+00 : f32
    %jit3A_105 = arith.constant 1.740000e+02 : f32
    %max3A_106 = vector.broadcast %jit3A_104 : f32 to vector<8x640xf32>
    %max3A_107 = arith.maximumf %max3A_106, %mul3A_103 : vector<8x640xf32>
    %min3A_108 = vector.broadcast %jit3A_105 : f32 to vector<8x640xf32>
    %min3A_109 = arith.minimumf %min3A_108, %max3A_107 : vector<8x640xf32>
    %div3A_110 = arith.constant 2.000000e+00 : f32
    %div3A_111 = vector.broadcast %div3A_110 : f32 to vector<8x640xf32>
    %div3A_112 = arith.divf %get3A_28, %div3A_111 : vector<8x640xf32>
    %sub3A_113 = arith.subf %get3A_13, %div3A_112 : vector<8x640xf32>
    %max3A_114 = arith.constant 1.000000e+00 : f32
    %max3A_115 = vector.broadcast %max3A_114 : f32 to vector<8x640xf32>
    %max3A_116 = arith.maximumf %sub3A_113, %max3A_115 : vector<8x640xf32>
    %div3A_117 = arith.constant 2.000000e+00 : f32
    %div3A_118 = vector.broadcast %div3A_117 : f32 to vector<8x640xf32>
    %div3A_119 = arith.divf %get3A_18, %div3A_118 : vector<8x640xf32>
    %sub3A_120 = arith.subf %get3A_3, %div3A_119 : vector<8x640xf32>
    %mul3A_121 = arith.constant 1.800000e+02 : f32
    %mul3A_122 = vector.broadcast %mul3A_121 : f32 to vector<8x640xf32>
    %mul3A_123 = arith.mulf %mul3A_122, %sub3A_120 : vector<8x640xf32>
    %div3A_124 = arith.divf %mul3A_123, %max3A_116 : vector<8x640xf32>
    %add3A_125 = arith.constant 1.500000e+02 : f32
    %add3A_126 = vector.broadcast %add3A_125 : f32 to vector<8x640xf32>
    %add3A_127 = arith.addf %div3A_124, %add3A_126 : vector<8x640xf32>
    %div3A_128 = arith.constant 2.000000e+00 : f32
    %div3A_129 = vector.broadcast %div3A_128 : f32 to vector<8x640xf32>
    %div3A_130 = arith.divf %get3A_18, %div3A_129 : vector<8x640xf32>
    %add3A_131 = arith.addf %get3A_3, %div3A_130 : vector<8x640xf32>
    %mul3A_132 = arith.constant 1.800000e+02 : f32
    %mul3A_133 = vector.broadcast %mul3A_132 : f32 to vector<8x640xf32>
    %mul3A_134 = arith.mulf %mul3A_133, %add3A_131 : vector<8x640xf32>
    %div3A_135 = arith.divf %mul3A_134, %max3A_116 : vector<8x640xf32>
    %add3A_136 = arith.constant 1.500000e+02 : f32
    %add3A_137 = vector.broadcast %add3A_136 : f32 to vector<8x640xf32>
    %add3A_138 = arith.addf %div3A_135, %add3A_137 : vector<8x640xf32>
    %div3A_139 = arith.constant 2.000000e+00 : f32
    %div3A_140 = vector.broadcast %div3A_139 : f32 to vector<8x640xf32>
    %div3A_141 = arith.divf %get3A_23, %div3A_140 : vector<8x640xf32>
    %sub3A_142 = arith.subf %get3A_8, %div3A_141 : vector<8x640xf32>
    %mul3A_143 = arith.constant 1.800000e+02 : f32
    %mul3A_144 = vector.broadcast %mul3A_143 : f32 to vector<8x640xf32>
    %mul3A_145 = arith.mulf %mul3A_144, %sub3A_142 : vector<8x640xf32>
    %div3A_146 = arith.divf %mul3A_145, %max3A_116 : vector<8x640xf32>
    %add3A_147 = arith.constant 4.500000e+01 : f32
    %add3A_148 = vector.broadcast %add3A_147 : f32 to vector<8x640xf32>
    %add3A_149 = arith.addf %div3A_146, %add3A_148 : vector<8x640xf32>
    %div3A_150 = arith.constant 2.000000e+00 : f32
    %div3A_151 = vector.broadcast %div3A_150 : f32 to vector<8x640xf32>
    %div3A_152 = arith.divf %get3A_23, %div3A_151 : vector<8x640xf32>
    %add3A_153 = arith.addf %get3A_8, %div3A_152 : vector<8x640xf32>
    %mul3A_154 = arith.constant 1.800000e+02 : f32
    %mul3A_155 = vector.broadcast %mul3A_154 : f32 to vector<8x640xf32>
    %mul3A_156 = arith.mulf %mul3A_155, %add3A_153 : vector<8x640xf32>
    %div3A_157 = arith.divf %mul3A_156, %max3A_116 : vector<8x640xf32>
    %add3A_158 = arith.constant 4.500000e+01 : f32
    %add3A_159 = vector.broadcast %add3A_158 : f32 to vector<8x640xf32>
    %add3A_160 = arith.addf %div3A_157, %add3A_159 : vector<8x640xf32>
    %min3A_161 = arith.minimumf %add3A_127, %add3A_138 : vector<8x640xf32>
    %jit3A_162 = arith.constant 0.000000e+00 : f32
    %jit3A_163 = arith.constant 2.990000e+02 : f32
    %max3A_164 = vector.broadcast %jit3A_162 : f32 to vector<8x640xf32>
    %max3A_165 = arith.maximumf %max3A_164, %min3A_161 : vector<8x640xf32>
    %min3A_166 = vector.broadcast %jit3A_163 : f32 to vector<8x640xf32>
    %min3A_167 = arith.minimumf %min3A_166, %max3A_165 : vector<8x640xf32>
    %max3A_168 = arith.maximumf %add3A_127, %add3A_138 : vector<8x640xf32>
    %jit3A_169 = arith.constant 0.000000e+00 : f32
    %jit3A_170 = arith.constant 2.990000e+02 : f32
    %max3A_171 = vector.broadcast %jit3A_169 : f32 to vector<8x640xf32>
    %max3A_172 = arith.maximumf %max3A_171, %max3A_168 : vector<8x640xf32>
    %min3A_173 = vector.broadcast %jit3A_170 : f32 to vector<8x640xf32>
    %min3A_174 = arith.minimumf %min3A_173, %max3A_172 : vector<8x640xf32>
    %min3A_175 = arith.minimumf %add3A_149, %add3A_160 : vector<8x640xf32>
    %jit3A_176 = arith.constant 0.000000e+00 : f32
    %jit3A_177 = arith.constant 8.900000e+01 : f32
    %max3A_178 = vector.broadcast %jit3A_176 : f32 to vector<8x640xf32>
    %max3A_179 = arith.maximumf %max3A_178, %min3A_175 : vector<8x640xf32>
    %min3A_180 = vector.broadcast %jit3A_177 : f32 to vector<8x640xf32>
    %min3A_181 = arith.minimumf %min3A_180, %max3A_179 : vector<8x640xf32>
    %max3A_182 = arith.maximumf %add3A_149, %add3A_160 : vector<8x640xf32>
    %jit3A_183 = arith.constant 0.000000e+00 : f32
    %jit3A_184 = arith.constant 8.900000e+01 : f32
    %max3A_185 = vector.broadcast %jit3A_183 : f32 to vector<8x640xf32>
    %max3A_186 = arith.maximumf %max3A_185, %max3A_182 : vector<8x640xf32>
    %min3A_187 = vector.broadcast %jit3A_184 : f32 to vector<8x640xf32>
    %min3A_188 = arith.minimumf %min3A_187, %max3A_186 : vector<8x640xf32>
    %convert_element_type3A = arith.sitofp %arg0 : i32 to f32
    %add3A_189 = arith.constant 5.000000e-01 : f32
    %add3A_190 = arith.addf %convert_element_type3A, %add3A_189 : f32
    %sub3A_191 = arith.subf %min3A_174, %min3A_167 : vector<8x640xf32>
    %div3A_192 = arith.constant 7.000000e+00 : f32
    %div3A_193 = vector.broadcast %div3A_192 : f32 to vector<8x640xf32>
    %div3A_194 = arith.divf %sub3A_191, %div3A_193 : vector<8x640xf32>
    %sub3A_195 = arith.subf %min3A_188, %min3A_181 : vector<8x640xf32>
    %div3A_196 = arith.constant 7.000000e+00 : f32
    %div3A_197 = vector.broadcast %div3A_196 : f32 to vector<8x640xf32>
    %div3A_198 = arith.divf %sub3A_195, %div3A_197 : vector<8x640xf32>
    %mul3A_199 = arith.constant 5.000000e-01 : f32
    %mul3A_200 = vector.broadcast %mul3A_199 : f32 to vector<8x640xf32>
    %mul3A_201 = arith.mulf %mul3A_200, %div3A_194 : vector<8x640xf32>
    %add3A_202 = arith.addf %min3A_167, %mul3A_201 : vector<8x640xf32>
    %sub3A_203 = arith.constant 5.000000e-01 : f32
    %sub3A_204 = vector.broadcast %sub3A_203 : f32 to vector<8x640xf32>
    %sub3A_205 = arith.subf %add3A_202, %sub3A_204 : vector<8x640xf32>
    %mul3A_206 = vector.broadcast %add3A_190 : f32 to vector<8x640xf32>
    %mul3A_207 = arith.mulf %mul3A_206, %div3A_198 : vector<8x640xf32>
    %add3A_208 = arith.addf %min3A_181, %mul3A_207 : vector<8x640xf32>
    %sub3A_209 = arith.constant 5.000000e-01 : f32
    %sub3A_210 = vector.broadcast %sub3A_209 : f32 to vector<8x640xf32>
    %sub3A_211 = arith.subf %add3A_208, %sub3A_210 : vector<8x640xf32>
    %floor3A = math.floor %sub3A_205 : vector<8x640xf32>
    %floor3A_212 = math.floor %sub3A_211 : vector<8x640xf32>
    %sub3A_213 = arith.subf %sub3A_205, %floor3A : vector<8x640xf32>
    %sub3A_214 = arith.subf %sub3A_211, %floor3A_212 : vector<8x640xf32>
    %convert_element_type3A_215 = arith.fptosi %floor3A : vector<8x640xf32> to vector<8x640xi32>
    %jit3A_216 = arith.constant 0 : i32
    %jit3A_217 = arith.constant 299 : i32
    %max3A_218 = vector.broadcast %jit3A_216 : i32 to vector<8x640xi32>
    %max3A_219 = arith.maxsi %max3A_218, %convert_element_type3A_215 : vector<8x640xi32>
    %min3A_220 = vector.broadcast %jit3A_217 : i32 to vector<8x640xi32>
    %min3A_221 = arith.minsi %min3A_220, %max3A_219 : vector<8x640xi32>
    %add3A_222 = arith.constant 1 : i32
    %add3A_223 = vector.broadcast %add3A_222 : i32 to vector<8x640xi32>
    %add3A_224 = arith.addi %min3A_221, %add3A_223 : vector<8x640xi32>
    %jit3A_225 = arith.constant 0 : i32
    %jit3A_226 = arith.constant 299 : i32
    %max3A_227 = vector.broadcast %jit3A_225 : i32 to vector<8x640xi32>
    %max3A_228 = arith.maxsi %max3A_227, %add3A_224 : vector<8x640xi32>
    %min3A_229 = vector.broadcast %jit3A_226 : i32 to vector<8x640xi32>
    %min3A_230 = arith.minsi %min3A_229, %max3A_228 : vector<8x640xi32>
    %convert_element_type3A_231 = arith.fptosi %floor3A_212 : vector<8x640xf32> to vector<8x640xi32>
    %jit3A_232 = arith.constant 0 : i32
    %jit3A_233 = arith.constant 89 : i32
    %max3A_234 = vector.broadcast %jit3A_232 : i32 to vector<8x640xi32>
    %max3A_235 = arith.maxsi %max3A_234, %convert_element_type3A_231 : vector<8x640xi32>
    %min3A_236 = vector.broadcast %jit3A_233 : i32 to vector<8x640xi32>
    %min3A_237 = arith.minsi %min3A_236, %max3A_235 : vector<8x640xi32>
    %add3A_238 = arith.constant 1 : i32
    %add3A_239 = vector.broadcast %add3A_238 : i32 to vector<8x640xi32>
    %add3A_240 = arith.addi %min3A_237, %add3A_239 : vector<8x640xi32>
    %jit3A_241 = arith.constant 0 : i32
    %jit3A_242 = arith.constant 89 : i32
    %max3A_243 = vector.broadcast %jit3A_241 : i32 to vector<8x640xi32>
    %max3A_244 = arith.maxsi %max3A_243, %add3A_240 : vector<8x640xi32>
    %min3A_245 = vector.broadcast %jit3A_242 : i32 to vector<8x640xi32>
    %min3A_246 = arith.minsi %min3A_245, %max3A_244 : vector<8x640xi32>
    %mul3A_247 = arith.constant 300 : i32
    %mul3A_248 = vector.broadcast %mul3A_247 : i32 to vector<8x640xi32>
    %mul3A_249 = arith.muli %min3A_237, %mul3A_248 : vector<8x640xi32>
    %add3A_250 = arith.constant 0 : i32
    %add3A_251 = vector.broadcast %add3A_250 : i32 to vector<8x640xi32>
    %add3A_252 = arith.addi %add3A_251, %mul3A_249 : vector<8x640xi32>
    %add3A_253 = arith.addi %add3A_252, %min3A_221 : vector<8x640xi32>
    %mul3A_254 = arith.constant 300 : i32
    %mul3A_255 = vector.broadcast %mul3A_254 : i32 to vector<8x640xi32>
    %mul3A_256 = arith.muli %min3A_237, %mul3A_255 : vector<8x640xi32>
    %add3A_257 = arith.constant 0 : i32
    %add3A_258 = vector.broadcast %add3A_257 : i32 to vector<8x640xi32>
    %add3A_259 = arith.addi %add3A_258, %mul3A_256 : vector<8x640xi32>
    %add3A_260 = arith.addi %add3A_259, %min3A_230 : vector<8x640xi32>
    %mul3A_261 = arith.constant 300 : i32
    %mul3A_262 = vector.broadcast %mul3A_261 : i32 to vector<8x640xi32>
    %mul3A_263 = arith.muli %min3A_246, %mul3A_262 : vector<8x640xi32>
    %add3A_264 = arith.constant 0 : i32
    %add3A_265 = vector.broadcast %add3A_264 : i32 to vector<8x640xi32>
    %add3A_266 = arith.addi %add3A_265, %mul3A_263 : vector<8x640xi32>
    %add3A_267 = arith.addi %add3A_266, %min3A_221 : vector<8x640xi32>
    %mul3A_268 = arith.constant 300 : i32
    %mul3A_269 = vector.broadcast %mul3A_268 : i32 to vector<8x640xi32>
    %mul3A_270 = arith.muli %min3A_246, %mul3A_269 : vector<8x640xi32>
    %add3A_271 = arith.constant 0 : i32
    %add3A_272 = vector.broadcast %add3A_271 : i32 to vector<8x640xi32>
    %add3A_273 = arith.addi %add3A_272, %mul3A_270 : vector<8x640xi32>
    %add3A_274 = arith.addi %add3A_273, %min3A_230 : vector<8x640xi32>
    %sub3A_275 = arith.constant 1.000000e+00 : f32
    %sub3A_276 = vector.broadcast %sub3A_275 : f32 to vector<8x640xf32>
    %sub3A_277 = arith.subf %sub3A_276, %sub3A_214 : vector<8x640xf32>
    %sub3A_278 = arith.constant 1.000000e+00 : f32
    %sub3A_279 = vector.broadcast %sub3A_278 : f32 to vector<8x640xf32>
    %sub3A_280 = arith.subf %sub3A_279, %sub3A_213 : vector<8x640xf32>
    %mul3A_281 = arith.mulf %sub3A_277, %sub3A_280 : vector<8x640xf32>
    %mul3A_282 = vector.broadcast %div3A : f32 to vector<8x640xf32>
    %mul3A_283 = arith.mulf %mul3A_281, %mul3A_282 : vector<8x640xf32>
    %sub3A_284 = arith.constant 1.000000e+00 : f32
    %sub3A_285 = vector.broadcast %sub3A_284 : f32 to vector<8x640xf32>
    %sub3A_286 = arith.subf %sub3A_285, %sub3A_214 : vector<8x640xf32>
    %mul3A_287 = arith.mulf %sub3A_286, %sub3A_213 : vector<8x640xf32>
    %mul3A_288 = vector.broadcast %div3A : f32 to vector<8x640xf32>
    %mul3A_289 = arith.mulf %mul3A_287, %mul3A_288 : vector<8x640xf32>
    %sub3A_290 = arith.constant 1.000000e+00 : f32
    %sub3A_291 = vector.broadcast %sub3A_290 : f32 to vector<8x640xf32>
    %sub3A_292 = arith.subf %sub3A_291, %sub3A_213 : vector<8x640xf32>
    %mul3A_293 = arith.mulf %sub3A_214, %sub3A_292 : vector<8x640xf32>
    %mul3A_294 = vector.broadcast %div3A : f32 to vector<8x640xf32>
    %mul3A_295 = arith.mulf %mul3A_293, %mul3A_294 : vector<8x640xf32>
    %mul3A_296 = arith.mulf %sub3A_214, %sub3A_213 : vector<8x640xf32>
    %mul3A_297 = vector.broadcast %div3A : f32 to vector<8x640xf32>
    %mul3A_298 = arith.mulf %mul3A_296, %mul3A_297 : vector<8x640xf32>
    %sub3A_299 = arith.subf %min3A_71, %min3A_52 : vector<8x640xf32>
    %div3A_300 = arith.constant 7.000000e+00 : f32
    %div3A_301 = vector.broadcast %div3A_300 : f32 to vector<8x640xf32>
    %div3A_302 = arith.divf %sub3A_299, %div3A_301 : vector<8x640xf32>
    %sub3A_303 = arith.subf %min3A_109, %min3A_90 : vector<8x640xf32>
    %div3A_304 = arith.constant 7.000000e+00 : f32
    %div3A_305 = vector.broadcast %div3A_304 : f32 to vector<8x640xf32>
    %div3A_306 = arith.divf %sub3A_303, %div3A_305 : vector<8x640xf32>
    %mul3A_307 = arith.constant 5.000000e-01 : f32
    %mul3A_308 = vector.broadcast %mul3A_307 : f32 to vector<8x640xf32>
    %mul3A_309 = arith.mulf %mul3A_308, %div3A_302 : vector<8x640xf32>
    %add3A_310 = arith.addf %min3A_52, %mul3A_309 : vector<8x640xf32>
    %sub3A_311 = arith.constant 5.000000e-01 : f32
    %sub3A_312 = vector.broadcast %sub3A_311 : f32 to vector<8x640xf32>
    %sub3A_313 = arith.subf %add3A_310, %sub3A_312 : vector<8x640xf32>
    %mul3A_314 = vector.broadcast %add3A_190 : f32 to vector<8x640xf32>
    %mul3A_315 = arith.mulf %mul3A_314, %div3A_306 : vector<8x640xf32>
    %add3A_316 = arith.addf %min3A_90, %mul3A_315 : vector<8x640xf32>
    %sub3A_317 = arith.constant 5.000000e-01 : f32
    %sub3A_318 = vector.broadcast %sub3A_317 : f32 to vector<8x640xf32>
    %sub3A_319 = arith.subf %add3A_316, %sub3A_318 : vector<8x640xf32>
    %floor3A_320 = math.floor %sub3A_313 : vector<8x640xf32>
    %floor3A_321 = math.floor %sub3A_319 : vector<8x640xf32>
    %sub3A_322 = arith.subf %sub3A_313, %floor3A_320 : vector<8x640xf32>
    %sub3A_323 = arith.subf %sub3A_319, %floor3A_321 : vector<8x640xf32>
    %convert_element_type3A_324 = arith.fptosi %floor3A_320 : vector<8x640xf32> to vector<8x640xi32>
    %jit3A_325 = arith.constant 0 : i32
    %jit3A_326 = arith.constant 199 : i32
    %max3A_327 = vector.broadcast %jit3A_325 : i32 to vector<8x640xi32>
    %max3A_328 = arith.maxsi %max3A_327, %convert_element_type3A_324 : vector<8x640xi32>
    %min3A_329 = vector.broadcast %jit3A_326 : i32 to vector<8x640xi32>
    %min3A_330 = arith.minsi %min3A_329, %max3A_328 : vector<8x640xi32>
    %add3A_331 = arith.constant 1 : i32
    %add3A_332 = vector.broadcast %add3A_331 : i32 to vector<8x640xi32>
    %add3A_333 = arith.addi %min3A_330, %add3A_332 : vector<8x640xi32>
    %jit3A_334 = arith.constant 0 : i32
    %jit3A_335 = arith.constant 199 : i32
    %max3A_336 = vector.broadcast %jit3A_334 : i32 to vector<8x640xi32>
    %max3A_337 = arith.maxsi %max3A_336, %add3A_333 : vector<8x640xi32>
    %min3A_338 = vector.broadcast %jit3A_335 : i32 to vector<8x640xi32>
    %min3A_339 = arith.minsi %min3A_338, %max3A_337 : vector<8x640xi32>
    %convert_element_type3A_340 = arith.fptosi %floor3A_321 : vector<8x640xf32> to vector<8x640xi32>
    %jit3A_341 = arith.constant 0 : i32
    %jit3A_342 = arith.constant 174 : i32
    %max3A_343 = vector.broadcast %jit3A_341 : i32 to vector<8x640xi32>
    %max3A_344 = arith.maxsi %max3A_343, %convert_element_type3A_340 : vector<8x640xi32>
    %min3A_345 = vector.broadcast %jit3A_342 : i32 to vector<8x640xi32>
    %min3A_346 = arith.minsi %min3A_345, %max3A_344 : vector<8x640xi32>
    %add3A_347 = arith.constant 1 : i32
    %add3A_348 = vector.broadcast %add3A_347 : i32 to vector<8x640xi32>
    %add3A_349 = arith.addi %min3A_346, %add3A_348 : vector<8x640xi32>
    %jit3A_350 = arith.constant 0 : i32
    %jit3A_351 = arith.constant 174 : i32
    %max3A_352 = vector.broadcast %jit3A_350 : i32 to vector<8x640xi32>
    %max3A_353 = arith.maxsi %max3A_352, %add3A_349 : vector<8x640xi32>
    %min3A_354 = vector.broadcast %jit3A_351 : i32 to vector<8x640xi32>
    %min3A_355 = arith.minsi %min3A_354, %max3A_353 : vector<8x640xi32>
    %mul3A_356 = arith.constant 200 : i32
    %mul3A_357 = vector.broadcast %mul3A_356 : i32 to vector<8x640xi32>
    %mul3A_358 = arith.muli %min3A_346, %mul3A_357 : vector<8x640xi32>
    %add3A_359 = arith.constant 27000 : i32
    %add3A_360 = vector.broadcast %add3A_359 : i32 to vector<8x640xi32>
    %add3A_361 = arith.addi %add3A_360, %mul3A_358 : vector<8x640xi32>
    %add3A_362 = arith.addi %add3A_361, %min3A_330 : vector<8x640xi32>
    %mul3A_363 = arith.constant 200 : i32
    %mul3A_364 = vector.broadcast %mul3A_363 : i32 to vector<8x640xi32>
    %mul3A_365 = arith.muli %min3A_346, %mul3A_364 : vector<8x640xi32>
    %add3A_366 = arith.constant 27000 : i32
    %add3A_367 = vector.broadcast %add3A_366 : i32 to vector<8x640xi32>
    %add3A_368 = arith.addi %add3A_367, %mul3A_365 : vector<8x640xi32>
    %add3A_369 = arith.addi %add3A_368, %min3A_339 : vector<8x640xi32>
    %mul3A_370 = arith.constant 200 : i32
    %mul3A_371 = vector.broadcast %mul3A_370 : i32 to vector<8x640xi32>
    %mul3A_372 = arith.muli %min3A_355, %mul3A_371 : vector<8x640xi32>
    %add3A_373 = arith.constant 27000 : i32
    %add3A_374 = vector.broadcast %add3A_373 : i32 to vector<8x640xi32>
    %add3A_375 = arith.addi %add3A_374, %mul3A_372 : vector<8x640xi32>
    %add3A_376 = arith.addi %add3A_375, %min3A_330 : vector<8x640xi32>
    %mul3A_377 = arith.constant 200 : i32
    %mul3A_378 = vector.broadcast %mul3A_377 : i32 to vector<8x640xi32>
    %mul3A_379 = arith.muli %min3A_355, %mul3A_378 : vector<8x640xi32>
    %add3A_380 = arith.constant 27000 : i32
    %add3A_381 = vector.broadcast %add3A_380 : i32 to vector<8x640xi32>
    %add3A_382 = arith.addi %add3A_381, %mul3A_379 : vector<8x640xi32>
    %add3A_383 = arith.addi %add3A_382, %min3A_339 : vector<8x640xi32>
    %sub3A_384 = arith.constant 1.000000e+00 : f32
    %sub3A_385 = vector.broadcast %sub3A_384 : f32 to vector<8x640xf32>
    %sub3A_386 = arith.subf %sub3A_385, %sub3A_323 : vector<8x640xf32>
    %sub3A_387 = arith.constant 1.000000e+00 : f32
    %sub3A_388 = vector.broadcast %sub3A_387 : f32 to vector<8x640xf32>
    %sub3A_389 = arith.subf %sub3A_388, %sub3A_322 : vector<8x640xf32>
    %mul3A_390 = arith.mulf %sub3A_386, %sub3A_389 : vector<8x640xf32>
    %mul3A_391 = vector.broadcast %div3A_38 : f32 to vector<8x640xf32>
    %mul3A_392 = arith.mulf %mul3A_390, %mul3A_391 : vector<8x640xf32>
    %sub3A_393 = arith.constant 1.000000e+00 : f32
    %sub3A_394 = vector.broadcast %sub3A_393 : f32 to vector<8x640xf32>
    %sub3A_395 = arith.subf %sub3A_394, %sub3A_323 : vector<8x640xf32>
    %mul3A_396 = arith.mulf %sub3A_395, %sub3A_322 : vector<8x640xf32>
    %mul3A_397 = vector.broadcast %div3A_38 : f32 to vector<8x640xf32>
    %mul3A_398 = arith.mulf %mul3A_396, %mul3A_397 : vector<8x640xf32>
    %sub3A_399 = arith.constant 1.000000e+00 : f32
    %sub3A_400 = vector.broadcast %sub3A_399 : f32 to vector<8x640xf32>
    %sub3A_401 = arith.subf %sub3A_400, %sub3A_322 : vector<8x640xf32>
    %mul3A_402 = arith.mulf %sub3A_323, %sub3A_401 : vector<8x640xf32>
    %mul3A_403 = vector.broadcast %div3A_38 : f32 to vector<8x640xf32>
    %mul3A_404 = arith.mulf %mul3A_402, %mul3A_403 : vector<8x640xf32>
    %mul3A_405 = arith.mulf %sub3A_323, %sub3A_322 : vector<8x640xf32>
    %mul3A_406 = vector.broadcast %div3A_38 : f32 to vector<8x640xf32>
    %mul3A_407 = arith.mulf %mul3A_405, %mul3A_406 : vector<8x640xf32>
    %swap3A = arith.constant 0 : index
    %swap3A_408 = arith.constant 0 : index
    %swap3A_409 = arith.constant 0 : index
    %swap3A_410 = arith.constant 0 : index
    %swap3A_411 = vector.load %arg3[%swap3A, %swap3A_408, %swap3A_409, %swap3A_410] : memref<1x56x8x640xi32, #tpu.memory_space<vmem>>, vector<1x1x8x640xi32>
    %swap3A_412 = vector.shape_cast %swap3A_411 : vector<1x1x8x640xi32> to vector<8x640xi32>
    %swap3A_413 = vector.shape_cast %add3A_253 : vector<8x640xi32> to vector<1x1x8x640xi32>
    tpu.vector_store %arg3[%swap3A, %swap3A_408, %swap3A_409, %swap3A_410], %swap3A_413 {strides = array<i32>} : memref<1x56x8x640xi32, #tpu.memory_space<vmem>>, vector<1x1x8x640xi32>,
    %swap3A_414 = arith.constant 0 : index
    %swap3A_415 = arith.constant 0 : index
    %swap3A_416 = arith.constant 0 : index
    %swap3A_417 = arith.constant 0 : index
    %swap3A_418 = vector.load %arg4[%swap3A_414, %swap3A_415, %swap3A_416, %swap3A_417] : memref<1x56x8x640xf32, #tpu.memory_space<vmem>>, vector<1x1x8x640xf32>
    %swap3A_419 = vector.shape_cast %swap3A_418 : vector<1x1x8x640xf32> to vector<8x640xf32>
    %swap3A_420 = vector.shape_cast %mul3A_283 : vector<8x640xf32> to vector<1x1x8x640xf32>
    tpu.vector_store %arg4[%swap3A_414, %swap3A_415, %swap3A_416, %swap3A_417], %swap3A_420 {strides = array<i32>} : memref<1x56x8x640xf32, #tpu.memory_space<vmem>>, vector<1x1x8x640xf32>,
    %swap3A_421 = arith.constant 0 : index
    %swap3A_422 = arith.constant 4 : index
    %swap3A_423 = arith.constant 0 : index
    %swap3A_424 = arith.constant 0 : index
    %swap3A_425 = vector.load %arg3[%swap3A_421, %swap3A_422, %swap3A_423, %swap3A_424] : memref<1x56x8x640xi32, #tpu.memory_space<vmem>>, vector<1x1x8x640xi32>
    %swap3A_426 = vector.shape_cast %swap3A_425 : vector<1x1x8x640xi32> to vector<8x640xi32>
    %swap3A_427 = vector.shape_cast %add3A_362 : vector<8x640xi32> to vector<1x1x8x640xi32>
    tpu.vector_store %arg3[%swap3A_421, %swap3A_422, %swap3A_423, %swap3A_424], %swap3A_427 {strides = array<i32>} : memref<1x56x8x640xi32, #tpu.memory_space<vmem>>, vector<1x1x8x640xi32>,
    %swap3A_428 = arith.constant 0 : index
    %swap3A_429 = arith.constant 4 : index
    %swap3A_430 = arith.constant 0 : index
    %swap3A_431 = arith.constant 0 : index
    %swap3A_432 = vector.load %arg4[%swap3A_428, %swap3A_429, %swap3A_430, %swap3A_431] : memref<1x56x8x640xf32, #tpu.memory_space<vmem>>, vector<1x1x8x640xf32>
    %swap3A_433 = vector.shape_cast %swap3A_432 : vector<1x1x8x640xf32> to vector<8x640xf32>
    %swap3A_434 = vector.shape_cast %mul3A_392 : vector<8x640xf32> to vector<1x1x8x640xf32>
    tpu.vector_store %arg4[%swap3A_428, %swap3A_429, %swap3A_430, %swap3A_431], %swap3A_434 {strides = array<i32>} : memref<1x56x8x640xf32, #tpu.memory_space<vmem>>, vector<1x1x8x640xf32>,
    %swap3A_435 = arith.constant 0 : index
    %swap3A_436 = arith.constant 1 : index
    %swap3A_437 = arith.constant 0 : index
    %swap3A_438 = arith.constant 0 : index
    %swap3A_439 = vector.load %arg3[%swap3A_435, %swap3A_436, %swap3A_437, %swap3A_438] : memref<1x56x8x640xi32, #tpu.memory_space<vmem>>, vector<1x1x8x640xi32>
    %swap3A_440 = vector.shape_cast %swap3A_439 : vector<1x1x8x640xi32> to vector<8x640xi32>
    %swap3A_441 = vector.shape_cast %add3A_260 : vector<8x640xi32> to vector<1x1x8x640xi32>
    tpu.vector_store %arg3[%swap3A_435, %swap3A_436, %swap3A_437, %swap3A_438], %swap3A_441 {strides = array<i32>} : memref<1x56x8x640xi32, #tpu.memory_space<vmem>>, vector<1x1x8x640xi32>,
    %swap3A_442 = arith.constant 0 : index
    %swap3A_443 = arith.constant 1 : index
    %swap3A_444 = arith.constant 0 : index
    %swap3A_445 = arith.constant 0 : index
    %swap3A_446 = vector.load %arg4[%swap3A_442, %swap3A_443, %swap3A_444, %swap3A_445] : memref<1x56x8x640xf32, #tpu.memory_space<vmem>>, vector<1x1x8x640xf32>
    %swap3A_447 = vector.shape_cast %swap3A_446 : vector<1x1x8x640xf32> to vector<8x640xf32>
    %swap3A_448 = vector.shape_cast %mul3A_289 : vector<8x640xf32> to vector<1x1x8x640xf32>
    tpu.vector_store %arg4[%swap3A_442, %swap3A_443, %swap3A_444, %swap3A_445], %swap3A_448 {strides = array<i32>} : memref<1x56x8x640xf32, #tpu.memory_space<vmem>>, vector<1x1x8x640xf32>,
    %swap3A_449 = arith.constant 0 : index
    %swap3A_450 = arith.constant 5 : index
    %swap3A_451 = arith.constant 0 : index
    %swap3A_452 = arith.constant 0 : index
    %swap3A_453 = vector.load %arg3[%swap3A_449, %swap3A_450, %swap3A_451, %swap3A_452] : memref<1x56x8x640xi32, #tpu.memory_space<vmem>>, vector<1x1x8x640xi32>
    %swap3A_454 = vector.shape_cast %swap3A_453 : vector<1x1x8x640xi32> to vector<8x640xi32>
    %swap3A_455 = vector.shape_cast %add3A_369 : vector<8x640xi32> to vector<1x1x8x640xi32>
    tpu.vector_store %arg3[%swap3A_449, %swap3A_450, %swap3A_451, %swap3A_452], %swap3A_455 {strides = array<i32>} : memref<1x56x8x640xi32, #tpu.memory_space<vmem>>, vector<1x1x8x640xi32>,
    %swap3A_456 = arith.constant 0 : index
    %swap3A_457 = arith.constant 5 : index
    %swap3A_458 = arith.constant 0 : index
    %swap3A_459 = arith.constant 0 : index
    %swap3A_460 = vector.load %arg4[%swap3A_456, %swap3A_457, %swap3A_458, %swap3A_459] : memref<1x56x8x640xf32, #tpu.memory_space<vmem>>, vector<1x1x8x640xf32>
    %swap3A_461 = vector.shape_cast %swap3A_460 : vector<1x1x8x640xf32> to vector<8x640xf32>
    %swap3A_462 = vector.shape_cast %mul3A_398 : vector<8x640xf32> to vector<1x1x8x640xf32>
    tpu.vector_store %arg4[%swap3A_456, %swap3A_457, %swap3A_458, %swap3A_459], %swap3A_462 {strides = array<i32>} : memref<1x56x8x640xf32, #tpu.memory_space<vmem>>, vector<1x1x8x640xf32>,
    %swap3A_463 = arith.constant 0 : index
    %swap3A_464 = arith.constant 2 : index
    %swap3A_465 = arith.constant 0 : index
    %swap3A_466 = arith.constant 0 : index
    %swap3A_467 = vector.load %arg3[%swap3A_463, %swap3A_464, %swap3A_465, %swap3A_466] : memref<1x56x8x640xi32, #tpu.memory_space<vmem>>, vector<1x1x8x640xi32>
    %swap3A_468 = vector.shape_cast %swap3A_467 : vector<1x1x8x640xi32> to vector<8x640xi32>
    %swap3A_469 = vector.shape_cast %add3A_267 : vector<8x640xi32> to vector<1x1x8x640xi32>
    tpu.vector_store %arg3[%swap3A_463, %swap3A_464, %swap3A_465, %swap3A_466], %swap3A_469 {strides = array<i32>} : memref<1x56x8x640xi32, #tpu.memory_space<vmem>>, vector<1x1x8x640xi32>,
    %swap3A_470 = arith.constant 0 : index
    %swap3A_471 = arith.constant 2 : index
    %swap3A_472 = arith.constant 0 : index
    %swap3A_473 = arith.constant 0 : index
    %swap3A_474 = vector.load %arg4[%swap3A_470, %swap3A_471, %swap3A_472, %swap3A_473] : memref<1x56x8x640xf32, #tpu.memory_space<vmem>>, vector<1x1x8x640xf32>
    %swap3A_475 = vector.shape_cast %swap3A_474 : vector<1x1x8x640xf32> to vector<8x640xf32>
    %swap3A_476 = vector.shape_cast %mul3A_295 : vector<8x640xf32> to vector<1x1x8x640xf32>
    tpu.vector_store %arg4[%swap3A_470, %swap3A_471, %swap3A_472, %swap3A_473], %swap3A_476 {strides = array<i32>} : memref<1x56x8x640xf32, #tpu.memory_space<vmem>>, vector<1x1x8x640xf32>,
    %swap3A_477 = arith.constant 0 : index
    %swap3A_478 = arith.constant 6 : index
    %swap3A_479 = arith.constant 0 : index
    %swap3A_480 = arith.constant 0 : index
    %swap3A_481 = vector.load %arg3[%swap3A_477, %swap3A_478, %swap3A_479, %swap3A_480] : memref<1x56x8x640xi32, #tpu.memory_space<vmem>>, vector<1x1x8x640xi32>
    %swap3A_482 = vector.shape_cast %swap3A_481 : vector<1x1x8x640xi32> to vector<8x640xi32>
    %swap3A_483 = vector.shape_cast %add3A_376 : vector<8x640xi32> to vector<1x1x8x640xi32>
    tpu.vector_store %arg3[%swap3A_477, %swap3A_478, %swap3A_479, %swap3A_480], %swap3A_483 {strides = array<i32>} : memref<1x56x8x640xi32, #tpu.memory_space<vmem>>, vector<1x1x8x640xi32>,
    %swap3A_484 = arith.constant 0 : index
    %swap3A_485 = arith.constant 6 : index
    %swap3A_486 = arith.constant 0 : index
    %swap3A_487 = arith.constant 0 : index
    %swap3A_488 = vector.load %arg4[%swap3A_484, %swap3A_485, %swap3A_486, %swap3A_487] : memref<1x56x8x640xf32, #tpu.memory_space<vmem>>, vector<1x1x8x640xf32>
    %swap3A_489 = vector.shape_cast %swap3A_488 : vector<1x1x8x640xf32> to vector<8x640xf32>
    %swap3A_490 = vector.shape_cast %mul3A_404 : vector<8x640xf32> to vector<1x1x8x640xf32>
    tpu.vector_store %arg4[%swap3A_484, %swap3A_485, %swap3A_486, %swap3A_487], %swap3A_490 {strides = array<i32>} : memref<1x56x8x640xf32, #tpu.memory_space<vmem>>, vector<1x1x8x640xf32>,
    %swap3A_491 = arith.constant 0 : index
    %swap3A_492 = arith.constant 3 : index
    %swap3A_493 = arith.constant 0 : index
    %swap3A_494 = arith.constant 0 : index
    %swap3A_495 = vector.load %arg3[%swap3A_491, %swap3A_492, %swap3A_493, %swap3A_494] : memref<1x56x8x640xi32, #tpu.memory_space<vmem>>, vector<1x1x8x640xi32>
    %swap3A_496 = vector.shape_cast %swap3A_495 : vector<1x1x8x640xi32> to vector<8x640xi32>
    %swap3A_497 = vector.shape_cast %add3A_274 : vector<8x640xi32> to vector<1x1x8x640xi32>
    tpu.vector_store %arg3[%swap3A_491, %swap3A_492, %swap3A_493, %swap3A_494], %swap3A_497 {strides = array<i32>} : memref<1x56x8x640xi32, #tpu.memory_space<vmem>>, vector<1x1x8x640xi32>,
    %swap3A_498 = arith.constant 0 : index
    %swap3A_499 = arith.constant 3 : index
    %swap3A_500 = arith.constant 0 : index
    %swap3A_501 = arith.constant 0 : index
    %swap3A_502 = vector.load %arg4[%swap3A_498, %swap3A_499, %swap3A_500, %swap3A_501] : memref<1x56x8x640xf32, #tpu.memory_space<vmem>>, vector<1x1x8x640xf32>
    %swap3A_503 = vector.shape_cast %swap3A_502 : vector<1x1x8x640xf32> to vector<8x640xf32>
    %swap3A_504 = vector.shape_cast %mul3A_298 : vector<8x640xf32> to vector<1x1x8x640xf32>
    tpu.vector_store %arg4[%swap3A_498, %swap3A_499, %swap3A_500, %swap3A_501], %swap3A_504 {strides = array<i32>} : memref<1x56x8x640xf32, #tpu.memory_space<vmem>>, vector<1x1x8x640xf32>,
    %swap3A_505 = arith.constant 0 : index
    %swap3A_506 = arith.constant 7 : index
    %swap3A_507 = arith.constant 0 : index
    %swap3A_508 = arith.constant 0 : index
    %swap3A_509 = vector.load %arg3[%swap3A_505, %swap3A_506, %swap3A_507, %swap3A_508] : memref<1x56x8x640xi32, #tpu.memory_space<vmem>>, vector<1x1x8x640xi32>
    %swap3A_510 = vector.shape_cast %swap3A_509 : vector<1x1x8x640xi32> to vector<8x640xi32>
    %swap3A_511 = vector.shape_cast %add3A_383 : vector<8x640xi32> to vector<1x1x8x640xi32>
    tpu.vector_store %arg3[%swap3A_505, %swap3A_506, %swap3A_507, %swap3A_508], %swap3A_511 {strides = array<i32>} : memref<1x56x8x640xi32, #tpu.memory_space<vmem>>, vector<1x1x8x640xi32>,
    %swap3A_512 = arith.constant 0 : index
    %swap3A_513 = arith.constant 7 : index
    %swap3A_514 = arith.constant 0 : index
    %swap3A_515 = arith.constant 0 : index
    %swap3A_516 = vector.load %arg4[%swap3A_512, %swap3A_513, %swap3A_514, %swap3A_515] : memref<1x56x8x640xf32, #tpu.memory_space<vmem>>, vector<1x1x8x640xf32>
    %swap3A_517 = vector.shape_cast %swap3A_516 : vector<1x1x8x640xf32> to vector<8x640xf32>
    %swap3A_518 = vector.shape_cast %mul3A_407 : vector<8x640xf32> to vector<1x1x8x640xf32>
    tpu.vector_store %arg4[%swap3A_512, %swap3A_513, %swap3A_514, %swap3A_515], %swap3A_518 {strides = array<i32>} : memref<1x56x8x640xf32, #tpu.memory_space<vmem>>, vector<1x1x8x640xf32>,
    %sub3A_519 = arith.subf %min3A_174, %min3A_167 : vector<8x640xf32>
    %div3A_520 = arith.constant 7.000000e+00 : f32
    %div3A_521 = vector.broadcast %div3A_520 : f32 to vector<8x640xf32>
    %div3A_522 = arith.divf %sub3A_519, %div3A_521 : vector<8x640xf32>
    %sub3A_523 = arith.subf %min3A_188, %min3A_181 : vector<8x640xf32>
    %div3A_524 = arith.constant 7.000000e+00 : f32
    %div3A_525 = vector.broadcast %div3A_524 : f32 to vector<8x640xf32>
    %div3A_526 = arith.divf %sub3A_523, %div3A_525 : vector<8x640xf32>
    %mul3A_527 = arith.constant 1.500000e+00 : f32
    %mul3A_528 = vector.broadcast %mul3A_527 : f32 to vector<8x640xf32>
    %mul3A_529 = arith.mulf %mul3A_528, %div3A_522 : vector<8x640xf32>
    %add3A_530 = arith.addf %min3A_167, %mul3A_529 : vector<8x640xf32>
    %sub3A_531 = arith.constant 5.000000e-01 : f32
    %sub3A_532 = vector.broadcast %sub3A_531 : f32 to vector<8x640xf32>
    %sub3A_533 = arith.subf %add3A_530, %sub3A_532 : vector<8x640xf32>
    %mul3A_534 = vector.broadcast %add3A_190 : f32 to vector<8x640xf32>
    %mul3A_535 = arith.mulf %mul3A_534, %div3A_526 : vector<8x640xf32>
    %add3A_536 = arith.addf %min3A_181, %mul3A_535 : vector<8x640xf32>
    %sub3A_537 = arith.constant 5.000000e-01 : f32
    %sub3A_538 = vector.broadcast %sub3A_537 : f32 to vector<8x640xf32>
    %sub3A_539 = arith.subf %add3A_536, %sub3A_538 : vector<8x640xf32>
    %floor3A_540 = math.floor %sub3A_533 : vector<8x640xf32>
    %floor3A_541 = math.floor %sub3A_539 : vector<8x640xf32>
    %sub3A_542 = arith.subf %sub3A_533, %floor3A_540 : vector<8x640xf32>
    %sub3A_543 = arith.subf %sub3A_539, %floor3A_541 : vector<8x640xf32>
    %convert_element_type3A_544 = arith.fptosi %floor3A_540 : vector<8x640xf32> to vector<8x640xi32>
    %jit3A_545 = arith.constant 0 : i32
    %jit3A_546 = arith.constant 299 : i32
    %max3A_547 = vector.broadcast %jit3A_545 : i32 to vector<8x640xi32>
    %max3A_548 = arith.maxsi %max3A_547, %convert_element_type3A_544 : vector<8x640xi32>
    %min3A_549 = vector.broadcast %jit3A_546 : i32 to vector<8x640xi32>
    %min3A_550 = arith.minsi %min3A_549, %max3A_548 : vector<8x640xi32>
    %add3A_551 = arith.constant 1 : i32
    %add3A_552 = vector.broadcast %add3A_551 : i32 to vector<8x640xi32>
    %add3A_553 = arith.addi %min3A_550, %add3A_552 : vector<8x640xi32>
    %jit3A_554 = arith.constant 0 : i32
    %jit3A_555 = arith.constant 299 : i32
    %max3A_556 = vector.broadcast %jit3A_554 : i32 to vector<8x640xi32>
    %max3A_557 = arith.maxsi %max3A_556, %add3A_553 : vector<8x640xi32>
    %min3A_558 = vector.broadcast %jit3A_555 : i32 to vector<8x640xi32>
    %min3A_559 = arith.minsi %min3A_558, %max3A_557 : vector<8x640xi32>
    %convert_element_type3A_560 = arith.fptosi %floor3A_541 : vector<8x640xf32> to vector<8x640xi32>
    %jit3A_561 = arith.constant 0 : i32
    %jit3A_562 = arith.constant 89 : i32
    %max3A_563 = vector.broadcast %jit3A_561 : i32 to vector<8x640xi32>
    %max3A_564 = arith.maxsi %max3A_563, %convert_element_type3A_560 : vector<8x640xi32>
    %min3A_565 = vector.broadcast %jit3A_562 : i32 to vector<8x640xi32>
    %min3A_566 = arith.minsi %min3A_565, %max3A_564 : vector<8x640xi32>
    %add3A_567 = arith.constant 1 : i32
    %add3A_568 = vector.broadcast %add3A_567 : i32 to vector<8x640xi32>
    %add3A_569 = arith.addi %min3A_566, %add3A_568 : vector<8x640xi32>
    %jit3A_570 = arith.constant 0 : i32
    %jit3A_571 = arith.constant 89 : i32
    %max3A_572 = vector.broadcast %jit3A_570 : i32 to vector<8x640xi32>
    %max3A_573 = arith.maxsi %max3A_572, %add3A_569 : vector<8x640xi32>
    %min3A_574 = vector.broadcast %jit3A_571 : i32 to vector<8x640xi32>
    %min3A_575 = arith.minsi %min3A_574, %max3A_573 : vector<8x640xi32>
    %mul3A_576 = arith.constant 300 : i32
    %mul3A_577 = vector.broadcast %mul3A_576 : i32 to vector<8x640xi32>
    %mul3A_578 = arith.muli %min3A_566, %mul3A_577 : vector<8x640xi32>
    %add3A_579 = arith.constant 0 : i32
    %add3A_580 = vector.broadcast %add3A_579 : i32 to vector<8x640xi32>
    %add3A_581 = arith.addi %add3A_580, %mul3A_578 : vector<8x640xi32>
    %add3A_582 = arith.addi %add3A_581, %min3A_550 : vector<8x640xi32>
    %mul3A_583 = arith.constant 300 : i32
    %mul3A_584 = vector.broadcast %mul3A_583 : i32 to vector<8x640xi32>
    %mul3A_585 = arith.muli %min3A_566, %mul3A_584 : vector<8x640xi32>
    %add3A_586 = arith.constant 0 : i32
    %add3A_587 = vector.broadcast %add3A_586 : i32 to vector<8x640xi32>
    %add3A_588 = arith.addi %add3A_587, %mul3A_585 : vector<8x640xi32>
    %add3A_589 = arith.addi %add3A_588, %min3A_559 : vector<8x640xi32>
    %mul3A_590 = arith.constant 300 : i32
    %mul3A_591 = vector.broadcast %mul3A_590 : i32 to vector<8x640xi32>
    %mul3A_592 = arith.muli %min3A_575, %mul3A_591 : vector<8x640xi32>
    %add3A_593 = arith.constant 0 : i32
    %add3A_594 = vector.broadcast %add3A_593 : i32 to vector<8x640xi32>
    %add3A_595 = arith.addi %add3A_594, %mul3A_592 : vector<8x640xi32>
    %add3A_596 = arith.addi %add3A_595, %min3A_550 : vector<8x640xi32>
    %mul3A_597 = arith.constant 300 : i32
    %mul3A_598 = vector.broadcast %mul3A_597 : i32 to vector<8x640xi32>
    %mul3A_599 = arith.muli %min3A_575, %mul3A_598 : vector<8x640xi32>
    %add3A_600 = arith.constant 0 : i32
    %add3A_601 = vector.broadcast %add3A_600 : i32 to vector<8x640xi32>
    %add3A_602 = arith.addi %add3A_601, %mul3A_599 : vector<8x640xi32>
    %add3A_603 = arith.addi %add3A_602, %min3A_559 : vector<8x640xi32>
    %sub3A_604 = arith.constant 1.000000e+00 : f32
    %sub3A_605 = vector.broadcast %sub3A_604 : f32 to vector<8x640xf32>
    %sub3A_606 = arith.subf %sub3A_605, %sub3A_543 : vector<8x640xf32>
    %sub3A_607 = arith.constant 1.000000e+00 : f32
    %sub3A_608 = vector.broadcast %sub3A_607 : f32 to vector<8x640xf32>
    %sub3A_609 = arith.subf %sub3A_608, %sub3A_542 : vector<8x640xf32>
    %mul3A_610 = arith.mulf %sub3A_606, %sub3A_609 : vector<8x640xf32>
    %mul3A_611 = vector.broadcast %div3A : f32 to vector<8x640xf32>
    %mul3A_612 = arith.mulf %mul3A_610, %mul3A_611 : vector<8x640xf32>
    %sub3A_613 = arith.constant 1.000000e+00 : f32
    %sub3A_614 = vector.broadcast %sub3A_613 : f32 to vector<8x640xf32>
    %sub3A_615 = arith.subf %sub3A_614, %sub3A_543 : vector<8x640xf32>
    %mul3A_616 = arith.mulf %sub3A_615, %sub3A_542 : vector<8x640xf32>
    %mul3A_617 = vector.broadcast %div3A : f32 to vector<8x640xf32>
    %mul3A_618 = arith.mulf %mul3A_616, %mul3A_617 : vector<8x640xf32>
    %sub3A_619 = arith.constant 1.000000e+00 : f32
    %sub3A_620 = vector.broadcast %sub3A_619 : f32 to vector<8x640xf32>
    %sub3A_621 = arith.subf %sub3A_620, %sub3A_542 : vector<8x640xf32>
    %mul3A_622 = arith.mulf %sub3A_543, %sub3A_621 : vector<8x640xf32>
    %mul3A_623 = vector.broadcast %div3A : f32 to vector<8x640xf32>
    %mul3A_624 = arith.mulf %mul3A_622, %mul3A_623 : vector<8x640xf32>
    %mul3A_625 = arith.mulf %sub3A_543, %sub3A_542 : vector<8x640xf32>
    %mul3A_626 = vector.broadcast %div3A : f32 to vector<8x640xf32>
    %mul3A_627 = arith.mulf %mul3A_625, %mul3A_626 : vector<8x640xf32>
    %sub3A_628 = arith.subf %min3A_71, %min3A_52 : vector<8x640xf32>
    %div3A_629 = arith.constant 7.000000e+00 : f32
    %div3A_630 = vector.broadcast %div3A_629 : f32 to vector<8x640xf32>
    %div3A_631 = arith.divf %sub3A_628, %div3A_630 : vector<8x640xf32>
    %sub3A_632 = arith.subf %min3A_109, %min3A_90 : vector<8x640xf32>
    %div3A_633 = arith.constant 7.000000e+00 : f32
    %div3A_634 = vector.broadcast %div3A_633 : f32 to vector<8x640xf32>
    %div3A_635 = arith.divf %sub3A_632, %div3A_634 : vector<8x640xf32>
    %mul3A_636 = arith.constant 1.500000e+00 : f32
    %mul3A_637 = vector.broadcast %mul3A_636 : f32 to vector<8x640xf32>
    %mul3A_638 = arith.mulf %mul3A_637, %div3A_631 : vector<8x640xf32>
    %add3A_639 = arith.addf %min3A_52, %mul3A_638 : vector<8x640xf32>
    %sub3A_640 = arith.constant 5.000000e-01 : f32
    %sub3A_641 = vector.broadcast %sub3A_640 : f32 to vector<8x640xf32>
    %sub3A_642 = arith.subf %add3A_639, %sub3A_641 : vector<8x640xf32>
    %mul3A_643 = vector.broadcast %add3A_190 : f32 to vector<8x640xf32>
    %mul3A_644 = arith.mulf %mul3A_643, %div3A_635 : vector<8x640xf32>
    %add3A_645 = arith.addf %min3A_90, %mul3A_644 : vector<8x640xf32>
    %sub3A_646 = arith.constant 5.000000e-01 : f32
    %sub3A_647 = vector.broadcast %sub3A_646 : f32 to vector<8x640xf32>
    %sub3A_648 = arith.subf %add3A_645, %sub3A_647 : vector<8x640xf32>
    %floor3A_649 = math.floor %sub3A_642 : vector<8x640xf32>
    %floor3A_650 = math.floor %sub3A_648 : vector<8x640xf32>
    %sub3A_651 = arith.subf %sub3A_642, %floor3A_649 : vector<8x640xf32>
    %sub3A_652 = arith.subf %sub3A_648, %floor3A_650 : vector<8x640xf32>
    %convert_element_type3A_653 = arith.fptosi %floor3A_649 : vector<8x640xf32> to vector<8x640xi32>
    %jit3A_654 = arith.constant 0 : i32
    %jit3A_655 = arith.constant 199 : i32
    %max3A_656 = vector.broadcast %jit3A_654 : i32 to vector<8x640xi32>
    %max3A_657 = arith.maxsi %max3A_656, %convert_element_type3A_653 : vector<8x640xi32>
    %min3A_658 = vector.broadcast %jit3A_655 : i32 to vector<8x640xi32>
    %min3A_659 = arith.minsi %min3A_658, %max3A_657 : vector<8x640xi32>
    %add3A_660 = arith.constant 1 : i32
    %add3A_661 = vector.broadcast %add3A_660 : i32 to vector<8x640xi32>
    %add3A_662 = arith.addi %min3A_659, %add3A_661 : vector<8x640xi32>
    %jit3A_663 = arith.constant 0 : i32
    %jit3A_664 = arith.constant 199 : i32
    %max3A_665 = vector.broadcast %jit3A_663 : i32 to vector<8x640xi32>
    %max3A_666 = arith.maxsi %max3A_665, %add3A_662 : vector<8x640xi32>
    %min3A_667 = vector.broadcast %jit3A_664 : i32 to vector<8x640xi32>
    %min3A_668 = arith.minsi %min3A_667, %max3A_666 : vector<8x640xi32>
    %convert_element_type3A_669 = arith.fptosi %floor3A_650 : vector<8x640xf32> to vector<8x640xi32>
    %jit3A_670 = arith.constant 0 : i32
    %jit3A_671 = arith.constant 174 : i32
    %max3A_672 = vector.broadcast %jit3A_670 : i32 to vector<8x640xi32>
    %max3A_673 = arith.maxsi %max3A_672, %convert_element_type3A_669 : vector<8x640xi32>
    %min3A_674 = vector.broadcast %jit3A_671 : i32 to vector<8x640xi32>
    %min3A_675 = arith.minsi %min3A_674, %max3A_673 : vector<8x640xi32>
    %add3A_676 = arith.constant 1 : i32
    %add3A_677 = vector.broadcast %add3A_676 : i32 to vector<8x640xi32>
    %add3A_678 = arith.addi %min3A_675, %add3A_677 : vector<8x640xi32>
    %jit3A_679 = arith.constant 0 : i32
    %jit3A_680 = arith.constant 174 : i32
    %max3A_681 = vector.broadcast %jit3A_679 : i32 to vector<8x640xi32>
    %max3A_682 = arith.maxsi %max3A_681, %add3A_678 : vector<8x640xi32>
    %min3A_683 = vector.broadcast %jit3A_680 : i32 to vector<8x640xi32>
    %min3A_684 = arith.minsi %min3A_683, %max3A_682 : vector<8x640xi32>
    %mul3A_685 = arith.constant 200 : i32
    %mul3A_686 = vector.broadcast %mul3A_685 : i32 to vector<8x640xi32>
    %mul3A_687 = arith.muli %min3A_675, %mul3A_686 : vector<8x640xi32>
    %add3A_688 = arith.constant 27000 : i32
    %add3A_689 = vector.broadcast %add3A_688 : i32 to vector<8x640xi32>
    %add3A_690 = arith.addi %add3A_689, %mul3A_687 : vector<8x640xi32>
    %add3A_691 = arith.addi %add3A_690, %min3A_659 : vector<8x640xi32>
    %mul3A_692 = arith.constant 200 : i32
    %mul3A_693 = vector.broadcast %mul3A_692 : i32 to vector<8x640xi32>
    %mul3A_694 = arith.muli %min3A_675, %mul3A_693 : vector<8x640xi32>
    %add3A_695 = arith.constant 27000 : i32
    %add3A_696 = vector.broadcast %add3A_695 : i32 to vector<8x640xi32>
    %add3A_697 = arith.addi %add3A_696, %mul3A_694 : vector<8x640xi32>
    %add3A_698 = arith.addi %add3A_697, %min3A_668 : vector<8x640xi32>
    %mul3A_699 = arith.constant 200 : i32
    %mul3A_700 = vector.broadcast %mul3A_699 : i32 to vector<8x640xi32>
    %mul3A_701 = arith.muli %min3A_684, %mul3A_700 : vector<8x640xi32>
    %add3A_702 = arith.constant 27000 : i32
    %add3A_703 = vector.broadcast %add3A_702 : i32 to vector<8x640xi32>
    %add3A_704 = arith.addi %add3A_703, %mul3A_701 : vector<8x640xi32>
    %add3A_705 = arith.addi %add3A_704, %min3A_659 : vector<8x640xi32>
    %mul3A_706 = arith.constant 200 : i32
    %mul3A_707 = vector.broadcast %mul3A_706 : i32 to vector<8x640xi32>
    %mul3A_708 = arith.muli %min3A_684, %mul3A_707 : vector<8x640xi32>
    %add3A_709 = arith.constant 27000 : i32
    %add3A_710 = vector.broadcast %add3A_709 : i32 to vector<8x640xi32>
    %add3A_711 = arith.addi %add3A_710, %mul3A_708 : vector<8x640xi32>
    %add3A_712 = arith.addi %add3A_711, %min3A_668 : vector<8x640xi32>
    %sub3A_713 = arith.constant 1.000000e+00 : f32
    %sub3A_714 = vector.broadcast %sub3A_713 : f32 to vector<8x640xf32>
    %sub3A_715 = arith.subf %sub3A_714, %sub3A_652 : vector<8x640xf32>
    %sub3A_716 = arith.constant 1.000000e+00 : f32
    %sub3A_717 = vector.broadcast %sub3A_716 : f32 to vector<8x640xf32>
    %sub3A_718 = arith.subf %sub3A_717, %sub3A_651 : vector<8x640xf32>
    %mul3A_719 = arith.mulf %sub3A_715, %sub3A_718 : vector<8x640xf32>
    %mul3A_720 = vector.broadcast %div3A_38 : f32 to vector<8x640xf32>
    %mul3A_721 = arith.mulf %mul3A_719, %mul3A_720 : vector<8x640xf32>
    %sub3A_722 = arith.constant 1.000000e+00 : f32
    %sub3A_723 = vector.broadcast %sub3A_722 : f32 to vector<8x640xf32>
    %sub3A_724 = arith.subf %sub3A_723, %sub3A_652 : vector<8x640xf32>
    %mul3A_725 = arith.mulf %sub3A_724, %sub3A_651 : vector<8x640xf32>
    %mul3A_726 = vector.broadcast %div3A_38 : f32 to vector<8x640xf32>
    %mul3A_727 = arith.mulf %mul3A_725, %mul3A_726 : vector<8x640xf32>
    %sub3A_728 = arith.constant 1.000000e+00 : f32
    %sub3A_729 = vector.broadcast %sub3A_728 : f32 to vector<8x640xf32>
    %sub3A_730 = arith.subf %sub3A_729, %sub3A_651 : vector<8x640xf32>
    %mul3A_731 = arith.mulf %sub3A_652, %sub3A_730 : vector<8x640xf32>
    %mul3A_732 = vector.broadcast %div3A_38 : f32 to vector<8x640xf32>
    %mul3A_733 = arith.mulf %mul3A_731, %mul3A_732 : vector<8x640xf32>
    %mul3A_734 = arith.mulf %sub3A_652, %sub3A_651 : vector<8x640xf32>
    %mul3A_735 = vector.broadcast %div3A_38 : f32 to vector<8x640xf32>
    %mul3A_736 = arith.mulf %mul3A_734, %mul3A_735 : vector<8x640xf32>
    %swap3A_737 = arith.constant 0 : index
    %swap3A_738 = arith.constant 8 : index
    %swap3A_739 = arith.constant 0 : index
    %swap3A_740 = arith.constant 0 : index
    %swap3A_741 = vector.load %arg3[%swap3A_737, %swap3A_738, %swap3A_739, %swap3A_740] : memref<1x56x8x640xi32, #tpu.memory_space<vmem>>, vector<1x1x8x640xi32>
    %swap3A_742 = vector.shape_cast %swap3A_741 : vector<1x1x8x640xi32> to vector<8x640xi32>
    %swap3A_743 = vector.shape_cast %add3A_582 : vector<8x640xi32> to vector<1x1x8x640xi32>
    tpu.vector_store %arg3[%swap3A_737, %swap3A_738, %swap3A_739, %swap3A_740], %swap3A_743 {strides = array<i32>} : memref<1x56x8x640xi32, #tpu.memory_space<vmem>>, vector<1x1x8x640xi32>,
    %swap3A_744 = arith.constant 0 : index
    %swap3A_745 = arith.constant 8 : index
    %swap3A_746 = arith.constant 0 : index
    %swap3A_747 = arith.constant 0 : index
    %swap3A_748 = vector.load %arg4[%swap3A_744, %swap3A_745, %swap3A_746, %swap3A_747] : memref<1x56x8x640xf32, #tpu.memory_space<vmem>>, vector<1x1x8x640xf32>
    %swap3A_749 = vector.shape_cast %swap3A_748 : vector<1x1x8x640xf32> to vector<8x640xf32>
    %swap3A_750 = vector.shape_cast %mul3A_612 : vector<8x640xf32> to vector<1x1x8x640xf32>
    tpu.vector_store %arg4[%swap3A_744, %swap3A_745, %swap3A_746, %swap3A_747], %swap3A_750 {strides = array<i32>} : memref<1x56x8x640xf32, #tpu.memory_space<vmem>>, vector<1x1x8x640xf32>,
    %swap3A_751 = arith.constant 0 : index
    %swap3A_752 = arith.constant 12 : index
    %swap3A_753 = arith.constant 0 : index
    %swap3A_754 = arith.constant 0 : index
    %swap3A_755 = vector.load %arg3[%swap3A_751, %swap3A_752, %swap3A_753, %swap3A_754] : memref<1x56x8x640xi32, #tpu.memory_space<vmem>>, vector<1x1x8x640xi32>
    %swap3A_756 = vector.shape_cast %swap3A_755 : vector<1x1x8x640xi32> to vector<8x640xi32>
    %swap3A_757 = vector.shape_cast %add3A_691 : vector<8x640xi32> to vector<1x1x8x640xi32>
    tpu.vector_store %arg3[%swap3A_751, %swap3A_752, %swap3A_753, %swap3A_754], %swap3A_757 {strides = array<i32>} : memref<1x56x8x640xi32, #tpu.memory_space<vmem>>, vector<1x1x8x640xi32>,
    %swap3A_758 = arith.constant 0 : index
    %swap3A_759 = arith.constant 12 : index
    %swap3A_760 = arith.constant 0 : index
    %swap3A_761 = arith.constant 0 : index
    %swap3A_762 = vector.load %arg4[%swap3A_758, %swap3A_759, %swap3A_760, %swap3A_761] : memref<1x56x8x640xf32, #tpu.memory_space<vmem>>, vector<1x1x8x640xf32>
    %swap3A_763 = vector.shape_cast %swap3A_762 : vector<1x1x8x640xf32> to vector<8x640xf32>
    %swap3A_764 = vector.shape_cast %mul3A_721 : vector<8x640xf32> to vector<1x1x8x640xf32>
    tpu.vector_store %arg4[%swap3A_758, %swap3A_759, %swap3A_760, %swap3A_761], %swap3A_764 {strides = array<i32>} : memref<1x56x8x640xf32, #tpu.memory_space<vmem>>, vector<1x1x8x640xf32>,
    %swap3A_765 = arith.constant 0 : index
    %swap3A_766 = arith.constant 9 : index
    %swap3A_767 = arith.constant 0 : index
    %swap3A_768 = arith.constant 0 : index
    %swap3A_769 = vector.load %arg3[%swap3A_765, %swap3A_766, %swap3A_767, %swap3A_768] : memref<1x56x8x640xi32, #tpu.memory_space<vmem>>, vector<1x1x8x640xi32>
    %swap3A_770 = vector.shape_cast %swap3A_769 : vector<1x1x8x640xi32> to vector<8x640xi32>
    %swap3A_771 = vector.shape_cast %add3A_589 : vector<8x640xi32> to vector<1x1x8x640xi32>
    tpu.vector_store %arg3[%swap3A_765, %swap3A_766, %swap3A_767, %swap3A_768], %swap3A_771 {strides = array<i32>} : memref<1x56x8x640xi32, #tpu.memory_space<vmem>>, vector<1x1x8x640xi32>,
    %swap3A_772 = arith.constant 0 : index
    %swap3A_773 = arith.constant 9 : index
    %swap3A_774 = arith.constant 0 : index
    %swap3A_775 = arith.constant 0 : index
    %swap3A_776 = vector.load %arg4[%swap3A_772, %swap3A_773, %swap3A_774, %swap3A_775] : memref<1x56x8x640xf32, #tpu.memory_space<vmem>>, vector<1x1x8x640xf32>
    %swap3A_777 = vector.shape_cast %swap3A_776 : vector<1x1x8x640xf32> to vector<8x640xf32>
    %swap3A_778 = vector.shape_cast %mul3A_618 : vector<8x640xf32> to vector<1x1x8x640xf32>
    tpu.vector_store %arg4[%swap3A_772, %swap3A_773, %swap3A_774, %swap3A_775], %swap3A_778 {strides = array<i32>} : memref<1x56x8x640xf32, #tpu.memory_space<vmem>>, vector<1x1x8x640xf32>,
    %swap3A_779 = arith.constant 0 : index
    %swap3A_780 = arith.constant 13 : index
    %swap3A_781 = arith.constant 0 : index
    %swap3A_782 = arith.constant 0 : index
    %swap3A_783 = vector.load %arg3[%swap3A_779, %swap3A_780, %swap3A_781, %swap3A_782] : memref<1x56x8x640xi32, #tpu.memory_space<vmem>>, vector<1x1x8x640xi32>
    %swap3A_784 = vector.shape_cast %swap3A_783 : vector<1x1x8x640xi32> to vector<8x640xi32>
    %swap3A_785 = vector.shape_cast %add3A_698 : vector<8x640xi32> to vector<1x1x8x640xi32>
    tpu.vector_store %arg3[%swap3A_779, %swap3A_780, %swap3A_781, %swap3A_782], %swap3A_785 {strides = array<i32>} : memref<1x56x8x640xi32, #tpu.memory_space<vmem>>, vector<1x1x8x640xi32>,
    %swap3A_786 = arith.constant 0 : index
    %swap3A_787 = arith.constant 13 : index
    %swap3A_788 = arith.constant 0 : index
    %swap3A_789 = arith.constant 0 : index
    %swap3A_790 = vector.load %arg4[%swap3A_786, %swap3A_787, %swap3A_788, %swap3A_789] : memref<1x56x8x640xf32, #tpu.memory_space<vmem>>, vector<1x1x8x640xf32>
    %swap3A_791 = vector.shape_cast %swap3A_790 : vector<1x1x8x640xf32> to vector<8x640xf32>
    %swap3A_792 = vector.shape_cast %mul3A_727 : vector<8x640xf32> to vector<1x1x8x640xf32>
    tpu.vector_store %arg4[%swap3A_786, %swap3A_787, %swap3A_788, %swap3A_789], %swap3A_792 {strides = array<i32>} : memref<1x56x8x640xf32, #tpu.memory_space<vmem>>, vector<1x1x8x640xf32>,
    %swap3A_793 = arith.constant 0 : index
    %swap3A_794 = arith.constant 10 : index
    %swap3A_795 = arith.constant 0 : index
    %swap3A_796 = arith.constant 0 : index
    %swap3A_797 = vector.load %arg3[%swap3A_793, %swap3A_794, %swap3A_795, %swap3A_796] : memref<1x56x8x640xi32, #tpu.memory_space<vmem>>, vector<1x1x8x640xi32>
    %swap3A_798 = vector.shape_cast %swap3A_797 : vector<1x1x8x640xi32> to vector<8x640xi32>
    %swap3A_799 = vector.shape_cast %add3A_596 : vector<8x640xi32> to vector<1x1x8x640xi32>
    tpu.vector_store %arg3[%swap3A_793, %swap3A_794, %swap3A_795, %swap3A_796], %swap3A_799 {strides = array<i32>} : memref<1x56x8x640xi32, #tpu.memory_space<vmem>>, vector<1x1x8x640xi32>,
    %swap3A_800 = arith.constant 0 : index
    %swap3A_801 = arith.constant 10 : index
    %swap3A_802 = arith.constant 0 : index
    %swap3A_803 = arith.constant 0 : index
    %swap3A_804 = vector.load %arg4[%swap3A_800, %swap3A_801, %swap3A_802, %swap3A_803] : memref<1x56x8x640xf32, #tpu.memory_space<vmem>>, vector<1x1x8x640xf32>
    %swap3A_805 = vector.shape_cast %swap3A_804 : vector<1x1x8x640xf32> to vector<8x640xf32>
    %swap3A_806 = vector.shape_cast %mul3A_624 : vector<8x640xf32> to vector<1x1x8x640xf32>
    tpu.vector_store %arg4[%swap3A_800, %swap3A_801, %swap3A_802, %swap3A_803], %swap3A_806 {strides = array<i32>} : memref<1x56x8x640xf32, #tpu.memory_space<vmem>>, vector<1x1x8x640xf32>,
    %swap3A_807 = arith.constant 0 : index
    %swap3A_808 = arith.constant 14 : index
    %swap3A_809 = arith.constant 0 : index
    %swap3A_810 = arith.constant 0 : index
    %swap3A_811 = vector.load %arg3[%swap3A_807, %swap3A_808, %swap3A_809, %swap3A_810] : memref<1x56x8x640xi32, #tpu.memory_space<vmem>>, vector<1x1x8x640xi32>
    %swap3A_812 = vector.shape_cast %swap3A_811 : vector<1x1x8x640xi32> to vector<8x640xi32>
    %swap3A_813 = vector.shape_cast %add3A_705 : vector<8x640xi32> to vector<1x1x8x640xi32>
    tpu.vector_store %arg3[%swap3A_807, %swap3A_808, %swap3A_809, %swap3A_810], %swap3A_813 {strides = array<i32>} : memref<1x56x8x640xi32, #tpu.memory_space<vmem>>, vector<1x1x8x640xi32>,
    %swap3A_814 = arith.constant 0 : index
    %swap3A_815 = arith.constant 14 : index
    %swap3A_816 = arith.constant 0 : index
    %swap3A_817 = arith.constant 0 : index
    %swap3A_818 = vector.load %arg4[%swap3A_814, %swap3A_815, %swap3A_816, %swap3A_817] : memref<1x56x8x640xf32, #tpu.memory_space<vmem>>, vector<1x1x8x640xf32>
    %swap3A_819 = vector.shape_cast %swap3A_818 : vector<1x1x8x640xf32> to vector<8x640xf32>
    %swap3A_820 = vector.shape_cast %mul3A_733 : vector<8x640xf32> to vector<1x1x8x640xf32>
    tpu.vector_store %arg4[%swap3A_814, %swap3A_815, %swap3A_816, %swap3A_817], %swap3A_820 {strides = array<i32>} : memref<1x56x8x640xf32, #tpu.memory_space<vmem>>, vector<1x1x8x640xf32>,
    %swap3A_821 = arith.constant 0 : index
    %swap3A_822 = arith.constant 11 : index
    %swap3A_823 = arith.constant 0 : index
    %swap3A_824 = arith.constant 0 : index
    %swap3A_825 = vector.load %arg3[%swap3A_821, %swap3A_822, %swap3A_823, %swap3A_824] : memref<1x56x8x640xi32, #tpu.memory_space<vmem>>, vector<1x1x8x640xi32>
    %swap3A_826 = vector.shape_cast %swap3A_825 : vector<1x1x8x640xi32> to vector<8x640xi32>
    %swap3A_827 = vector.shape_cast %add3A_603 : vector<8x640xi32> to vector<1x1x8x640xi32>
    tpu.vector_store %arg3[%swap3A_821, %swap3A_822, %swap3A_823, %swap3A_824], %swap3A_827 {strides = array<i32>} : memref<1x56x8x640xi32, #tpu.memory_space<vmem>>, vector<1x1x8x640xi32>,
    %swap3A_828 = arith.constant 0 : index
    %swap3A_829 = arith.constant 11 : index
    %swap3A_830 = arith.constant 0 : index
    %swap3A_831 = arith.constant 0 : index
    %swap3A_832 = vector.load %arg4[%swap3A_828, %swap3A_829, %swap3A_830, %swap3A_831] : memref<1x56x8x640xf32, #tpu.memory_space<vmem>>, vector<1x1x8x640xf32>
    %swap3A_833 = vector.shape_cast %swap3A_832 : vector<1x1x8x640xf32> to vector<8x640xf32>
    %swap3A_834 = vector.shape_cast %mul3A_627 : vector<8x640xf32> to vector<1x1x8x640xf32>
    tpu.vector_store %arg4[%swap3A_828, %swap3A_829, %swap3A_830, %swap3A_831], %swap3A_834 {strides = array<i32>} : memref<1x56x8x640xf32, #tpu.memory_space<vmem>>, vector<1x1x8x640xf32>,
    %swap3A_835 = arith.constant 0 : index
    %swap3A_836 = arith.constant 15 : index
    %swap3A_837 = arith.constant 0 : index
    %swap3A_838 = arith.constant 0 : index
    %swap3A_839 = vector.load %arg3[%swap3A_835, %swap3A_836, %swap3A_837, %swap3A_838] : memref<1x56x8x640xi32, #tpu.memory_space<vmem>>, vector<1x1x8x640xi32>
    %swap3A_840 = vector.shape_cast %swap3A_839 : vector<1x1x8x640xi32> to vector<8x640xi32>
    %swap3A_841 = vector.shape_cast %add3A_712 : vector<8x640xi32> to vector<1x1x8x640xi32>
    tpu.vector_store %arg3[%swap3A_835, %swap3A_836, %swap3A_837, %swap3A_838], %swap3A_841 {strides = array<i32>} : memref<1x56x8x640xi32, #tpu.memory_space<vmem>>, vector<1x1x8x640xi32>,
    %swap3A_842 = arith.constant 0 : index
    %swap3A_843 = arith.constant 15 : index
    %swap3A_844 = arith.constant 0 : index
    %swap3A_845 = arith.constant 0 : index
    %swap3A_846 = vector.load %arg4[%swap3A_842, %swap3A_843, %swap3A_844, %swap3A_845] : memref<1x56x8x640xf32, #tpu.memory_space<vmem>>, vector<1x1x8x640xf32>
    %swap3A_847 = vector.shape_cast %swap3A_846 : vector<1x1x8x640xf32> to vector<8x640xf32>
    %swap3A_848 = vector.shape_cast %mul3A_736 : vector<8x640xf32> to vector<1x1x8x640xf32>
    tpu.vector_store %arg4[%swap3A_842, %swap3A_843, %swap3A_844, %swap3A_845], %swap3A_848 {strides = array<i32>} : memref<1x56x8x640xf32, #tpu.memory_space<vmem>>, vector<1x1x8x640xf32>,
    %sub3A_849 = arith.subf %min3A_174, %min3A_167 : vector<8x640xf32>
    %div3A_850 = arith.constant 7.000000e+00 : f32
    %div3A_851 = vector.broadcast %div3A_850 : f32 to vector<8x640xf32>
    %div3A_852 = arith.divf %sub3A_849, %div3A_851 : vector<8x640xf32>
    %sub3A_853 = arith.subf %min3A_188, %min3A_181 : vector<8x640xf32>
    %div3A_854 = arith.constant 7.000000e+00 : f32
    %div3A_855 = vector.broadcast %div3A_854 : f32 to vector<8x640xf32>
    %div3A_856 = arith.divf %sub3A_853, %div3A_855 : vector<8x640xf32>
    %mul3A_857 = arith.constant 2.500000e+00 : f32
    %mul3A_858 = vector.broadcast %mul3A_857 : f32 to vector<8x640xf32>
    %mul3A_859 = arith.mulf %mul3A_858, %div3A_852 : vector<8x640xf32>
    %add3A_860 = arith.addf %min3A_167, %mul3A_859 : vector<8x640xf32>
    %sub3A_861 = arith.constant 5.000000e-01 : f32
    %sub3A_862 = vector.broadcast %sub3A_861 : f32 to vector<8x640xf32>
    %sub3A_863 = arith.subf %add3A_860, %sub3A_862 : vector<8x640xf32>
    %mul3A_864 = vector.broadcast %add3A_190 : f32 to vector<8x640xf32>
    %mul3A_865 = arith.mulf %mul3A_864, %div3A_856 : vector<8x640xf32>
    %add3A_866 = arith.addf %min3A_181, %mul3A_865 : vector<8x640xf32>
    %sub3A_867 = arith.constant 5.000000e-01 : f32
    %sub3A_868 = vector.broadcast %sub3A_867 : f32 to vector<8x640xf32>
    %sub3A_869 = arith.subf %add3A_866, %sub3A_868 : vector<8x640xf32>
    %floor3A_870 = math.floor %sub3A_863 : vector<8x640xf32>
    %floor3A_871 = math.floor %sub3A_869 : vector<8x640xf32>
    %sub3A_872 = arith.subf %sub3A_863, %floor3A_870 : vector<8x640xf32>
    %sub3A_873 = arith.subf %sub3A_869, %floor3A_871 : vector<8x640xf32>
    %convert_element_type3A_874 = arith.fptosi %floor3A_870 : vector<8x640xf32> to vector<8x640xi32>
    %jit3A_875 = arith.constant 0 : i32
    %jit3A_876 = arith.constant 299 : i32
    %max3A_877 = vector.broadcast %jit3A_875 : i32 to vector<8x640xi32>
    %max3A_878 = arith.maxsi %max3A_877, %convert_element_type3A_874 : vector<8x640xi32>
    %min3A_879 = vector.broadcast %jit3A_876 : i32 to vector<8x640xi32>
    %min3A_880 = arith.minsi %min3A_879, %max3A_878 : vector<8x640xi32>
    %add3A_881 = arith.constant 1 : i32
    %add3A_882 = vector.broadcast %add3A_881 : i32 to vector<8x640xi32>
    %add3A_883 = arith.addi %min3A_880, %add3A_882 : vector<8x640xi32>
    %jit3A_884 = arith.constant 0 : i32
    %jit3A_885 = arith.constant 299 : i32
    %max3A_886 = vector.broadcast %jit3A_884 : i32 to vector<8x640xi32>
    %max3A_887 = arith.maxsi %max3A_886, %add3A_883 : vector<8x640xi32>
    %min3A_888 = vector.broadcast %jit3A_885 : i32 to vector<8x640xi32>
    %min3A_889 = arith.minsi %min3A_888, %max3A_887 : vector<8x640xi32>
    %convert_element_type3A_890 = arith.fptosi %floor3A_871 : vector<8x640xf32> to vector<8x640xi32>
    %jit3A_891 = arith.constant 0 : i32
    %jit3A_892 = arith.constant 89 : i32
    %max3A_893 = vector.broadcast %jit3A_891 : i32 to vector<8x640xi32>
    %max3A_894 = arith.maxsi %max3A_893, %convert_element_type3A_890 : vector<8x640xi32>
    %min3A_895 = vector.broadcast %jit3A_892 : i32 to vector<8x640xi32>
    %min3A_896 = arith.minsi %min3A_895, %max3A_894 : vector<8x640xi32>
    %add3A_897 = arith.constant 1 : i32
    %add3A_898 = vector.broadcast %add3A_897 : i32 to vector<8x640xi32>
    %add3A_899 = arith.addi %min3A_896, %add3A_898 : vector<8x640xi32>
    %jit3A_900 = arith.constant 0 : i32
    %jit3A_901 = arith.constant 89 : i32
    %max3A_902 = vector.broadcast %jit3A_900 : i32 to vector<8x640xi32>
    %max3A_903 = arith.maxsi %max3A_902, %add3A_899 : vector<8x640xi32>
    %min3A_904 = vector.broadcast %jit3A_901 : i32 to vector<8x640xi32>
    %min3A_905 = arith.minsi %min3A_904, %max3A_903 : vector<8x640xi32>
    %mul3A_906 = arith.constant 300 : i32
    %mul3A_907 = vector.broadcast %mul3A_906 : i32 to vector<8x640xi32>
    %mul3A_908 = arith.muli %min3A_896, %mul3A_907 : vector<8x640xi32>
    %add3A_909 = arith.constant 0 : i32
    %add3A_910 = vector.broadcast %add3A_909 : i32 to vector<8x640xi32>
    %add3A_911 = arith.addi %add3A_910, %mul3A_908 : vector<8x640xi32>
    %add3A_912 = arith.addi %add3A_911, %min3A_880 : vector<8x640xi32>
    %mul3A_913 = arith.constant 300 : i32
    %mul3A_914 = vector.broadcast %mul3A_913 : i32 to vector<8x640xi32>
    %mul3A_915 = arith.muli %min3A_896, %mul3A_914 : vector<8x640xi32>
    %add3A_916 = arith.constant 0 : i32
    %add3A_917 = vector.broadcast %add3A_916 : i32 to vector<8x640xi32>
    %add3A_918 = arith.addi %add3A_917, %mul3A_915 : vector<8x640xi32>
    %add3A_919 = arith.addi %add3A_918, %min3A_889 : vector<8x640xi32>
    %mul3A_920 = arith.constant 300 : i32
    %mul3A_921 = vector.broadcast %mul3A_920 : i32 to vector<8x640xi32>
    %mul3A_922 = arith.muli %min3A_905, %mul3A_921 : vector<8x640xi32>
    %add3A_923 = arith.constant 0 : i32
    %add3A_924 = vector.broadcast %add3A_923 : i32 to vector<8x640xi32>
    %add3A_925 = arith.addi %add3A_924, %mul3A_922 : vector<8x640xi32>
    %add3A_926 = arith.addi %add3A_925, %min3A_880 : vector<8x640xi32>
    %mul3A_927 = arith.constant 300 : i32
    %mul3A_928 = vector.broadcast %mul3A_927 : i32 to vector<8x640xi32>
    %mul3A_929 = arith.muli %min3A_905, %mul3A_928 : vector<8x640xi32>
    %add3A_930 = arith.constant 0 : i32
    %add3A_931 = vector.broadcast %add3A_930 : i32 to vector<8x640xi32>
    %add3A_932 = arith.addi %add3A_931, %mul3A_929 : vector<8x640xi32>
    %add3A_933 = arith.addi %add3A_932, %min3A_889 : vector<8x640xi32>
    %sub3A_934 = arith.constant 1.000000e+00 : f32
    %sub3A_935 = vector.broadcast %sub3A_934 : f32 to vector<8x640xf32>
    %sub3A_936 = arith.subf %sub3A_935, %sub3A_873 : vector<8x640xf32>
    %sub3A_937 = arith.constant 1.000000e+00 : f32
    %sub3A_938 = vector.broadcast %sub3A_937 : f32 to vector<8x640xf32>
    %sub3A_939 = arith.subf %sub3A_938, %sub3A_872 : vector<8x640xf32>
    %mul3A_940 = arith.mulf %sub3A_936, %sub3A_939 : vector<8x640xf32>
    %mul3A_941 = vector.broadcast %div3A : f32 to vector<8x640xf32>
    %mul3A_942 = arith.mulf %mul3A_940, %mul3A_941 : vector<8x640xf32>
    %sub3A_943 = arith.constant 1.000000e+00 : f32
    %sub3A_944 = vector.broadcast %sub3A_943 : f32 to vector<8x640xf32>
    %sub3A_945 = arith.subf %sub3A_944, %sub3A_873 : vector<8x640xf32>
    %mul3A_946 = arith.mulf %sub3A_945, %sub3A_872 : vector<8x640xf32>
    %mul3A_947 = vector.broadcast %div3A : f32 to vector<8x640xf32>
    %mul3A_948 = arith.mulf %mul3A_946, %mul3A_947 : vector<8x640xf32>
    %sub3A_949 = arith.constant 1.000000e+00 : f32
    %sub3A_950 = vector.broadcast %sub3A_949 : f32 to vector<8x640xf32>
    %sub3A_951 = arith.subf %sub3A_950, %sub3A_872 : vector<8x640xf32>
    %mul3A_952 = arith.mulf %sub3A_873, %sub3A_951 : vector<8x640xf32>
    %mul3A_953 = vector.broadcast %div3A : f32 to vector<8x640xf32>
    %mul3A_954 = arith.mulf %mul3A_952, %mul3A_953 : vector<8x640xf32>
    %mul3A_955 = arith.mulf %sub3A_873, %sub3A_872 : vector<8x640xf32>
    %mul3A_956 = vector.broadcast %div3A : f32 to vector<8x640xf32>
    %mul3A_957 = arith.mulf %mul3A_955, %mul3A_956 : vector<8x640xf32>
    %sub3A_958 = arith.subf %min3A_71, %min3A_52 : vector<8x640xf32>
    %div3A_959 = arith.constant 7.000000e+00 : f32
    %div3A_960 = vector.broadcast %div3A_959 : f32 to vector<8x640xf32>
    %div3A_961 = arith.divf %sub3A_958, %div3A_960 : vector<8x640xf32>
    %sub3A_962 = arith.subf %min3A_109, %min3A_90 : vector<8x640xf32>
    %div3A_963 = arith.constant 7.000000e+00 : f32
    %div3A_964 = vector.broadcast %div3A_963 : f32 to vector<8x640xf32>
    %div3A_965 = arith.divf %sub3A_962, %div3A_964 : vector<8x640xf32>
    %mul3A_966 = arith.constant 2.500000e+00 : f32
    %mul3A_967 = vector.broadcast %mul3A_966 : f32 to vector<8x640xf32>
    %mul3A_968 = arith.mulf %mul3A_967, %div3A_961 : vector<8x640xf32>
    %add3A_969 = arith.addf %min3A_52, %mul3A_968 : vector<8x640xf32>
    %sub3A_970 = arith.constant 5.000000e-01 : f32
    %sub3A_971 = vector.broadcast %sub3A_970 : f32 to vector<8x640xf32>
    %sub3A_972 = arith.subf %add3A_969, %sub3A_971 : vector<8x640xf32>
    %mul3A_973 = vector.broadcast %add3A_190 : f32 to vector<8x640xf32>
    %mul3A_974 = arith.mulf %mul3A_973, %div3A_965 : vector<8x640xf32>
    %add3A_975 = arith.addf %min3A_90, %mul3A_974 : vector<8x640xf32>
    %sub3A_976 = arith.constant 5.000000e-01 : f32
    %sub3A_977 = vector.broadcast %sub3A_976 : f32 to vector<8x640xf32>
    %sub3A_978 = arith.subf %add3A_975, %sub3A_977 : vector<8x640xf32>
    %floor3A_979 = math.floor %sub3A_972 : vector<8x640xf32>
    %floor3A_980 = math.floor %sub3A_978 : vector<8x640xf32>
    %sub3A_981 = arith.subf %sub3A_972, %floor3A_979 : vector<8x640xf32>
    %sub3A_982 = arith.subf %sub3A_978, %floor3A_980 : vector<8x640xf32>
    %convert_element_type3A_983 = arith.fptosi %floor3A_979 : vector<8x640xf32> to vector<8x640xi32>
    %jit3A_984 = arith.constant 0 : i32
    %jit3A_985 = arith.constant 199 : i32
    %max3A_986 = vector.broadcast %jit3A_984 : i32 to vector<8x640xi32>
    %max3A_987 = arith.maxsi %max3A_986, %convert_element_type3A_983 : vector<8x640xi32>
    %min3A_988 = vector.broadcast %jit3A_985 : i32 to vector<8x640xi32>
    %min3A_989 = arith.minsi %min3A_988, %max3A_987 : vector<8x640xi32>
    %add3A_990 = arith.constant 1 : i32
    %add3A_991 = vector.broadcast %add3A_990 : i32 to vector<8x640xi32>
    %add3A_992 = arith.addi %min3A_989, %add3A_991 : vector<8x640xi32>
    %jit3A_993 = arith.constant 0 : i32
    %jit3A_994 = arith.constant 199 : i32
    %max3A_995 = vector.broadcast %jit3A_993 : i32 to vector<8x640xi32>
    %max3A_996 = arith.maxsi %max3A_995, %add3A_992 : vector<8x640xi32>
    %min3A_997 = vector.broadcast %jit3A_994 : i32 to vector<8x640xi32>
    %min3A_998 = arith.minsi %min3A_997, %max3A_996 : vector<8x640xi32>
    %convert_element_type3A_999 = arith.fptosi %floor3A_980 : vector<8x640xf32> to vector<8x640xi32>
    %jit3A_1000 = arith.constant 0 : i32
    %jit3A_1001 = arith.constant 174 : i32
    %max3A_1002 = vector.broadcast %jit3A_1000 : i32 to vector<8x640xi32>
    %max3A_1003 = arith.maxsi %max3A_1002, %convert_element_type3A_999 : vector<8x640xi32>
    %min3A_1004 = vector.broadcast %jit3A_1001 : i32 to vector<8x640xi32>
    %min3A_1005 = arith.minsi %min3A_1004, %max3A_1003 : vector<8x640xi32>
    %add3A_1006 = arith.constant 1 : i32
    %add3A_1007 = vector.broadcast %add3A_1006 : i32 to vector<8x640xi32>
    %add3A_1008 = arith.addi %min3A_1005, %add3A_1007 : vector<8x640xi32>
    %jit3A_1009 = arith.constant 0 : i32
    %jit3A_1010 = arith.constant 174 : i32
    %max3A_1011 = vector.broadcast %jit3A_1009 : i32 to vector<8x640xi32>
    %max3A_1012 = arith.maxsi %max3A_1011, %add3A_1008 : vector<8x640xi32>
    %min3A_1013 = vector.broadcast %jit3A_1010 : i32 to vector<8x640xi32>
    %min3A_1014 = arith.minsi %min3A_1013, %max3A_1012 : vector<8x640xi32>
    %mul3A_1015 = arith.constant 200 : i32
    %mul3A_1016 = vector.broadcast %mul3A_1015 : i32 to vector<8x640xi32>
    %mul3A_1017 = arith.muli %min3A_1005, %mul3A_1016 : vector<8x640xi32>
    %add3A_1018 = arith.constant 27000 : i32
    %add3A_1019 = vector.broadcast %add3A_1018 : i32 to vector<8x640xi32>
    %add3A_1020 = arith.addi %add3A_1019, %mul3A_1017 : vector<8x640xi32>
    %add3A_1021 = arith.addi %add3A_1020, %min3A_989 : vector<8x640xi32>
    %mul3A_1022 = arith.constant 200 : i32
    %mul3A_1023 = vector.broadcast %mul3A_1022 : i32 to vector<8x640xi32>
    %mul3A_1024 = arith.muli %min3A_1005, %mul3A_1023 : vector<8x640xi32>
    %add3A_1025 = arith.constant 27000 : i32
    %add3A_1026 = vector.broadcast %add3A_1025 : i32 to vector<8x640xi32>
    %add3A_1027 = arith.addi %add3A_1026, %mul3A_1024 : vector<8x640xi32>
    %add3A_1028 = arith.addi %add3A_1027, %min3A_998 : vector<8x640xi32>
    %mul3A_1029 = arith.constant 200 : i32
    %mul3A_1030 = vector.broadcast %mul3A_1029 : i32 to vector<8x640xi32>
    %mul3A_1031 = arith.muli %min3A_1014, %mul3A_1030 : vector<8x640xi32>
    %add3A_1032 = arith.constant 27000 : i32
    %add3A_1033 = vector.broadcast %add3A_1032 : i32 to vector<8x640xi32>
    %add3A_1034 = arith.addi %add3A_1033, %mul3A_1031 : vector<8x640xi32>
    %add3A_1035 = arith.addi %add3A_1034, %min3A_989 : vector<8x640xi32>
    %mul3A_1036 = arith.constant 200 : i32
    %mul3A_1037 = vector.broadcast %mul3A_1036 : i32 to vector<8x640xi32>
    %mul3A_1038 = arith.muli %min3A_1014, %mul3A_1037 : vector<8x640xi32>
    %add3A_1039 = arith.constant 27000 : i32
    %add3A_1040 = vector.broadcast %add3A_1039 : i32 to vector<8x640xi32>
    %add3A_1041 = arith.addi %add3A_1040, %mul3A_1038 : vector<8x640xi32>
    %add3A_1042 = arith.addi %add3A_1041, %min3A_998 : vector<8x640xi32>
    %sub3A_1043 = arith.constant 1.000000e+00 : f32
    %sub3A_1044 = vector.broadcast %sub3A_1043 : f32 to vector<8x640xf32>
    %sub3A_1045 = arith.subf %sub3A_1044, %sub3A_982 : vector<8x640xf32>
    %sub3A_1046 = arith.constant 1.000000e+00 : f32
    %sub3A_1047 = vector.broadcast %sub3A_1046 : f32 to vector<8x640xf32>
    %sub3A_1048 = arith.subf %sub3A_1047, %sub3A_981 : vector<8x640xf32>
    %mul3A_1049 = arith.mulf %sub3A_1045, %sub3A_1048 : vector<8x640xf32>
    %mul3A_1050 = vector.broadcast %div3A_38 : f32 to vector<8x640xf32>
    %mul3A_1051 = arith.mulf %mul3A_1049, %mul3A_1050 : vector<8x640xf32>
    %sub3A_1052 = arith.constant 1.000000e+00 : f32
    %sub3A_1053 = vector.broadcast %sub3A_1052 : f32 to vector<8x640xf32>
    %sub3A_1054 = arith.subf %sub3A_1053, %sub3A_982 : vector<8x640xf32>
    %mul3A_1055 = arith.mulf %sub3A_1054, %sub3A_981 : vector<8x640xf32>
    %mul3A_1056 = vector.broadcast %div3A_38 : f32 to vector<8x640xf32>
    %mul3A_1057 = arith.mulf %mul3A_1055, %mul3A_1056 : vector<8x640xf32>
    %sub3A_1058 = arith.constant 1.000000e+00 : f32
    %sub3A_1059 = vector.broadcast %sub3A_1058 : f32 to vector<8x640xf32>
    %sub3A_1060 = arith.subf %sub3A_1059, %sub3A_981 : vector<8x640xf32>
    %mul3A_1061 = arith.mulf %sub3A_982, %sub3A_1060 : vector<8x640xf32>
    %mul3A_1062 = vector.broadcast %div3A_38 : f32 to vector<8x640xf32>
    %mul3A_1063 = arith.mulf %mul3A_1061, %mul3A_1062 : vector<8x640xf32>
    %mul3A_1064 = arith.mulf %sub3A_982, %sub3A_981 : vector<8x640xf32>
    %mul3A_1065 = vector.broadcast %div3A_38 : f32 to vector<8x640xf32>
    %mul3A_1066 = arith.mulf %mul3A_1064, %mul3A_1065 : vector<8x640xf32>
    %swap3A_1067 = arith.constant 0 : index
    %swap3A_1068 = arith.constant 16 : index
    %swap3A_1069 = arith.constant 0 : index
    %swap3A_1070 = arith.constant 0 : index
    %swap3A_1071 = vector.load %arg3[%swap3A_1067, %swap3A_1068, %swap3A_1069, %swap3A_1070] : memref<1x56x8x640xi32, #tpu.memory_space<vmem>>, vector<1x1x8x640xi32>
    %swap3A_1072 = vector.shape_cast %swap3A_1071 : vector<1x1x8x640xi32> to vector<8x640xi32>
    %swap3A_1073 = vector.shape_cast %add3A_912 : vector<8x640xi32> to vector<1x1x8x640xi32>
    tpu.vector_store %arg3[%swap3A_1067, %swap3A_1068, %swap3A_1069, %swap3A_1070], %swap3A_1073 {strides = array<i32>} : memref<1x56x8x640xi32, #tpu.memory_space<vmem>>, vector<1x1x8x640xi32>,
    %swap3A_1074 = arith.constant 0 : index
    %swap3A_1075 = arith.constant 16 : index
    %swap3A_1076 = arith.constant 0 : index
    %swap3A_1077 = arith.constant 0 : index
    %swap3A_1078 = vector.load %arg4[%swap3A_1074, %swap3A_1075, %swap3A_1076, %swap3A_1077] : memref<1x56x8x640xf32, #tpu.memory_space<vmem>>, vector<1x1x8x640xf32>
    %swap3A_1079 = vector.shape_cast %swap3A_1078 : vector<1x1x8x640xf32> to vector<8x640xf32>
    %swap3A_1080 = vector.shape_cast %mul3A_942 : vector<8x640xf32> to vector<1x1x8x640xf32>
    tpu.vector_store %arg4[%swap3A_1074, %swap3A_1075, %swap3A_1076, %swap3A_1077], %swap3A_1080 {strides = array<i32>} : memref<1x56x8x640xf32, #tpu.memory_space<vmem>>, vector<1x1x8x640xf32>,
    %swap3A_1081 = arith.constant 0 : index
    %swap3A_1082 = arith.constant 20 : index
    %swap3A_1083 = arith.constant 0 : index
    %swap3A_1084 = arith.constant 0 : index
    %swap3A_1085 = vector.load %arg3[%swap3A_1081, %swap3A_1082, %swap3A_1083, %swap3A_1084] : memref<1x56x8x640xi32, #tpu.memory_space<vmem>>, vector<1x1x8x640xi32>
    %swap3A_1086 = vector.shape_cast %swap3A_1085 : vector<1x1x8x640xi32> to vector<8x640xi32>
    %swap3A_1087 = vector.shape_cast %add3A_1021 : vector<8x640xi32> to vector<1x1x8x640xi32>
    tpu.vector_store %arg3[%swap3A_1081, %swap3A_1082, %swap3A_1083, %swap3A_1084], %swap3A_1087 {strides = array<i32>} : memref<1x56x8x640xi32, #tpu.memory_space<vmem>>, vector<1x1x8x640xi32>,
    %swap3A_1088 = arith.constant 0 : index
    %swap3A_1089 = arith.constant 20 : index
    %swap3A_1090 = arith.constant 0 : index
    %swap3A_1091 = arith.constant 0 : index
    %swap3A_1092 = vector.load %arg4[%swap3A_1088, %swap3A_1089, %swap3A_1090, %swap3A_1091] : memref<1x56x8x640xf32, #tpu.memory_space<vmem>>, vector<1x1x8x640xf32>
    %swap3A_1093 = vector.shape_cast %swap3A_1092 : vector<1x1x8x640xf32> to vector<8x640xf32>
    %swap3A_1094 = vector.shape_cast %mul3A_1051 : vector<8x640xf32> to vector<1x1x8x640xf32>
    tpu.vector_store %arg4[%swap3A_1088, %swap3A_1089, %swap3A_1090, %swap3A_1091], %swap3A_1094 {strides = array<i32>} : memref<1x56x8x640xf32, #tpu.memory_space<vmem>>, vector<1x1x8x640xf32>,
    %swap3A_1095 = arith.constant 0 : index
    %swap3A_1096 = arith.constant 17 : index
    %swap3A_1097 = arith.constant 0 : index
    %swap3A_1098 = arith.constant 0 : index
    %swap3A_1099 = vector.load %arg3[%swap3A_1095, %swap3A_1096, %swap3A_1097, %swap3A_1098] : memref<1x56x8x640xi32, #tpu.memory_space<vmem>>, vector<1x1x8x640xi32>
    %swap3A_1100 = vector.shape_cast %swap3A_1099 : vector<1x1x8x640xi32> to vector<8x640xi32>
    %swap3A_1101 = vector.shape_cast %add3A_919 : vector<8x640xi32> to vector<1x1x8x640xi32>
    tpu.vector_store %arg3[%swap3A_1095, %swap3A_1096, %swap3A_1097, %swap3A_1098], %swap3A_1101 {strides = array<i32>} : memref<1x56x8x640xi32, #tpu.memory_space<vmem>>, vector<1x1x8x640xi32>,
    %swap3A_1102 = arith.constant 0 : index
    %swap3A_1103 = arith.constant 17 : index
    %swap3A_1104 = arith.constant 0 : index
    %swap3A_1105 = arith.constant 0 : index
    %swap3A_1106 = vector.load %arg4[%swap3A_1102, %swap3A_1103, %swap3A_1104, %swap3A_1105] : memref<1x56x8x640xf32, #tpu.memory_space<vmem>>, vector<1x1x8x640xf32>
    %swap3A_1107 = vector.shape_cast %swap3A_1106 : vector<1x1x8x640xf32> to vector<8x640xf32>
    %swap3A_1108 = vector.shape_cast %mul3A_948 : vector<8x640xf32> to vector<1x1x8x640xf32>
    tpu.vector_store %arg4[%swap3A_1102, %swap3A_1103, %swap3A_1104, %swap3A_1105], %swap3A_1108 {strides = array<i32>} : memref<1x56x8x640xf32, #tpu.memory_space<vmem>>, vector<1x1x8x640xf32>,
    %swap3A_1109 = arith.constant 0 : index
    %swap3A_1110 = arith.constant 21 : index
    %swap3A_1111 = arith.constant 0 : index
    %swap3A_1112 = arith.constant 0 : index
    %swap3A_1113 = vector.load %arg3[%swap3A_1109, %swap3A_1110, %swap3A_1111, %swap3A_1112] : memref<1x56x8x640xi32, #tpu.memory_space<vmem>>, vector<1x1x8x640xi32>
    %swap3A_1114 = vector.shape_cast %swap3A_1113 : vector<1x1x8x640xi32> to vector<8x640xi32>
    %swap3A_1115 = vector.shape_cast %add3A_1028 : vector<8x640xi32> to vector<1x1x8x640xi32>
    tpu.vector_store %arg3[%swap3A_1109, %swap3A_1110, %swap3A_1111, %swap3A_1112], %swap3A_1115 {strides = array<i32>} : memref<1x56x8x640xi32, #tpu.memory_space<vmem>>, vector<1x1x8x640xi32>,
    %swap3A_1116 = arith.constant 0 : index
    %swap3A_1117 = arith.constant 21 : index
    %swap3A_1118 = arith.constant 0 : index
    %swap3A_1119 = arith.constant 0 : index
    %swap3A_1120 = vector.load %arg4[%swap3A_1116, %swap3A_1117, %swap3A_1118, %swap3A_1119] : memref<1x56x8x640xf32, #tpu.memory_space<vmem>>, vector<1x1x8x640xf32>
    %swap3A_1121 = vector.shape_cast %swap3A_1120 : vector<1x1x8x640xf32> to vector<8x640xf32>
    %swap3A_1122 = vector.shape_cast %mul3A_1057 : vector<8x640xf32> to vector<1x1x8x640xf32>
    tpu.vector_store %arg4[%swap3A_1116, %swap3A_1117, %swap3A_1118, %swap3A_1119], %swap3A_1122 {strides = array<i32>} : memref<1x56x8x640xf32, #tpu.memory_space<vmem>>, vector<1x1x8x640xf32>,
    %swap3A_1123 = arith.constant 0 : index
    %swap3A_1124 = arith.constant 18 : index
    %swap3A_1125 = arith.constant 0 : index
    %swap3A_1126 = arith.constant 0 : index
    %swap3A_1127 = vector.load %arg3[%swap3A_1123, %swap3A_1124, %swap3A_1125, %swap3A_1126] : memref<1x56x8x640xi32, #tpu.memory_space<vmem>>, vector<1x1x8x640xi32>
    %swap3A_1128 = vector.shape_cast %swap3A_1127 : vector<1x1x8x640xi32> to vector<8x640xi32>
    %swap3A_1129 = vector.shape_cast %add3A_926 : vector<8x640xi32> to vector<1x1x8x640xi32>
    tpu.vector_store %arg3[%swap3A_1123, %swap3A_1124, %swap3A_1125, %swap3A_1126], %swap3A_1129 {strides = array<i32>} : memref<1x56x8x640xi32, #tpu.memory_space<vmem>>, vector<1x1x8x640xi32>,
    %swap3A_1130 = arith.constant 0 : index
    %swap3A_1131 = arith.constant 18 : index
    %swap3A_1132 = arith.constant 0 : index
    %swap3A_1133 = arith.constant 0 : index
    %swap3A_1134 = vector.load %arg4[%swap3A_1130, %swap3A_1131, %swap3A_1132, %swap3A_1133] : memref<1x56x8x640xf32, #tpu.memory_space<vmem>>, vector<1x1x8x640xf32>
    %swap3A_1135 = vector.shape_cast %swap3A_1134 : vector<1x1x8x640xf32> to vector<8x640xf32>
    %swap3A_1136 = vector.shape_cast %mul3A_954 : vector<8x640xf32> to vector<1x1x8x640xf32>
    tpu.vector_store %arg4[%swap3A_1130, %swap3A_1131, %swap3A_1132, %swap3A_1133], %swap3A_1136 {strides = array<i32>} : memref<1x56x8x640xf32, #tpu.memory_space<vmem>>, vector<1x1x8x640xf32>,
    %swap3A_1137 = arith.constant 0 : index
    %swap3A_1138 = arith.constant 22 : index
    %swap3A_1139 = arith.constant 0 : index
    %swap3A_1140 = arith.constant 0 : index
    %swap3A_1141 = vector.load %arg3[%swap3A_1137, %swap3A_1138, %swap3A_1139, %swap3A_1140] : memref<1x56x8x640xi32, #tpu.memory_space<vmem>>, vector<1x1x8x640xi32>
    %swap3A_1142 = vector.shape_cast %swap3A_1141 : vector<1x1x8x640xi32> to vector<8x640xi32>
    %swap3A_1143 = vector.shape_cast %add3A_1035 : vector<8x640xi32> to vector<1x1x8x640xi32>
    tpu.vector_store %arg3[%swap3A_1137, %swap3A_1138, %swap3A_1139, %swap3A_1140], %swap3A_1143 {strides = array<i32>} : memref<1x56x8x640xi32, #tpu.memory_space<vmem>>, vector<1x1x8x640xi32>,
    %swap3A_1144 = arith.constant 0 : index
    %swap3A_1145 = arith.constant 22 : index
    %swap3A_1146 = arith.constant 0 : index
    %swap3A_1147 = arith.constant 0 : index
    %swap3A_1148 = vector.load %arg4[%swap3A_1144, %swap3A_1145, %swap3A_1146, %swap3A_1147] : memref<1x56x8x640xf32, #tpu.memory_space<vmem>>, vector<1x1x8x640xf32>
    %swap3A_1149 = vector.shape_cast %swap3A_1148 : vector<1x1x8x640xf32> to vector<8x640xf32>
    %swap3A_1150 = vector.shape_cast %mul3A_1063 : vector<8x640xf32> to vector<1x1x8x640xf32>
    tpu.vector_store %arg4[%swap3A_1144, %swap3A_1145, %swap3A_1146, %swap3A_1147], %swap3A_1150 {strides = array<i32>} : memref<1x56x8x640xf32, #tpu.memory_space<vmem>>, vector<1x1x8x640xf32>,
    %swap3A_1151 = arith.constant 0 : index
    %swap3A_1152 = arith.constant 19 : index
    %swap3A_1153 = arith.constant 0 : index
    %swap3A_1154 = arith.constant 0 : index
    %swap3A_1155 = vector.load %arg3[%swap3A_1151, %swap3A_1152, %swap3A_1153, %swap3A_1154] : memref<1x56x8x640xi32, #tpu.memory_space<vmem>>, vector<1x1x8x640xi32>
    %swap3A_1156 = vector.shape_cast %swap3A_1155 : vector<1x1x8x640xi32> to vector<8x640xi32>
    %swap3A_1157 = vector.shape_cast %add3A_933 : vector<8x640xi32> to vector<1x1x8x640xi32>
    tpu.vector_store %arg3[%swap3A_1151, %swap3A_1152, %swap3A_1153, %swap3A_1154], %swap3A_1157 {strides = array<i32>} : memref<1x56x8x640xi32, #tpu.memory_space<vmem>>, vector<1x1x8x640xi32>,
    %swap3A_1158 = arith.constant 0 : index
    %swap3A_1159 = arith.constant 19 : index
    %swap3A_1160 = arith.constant 0 : index
    %swap3A_1161 = arith.constant 0 : index
    %swap3A_1162 = vector.load %arg4[%swap3A_1158, %swap3A_1159, %swap3A_1160, %swap3A_1161] : memref<1x56x8x640xf32, #tpu.memory_space<vmem>>, vector<1x1x8x640xf32>
    %swap3A_1163 = vector.shape_cast %swap3A_1162 : vector<1x1x8x640xf32> to vector<8x640xf32>
    %swap3A_1164 = vector.shape_cast %mul3A_957 : vector<8x640xf32> to vector<1x1x8x640xf32>
    tpu.vector_store %arg4[%swap3A_1158, %swap3A_1159, %swap3A_1160, %swap3A_1161], %swap3A_1164 {strides = array<i32>} : memref<1x56x8x640xf32, #tpu.memory_space<vmem>>, vector<1x1x8x640xf32>,
    %swap3A_1165 = arith.constant 0 : index
    %swap3A_1166 = arith.constant 23 : index
    %swap3A_1167 = arith.constant 0 : index
    %swap3A_1168 = arith.constant 0 : index
    %swap3A_1169 = vector.load %arg3[%swap3A_1165, %swap3A_1166, %swap3A_1167, %swap3A_1168] : memref<1x56x8x640xi32, #tpu.memory_space<vmem>>, vector<1x1x8x640xi32>
    %swap3A_1170 = vector.shape_cast %swap3A_1169 : vector<1x1x8x640xi32> to vector<8x640xi32>
    %swap3A_1171 = vector.shape_cast %add3A_1042 : vector<8x640xi32> to vector<1x1x8x640xi32>
    tpu.vector_store %arg3[%swap3A_1165, %swap3A_1166, %swap3A_1167, %swap3A_1168], %swap3A_1171 {strides = array<i32>} : memref<1x56x8x640xi32, #tpu.memory_space<vmem>>, vector<1x1x8x640xi32>,
    %swap3A_1172 = arith.constant 0 : index
    %swap3A_1173 = arith.constant 23 : index
    %swap3A_1174 = arith.constant 0 : index
    %swap3A_1175 = arith.constant 0 : index
    %swap3A_1176 = vector.load %arg4[%swap3A_1172, %swap3A_1173, %swap3A_1174, %swap3A_1175] : memref<1x56x8x640xf32, #tpu.memory_space<vmem>>, vector<1x1x8x640xf32>
    %swap3A_1177 = vector.shape_cast %swap3A_1176 : vector<1x1x8x640xf32> to vector<8x640xf32>
    %swap3A_1178 = vector.shape_cast %mul3A_1066 : vector<8x640xf32> to vector<1x1x8x640xf32>
    tpu.vector_store %arg4[%swap3A_1172, %swap3A_1173, %swap3A_1174, %swap3A_1175], %swap3A_1178 {strides = array<i32>} : memref<1x56x8x640xf32, #tpu.memory_space<vmem>>, vector<1x1x8x640xf32>,
    %sub3A_1179 = arith.subf %min3A_174, %min3A_167 : vector<8x640xf32>
    %div3A_1180 = arith.constant 7.000000e+00 : f32
    %div3A_1181 = vector.broadcast %div3A_1180 : f32 to vector<8x640xf32>
    %div3A_1182 = arith.divf %sub3A_1179, %div3A_1181 : vector<8x640xf32>
    %sub3A_1183 = arith.subf %min3A_188, %min3A_181 : vector<8x640xf32>
    %div3A_1184 = arith.constant 7.000000e+00 : f32
    %div3A_1185 = vector.broadcast %div3A_1184 : f32 to vector<8x640xf32>
    %div3A_1186 = arith.divf %sub3A_1183, %div3A_1185 : vector<8x640xf32>
    %mul3A_1187 = arith.constant 3.500000e+00 : f32
    %mul3A_1188 = vector.broadcast %mul3A_1187 : f32 to vector<8x640xf32>
    %mul3A_1189 = arith.mulf %mul3A_1188, %div3A_1182 : vector<8x640xf32>
    %add3A_1190 = arith.addf %min3A_167, %mul3A_1189 : vector<8x640xf32>
    %sub3A_1191 = arith.constant 5.000000e-01 : f32
    %sub3A_1192 = vector.broadcast %sub3A_1191 : f32 to vector<8x640xf32>
    %sub3A_1193 = arith.subf %add3A_1190, %sub3A_1192 : vector<8x640xf32>
    %mul3A_1194 = vector.broadcast %add3A_190 : f32 to vector<8x640xf32>
    %mul3A_1195 = arith.mulf %mul3A_1194, %div3A_1186 : vector<8x640xf32>
    %add3A_1196 = arith.addf %min3A_181, %mul3A_1195 : vector<8x640xf32>
    %sub3A_1197 = arith.constant 5.000000e-01 : f32
    %sub3A_1198 = vector.broadcast %sub3A_1197 : f32 to vector<8x640xf32>
    %sub3A_1199 = arith.subf %add3A_1196, %sub3A_1198 : vector<8x640xf32>
    %floor3A_1200 = math.floor %sub3A_1193 : vector<8x640xf32>
    %floor3A_1201 = math.floor %sub3A_1199 : vector<8x640xf32>
    %sub3A_1202 = arith.subf %sub3A_1193, %floor3A_1200 : vector<8x640xf32>
    %sub3A_1203 = arith.subf %sub3A_1199, %floor3A_1201 : vector<8x640xf32>
    %convert_element_type3A_1204 = arith.fptosi %floor3A_1200 : vector<8x640xf32> to vector<8x640xi32>
    %jit3A_1205 = arith.constant 0 : i32
    %jit3A_1206 = arith.constant 299 : i32
    %max3A_1207 = vector.broadcast %jit3A_1205 : i32 to vector<8x640xi32>
    %max3A_1208 = arith.maxsi %max3A_1207, %convert_element_type3A_1204 : vector<8x640xi32>
    %min3A_1209 = vector.broadcast %jit3A_1206 : i32 to vector<8x640xi32>
    %min3A_1210 = arith.minsi %min3A_1209, %max3A_1208 : vector<8x640xi32>
    %add3A_1211 = arith.constant 1 : i32
    %add3A_1212 = vector.broadcast %add3A_1211 : i32 to vector<8x640xi32>
    %add3A_1213 = arith.addi %min3A_1210, %add3A_1212 : vector<8x640xi32>
    %jit3A_1214 = arith.constant 0 : i32
    %jit3A_1215 = arith.constant 299 : i32
    %max3A_1216 = vector.broadcast %jit3A_1214 : i32 to vector<8x640xi32>
    %max3A_1217 = arith.maxsi %max3A_1216, %add3A_1213 : vector<8x640xi32>
    %min3A_1218 = vector.broadcast %jit3A_1215 : i32 to vector<8x640xi32>
    %min3A_1219 = arith.minsi %min3A_1218, %max3A_1217 : vector<8x640xi32>
    %convert_element_type3A_1220 = arith.fptosi %floor3A_1201 : vector<8x640xf32> to vector<8x640xi32>
    %jit3A_1221 = arith.constant 0 : i32
    %jit3A_1222 = arith.constant 89 : i32
    %max3A_1223 = vector.broadcast %jit3A_1221 : i32 to vector<8x640xi32>
    %max3A_1224 = arith.maxsi %max3A_1223, %convert_element_type3A_1220 : vector<8x640xi32>
    %min3A_1225 = vector.broadcast %jit3A_1222 : i32 to vector<8x640xi32>
    %min3A_1226 = arith.minsi %min3A_1225, %max3A_1224 : vector<8x640xi32>
    %add3A_1227 = arith.constant 1 : i32
    %add3A_1228 = vector.broadcast %add3A_1227 : i32 to vector<8x640xi32>
    %add3A_1229 = arith.addi %min3A_1226, %add3A_1228 : vector<8x640xi32>
    %jit3A_1230 = arith.constant 0 : i32
    %jit3A_1231 = arith.constant 89 : i32
    %max3A_1232 = vector.broadcast %jit3A_1230 : i32 to vector<8x640xi32>
    %max3A_1233 = arith.maxsi %max3A_1232, %add3A_1229 : vector<8x640xi32>
    %min3A_1234 = vector.broadcast %jit3A_1231 : i32 to vector<8x640xi32>
    %min3A_1235 = arith.minsi %min3A_1234, %max3A_1233 : vector<8x640xi32>
    %mul3A_1236 = arith.constant 300 : i32
    %mul3A_1237 = vector.broadcast %mul3A_1236 : i32 to vector<8x640xi32>
    %mul3A_1238 = arith.muli %min3A_1226, %mul3A_1237 : vector<8x640xi32>
    %add3A_1239 = arith.constant 0 : i32
    %add3A_1240 = vector.broadcast %add3A_1239 : i32 to vector<8x640xi32>
    %add3A_1241 = arith.addi %add3A_1240, %mul3A_1238 : vector<8x640xi32>
    %add3A_1242 = arith.addi %add3A_1241, %min3A_1210 : vector<8x640xi32>
    %mul3A_1243 = arith.constant 300 : i32
    %mul3A_1244 = vector.broadcast %mul3A_1243 : i32 to vector<8x640xi32>
    %mul3A_1245 = arith.muli %min3A_1226, %mul3A_1244 : vector<8x640xi32>
    %add3A_1246 = arith.constant 0 : i32
    %add3A_1247 = vector.broadcast %add3A_1246 : i32 to vector<8x640xi32>
    %add3A_1248 = arith.addi %add3A_1247, %mul3A_1245 : vector<8x640xi32>
    %add3A_1249 = arith.addi %add3A_1248, %min3A_1219 : vector<8x640xi32>
    %mul3A_1250 = arith.constant 300 : i32
    %mul3A_1251 = vector.broadcast %mul3A_1250 : i32 to vector<8x640xi32>
    %mul3A_1252 = arith.muli %min3A_1235, %mul3A_1251 : vector<8x640xi32>
    %add3A_1253 = arith.constant 0 : i32
    %add3A_1254 = vector.broadcast %add3A_1253 : i32 to vector<8x640xi32>
    %add3A_1255 = arith.addi %add3A_1254, %mul3A_1252 : vector<8x640xi32>
    %add3A_1256 = arith.addi %add3A_1255, %min3A_1210 : vector<8x640xi32>
    %mul3A_1257 = arith.constant 300 : i32
    %mul3A_1258 = vector.broadcast %mul3A_1257 : i32 to vector<8x640xi32>
    %mul3A_1259 = arith.muli %min3A_1235, %mul3A_1258 : vector<8x640xi32>
    %add3A_1260 = arith.constant 0 : i32
    %add3A_1261 = vector.broadcast %add3A_1260 : i32 to vector<8x640xi32>
    %add3A_1262 = arith.addi %add3A_1261, %mul3A_1259 : vector<8x640xi32>
    %add3A_1263 = arith.addi %add3A_1262, %min3A_1219 : vector<8x640xi32>
    %sub3A_1264 = arith.constant 1.000000e+00 : f32
    %sub3A_1265 = vector.broadcast %sub3A_1264 : f32 to vector<8x640xf32>
    %sub3A_1266 = arith.subf %sub3A_1265, %sub3A_1203 : vector<8x640xf32>
    %sub3A_1267 = arith.constant 1.000000e+00 : f32
    %sub3A_1268 = vector.broadcast %sub3A_1267 : f32 to vector<8x640xf32>
    %sub3A_1269 = arith.subf %sub3A_1268, %sub3A_1202 : vector<8x640xf32>
    %mul3A_1270 = arith.mulf %sub3A_1266, %sub3A_1269 : vector<8x640xf32>
    %mul3A_1271 = vector.broadcast %div3A : f32 to vector<8x640xf32>
    %mul3A_1272 = arith.mulf %mul3A_1270, %mul3A_1271 : vector<8x640xf32>
    %sub3A_1273 = arith.constant 1.000000e+00 : f32
    %sub3A_1274 = vector.broadcast %sub3A_1273 : f32 to vector<8x640xf32>
    %sub3A_1275 = arith.subf %sub3A_1274, %sub3A_1203 : vector<8x640xf32>
    %mul3A_1276 = arith.mulf %sub3A_1275, %sub3A_1202 : vector<8x640xf32>
    %mul3A_1277 = vector.broadcast %div3A : f32 to vector<8x640xf32>
    %mul3A_1278 = arith.mulf %mul3A_1276, %mul3A_1277 : vector<8x640xf32>
    %sub3A_1279 = arith.constant 1.000000e+00 : f32
    %sub3A_1280 = vector.broadcast %sub3A_1279 : f32 to vector<8x640xf32>
    %sub3A_1281 = arith.subf %sub3A_1280, %sub3A_1202 : vector<8x640xf32>
    %mul3A_1282 = arith.mulf %sub3A_1203, %sub3A_1281 : vector<8x640xf32>
    %mul3A_1283 = vector.broadcast %div3A : f32 to vector<8x640xf32>
    %mul3A_1284 = arith.mulf %mul3A_1282, %mul3A_1283 : vector<8x640xf32>
    %mul3A_1285 = arith.mulf %sub3A_1203, %sub3A_1202 : vector<8x640xf32>
    %mul3A_1286 = vector.broadcast %div3A : f32 to vector<8x640xf32>
    %mul3A_1287 = arith.mulf %mul3A_1285, %mul3A_1286 : vector<8x640xf32>
    %sub3A_1288 = arith.subf %min3A_71, %min3A_52 : vector<8x640xf32>
    %div3A_1289 = arith.constant 7.000000e+00 : f32
    %div3A_1290 = vector.broadcast %div3A_1289 : f32 to vector<8x640xf32>
    %div3A_1291 = arith.divf %sub3A_1288, %div3A_1290 : vector<8x640xf32>
    %sub3A_1292 = arith.subf %min3A_109, %min3A_90 : vector<8x640xf32>
    %div3A_1293 = arith.constant 7.000000e+00 : f32
    %div3A_1294 = vector.broadcast %div3A_1293 : f32 to vector<8x640xf32>
    %div3A_1295 = arith.divf %sub3A_1292, %div3A_1294 : vector<8x640xf32>
    %mul3A_1296 = arith.constant 3.500000e+00 : f32
    %mul3A_1297 = vector.broadcast %mul3A_1296 : f32 to vector<8x640xf32>
    %mul3A_1298 = arith.mulf %mul3A_1297, %div3A_1291 : vector<8x640xf32>
    %add3A_1299 = arith.addf %min3A_52, %mul3A_1298 : vector<8x640xf32>
    %sub3A_1300 = arith.constant 5.000000e-01 : f32
    %sub3A_1301 = vector.broadcast %sub3A_1300 : f32 to vector<8x640xf32>
    %sub3A_1302 = arith.subf %add3A_1299, %sub3A_1301 : vector<8x640xf32>
    %mul3A_1303 = vector.broadcast %add3A_190 : f32 to vector<8x640xf32>
    %mul3A_1304 = arith.mulf %mul3A_1303, %div3A_1295 : vector<8x640xf32>
    %add3A_1305 = arith.addf %min3A_90, %mul3A_1304 : vector<8x640xf32>
    %sub3A_1306 = arith.constant 5.000000e-01 : f32
    %sub3A_1307 = vector.broadcast %sub3A_1306 : f32 to vector<8x640xf32>
    %sub3A_1308 = arith.subf %add3A_1305, %sub3A_1307 : vector<8x640xf32>
    %floor3A_1309 = math.floor %sub3A_1302 : vector<8x640xf32>
    %floor3A_1310 = math.floor %sub3A_1308 : vector<8x640xf32>
    %sub3A_1311 = arith.subf %sub3A_1302, %floor3A_1309 : vector<8x640xf32>
    %sub3A_1312 = arith.subf %sub3A_1308, %floor3A_1310 : vector<8x640xf32>
    %convert_element_type3A_1313 = arith.fptosi %floor3A_1309 : vector<8x640xf32> to vector<8x640xi32>
    %jit3A_1314 = arith.constant 0 : i32
    %jit3A_1315 = arith.constant 199 : i32
    %max3A_1316 = vector.broadcast %jit3A_1314 : i32 to vector<8x640xi32>
    %max3A_1317 = arith.maxsi %max3A_1316, %convert_element_type3A_1313 : vector<8x640xi32>
    %min3A_1318 = vector.broadcast %jit3A_1315 : i32 to vector<8x640xi32>
    %min3A_1319 = arith.minsi %min3A_1318, %max3A_1317 : vector<8x640xi32>
    %add3A_1320 = arith.constant 1 : i32
    %add3A_1321 = vector.broadcast %add3A_1320 : i32 to vector<8x640xi32>
    %add3A_1322 = arith.addi %min3A_1319, %add3A_1321 : vector<8x640xi32>
    %jit3A_1323 = arith.constant 0 : i32
    %jit3A_1324 = arith.constant 199 : i32
    %max3A_1325 = vector.broadcast %jit3A_1323 : i32 to vector<8x640xi32>
    %max3A_1326 = arith.maxsi %max3A_1325, %add3A_1322 : vector<8x640xi32>
    %min3A_1327 = vector.broadcast %jit3A_1324 : i32 to vector<8x640xi32>
    %min3A_1328 = arith.minsi %min3A_1327, %max3A_1326 : vector<8x640xi32>
    %convert_element_type3A_1329 = arith.fptosi %floor3A_1310 : vector<8x640xf32> to vector<8x640xi32>
    %jit3A_1330 = arith.constant 0 : i32
    %jit3A_1331 = arith.constant 174 : i32
    %max3A_1332 = vector.broadcast %jit3A_1330 : i32 to vector<8x640xi32>
    %max3A_1333 = arith.maxsi %max3A_1332, %convert_element_type3A_1329 : vector<8x640xi32>
    %min3A_1334 = vector.broadcast %jit3A_1331 : i32 to vector<8x640xi32>
    %min3A_1335 = arith.minsi %min3A_1334, %max3A_1333 : vector<8x640xi32>
    %add3A_1336 = arith.constant 1 : i32
    %add3A_1337 = vector.broadcast %add3A_1336 : i32 to vector<8x640xi32>
    %add3A_1338 = arith.addi %min3A_1335, %add3A_1337 : vector<8x640xi32>
    %jit3A_1339 = arith.constant 0 : i32
    %jit3A_1340 = arith.constant 174 : i32
    %max3A_1341 = vector.broadcast %jit3A_1339 : i32 to vector<8x640xi32>
    %max3A_1342 = arith.maxsi %max3A_1341, %add3A_1338 : vector<8x640xi32>
    %min3A_1343 = vector.broadcast %jit3A_1340 : i32 to vector<8x640xi32>
    %min3A_1344 = arith.minsi %min3A_1343, %max3A_1342 : vector<8x640xi32>
    %mul3A_1345 = arith.constant 200 : i32
    %mul3A_1346 = vector.broadcast %mul3A_1345 : i32 to vector<8x640xi32>
    %mul3A_1347 = arith.muli %min3A_1335, %mul3A_1346 : vector<8x640xi32>
    %add3A_1348 = arith.constant 27000 : i32
    %add3A_1349 = vector.broadcast %add3A_1348 : i32 to vector<8x640xi32>
    %add3A_1350 = arith.addi %add3A_1349, %mul3A_1347 : vector<8x640xi32>
    %add3A_1351 = arith.addi %add3A_1350, %min3A_1319 : vector<8x640xi32>
    %mul3A_1352 = arith.constant 200 : i32
    %mul3A_1353 = vector.broadcast %mul3A_1352 : i32 to vector<8x640xi32>
    %mul3A_1354 = arith.muli %min3A_1335, %mul3A_1353 : vector<8x640xi32>
    %add3A_1355 = arith.constant 27000 : i32
    %add3A_1356 = vector.broadcast %add3A_1355 : i32 to vector<8x640xi32>
    %add3A_1357 = arith.addi %add3A_1356, %mul3A_1354 : vector<8x640xi32>
    %add3A_1358 = arith.addi %add3A_1357, %min3A_1328 : vector<8x640xi32>
    %mul3A_1359 = arith.constant 200 : i32
    %mul3A_1360 = vector.broadcast %mul3A_1359 : i32 to vector<8x640xi32>
    %mul3A_1361 = arith.muli %min3A_1344, %mul3A_1360 : vector<8x640xi32>
    %add3A_1362 = arith.constant 27000 : i32
    %add3A_1363 = vector.broadcast %add3A_1362 : i32 to vector<8x640xi32>
    %add3A_1364 = arith.addi %add3A_1363, %mul3A_1361 : vector<8x640xi32>
    %add3A_1365 = arith.addi %add3A_1364, %min3A_1319 : vector<8x640xi32>
    %mul3A_1366 = arith.constant 200 : i32
    %mul3A_1367 = vector.broadcast %mul3A_1366 : i32 to vector<8x640xi32>
    %mul3A_1368 = arith.muli %min3A_1344, %mul3A_1367 : vector<8x640xi32>
    %add3A_1369 = arith.constant 27000 : i32
    %add3A_1370 = vector.broadcast %add3A_1369 : i32 to vector<8x640xi32>
    %add3A_1371 = arith.addi %add3A_1370, %mul3A_1368 : vector<8x640xi32>
    %add3A_1372 = arith.addi %add3A_1371, %min3A_1328 : vector<8x640xi32>
    %sub3A_1373 = arith.constant 1.000000e+00 : f32
    %sub3A_1374 = vector.broadcast %sub3A_1373 : f32 to vector<8x640xf32>
    %sub3A_1375 = arith.subf %sub3A_1374, %sub3A_1312 : vector<8x640xf32>
    %sub3A_1376 = arith.constant 1.000000e+00 : f32
    %sub3A_1377 = vector.broadcast %sub3A_1376 : f32 to vector<8x640xf32>
    %sub3A_1378 = arith.subf %sub3A_1377, %sub3A_1311 : vector<8x640xf32>
    %mul3A_1379 = arith.mulf %sub3A_1375, %sub3A_1378 : vector<8x640xf32>
    %mul3A_1380 = vector.broadcast %div3A_38 : f32 to vector<8x640xf32>
    %mul3A_1381 = arith.mulf %mul3A_1379, %mul3A_1380 : vector<8x640xf32>
    %sub3A_1382 = arith.constant 1.000000e+00 : f32
    %sub3A_1383 = vector.broadcast %sub3A_1382 : f32 to vector<8x640xf32>
    %sub3A_1384 = arith.subf %sub3A_1383, %sub3A_1312 : vector<8x640xf32>
    %mul3A_1385 = arith.mulf %sub3A_1384, %sub3A_1311 : vector<8x640xf32>
    %mul3A_1386 = vector.broadcast %div3A_38 : f32 to vector<8x640xf32>
    %mul3A_1387 = arith.mulf %mul3A_1385, %mul3A_1386 : vector<8x640xf32>
    %sub3A_1388 = arith.constant 1.000000e+00 : f32
    %sub3A_1389 = vector.broadcast %sub3A_1388 : f32 to vector<8x640xf32>
    %sub3A_1390 = arith.subf %sub3A_1389, %sub3A_1311 : vector<8x640xf32>
    %mul3A_1391 = arith.mulf %sub3A_1312, %sub3A_1390 : vector<8x640xf32>
    %mul3A_1392 = vector.broadcast %div3A_38 : f32 to vector<8x640xf32>
    %mul3A_1393 = arith.mulf %mul3A_1391, %mul3A_1392 : vector<8x640xf32>
    %mul3A_1394 = arith.mulf %sub3A_1312, %sub3A_1311 : vector<8x640xf32>
    %mul3A_1395 = vector.broadcast %div3A_38 : f32 to vector<8x640xf32>
    %mul3A_1396 = arith.mulf %mul3A_1394, %mul3A_1395 : vector<8x640xf32>
    %swap3A_1397 = arith.constant 0 : index
    %swap3A_1398 = arith.constant 24 : index
    %swap3A_1399 = arith.constant 0 : index
    %swap3A_1400 = arith.constant 0 : index
    %swap3A_1401 = vector.load %arg3[%swap3A_1397, %swap3A_1398, %swap3A_1399, %swap3A_1400] : memref<1x56x8x640xi32, #tpu.memory_space<vmem>>, vector<1x1x8x640xi32>
    %swap3A_1402 = vector.shape_cast %swap3A_1401 : vector<1x1x8x640xi32> to vector<8x640xi32>
    %swap3A_1403 = vector.shape_cast %add3A_1242 : vector<8x640xi32> to vector<1x1x8x640xi32>
    tpu.vector_store %arg3[%swap3A_1397, %swap3A_1398, %swap3A_1399, %swap3A_1400], %swap3A_1403 {strides = array<i32>} : memref<1x56x8x640xi32, #tpu.memory_space<vmem>>, vector<1x1x8x640xi32>,
    %swap3A_1404 = arith.constant 0 : index
    %swap3A_1405 = arith.constant 24 : index
    %swap3A_1406 = arith.constant 0 : index
    %swap3A_1407 = arith.constant 0 : index
    %swap3A_1408 = vector.load %arg4[%swap3A_1404, %swap3A_1405, %swap3A_1406, %swap3A_1407] : memref<1x56x8x640xf32, #tpu.memory_space<vmem>>, vector<1x1x8x640xf32>
    %swap3A_1409 = vector.shape_cast %swap3A_1408 : vector<1x1x8x640xf32> to vector<8x640xf32>
    %swap3A_1410 = vector.shape_cast %mul3A_1272 : vector<8x640xf32> to vector<1x1x8x640xf32>
    tpu.vector_store %arg4[%swap3A_1404, %swap3A_1405, %swap3A_1406, %swap3A_1407], %swap3A_1410 {strides = array<i32>} : memref<1x56x8x640xf32, #tpu.memory_space<vmem>>, vector<1x1x8x640xf32>,
    %swap3A_1411 = arith.constant 0 : index
    %swap3A_1412 = arith.constant 28 : index
    %swap3A_1413 = arith.constant 0 : index
    %swap3A_1414 = arith.constant 0 : index
    %swap3A_1415 = vector.load %arg3[%swap3A_1411, %swap3A_1412, %swap3A_1413, %swap3A_1414] : memref<1x56x8x640xi32, #tpu.memory_space<vmem>>, vector<1x1x8x640xi32>
    %swap3A_1416 = vector.shape_cast %swap3A_1415 : vector<1x1x8x640xi32> to vector<8x640xi32>
    %swap3A_1417 = vector.shape_cast %add3A_1351 : vector<8x640xi32> to vector<1x1x8x640xi32>
    tpu.vector_store %arg3[%swap3A_1411, %swap3A_1412, %swap3A_1413, %swap3A_1414], %swap3A_1417 {strides = array<i32>} : memref<1x56x8x640xi32, #tpu.memory_space<vmem>>, vector<1x1x8x640xi32>,
    %swap3A_1418 = arith.constant 0 : index
    %swap3A_1419 = arith.constant 28 : index
    %swap3A_1420 = arith.constant 0 : index
    %swap3A_1421 = arith.constant 0 : index
    %swap3A_1422 = vector.load %arg4[%swap3A_1418, %swap3A_1419, %swap3A_1420, %swap3A_1421] : memref<1x56x8x640xf32, #tpu.memory_space<vmem>>, vector<1x1x8x640xf32>
    %swap3A_1423 = vector.shape_cast %swap3A_1422 : vector<1x1x8x640xf32> to vector<8x640xf32>
    %swap3A_1424 = vector.shape_cast %mul3A_1381 : vector<8x640xf32> to vector<1x1x8x640xf32>
    tpu.vector_store %arg4[%swap3A_1418, %swap3A_1419, %swap3A_1420, %swap3A_1421], %swap3A_1424 {strides = array<i32>} : memref<1x56x8x640xf32, #tpu.memory_space<vmem>>, vector<1x1x8x640xf32>,
    %swap3A_1425 = arith.constant 0 : index
    %swap3A_1426 = arith.constant 25 : index
    %swap3A_1427 = arith.constant 0 : index
    %swap3A_1428 = arith.constant 0 : index
    %swap3A_1429 = vector.load %arg3[%swap3A_1425, %swap3A_1426, %swap3A_1427, %swap3A_1428] : memref<1x56x8x640xi32, #tpu.memory_space<vmem>>, vector<1x1x8x640xi32>
    %swap3A_1430 = vector.shape_cast %swap3A_1429 : vector<1x1x8x640xi32> to vector<8x640xi32>
    %swap3A_1431 = vector.shape_cast %add3A_1249 : vector<8x640xi32> to vector<1x1x8x640xi32>
    tpu.vector_store %arg3[%swap3A_1425, %swap3A_1426, %swap3A_1427, %swap3A_1428], %swap3A_1431 {strides = array<i32>} : memref<1x56x8x640xi32, #tpu.memory_space<vmem>>, vector<1x1x8x640xi32>,
    %swap3A_1432 = arith.constant 0 : index
    %swap3A_1433 = arith.constant 25 : index
    %swap3A_1434 = arith.constant 0 : index
    %swap3A_1435 = arith.constant 0 : index
    %swap3A_1436 = vector.load %arg4[%swap3A_1432, %swap3A_1433, %swap3A_1434, %swap3A_1435] : memref<1x56x8x640xf32, #tpu.memory_space<vmem>>, vector<1x1x8x640xf32>
    %swap3A_1437 = vector.shape_cast %swap3A_1436 : vector<1x1x8x640xf32> to vector<8x640xf32>
    %swap3A_1438 = vector.shape_cast %mul3A_1278 : vector<8x640xf32> to vector<1x1x8x640xf32>
    tpu.vector_store %arg4[%swap3A_1432, %swap3A_1433, %swap3A_1434, %swap3A_1435], %swap3A_1438 {strides = array<i32>} : memref<1x56x8x640xf32, #tpu.memory_space<vmem>>, vector<1x1x8x640xf32>,
    %swap3A_1439 = arith.constant 0 : index
    %swap3A_1440 = arith.constant 29 : index
    %swap3A_1441 = arith.constant 0 : index
    %swap3A_1442 = arith.constant 0 : index
    %swap3A_1443 = vector.load %arg3[%swap3A_1439, %swap3A_1440, %swap3A_1441, %swap3A_1442] : memref<1x56x8x640xi32, #tpu.memory_space<vmem>>, vector<1x1x8x640xi32>
    %swap3A_1444 = vector.shape_cast %swap3A_1443 : vector<1x1x8x640xi32> to vector<8x640xi32>
    %swap3A_1445 = vector.shape_cast %add3A_1358 : vector<8x640xi32> to vector<1x1x8x640xi32>
    tpu.vector_store %arg3[%swap3A_1439, %swap3A_1440, %swap3A_1441, %swap3A_1442], %swap3A_1445 {strides = array<i32>} : memref<1x56x8x640xi32, #tpu.memory_space<vmem>>, vector<1x1x8x640xi32>,
    %swap3A_1446 = arith.constant 0 : index
    %swap3A_1447 = arith.constant 29 : index
    %swap3A_1448 = arith.constant 0 : index
    %swap3A_1449 = arith.constant 0 : index
    %swap3A_1450 = vector.load %arg4[%swap3A_1446, %swap3A_1447, %swap3A_1448, %swap3A_1449] : memref<1x56x8x640xf32, #tpu.memory_space<vmem>>, vector<1x1x8x640xf32>
    %swap3A_1451 = vector.shape_cast %swap3A_1450 : vector<1x1x8x640xf32> to vector<8x640xf32>
    %swap3A_1452 = vector.shape_cast %mul3A_1387 : vector<8x640xf32> to vector<1x1x8x640xf32>
    tpu.vector_store %arg4[%swap3A_1446, %swap3A_1447, %swap3A_1448, %swap3A_1449], %swap3A_1452 {strides = array<i32>} : memref<1x56x8x640xf32, #tpu.memory_space<vmem>>, vector<1x1x8x640xf32>,
    %swap3A_1453 = arith.constant 0 : index
    %swap3A_1454 = arith.constant 26 : index
    %swap3A_1455 = arith.constant 0 : index
    %swap3A_1456 = arith.constant 0 : index
    %swap3A_1457 = vector.load %arg3[%swap3A_1453, %swap3A_1454, %swap3A_1455, %swap3A_1456] : memref<1x56x8x640xi32, #tpu.memory_space<vmem>>, vector<1x1x8x640xi32>
    %swap3A_1458 = vector.shape_cast %swap3A_1457 : vector<1x1x8x640xi32> to vector<8x640xi32>
    %swap3A_1459 = vector.shape_cast %add3A_1256 : vector<8x640xi32> to vector<1x1x8x640xi32>
    tpu.vector_store %arg3[%swap3A_1453, %swap3A_1454, %swap3A_1455, %swap3A_1456], %swap3A_1459 {strides = array<i32>} : memref<1x56x8x640xi32, #tpu.memory_space<vmem>>, vector<1x1x8x640xi32>,
    %swap3A_1460 = arith.constant 0 : index
    %swap3A_1461 = arith.constant 26 : index
    %swap3A_1462 = arith.constant 0 : index
    %swap3A_1463 = arith.constant 0 : index
    %swap3A_1464 = vector.load %arg4[%swap3A_1460, %swap3A_1461, %swap3A_1462, %swap3A_1463] : memref<1x56x8x640xf32, #tpu.memory_space<vmem>>, vector<1x1x8x640xf32>
    %swap3A_1465 = vector.shape_cast %swap3A_1464 : vector<1x1x8x640xf32> to vector<8x640xf32>
    %swap3A_1466 = vector.shape_cast %mul3A_1284 : vector<8x640xf32> to vector<1x1x8x640xf32>
    tpu.vector_store %arg4[%swap3A_1460, %swap3A_1461, %swap3A_1462, %swap3A_1463], %swap3A_1466 {strides = array<i32>} : memref<1x56x8x640xf32, #tpu.memory_space<vmem>>, vector<1x1x8x640xf32>,
    %swap3A_1467 = arith.constant 0 : index
    %swap3A_1468 = arith.constant 30 : index
    %swap3A_1469 = arith.constant 0 : index
    %swap3A_1470 = arith.constant 0 : index
    %swap3A_1471 = vector.load %arg3[%swap3A_1467, %swap3A_1468, %swap3A_1469, %swap3A_1470] : memref<1x56x8x640xi32, #tpu.memory_space<vmem>>, vector<1x1x8x640xi32>
    %swap3A_1472 = vector.shape_cast %swap3A_1471 : vector<1x1x8x640xi32> to vector<8x640xi32>
    %swap3A_1473 = vector.shape_cast %add3A_1365 : vector<8x640xi32> to vector<1x1x8x640xi32>
    tpu.vector_store %arg3[%swap3A_1467, %swap3A_1468, %swap3A_1469, %swap3A_1470], %swap3A_1473 {strides = array<i32>} : memref<1x56x8x640xi32, #tpu.memory_space<vmem>>, vector<1x1x8x640xi32>,
    %swap3A_1474 = arith.constant 0 : index
    %swap3A_1475 = arith.constant 30 : index
    %swap3A_1476 = arith.constant 0 : index
    %swap3A_1477 = arith.constant 0 : index
    %swap3A_1478 = vector.load %arg4[%swap3A_1474, %swap3A_1475, %swap3A_1476, %swap3A_1477] : memref<1x56x8x640xf32, #tpu.memory_space<vmem>>, vector<1x1x8x640xf32>
    %swap3A_1479 = vector.shape_cast %swap3A_1478 : vector<1x1x8x640xf32> to vector<8x640xf32>
    %swap3A_1480 = vector.shape_cast %mul3A_1393 : vector<8x640xf32> to vector<1x1x8x640xf32>
    tpu.vector_store %arg4[%swap3A_1474, %swap3A_1475, %swap3A_1476, %swap3A_1477], %swap3A_1480 {strides = array<i32>} : memref<1x56x8x640xf32, #tpu.memory_space<vmem>>, vector<1x1x8x640xf32>,
    %swap3A_1481 = arith.constant 0 : index
    %swap3A_1482 = arith.constant 27 : index
    %swap3A_1483 = arith.constant 0 : index
    %swap3A_1484 = arith.constant 0 : index
    %swap3A_1485 = vector.load %arg3[%swap3A_1481, %swap3A_1482, %swap3A_1483, %swap3A_1484] : memref<1x56x8x640xi32, #tpu.memory_space<vmem>>, vector<1x1x8x640xi32>
    %swap3A_1486 = vector.shape_cast %swap3A_1485 : vector<1x1x8x640xi32> to vector<8x640xi32>
    %swap3A_1487 = vector.shape_cast %add3A_1263 : vector<8x640xi32> to vector<1x1x8x640xi32>
    tpu.vector_store %arg3[%swap3A_1481, %swap3A_1482, %swap3A_1483, %swap3A_1484], %swap3A_1487 {strides = array<i32>} : memref<1x56x8x640xi32, #tpu.memory_space<vmem>>, vector<1x1x8x640xi32>,
    %swap3A_1488 = arith.constant 0 : index
    %swap3A_1489 = arith.constant 27 : index
    %swap3A_1490 = arith.constant 0 : index
    %swap3A_1491 = arith.constant 0 : index
    %swap3A_1492 = vector.load %arg4[%swap3A_1488, %swap3A_1489, %swap3A_1490, %swap3A_1491] : memref<1x56x8x640xf32, #tpu.memory_space<vmem>>, vector<1x1x8x640xf32>
    %swap3A_1493 = vector.shape_cast %swap3A_1492 : vector<1x1x8x640xf32> to vector<8x640xf32>
    %swap3A_1494 = vector.shape_cast %mul3A_1287 : vector<8x640xf32> to vector<1x1x8x640xf32>
    tpu.vector_store %arg4[%swap3A_1488, %swap3A_1489, %swap3A_1490, %swap3A_1491], %swap3A_1494 {strides = array<i32>} : memref<1x56x8x640xf32, #tpu.memory_space<vmem>>, vector<1x1x8x640xf32>,
    %swap3A_1495 = arith.constant 0 : index
    %swap3A_1496 = arith.constant 31 : index
    %swap3A_1497 = arith.constant 0 : index
    %swap3A_1498 = arith.constant 0 : index
    %swap3A_1499 = vector.load %arg3[%swap3A_1495, %swap3A_1496, %swap3A_1497, %swap3A_1498] : memref<1x56x8x640xi32, #tpu.memory_space<vmem>>, vector<1x1x8x640xi32>
    %swap3A_1500 = vector.shape_cast %swap3A_1499 : vector<1x1x8x640xi32> to vector<8x640xi32>
    %swap3A_1501 = vector.shape_cast %add3A_1372 : vector<8x640xi32> to vector<1x1x8x640xi32>
    tpu.vector_store %arg3[%swap3A_1495, %swap3A_1496, %swap3A_1497, %swap3A_1498], %swap3A_1501 {strides = array<i32>} : memref<1x56x8x640xi32, #tpu.memory_space<vmem>>, vector<1x1x8x640xi32>,
    %swap3A_1502 = arith.constant 0 : index
    %swap3A_1503 = arith.constant 31 : index
    %swap3A_1504 = arith.constant 0 : index
    %swap3A_1505 = arith.constant 0 : index
    %swap3A_1506 = vector.load %arg4[%swap3A_1502, %swap3A_1503, %swap3A_1504, %swap3A_1505] : memref<1x56x8x640xf32, #tpu.memory_space<vmem>>, vector<1x1x8x640xf32>
    %swap3A_1507 = vector.shape_cast %swap3A_1506 : vector<1x1x8x640xf32> to vector<8x640xf32>
    %swap3A_1508 = vector.shape_cast %mul3A_1396 : vector<8x640xf32> to vector<1x1x8x640xf32>
    tpu.vector_store %arg4[%swap3A_1502, %swap3A_1503, %swap3A_1504, %swap3A_1505], %swap3A_1508 {strides = array<i32>} : memref<1x56x8x640xf32, #tpu.memory_space<vmem>>, vector<1x1x8x640xf32>,
    %sub3A_1509 = arith.subf %min3A_174, %min3A_167 : vector<8x640xf32>
    %div3A_1510 = arith.constant 7.000000e+00 : f32
    %div3A_1511 = vector.broadcast %div3A_1510 : f32 to vector<8x640xf32>
    %div3A_1512 = arith.divf %sub3A_1509, %div3A_1511 : vector<8x640xf32>
    %sub3A_1513 = arith.subf %min3A_188, %min3A_181 : vector<8x640xf32>
    %div3A_1514 = arith.constant 7.000000e+00 : f32
    %div3A_1515 = vector.broadcast %div3A_1514 : f32 to vector<8x640xf32>
    %div3A_1516 = arith.divf %sub3A_1513, %div3A_1515 : vector<8x640xf32>
    %mul3A_1517 = arith.constant 4.500000e+00 : f32
    %mul3A_1518 = vector.broadcast %mul3A_1517 : f32 to vector<8x640xf32>
    %mul3A_1519 = arith.mulf %mul3A_1518, %div3A_1512 : vector<8x640xf32>
    %add3A_1520 = arith.addf %min3A_167, %mul3A_1519 : vector<8x640xf32>
    %sub3A_1521 = arith.constant 5.000000e-01 : f32
    %sub3A_1522 = vector.broadcast %sub3A_1521 : f32 to vector<8x640xf32>
    %sub3A_1523 = arith.subf %add3A_1520, %sub3A_1522 : vector<8x640xf32>
    %mul3A_1524 = vector.broadcast %add3A_190 : f32 to vector<8x640xf32>
    %mul3A_1525 = arith.mulf %mul3A_1524, %div3A_1516 : vector<8x640xf32>
    %add3A_1526 = arith.addf %min3A_181, %mul3A_1525 : vector<8x640xf32>
    %sub3A_1527 = arith.constant 5.000000e-01 : f32
    %sub3A_1528 = vector.broadcast %sub3A_1527 : f32 to vector<8x640xf32>
    %sub3A_1529 = arith.subf %add3A_1526, %sub3A_1528 : vector<8x640xf32>
    %floor3A_1530 = math.floor %sub3A_1523 : vector<8x640xf32>
    %floor3A_1531 = math.floor %sub3A_1529 : vector<8x640xf32>
    %sub3A_1532 = arith.subf %sub3A_1523, %floor3A_1530 : vector<8x640xf32>
    %sub3A_1533 = arith.subf %sub3A_1529, %floor3A_1531 : vector<8x640xf32>
    %convert_element_type3A_1534 = arith.fptosi %floor3A_1530 : vector<8x640xf32> to vector<8x640xi32>
    %jit3A_1535 = arith.constant 0 : i32
    %jit3A_1536 = arith.constant 299 : i32
    %max3A_1537 = vector.broadcast %jit3A_1535 : i32 to vector<8x640xi32>
    %max3A_1538 = arith.maxsi %max3A_1537, %convert_element_type3A_1534 : vector<8x640xi32>
    %min3A_1539 = vector.broadcast %jit3A_1536 : i32 to vector<8x640xi32>
    %min3A_1540 = arith.minsi %min3A_1539, %max3A_1538 : vector<8x640xi32>
    %add3A_1541 = arith.constant 1 : i32
    %add3A_1542 = vector.broadcast %add3A_1541 : i32 to vector<8x640xi32>
    %add3A_1543 = arith.addi %min3A_1540, %add3A_1542 : vector<8x640xi32>
    %jit3A_1544 = arith.constant 0 : i32
    %jit3A_1545 = arith.constant 299 : i32
    %max3A_1546 = vector.broadcast %jit3A_1544 : i32 to vector<8x640xi32>
    %max3A_1547 = arith.maxsi %max3A_1546, %add3A_1543 : vector<8x640xi32>
    %min3A_1548 = vector.broadcast %jit3A_1545 : i32 to vector<8x640xi32>
    %min3A_1549 = arith.minsi %min3A_1548, %max3A_1547 : vector<8x640xi32>
    %convert_element_type3A_1550 = arith.fptosi %floor3A_1531 : vector<8x640xf32> to vector<8x640xi32>
    %jit3A_1551 = arith.constant 0 : i32
    %jit3A_1552 = arith.constant 89 : i32
    %max3A_1553 = vector.broadcast %jit3A_1551 : i32 to vector<8x640xi32>
    %max3A_1554 = arith.maxsi %max3A_1553, %convert_element_type3A_1550 : vector<8x640xi32>
    %min3A_1555 = vector.broadcast %jit3A_1552 : i32 to vector<8x640xi32>
    %min3A_1556 = arith.minsi %min3A_1555, %max3A_1554 : vector<8x640xi32>
    %add3A_1557 = arith.constant 1 : i32
    %add3A_1558 = vector.broadcast %add3A_1557 : i32 to vector<8x640xi32>
    %add3A_1559 = arith.addi %min3A_1556, %add3A_1558 : vector<8x640xi32>
    %jit3A_1560 = arith.constant 0 : i32
    %jit3A_1561 = arith.constant 89 : i32
    %max3A_1562 = vector.broadcast %jit3A_1560 : i32 to vector<8x640xi32>
    %max3A_1563 = arith.maxsi %max3A_1562, %add3A_1559 : vector<8x640xi32>
    %min3A_1564 = vector.broadcast %jit3A_1561 : i32 to vector<8x640xi32>
    %min3A_1565 = arith.minsi %min3A_1564, %max3A_1563 : vector<8x640xi32>
    %mul3A_1566 = arith.constant 300 : i32
    %mul3A_1567 = vector.broadcast %mul3A_1566 : i32 to vector<8x640xi32>
    %mul3A_1568 = arith.muli %min3A_1556, %mul3A_1567 : vector<8x640xi32>
    %add3A_1569 = arith.constant 0 : i32
    %add3A_1570 = vector.broadcast %add3A_1569 : i32 to vector<8x640xi32>
    %add3A_1571 = arith.addi %add3A_1570, %mul3A_1568 : vector<8x640xi32>
    %add3A_1572 = arith.addi %add3A_1571, %min3A_1540 : vector<8x640xi32>
    %mul3A_1573 = arith.constant 300 : i32
    %mul3A_1574 = vector.broadcast %mul3A_1573 : i32 to vector<8x640xi32>
    %mul3A_1575 = arith.muli %min3A_1556, %mul3A_1574 : vector<8x640xi32>
    %add3A_1576 = arith.constant 0 : i32
    %add3A_1577 = vector.broadcast %add3A_1576 : i32 to vector<8x640xi32>
    %add3A_1578 = arith.addi %add3A_1577, %mul3A_1575 : vector<8x640xi32>
    %add3A_1579 = arith.addi %add3A_1578, %min3A_1549 : vector<8x640xi32>
    %mul3A_1580 = arith.constant 300 : i32
    %mul3A_1581 = vector.broadcast %mul3A_1580 : i32 to vector<8x640xi32>
    %mul3A_1582 = arith.muli %min3A_1565, %mul3A_1581 : vector<8x640xi32>
    %add3A_1583 = arith.constant 0 : i32
    %add3A_1584 = vector.broadcast %add3A_1583 : i32 to vector<8x640xi32>
    %add3A_1585 = arith.addi %add3A_1584, %mul3A_1582 : vector<8x640xi32>
    %add3A_1586 = arith.addi %add3A_1585, %min3A_1540 : vector<8x640xi32>
    %mul3A_1587 = arith.constant 300 : i32
    %mul3A_1588 = vector.broadcast %mul3A_1587 : i32 to vector<8x640xi32>
    %mul3A_1589 = arith.muli %min3A_1565, %mul3A_1588 : vector<8x640xi32>
    %add3A_1590 = arith.constant 0 : i32
    %add3A_1591 = vector.broadcast %add3A_1590 : i32 to vector<8x640xi32>
    %add3A_1592 = arith.addi %add3A_1591, %mul3A_1589 : vector<8x640xi32>
    %add3A_1593 = arith.addi %add3A_1592, %min3A_1549 : vector<8x640xi32>
    %sub3A_1594 = arith.constant 1.000000e+00 : f32
    %sub3A_1595 = vector.broadcast %sub3A_1594 : f32 to vector<8x640xf32>
    %sub3A_1596 = arith.subf %sub3A_1595, %sub3A_1533 : vector<8x640xf32>
    %sub3A_1597 = arith.constant 1.000000e+00 : f32
    %sub3A_1598 = vector.broadcast %sub3A_1597 : f32 to vector<8x640xf32>
    %sub3A_1599 = arith.subf %sub3A_1598, %sub3A_1532 : vector<8x640xf32>
    %mul3A_1600 = arith.mulf %sub3A_1596, %sub3A_1599 : vector<8x640xf32>
    %mul3A_1601 = vector.broadcast %div3A : f32 to vector<8x640xf32>
    %mul3A_1602 = arith.mulf %mul3A_1600, %mul3A_1601 : vector<8x640xf32>
    %sub3A_1603 = arith.constant 1.000000e+00 : f32
    %sub3A_1604 = vector.broadcast %sub3A_1603 : f32 to vector<8x640xf32>
    %sub3A_1605 = arith.subf %sub3A_1604, %sub3A_1533 : vector<8x640xf32>
    %mul3A_1606 = arith.mulf %sub3A_1605, %sub3A_1532 : vector<8x640xf32>
    %mul3A_1607 = vector.broadcast %div3A : f32 to vector<8x640xf32>
    %mul3A_1608 = arith.mulf %mul3A_1606, %mul3A_1607 : vector<8x640xf32>
    %sub3A_1609 = arith.constant 1.000000e+00 : f32
    %sub3A_1610 = vector.broadcast %sub3A_1609 : f32 to vector<8x640xf32>
    %sub3A_1611 = arith.subf %sub3A_1610, %sub3A_1532 : vector<8x640xf32>
    %mul3A_1612 = arith.mulf %sub3A_1533, %sub3A_1611 : vector<8x640xf32>
    %mul3A_1613 = vector.broadcast %div3A : f32 to vector<8x640xf32>
    %mul3A_1614 = arith.mulf %mul3A_1612, %mul3A_1613 : vector<8x640xf32>
    %mul3A_1615 = arith.mulf %sub3A_1533, %sub3A_1532 : vector<8x640xf32>
    %mul3A_1616 = vector.broadcast %div3A : f32 to vector<8x640xf32>
    %mul3A_1617 = arith.mulf %mul3A_1615, %mul3A_1616 : vector<8x640xf32>
    %sub3A_1618 = arith.subf %min3A_71, %min3A_52 : vector<8x640xf32>
    %div3A_1619 = arith.constant 7.000000e+00 : f32
    %div3A_1620 = vector.broadcast %div3A_1619 : f32 to vector<8x640xf32>
    %div3A_1621 = arith.divf %sub3A_1618, %div3A_1620 : vector<8x640xf32>
    %sub3A_1622 = arith.subf %min3A_109, %min3A_90 : vector<8x640xf32>
    %div3A_1623 = arith.constant 7.000000e+00 : f32
    %div3A_1624 = vector.broadcast %div3A_1623 : f32 to vector<8x640xf32>
    %div3A_1625 = arith.divf %sub3A_1622, %div3A_1624 : vector<8x640xf32>
    %mul3A_1626 = arith.constant 4.500000e+00 : f32
    %mul3A_1627 = vector.broadcast %mul3A_1626 : f32 to vector<8x640xf32>
    %mul3A_1628 = arith.mulf %mul3A_1627, %div3A_1621 : vector<8x640xf32>
    %add3A_1629 = arith.addf %min3A_52, %mul3A_1628 : vector<8x640xf32>
    %sub3A_1630 = arith.constant 5.000000e-01 : f32
    %sub3A_1631 = vector.broadcast %sub3A_1630 : f32 to vector<8x640xf32>
    %sub3A_1632 = arith.subf %add3A_1629, %sub3A_1631 : vector<8x640xf32>
    %mul3A_1633 = vector.broadcast %add3A_190 : f32 to vector<8x640xf32>
    %mul3A_1634 = arith.mulf %mul3A_1633, %div3A_1625 : vector<8x640xf32>
    %add3A_1635 = arith.addf %min3A_90, %mul3A_1634 : vector<8x640xf32>
    %sub3A_1636 = arith.constant 5.000000e-01 : f32
    %sub3A_1637 = vector.broadcast %sub3A_1636 : f32 to vector<8x640xf32>
    %sub3A_1638 = arith.subf %add3A_1635, %sub3A_1637 : vector<8x640xf32>
    %floor3A_1639 = math.floor %sub3A_1632 : vector<8x640xf32>
    %floor3A_1640 = math.floor %sub3A_1638 : vector<8x640xf32>
    %sub3A_1641 = arith.subf %sub3A_1632, %floor3A_1639 : vector<8x640xf32>
    %sub3A_1642 = arith.subf %sub3A_1638, %floor3A_1640 : vector<8x640xf32>
    %convert_element_type3A_1643 = arith.fptosi %floor3A_1639 : vector<8x640xf32> to vector<8x640xi32>
    %jit3A_1644 = arith.constant 0 : i32
    %jit3A_1645 = arith.constant 199 : i32
    %max3A_1646 = vector.broadcast %jit3A_1644 : i32 to vector<8x640xi32>
    %max3A_1647 = arith.maxsi %max3A_1646, %convert_element_type3A_1643 : vector<8x640xi32>
    %min3A_1648 = vector.broadcast %jit3A_1645 : i32 to vector<8x640xi32>
    %min3A_1649 = arith.minsi %min3A_1648, %max3A_1647 : vector<8x640xi32>
    %add3A_1650 = arith.constant 1 : i32
    %add3A_1651 = vector.broadcast %add3A_1650 : i32 to vector<8x640xi32>
    %add3A_1652 = arith.addi %min3A_1649, %add3A_1651 : vector<8x640xi32>
    %jit3A_1653 = arith.constant 0 : i32
    %jit3A_1654 = arith.constant 199 : i32
    %max3A_1655 = vector.broadcast %jit3A_1653 : i32 to vector<8x640xi32>
    %max3A_1656 = arith.maxsi %max3A_1655, %add3A_1652 : vector<8x640xi32>
    %min3A_1657 = vector.broadcast %jit3A_1654 : i32 to vector<8x640xi32>
    %min3A_1658 = arith.minsi %min3A_1657, %max3A_1656 : vector<8x640xi32>
    %convert_element_type3A_1659 = arith.fptosi %floor3A_1640 : vector<8x640xf32> to vector<8x640xi32>
    %jit3A_1660 = arith.constant 0 : i32
    %jit3A_1661 = arith.constant 174 : i32
    %max3A_1662 = vector.broadcast %jit3A_1660 : i32 to vector<8x640xi32>
    %max3A_1663 = arith.maxsi %max3A_1662, %convert_element_type3A_1659 : vector<8x640xi32>
    %min3A_1664 = vector.broadcast %jit3A_1661 : i32 to vector<8x640xi32>
    %min3A_1665 = arith.minsi %min3A_1664, %max3A_1663 : vector<8x640xi32>
    %add3A_1666 = arith.constant 1 : i32
    %add3A_1667 = vector.broadcast %add3A_1666 : i32 to vector<8x640xi32>
    %add3A_1668 = arith.addi %min3A_1665, %add3A_1667 : vector<8x640xi32>
    %jit3A_1669 = arith.constant 0 : i32
    %jit3A_1670 = arith.constant 174 : i32
    %max3A_1671 = vector.broadcast %jit3A_1669 : i32 to vector<8x640xi32>
    %max3A_1672 = arith.maxsi %max3A_1671, %add3A_1668 : vector<8x640xi32>
    %min3A_1673 = vector.broadcast %jit3A_1670 : i32 to vector<8x640xi32>
    %min3A_1674 = arith.minsi %min3A_1673, %max3A_1672 : vector<8x640xi32>
    %mul3A_1675 = arith.constant 200 : i32
    %mul3A_1676 = vector.broadcast %mul3A_1675 : i32 to vector<8x640xi32>
    %mul3A_1677 = arith.muli %min3A_1665, %mul3A_1676 : vector<8x640xi32>
    %add3A_1678 = arith.constant 27000 : i32
    %add3A_1679 = vector.broadcast %add3A_1678 : i32 to vector<8x640xi32>
    %add3A_1680 = arith.addi %add3A_1679, %mul3A_1677 : vector<8x640xi32>
    %add3A_1681 = arith.addi %add3A_1680, %min3A_1649 : vector<8x640xi32>
    %mul3A_1682 = arith.constant 200 : i32
    %mul3A_1683 = vector.broadcast %mul3A_1682 : i32 to vector<8x640xi32>
    %mul3A_1684 = arith.muli %min3A_1665, %mul3A_1683 : vector<8x640xi32>
    %add3A_1685 = arith.constant 27000 : i32
    %add3A_1686 = vector.broadcast %add3A_1685 : i32 to vector<8x640xi32>
    %add3A_1687 = arith.addi %add3A_1686, %mul3A_1684 : vector<8x640xi32>
    %add3A_1688 = arith.addi %add3A_1687, %min3A_1658 : vector<8x640xi32>
    %mul3A_1689 = arith.constant 200 : i32
    %mul3A_1690 = vector.broadcast %mul3A_1689 : i32 to vector<8x640xi32>
    %mul3A_1691 = arith.muli %min3A_1674, %mul3A_1690 : vector<8x640xi32>
    %add3A_1692 = arith.constant 27000 : i32
    %add3A_1693 = vector.broadcast %add3A_1692 : i32 to vector<8x640xi32>
    %add3A_1694 = arith.addi %add3A_1693, %mul3A_1691 : vector<8x640xi32>
    %add3A_1695 = arith.addi %add3A_1694, %min3A_1649 : vector<8x640xi32>
    %mul3A_1696 = arith.constant 200 : i32
    %mul3A_1697 = vector.broadcast %mul3A_1696 : i32 to vector<8x640xi32>
    %mul3A_1698 = arith.muli %min3A_1674, %mul3A_1697 : vector<8x640xi32>
    %add3A_1699 = arith.constant 27000 : i32
    %add3A_1700 = vector.broadcast %add3A_1699 : i32 to vector<8x640xi32>
    %add3A_1701 = arith.addi %add3A_1700, %mul3A_1698 : vector<8x640xi32>
    %add3A_1702 = arith.addi %add3A_1701, %min3A_1658 : vector<8x640xi32>
    %sub3A_1703 = arith.constant 1.000000e+00 : f32
    %sub3A_1704 = vector.broadcast %sub3A_1703 : f32 to vector<8x640xf32>
    %sub3A_1705 = arith.subf %sub3A_1704, %sub3A_1642 : vector<8x640xf32>
    %sub3A_1706 = arith.constant 1.000000e+00 : f32
    %sub3A_1707 = vector.broadcast %sub3A_1706 : f32 to vector<8x640xf32>
    %sub3A_1708 = arith.subf %sub3A_1707, %sub3A_1641 : vector<8x640xf32>
    %mul3A_1709 = arith.mulf %sub3A_1705, %sub3A_1708 : vector<8x640xf32>
    %mul3A_1710 = vector.broadcast %div3A_38 : f32 to vector<8x640xf32>
    %mul3A_1711 = arith.mulf %mul3A_1709, %mul3A_1710 : vector<8x640xf32>
    %sub3A_1712 = arith.constant 1.000000e+00 : f32
    %sub3A_1713 = vector.broadcast %sub3A_1712 : f32 to vector<8x640xf32>
    %sub3A_1714 = arith.subf %sub3A_1713, %sub3A_1642 : vector<8x640xf32>
    %mul3A_1715 = arith.mulf %sub3A_1714, %sub3A_1641 : vector<8x640xf32>
    %mul3A_1716 = vector.broadcast %div3A_38 : f32 to vector<8x640xf32>
    %mul3A_1717 = arith.mulf %mul3A_1715, %mul3A_1716 : vector<8x640xf32>
    %sub3A_1718 = arith.constant 1.000000e+00 : f32
    %sub3A_1719 = vector.broadcast %sub3A_1718 : f32 to vector<8x640xf32>
    %sub3A_1720 = arith.subf %sub3A_1719, %sub3A_1641 : vector<8x640xf32>
    %mul3A_1721 = arith.mulf %sub3A_1642, %sub3A_1720 : vector<8x640xf32>
    %mul3A_1722 = vector.broadcast %div3A_38 : f32 to vector<8x640xf32>
    %mul3A_1723 = arith.mulf %mul3A_1721, %mul3A_1722 : vector<8x640xf32>
    %mul3A_1724 = arith.mulf %sub3A_1642, %sub3A_1641 : vector<8x640xf32>
    %mul3A_1725 = vector.broadcast %div3A_38 : f32 to vector<8x640xf32>
    %mul3A_1726 = arith.mulf %mul3A_1724, %mul3A_1725 : vector<8x640xf32>
    %swap3A_1727 = arith.constant 0 : index
    %swap3A_1728 = arith.constant 32 : index
    %swap3A_1729 = arith.constant 0 : index
    %swap3A_1730 = arith.constant 0 : index
    %swap3A_1731 = vector.load %arg3[%swap3A_1727, %swap3A_1728, %swap3A_1729, %swap3A_1730] : memref<1x56x8x640xi32, #tpu.memory_space<vmem>>, vector<1x1x8x640xi32>
    %swap3A_1732 = vector.shape_cast %swap3A_1731 : vector<1x1x8x640xi32> to vector<8x640xi32>
    %swap3A_1733 = vector.shape_cast %add3A_1572 : vector<8x640xi32> to vector<1x1x8x640xi32>
    tpu.vector_store %arg3[%swap3A_1727, %swap3A_1728, %swap3A_1729, %swap3A_1730], %swap3A_1733 {strides = array<i32>} : memref<1x56x8x640xi32, #tpu.memory_space<vmem>>, vector<1x1x8x640xi32>,
    %swap3A_1734 = arith.constant 0 : index
    %swap3A_1735 = arith.constant 32 : index
    %swap3A_1736 = arith.constant 0 : index
    %swap3A_1737 = arith.constant 0 : index
    %swap3A_1738 = vector.load %arg4[%swap3A_1734, %swap3A_1735, %swap3A_1736, %swap3A_1737] : memref<1x56x8x640xf32, #tpu.memory_space<vmem>>, vector<1x1x8x640xf32>
    %swap3A_1739 = vector.shape_cast %swap3A_1738 : vector<1x1x8x640xf32> to vector<8x640xf32>
    %swap3A_1740 = vector.shape_cast %mul3A_1602 : vector<8x640xf32> to vector<1x1x8x640xf32>
    tpu.vector_store %arg4[%swap3A_1734, %swap3A_1735, %swap3A_1736, %swap3A_1737], %swap3A_1740 {strides = array<i32>} : memref<1x56x8x640xf32, #tpu.memory_space<vmem>>, vector<1x1x8x640xf32>,
    %swap3A_1741 = arith.constant 0 : index
    %swap3A_1742 = arith.constant 36 : index
    %swap3A_1743 = arith.constant 0 : index
    %swap3A_1744 = arith.constant 0 : index
    %swap3A_1745 = vector.load %arg3[%swap3A_1741, %swap3A_1742, %swap3A_1743, %swap3A_1744] : memref<1x56x8x640xi32, #tpu.memory_space<vmem>>, vector<1x1x8x640xi32>
    %swap3A_1746 = vector.shape_cast %swap3A_1745 : vector<1x1x8x640xi32> to vector<8x640xi32>
    %swap3A_1747 = vector.shape_cast %add3A_1681 : vector<8x640xi32> to vector<1x1x8x640xi32>
    tpu.vector_store %arg3[%swap3A_1741, %swap3A_1742, %swap3A_1743, %swap3A_1744], %swap3A_1747 {strides = array<i32>} : memref<1x56x8x640xi32, #tpu.memory_space<vmem>>, vector<1x1x8x640xi32>,
    %swap3A_1748 = arith.constant 0 : index
    %swap3A_1749 = arith.constant 36 : index
    %swap3A_1750 = arith.constant 0 : index
    %swap3A_1751 = arith.constant 0 : index
    %swap3A_1752 = vector.load %arg4[%swap3A_1748, %swap3A_1749, %swap3A_1750, %swap3A_1751] : memref<1x56x8x640xf32, #tpu.memory_space<vmem>>, vector<1x1x8x640xf32>
    %swap3A_1753 = vector.shape_cast %swap3A_1752 : vector<1x1x8x640xf32> to vector<8x640xf32>
    %swap3A_1754 = vector.shape_cast %mul3A_1711 : vector<8x640xf32> to vector<1x1x8x640xf32>
    tpu.vector_store %arg4[%swap3A_1748, %swap3A_1749, %swap3A_1750, %swap3A_1751], %swap3A_1754 {strides = array<i32>} : memref<1x56x8x640xf32, #tpu.memory_space<vmem>>, vector<1x1x8x640xf32>,
    %swap3A_1755 = arith.constant 0 : index
    %swap3A_1756 = arith.constant 33 : index
    %swap3A_1757 = arith.constant 0 : index
    %swap3A_1758 = arith.constant 0 : index
    %swap3A_1759 = vector.load %arg3[%swap3A_1755, %swap3A_1756, %swap3A_1757, %swap3A_1758] : memref<1x56x8x640xi32, #tpu.memory_space<vmem>>, vector<1x1x8x640xi32>
    %swap3A_1760 = vector.shape_cast %swap3A_1759 : vector<1x1x8x640xi32> to vector<8x640xi32>
    %swap3A_1761 = vector.shape_cast %add3A_1579 : vector<8x640xi32> to vector<1x1x8x640xi32>
    tpu.vector_store %arg3[%swap3A_1755, %swap3A_1756, %swap3A_1757, %swap3A_1758], %swap3A_1761 {strides = array<i32>} : memref<1x56x8x640xi32, #tpu.memory_space<vmem>>, vector<1x1x8x640xi32>,
    %swap3A_1762 = arith.constant 0 : index
    %swap3A_1763 = arith.constant 33 : index
    %swap3A_1764 = arith.constant 0 : index
    %swap3A_1765 = arith.constant 0 : index
    %swap3A_1766 = vector.load %arg4[%swap3A_1762, %swap3A_1763, %swap3A_1764, %swap3A_1765] : memref<1x56x8x640xf32, #tpu.memory_space<vmem>>, vector<1x1x8x640xf32>
    %swap3A_1767 = vector.shape_cast %swap3A_1766 : vector<1x1x8x640xf32> to vector<8x640xf32>
    %swap3A_1768 = vector.shape_cast %mul3A_1608 : vector<8x640xf32> to vector<1x1x8x640xf32>
    tpu.vector_store %arg4[%swap3A_1762, %swap3A_1763, %swap3A_1764, %swap3A_1765], %swap3A_1768 {strides = array<i32>} : memref<1x56x8x640xf32, #tpu.memory_space<vmem>>, vector<1x1x8x640xf32>,
    %swap3A_1769 = arith.constant 0 : index
    %swap3A_1770 = arith.constant 37 : index
    %swap3A_1771 = arith.constant 0 : index
    %swap3A_1772 = arith.constant 0 : index
    %swap3A_1773 = vector.load %arg3[%swap3A_1769, %swap3A_1770, %swap3A_1771, %swap3A_1772] : memref<1x56x8x640xi32, #tpu.memory_space<vmem>>, vector<1x1x8x640xi32>
    %swap3A_1774 = vector.shape_cast %swap3A_1773 : vector<1x1x8x640xi32> to vector<8x640xi32>
    %swap3A_1775 = vector.shape_cast %add3A_1688 : vector<8x640xi32> to vector<1x1x8x640xi32>
    tpu.vector_store %arg3[%swap3A_1769, %swap3A_1770, %swap3A_1771, %swap3A_1772], %swap3A_1775 {strides = array<i32>} : memref<1x56x8x640xi32, #tpu.memory_space<vmem>>, vector<1x1x8x640xi32>,
    %swap3A_1776 = arith.constant 0 : index
    %swap3A_1777 = arith.constant 37 : index
    %swap3A_1778 = arith.constant 0 : index
    %swap3A_1779 = arith.constant 0 : index
    %swap3A_1780 = vector.load %arg4[%swap3A_1776, %swap3A_1777, %swap3A_1778, %swap3A_1779] : memref<1x56x8x640xf32, #tpu.memory_space<vmem>>, vector<1x1x8x640xf32>
    %swap3A_1781 = vector.shape_cast %swap3A_1780 : vector<1x1x8x640xf32> to vector<8x640xf32>
    %swap3A_1782 = vector.shape_cast %mul3A_1717 : vector<8x640xf32> to vector<1x1x8x640xf32>
    tpu.vector_store %arg4[%swap3A_1776, %swap3A_1777, %swap3A_1778, %swap3A_1779], %swap3A_1782 {strides = array<i32>} : memref<1x56x8x640xf32, #tpu.memory_space<vmem>>, vector<1x1x8x640xf32>,
    %swap3A_1783 = arith.constant 0 : index
    %swap3A_1784 = arith.constant 34 : index
    %swap3A_1785 = arith.constant 0 : index
    %swap3A_1786 = arith.constant 0 : index
    %swap3A_1787 = vector.load %arg3[%swap3A_1783, %swap3A_1784, %swap3A_1785, %swap3A_1786] : memref<1x56x8x640xi32, #tpu.memory_space<vmem>>, vector<1x1x8x640xi32>
    %swap3A_1788 = vector.shape_cast %swap3A_1787 : vector<1x1x8x640xi32> to vector<8x640xi32>
    %swap3A_1789 = vector.shape_cast %add3A_1586 : vector<8x640xi32> to vector<1x1x8x640xi32>
    tpu.vector_store %arg3[%swap3A_1783, %swap3A_1784, %swap3A_1785, %swap3A_1786], %swap3A_1789 {strides = array<i32>} : memref<1x56x8x640xi32, #tpu.memory_space<vmem>>, vector<1x1x8x640xi32>,
    %swap3A_1790 = arith.constant 0 : index
    %swap3A_1791 = arith.constant 34 : index
    %swap3A_1792 = arith.constant 0 : index
    %swap3A_1793 = arith.constant 0 : index
    %swap3A_1794 = vector.load %arg4[%swap3A_1790, %swap3A_1791, %swap3A_1792, %swap3A_1793] : memref<1x56x8x640xf32, #tpu.memory_space<vmem>>, vector<1x1x8x640xf32>
    %swap3A_1795 = vector.shape_cast %swap3A_1794 : vector<1x1x8x640xf32> to vector<8x640xf32>
    %swap3A_1796 = vector.shape_cast %mul3A_1614 : vector<8x640xf32> to vector<1x1x8x640xf32>
    tpu.vector_store %arg4[%swap3A_1790, %swap3A_1791, %swap3A_1792, %swap3A_1793], %swap3A_1796 {strides = array<i32>} : memref<1x56x8x640xf32, #tpu.memory_space<vmem>>, vector<1x1x8x640xf32>,
    %swap3A_1797 = arith.constant 0 : index
    %swap3A_1798 = arith.constant 38 : index
    %swap3A_1799 = arith.constant 0 : index
    %swap3A_1800 = arith.constant 0 : index
    %swap3A_1801 = vector.load %arg3[%swap3A_1797, %swap3A_1798, %swap3A_1799, %swap3A_1800] : memref<1x56x8x640xi32, #tpu.memory_space<vmem>>, vector<1x1x8x640xi32>
    %swap3A_1802 = vector.shape_cast %swap3A_1801 : vector<1x1x8x640xi32> to vector<8x640xi32>
    %swap3A_1803 = vector.shape_cast %add3A_1695 : vector<8x640xi32> to vector<1x1x8x640xi32>
    tpu.vector_store %arg3[%swap3A_1797, %swap3A_1798, %swap3A_1799, %swap3A_1800], %swap3A_1803 {strides = array<i32>} : memref<1x56x8x640xi32, #tpu.memory_space<vmem>>, vector<1x1x8x640xi32>,
    %swap3A_1804 = arith.constant 0 : index
    %swap3A_1805 = arith.constant 38 : index
    %swap3A_1806 = arith.constant 0 : index
    %swap3A_1807 = arith.constant 0 : index
    %swap3A_1808 = vector.load %arg4[%swap3A_1804, %swap3A_1805, %swap3A_1806, %swap3A_1807] : memref<1x56x8x640xf32, #tpu.memory_space<vmem>>, vector<1x1x8x640xf32>
    %swap3A_1809 = vector.shape_cast %swap3A_1808 : vector<1x1x8x640xf32> to vector<8x640xf32>
    %swap3A_1810 = vector.shape_cast %mul3A_1723 : vector<8x640xf32> to vector<1x1x8x640xf32>
    tpu.vector_store %arg4[%swap3A_1804, %swap3A_1805, %swap3A_1806, %swap3A_1807], %swap3A_1810 {strides = array<i32>} : memref<1x56x8x640xf32, #tpu.memory_space<vmem>>, vector<1x1x8x640xf32>,
    %swap3A_1811 = arith.constant 0 : index
    %swap3A_1812 = arith.constant 35 : index
    %swap3A_1813 = arith.constant 0 : index
    %swap3A_1814 = arith.constant 0 : index
    %swap3A_1815 = vector.load %arg3[%swap3A_1811, %swap3A_1812, %swap3A_1813, %swap3A_1814] : memref<1x56x8x640xi32, #tpu.memory_space<vmem>>, vector<1x1x8x640xi32>
    %swap3A_1816 = vector.shape_cast %swap3A_1815 : vector<1x1x8x640xi32> to vector<8x640xi32>
    %swap3A_1817 = vector.shape_cast %add3A_1593 : vector<8x640xi32> to vector<1x1x8x640xi32>
    tpu.vector_store %arg3[%swap3A_1811, %swap3A_1812, %swap3A_1813, %swap3A_1814], %swap3A_1817 {strides = array<i32>} : memref<1x56x8x640xi32, #tpu.memory_space<vmem>>, vector<1x1x8x640xi32>,
    %swap3A_1818 = arith.constant 0 : index
    %swap3A_1819 = arith.constant 35 : index
    %swap3A_1820 = arith.constant 0 : index
    %swap3A_1821 = arith.constant 0 : index
    %swap3A_1822 = vector.load %arg4[%swap3A_1818, %swap3A_1819, %swap3A_1820, %swap3A_1821] : memref<1x56x8x640xf32, #tpu.memory_space<vmem>>, vector<1x1x8x640xf32>
    %swap3A_1823 = vector.shape_cast %swap3A_1822 : vector<1x1x8x640xf32> to vector<8x640xf32>
    %swap3A_1824 = vector.shape_cast %mul3A_1617 : vector<8x640xf32> to vector<1x1x8x640xf32>
    tpu.vector_store %arg4[%swap3A_1818, %swap3A_1819, %swap3A_1820, %swap3A_1821], %swap3A_1824 {strides = array<i32>} : memref<1x56x8x640xf32, #tpu.memory_space<vmem>>, vector<1x1x8x640xf32>,
    %swap3A_1825 = arith.constant 0 : index
    %swap3A_1826 = arith.constant 39 : index
    %swap3A_1827 = arith.constant 0 : index
    %swap3A_1828 = arith.constant 0 : index
    %swap3A_1829 = vector.load %arg3[%swap3A_1825, %swap3A_1826, %swap3A_1827, %swap3A_1828] : memref<1x56x8x640xi32, #tpu.memory_space<vmem>>, vector<1x1x8x640xi32>
    %swap3A_1830 = vector.shape_cast %swap3A_1829 : vector<1x1x8x640xi32> to vector<8x640xi32>
    %swap3A_1831 = vector.shape_cast %add3A_1702 : vector<8x640xi32> to vector<1x1x8x640xi32>
    tpu.vector_store %arg3[%swap3A_1825, %swap3A_1826, %swap3A_1827, %swap3A_1828], %swap3A_1831 {strides = array<i32>} : memref<1x56x8x640xi32, #tpu.memory_space<vmem>>, vector<1x1x8x640xi32>,
    %swap3A_1832 = arith.constant 0 : index
    %swap3A_1833 = arith.constant 39 : index
    %swap3A_1834 = arith.constant 0 : index
    %swap3A_1835 = arith.constant 0 : index
    %swap3A_1836 = vector.load %arg4[%swap3A_1832, %swap3A_1833, %swap3A_1834, %swap3A_1835] : memref<1x56x8x640xf32, #tpu.memory_space<vmem>>, vector<1x1x8x640xf32>
    %swap3A_1837 = vector.shape_cast %swap3A_1836 : vector<1x1x8x640xf32> to vector<8x640xf32>
    %swap3A_1838 = vector.shape_cast %mul3A_1726 : vector<8x640xf32> to vector<1x1x8x640xf32>
    tpu.vector_store %arg4[%swap3A_1832, %swap3A_1833, %swap3A_1834, %swap3A_1835], %swap3A_1838 {strides = array<i32>} : memref<1x56x8x640xf32, #tpu.memory_space<vmem>>, vector<1x1x8x640xf32>,
    %sub3A_1839 = arith.subf %min3A_174, %min3A_167 : vector<8x640xf32>
    %div3A_1840 = arith.constant 7.000000e+00 : f32
    %div3A_1841 = vector.broadcast %div3A_1840 : f32 to vector<8x640xf32>
    %div3A_1842 = arith.divf %sub3A_1839, %div3A_1841 : vector<8x640xf32>
    %sub3A_1843 = arith.subf %min3A_188, %min3A_181 : vector<8x640xf32>
    %div3A_1844 = arith.constant 7.000000e+00 : f32
    %div3A_1845 = vector.broadcast %div3A_1844 : f32 to vector<8x640xf32>
    %div3A_1846 = arith.divf %sub3A_1843, %div3A_1845 : vector<8x640xf32>
    %mul3A_1847 = arith.constant 5.500000e+00 : f32
    %mul3A_1848 = vector.broadcast %mul3A_1847 : f32 to vector<8x640xf32>
    %mul3A_1849 = arith.mulf %mul3A_1848, %div3A_1842 : vector<8x640xf32>
    %add3A_1850 = arith.addf %min3A_167, %mul3A_1849 : vector<8x640xf32>
    %sub3A_1851 = arith.constant 5.000000e-01 : f32
    %sub3A_1852 = vector.broadcast %sub3A_1851 : f32 to vector<8x640xf32>
    %sub3A_1853 = arith.subf %add3A_1850, %sub3A_1852 : vector<8x640xf32>
    %mul3A_1854 = vector.broadcast %add3A_190 : f32 to vector<8x640xf32>
    %mul3A_1855 = arith.mulf %mul3A_1854, %div3A_1846 : vector<8x640xf32>
    %add3A_1856 = arith.addf %min3A_181, %mul3A_1855 : vector<8x640xf32>
    %sub3A_1857 = arith.constant 5.000000e-01 : f32
    %sub3A_1858 = vector.broadcast %sub3A_1857 : f32 to vector<8x640xf32>
    %sub3A_1859 = arith.subf %add3A_1856, %sub3A_1858 : vector<8x640xf32>
    %floor3A_1860 = math.floor %sub3A_1853 : vector<8x640xf32>
    %floor3A_1861 = math.floor %sub3A_1859 : vector<8x640xf32>
    %sub3A_1862 = arith.subf %sub3A_1853, %floor3A_1860 : vector<8x640xf32>
    %sub3A_1863 = arith.subf %sub3A_1859, %floor3A_1861 : vector<8x640xf32>
    %convert_element_type3A_1864 = arith.fptosi %floor3A_1860 : vector<8x640xf32> to vector<8x640xi32>
    %jit3A_1865 = arith.constant 0 : i32
    %jit3A_1866 = arith.constant 299 : i32
    %max3A_1867 = vector.broadcast %jit3A_1865 : i32 to vector<8x640xi32>
    %max3A_1868 = arith.maxsi %max3A_1867, %convert_element_type3A_1864 : vector<8x640xi32>
    %min3A_1869 = vector.broadcast %jit3A_1866 : i32 to vector<8x640xi32>
    %min3A_1870 = arith.minsi %min3A_1869, %max3A_1868 : vector<8x640xi32>
    %add3A_1871 = arith.constant 1 : i32
    %add3A_1872 = vector.broadcast %add3A_1871 : i32 to vector<8x640xi32>
    %add3A_1873 = arith.addi %min3A_1870, %add3A_1872 : vector<8x640xi32>
    %jit3A_1874 = arith.constant 0 : i32
    %jit3A_1875 = arith.constant 299 : i32
    %max3A_1876 = vector.broadcast %jit3A_1874 : i32 to vector<8x640xi32>
    %max3A_1877 = arith.maxsi %max3A_1876, %add3A_1873 : vector<8x640xi32>
    %min3A_1878 = vector.broadcast %jit3A_1875 : i32 to vector<8x640xi32>
    %min3A_1879 = arith.minsi %min3A_1878, %max3A_1877 : vector<8x640xi32>
    %convert_element_type3A_1880 = arith.fptosi %floor3A_1861 : vector<8x640xf32> to vector<8x640xi32>
    %jit3A_1881 = arith.constant 0 : i32
    %jit3A_1882 = arith.constant 89 : i32
    %max3A_1883 = vector.broadcast %jit3A_1881 : i32 to vector<8x640xi32>
    %max3A_1884 = arith.maxsi %max3A_1883, %convert_element_type3A_1880 : vector<8x640xi32>
    %min3A_1885 = vector.broadcast %jit3A_1882 : i32 to vector<8x640xi32>
    %min3A_1886 = arith.minsi %min3A_1885, %max3A_1884 : vector<8x640xi32>
    %add3A_1887 = arith.constant 1 : i32
    %add3A_1888 = vector.broadcast %add3A_1887 : i32 to vector<8x640xi32>
    %add3A_1889 = arith.addi %min3A_1886, %add3A_1888 : vector<8x640xi32>
    %jit3A_1890 = arith.constant 0 : i32
    %jit3A_1891 = arith.constant 89 : i32
    %max3A_1892 = vector.broadcast %jit3A_1890 : i32 to vector<8x640xi32>
    %max3A_1893 = arith.maxsi %max3A_1892, %add3A_1889 : vector<8x640xi32>
    %min3A_1894 = vector.broadcast %jit3A_1891 : i32 to vector<8x640xi32>
    %min3A_1895 = arith.minsi %min3A_1894, %max3A_1893 : vector<8x640xi32>
    %mul3A_1896 = arith.constant 300 : i32
    %mul3A_1897 = vector.broadcast %mul3A_1896 : i32 to vector<8x640xi32>
    %mul3A_1898 = arith.muli %min3A_1886, %mul3A_1897 : vector<8x640xi32>
    %add3A_1899 = arith.constant 0 : i32
    %add3A_1900 = vector.broadcast %add3A_1899 : i32 to vector<8x640xi32>
    %add3A_1901 = arith.addi %add3A_1900, %mul3A_1898 : vector<8x640xi32>
    %add3A_1902 = arith.addi %add3A_1901, %min3A_1870 : vector<8x640xi32>
    %mul3A_1903 = arith.constant 300 : i32
    %mul3A_1904 = vector.broadcast %mul3A_1903 : i32 to vector<8x640xi32>
    %mul3A_1905 = arith.muli %min3A_1886, %mul3A_1904 : vector<8x640xi32>
    %add3A_1906 = arith.constant 0 : i32
    %add3A_1907 = vector.broadcast %add3A_1906 : i32 to vector<8x640xi32>
    %add3A_1908 = arith.addi %add3A_1907, %mul3A_1905 : vector<8x640xi32>
    %add3A_1909 = arith.addi %add3A_1908, %min3A_1879 : vector<8x640xi32>
    %mul3A_1910 = arith.constant 300 : i32
    %mul3A_1911 = vector.broadcast %mul3A_1910 : i32 to vector<8x640xi32>
    %mul3A_1912 = arith.muli %min3A_1895, %mul3A_1911 : vector<8x640xi32>
    %add3A_1913 = arith.constant 0 : i32
    %add3A_1914 = vector.broadcast %add3A_1913 : i32 to vector<8x640xi32>
    %add3A_1915 = arith.addi %add3A_1914, %mul3A_1912 : vector<8x640xi32>
    %add3A_1916 = arith.addi %add3A_1915, %min3A_1870 : vector<8x640xi32>
    %mul3A_1917 = arith.constant 300 : i32
    %mul3A_1918 = vector.broadcast %mul3A_1917 : i32 to vector<8x640xi32>
    %mul3A_1919 = arith.muli %min3A_1895, %mul3A_1918 : vector<8x640xi32>
    %add3A_1920 = arith.constant 0 : i32
    %add3A_1921 = vector.broadcast %add3A_1920 : i32 to vector<8x640xi32>
    %add3A_1922 = arith.addi %add3A_1921, %mul3A_1919 : vector<8x640xi32>
    %add3A_1923 = arith.addi %add3A_1922, %min3A_1879 : vector<8x640xi32>
    %sub3A_1924 = arith.constant 1.000000e+00 : f32
    %sub3A_1925 = vector.broadcast %sub3A_1924 : f32 to vector<8x640xf32>
    %sub3A_1926 = arith.subf %sub3A_1925, %sub3A_1863 : vector<8x640xf32>
    %sub3A_1927 = arith.constant 1.000000e+00 : f32
    %sub3A_1928 = vector.broadcast %sub3A_1927 : f32 to vector<8x640xf32>
    %sub3A_1929 = arith.subf %sub3A_1928, %sub3A_1862 : vector<8x640xf32>
    %mul3A_1930 = arith.mulf %sub3A_1926, %sub3A_1929 : vector<8x640xf32>
    %mul3A_1931 = vector.broadcast %div3A : f32 to vector<8x640xf32>
    %mul3A_1932 = arith.mulf %mul3A_1930, %mul3A_1931 : vector<8x640xf32>
    %sub3A_1933 = arith.constant 1.000000e+00 : f32
    %sub3A_1934 = vector.broadcast %sub3A_1933 : f32 to vector<8x640xf32>
    %sub3A_1935 = arith.subf %sub3A_1934, %sub3A_1863 : vector<8x640xf32>
    %mul3A_1936 = arith.mulf %sub3A_1935, %sub3A_1862 : vector<8x640xf32>
    %mul3A_1937 = vector.broadcast %div3A : f32 to vector<8x640xf32>
    %mul3A_1938 = arith.mulf %mul3A_1936, %mul3A_1937 : vector<8x640xf32>
    %sub3A_1939 = arith.constant 1.000000e+00 : f32
    %sub3A_1940 = vector.broadcast %sub3A_1939 : f32 to vector<8x640xf32>
    %sub3A_1941 = arith.subf %sub3A_1940, %sub3A_1862 : vector<8x640xf32>
    %mul3A_1942 = arith.mulf %sub3A_1863, %sub3A_1941 : vector<8x640xf32>
    %mul3A_1943 = vector.broadcast %div3A : f32 to vector<8x640xf32>
    %mul3A_1944 = arith.mulf %mul3A_1942, %mul3A_1943 : vector<8x640xf32>
    %mul3A_1945 = arith.mulf %sub3A_1863, %sub3A_1862 : vector<8x640xf32>
    %mul3A_1946 = vector.broadcast %div3A : f32 to vector<8x640xf32>
    %mul3A_1947 = arith.mulf %mul3A_1945, %mul3A_1946 : vector<8x640xf32>
    %sub3A_1948 = arith.subf %min3A_71, %min3A_52 : vector<8x640xf32>
    %div3A_1949 = arith.constant 7.000000e+00 : f32
    %div3A_1950 = vector.broadcast %div3A_1949 : f32 to vector<8x640xf32>
    %div3A_1951 = arith.divf %sub3A_1948, %div3A_1950 : vector<8x640xf32>
    %sub3A_1952 = arith.subf %min3A_109, %min3A_90 : vector<8x640xf32>
    %div3A_1953 = arith.constant 7.000000e+00 : f32
    %div3A_1954 = vector.broadcast %div3A_1953 : f32 to vector<8x640xf32>
    %div3A_1955 = arith.divf %sub3A_1952, %div3A_1954 : vector<8x640xf32>
    %mul3A_1956 = arith.constant 5.500000e+00 : f32
    %mul3A_1957 = vector.broadcast %mul3A_1956 : f32 to vector<8x640xf32>
    %mul3A_1958 = arith.mulf %mul3A_1957, %div3A_1951 : vector<8x640xf32>
    %add3A_1959 = arith.addf %min3A_52, %mul3A_1958 : vector<8x640xf32>
    %sub3A_1960 = arith.constant 5.000000e-01 : f32
    %sub3A_1961 = vector.broadcast %sub3A_1960 : f32 to vector<8x640xf32>
    %sub3A_1962 = arith.subf %add3A_1959, %sub3A_1961 : vector<8x640xf32>
    %mul3A_1963 = vector.broadcast %add3A_190 : f32 to vector<8x640xf32>
    %mul3A_1964 = arith.mulf %mul3A_1963, %div3A_1955 : vector<8x640xf32>
    %add3A_1965 = arith.addf %min3A_90, %mul3A_1964 : vector<8x640xf32>
    %sub3A_1966 = arith.constant 5.000000e-01 : f32
    %sub3A_1967 = vector.broadcast %sub3A_1966 : f32 to vector<8x640xf32>
    %sub3A_1968 = arith.subf %add3A_1965, %sub3A_1967 : vector<8x640xf32>
    %floor3A_1969 = math.floor %sub3A_1962 : vector<8x640xf32>
    %floor3A_1970 = math.floor %sub3A_1968 : vector<8x640xf32>
    %sub3A_1971 = arith.subf %sub3A_1962, %floor3A_1969 : vector<8x640xf32>
    %sub3A_1972 = arith.subf %sub3A_1968, %floor3A_1970 : vector<8x640xf32>
    %convert_element_type3A_1973 = arith.fptosi %floor3A_1969 : vector<8x640xf32> to vector<8x640xi32>
    %jit3A_1974 = arith.constant 0 : i32
    %jit3A_1975 = arith.constant 199 : i32
    %max3A_1976 = vector.broadcast %jit3A_1974 : i32 to vector<8x640xi32>
    %max3A_1977 = arith.maxsi %max3A_1976, %convert_element_type3A_1973 : vector<8x640xi32>
    %min3A_1978 = vector.broadcast %jit3A_1975 : i32 to vector<8x640xi32>
    %min3A_1979 = arith.minsi %min3A_1978, %max3A_1977 : vector<8x640xi32>
    %add3A_1980 = arith.constant 1 : i32
    %add3A_1981 = vector.broadcast %add3A_1980 : i32 to vector<8x640xi32>
    %add3A_1982 = arith.addi %min3A_1979, %add3A_1981 : vector<8x640xi32>
    %jit3A_1983 = arith.constant 0 : i32
    %jit3A_1984 = arith.constant 199 : i32
    %max3A_1985 = vector.broadcast %jit3A_1983 : i32 to vector<8x640xi32>
    %max3A_1986 = arith.maxsi %max3A_1985, %add3A_1982 : vector<8x640xi32>
    %min3A_1987 = vector.broadcast %jit3A_1984 : i32 to vector<8x640xi32>
    %min3A_1988 = arith.minsi %min3A_1987, %max3A_1986 : vector<8x640xi32>
    %convert_element_type3A_1989 = arith.fptosi %floor3A_1970 : vector<8x640xf32> to vector<8x640xi32>
    %jit3A_1990 = arith.constant 0 : i32
    %jit3A_1991 = arith.constant 174 : i32
    %max3A_1992 = vector.broadcast %jit3A_1990 : i32 to vector<8x640xi32>
    %max3A_1993 = arith.maxsi %max3A_1992, %convert_element_type3A_1989 : vector<8x640xi32>
    %min3A_1994 = vector.broadcast %jit3A_1991 : i32 to vector<8x640xi32>
    %min3A_1995 = arith.minsi %min3A_1994, %max3A_1993 : vector<8x640xi32>
    %add3A_1996 = arith.constant 1 : i32
    %add3A_1997 = vector.broadcast %add3A_1996 : i32 to vector<8x640xi32>
    %add3A_1998 = arith.addi %min3A_1995, %add3A_1997 : vector<8x640xi32>
    %jit3A_1999 = arith.constant 0 : i32
    %jit3A_2000 = arith.constant 174 : i32
    %max3A_2001 = vector.broadcast %jit3A_1999 : i32 to vector<8x640xi32>
    %max3A_2002 = arith.maxsi %max3A_2001, %add3A_1998 : vector<8x640xi32>
    %min3A_2003 = vector.broadcast %jit3A_2000 : i32 to vector<8x640xi32>
    %min3A_2004 = arith.minsi %min3A_2003, %max3A_2002 : vector<8x640xi32>
    %mul3A_2005 = arith.constant 200 : i32
    %mul3A_2006 = vector.broadcast %mul3A_2005 : i32 to vector<8x640xi32>
    %mul3A_2007 = arith.muli %min3A_1995, %mul3A_2006 : vector<8x640xi32>
    %add3A_2008 = arith.constant 27000 : i32
    %add3A_2009 = vector.broadcast %add3A_2008 : i32 to vector<8x640xi32>
    %add3A_2010 = arith.addi %add3A_2009, %mul3A_2007 : vector<8x640xi32>
    %add3A_2011 = arith.addi %add3A_2010, %min3A_1979 : vector<8x640xi32>
    %mul3A_2012 = arith.constant 200 : i32
    %mul3A_2013 = vector.broadcast %mul3A_2012 : i32 to vector<8x640xi32>
    %mul3A_2014 = arith.muli %min3A_1995, %mul3A_2013 : vector<8x640xi32>
    %add3A_2015 = arith.constant 27000 : i32
    %add3A_2016 = vector.broadcast %add3A_2015 : i32 to vector<8x640xi32>
    %add3A_2017 = arith.addi %add3A_2016, %mul3A_2014 : vector<8x640xi32>
    %add3A_2018 = arith.addi %add3A_2017, %min3A_1988 : vector<8x640xi32>
    %mul3A_2019 = arith.constant 200 : i32
    %mul3A_2020 = vector.broadcast %mul3A_2019 : i32 to vector<8x640xi32>
    %mul3A_2021 = arith.muli %min3A_2004, %mul3A_2020 : vector<8x640xi32>
    %add3A_2022 = arith.constant 27000 : i32
    %add3A_2023 = vector.broadcast %add3A_2022 : i32 to vector<8x640xi32>
    %add3A_2024 = arith.addi %add3A_2023, %mul3A_2021 : vector<8x640xi32>
    %add3A_2025 = arith.addi %add3A_2024, %min3A_1979 : vector<8x640xi32>
    %mul3A_2026 = arith.constant 200 : i32
    %mul3A_2027 = vector.broadcast %mul3A_2026 : i32 to vector<8x640xi32>
    %mul3A_2028 = arith.muli %min3A_2004, %mul3A_2027 : vector<8x640xi32>
    %add3A_2029 = arith.constant 27000 : i32
    %add3A_2030 = vector.broadcast %add3A_2029 : i32 to vector<8x640xi32>
    %add3A_2031 = arith.addi %add3A_2030, %mul3A_2028 : vector<8x640xi32>
    %add3A_2032 = arith.addi %add3A_2031, %min3A_1988 : vector<8x640xi32>
    %sub3A_2033 = arith.constant 1.000000e+00 : f32
    %sub3A_2034 = vector.broadcast %sub3A_2033 : f32 to vector<8x640xf32>
    %sub3A_2035 = arith.subf %sub3A_2034, %sub3A_1972 : vector<8x640xf32>
    %sub3A_2036 = arith.constant 1.000000e+00 : f32
    %sub3A_2037 = vector.broadcast %sub3A_2036 : f32 to vector<8x640xf32>
    %sub3A_2038 = arith.subf %sub3A_2037, %sub3A_1971 : vector<8x640xf32>
    %mul3A_2039 = arith.mulf %sub3A_2035, %sub3A_2038 : vector<8x640xf32>
    %mul3A_2040 = vector.broadcast %div3A_38 : f32 to vector<8x640xf32>
    %mul3A_2041 = arith.mulf %mul3A_2039, %mul3A_2040 : vector<8x640xf32>
    %sub3A_2042 = arith.constant 1.000000e+00 : f32
    %sub3A_2043 = vector.broadcast %sub3A_2042 : f32 to vector<8x640xf32>
    %sub3A_2044 = arith.subf %sub3A_2043, %sub3A_1972 : vector<8x640xf32>
    %mul3A_2045 = arith.mulf %sub3A_2044, %sub3A_1971 : vector<8x640xf32>
    %mul3A_2046 = vector.broadcast %div3A_38 : f32 to vector<8x640xf32>
    %mul3A_2047 = arith.mulf %mul3A_2045, %mul3A_2046 : vector<8x640xf32>
    %sub3A_2048 = arith.constant 1.000000e+00 : f32
    %sub3A_2049 = vector.broadcast %sub3A_2048 : f32 to vector<8x640xf32>
    %sub3A_2050 = arith.subf %sub3A_2049, %sub3A_1971 : vector<8x640xf32>
    %mul3A_2051 = arith.mulf %sub3A_1972, %sub3A_2050 : vector<8x640xf32>
    %mul3A_2052 = vector.broadcast %div3A_38 : f32 to vector<8x640xf32>
    %mul3A_2053 = arith.mulf %mul3A_2051, %mul3A_2052 : vector<8x640xf32>
    %mul3A_2054 = arith.mulf %sub3A_1972, %sub3A_1971 : vector<8x640xf32>
    %mul3A_2055 = vector.broadcast %div3A_38 : f32 to vector<8x640xf32>
    %mul3A_2056 = arith.mulf %mul3A_2054, %mul3A_2055 : vector<8x640xf32>
    %swap3A_2057 = arith.constant 0 : index
    %swap3A_2058 = arith.constant 40 : index
    %swap3A_2059 = arith.constant 0 : index
    %swap3A_2060 = arith.constant 0 : index
    %swap3A_2061 = vector.load %arg3[%swap3A_2057, %swap3A_2058, %swap3A_2059, %swap3A_2060] : memref<1x56x8x640xi32, #tpu.memory_space<vmem>>, vector<1x1x8x640xi32>
    %swap3A_2062 = vector.shape_cast %swap3A_2061 : vector<1x1x8x640xi32> to vector<8x640xi32>
    %swap3A_2063 = vector.shape_cast %add3A_1902 : vector<8x640xi32> to vector<1x1x8x640xi32>
    tpu.vector_store %arg3[%swap3A_2057, %swap3A_2058, %swap3A_2059, %swap3A_2060], %swap3A_2063 {strides = array<i32>} : memref<1x56x8x640xi32, #tpu.memory_space<vmem>>, vector<1x1x8x640xi32>,
    %swap3A_2064 = arith.constant 0 : index
    %swap3A_2065 = arith.constant 40 : index
    %swap3A_2066 = arith.constant 0 : index
    %swap3A_2067 = arith.constant 0 : index
    %swap3A_2068 = vector.load %arg4[%swap3A_2064, %swap3A_2065, %swap3A_2066, %swap3A_2067] : memref<1x56x8x640xf32, #tpu.memory_space<vmem>>, vector<1x1x8x640xf32>
    %swap3A_2069 = vector.shape_cast %swap3A_2068 : vector<1x1x8x640xf32> to vector<8x640xf32>
    %swap3A_2070 = vector.shape_cast %mul3A_1932 : vector<8x640xf32> to vector<1x1x8x640xf32>
    tpu.vector_store %arg4[%swap3A_2064, %swap3A_2065, %swap3A_2066, %swap3A_2067], %swap3A_2070 {strides = array<i32>} : memref<1x56x8x640xf32, #tpu.memory_space<vmem>>, vector<1x1x8x640xf32>,
    %swap3A_2071 = arith.constant 0 : index
    %swap3A_2072 = arith.constant 44 : index
    %swap3A_2073 = arith.constant 0 : index
    %swap3A_2074 = arith.constant 0 : index
    %swap3A_2075 = vector.load %arg3[%swap3A_2071, %swap3A_2072, %swap3A_2073, %swap3A_2074] : memref<1x56x8x640xi32, #tpu.memory_space<vmem>>, vector<1x1x8x640xi32>
    %swap3A_2076 = vector.shape_cast %swap3A_2075 : vector<1x1x8x640xi32> to vector<8x640xi32>
    %swap3A_2077 = vector.shape_cast %add3A_2011 : vector<8x640xi32> to vector<1x1x8x640xi32>
    tpu.vector_store %arg3[%swap3A_2071, %swap3A_2072, %swap3A_2073, %swap3A_2074], %swap3A_2077 {strides = array<i32>} : memref<1x56x8x640xi32, #tpu.memory_space<vmem>>, vector<1x1x8x640xi32>,
    %swap3A_2078 = arith.constant 0 : index
    %swap3A_2079 = arith.constant 44 : index
    %swap3A_2080 = arith.constant 0 : index
    %swap3A_2081 = arith.constant 0 : index
    %swap3A_2082 = vector.load %arg4[%swap3A_2078, %swap3A_2079, %swap3A_2080, %swap3A_2081] : memref<1x56x8x640xf32, #tpu.memory_space<vmem>>, vector<1x1x8x640xf32>
    %swap3A_2083 = vector.shape_cast %swap3A_2082 : vector<1x1x8x640xf32> to vector<8x640xf32>
    %swap3A_2084 = vector.shape_cast %mul3A_2041 : vector<8x640xf32> to vector<1x1x8x640xf32>
    tpu.vector_store %arg4[%swap3A_2078, %swap3A_2079, %swap3A_2080, %swap3A_2081], %swap3A_2084 {strides = array<i32>} : memref<1x56x8x640xf32, #tpu.memory_space<vmem>>, vector<1x1x8x640xf32>,
    %swap3A_2085 = arith.constant 0 : index
    %swap3A_2086 = arith.constant 41 : index
    %swap3A_2087 = arith.constant 0 : index
    %swap3A_2088 = arith.constant 0 : index
    %swap3A_2089 = vector.load %arg3[%swap3A_2085, %swap3A_2086, %swap3A_2087, %swap3A_2088] : memref<1x56x8x640xi32, #tpu.memory_space<vmem>>, vector<1x1x8x640xi32>
    %swap3A_2090 = vector.shape_cast %swap3A_2089 : vector<1x1x8x640xi32> to vector<8x640xi32>
    %swap3A_2091 = vector.shape_cast %add3A_1909 : vector<8x640xi32> to vector<1x1x8x640xi32>
    tpu.vector_store %arg3[%swap3A_2085, %swap3A_2086, %swap3A_2087, %swap3A_2088], %swap3A_2091 {strides = array<i32>} : memref<1x56x8x640xi32, #tpu.memory_space<vmem>>, vector<1x1x8x640xi32>,
    %swap3A_2092 = arith.constant 0 : index
    %swap3A_2093 = arith.constant 41 : index
    %swap3A_2094 = arith.constant 0 : index
    %swap3A_2095 = arith.constant 0 : index
    %swap3A_2096 = vector.load %arg4[%swap3A_2092, %swap3A_2093, %swap3A_2094, %swap3A_2095] : memref<1x56x8x640xf32, #tpu.memory_space<vmem>>, vector<1x1x8x640xf32>
    %swap3A_2097 = vector.shape_cast %swap3A_2096 : vector<1x1x8x640xf32> to vector<8x640xf32>
    %swap3A_2098 = vector.shape_cast %mul3A_1938 : vector<8x640xf32> to vector<1x1x8x640xf32>
    tpu.vector_store %arg4[%swap3A_2092, %swap3A_2093, %swap3A_2094, %swap3A_2095], %swap3A_2098 {strides = array<i32>} : memref<1x56x8x640xf32, #tpu.memory_space<vmem>>, vector<1x1x8x640xf32>,
    %swap3A_2099 = arith.constant 0 : index
    %swap3A_2100 = arith.constant 45 : index
    %swap3A_2101 = arith.constant 0 : index
    %swap3A_2102 = arith.constant 0 : index
    %swap3A_2103 = vector.load %arg3[%swap3A_2099, %swap3A_2100, %swap3A_2101, %swap3A_2102] : memref<1x56x8x640xi32, #tpu.memory_space<vmem>>, vector<1x1x8x640xi32>
    %swap3A_2104 = vector.shape_cast %swap3A_2103 : vector<1x1x8x640xi32> to vector<8x640xi32>
    %swap3A_2105 = vector.shape_cast %add3A_2018 : vector<8x640xi32> to vector<1x1x8x640xi32>
    tpu.vector_store %arg3[%swap3A_2099, %swap3A_2100, %swap3A_2101, %swap3A_2102], %swap3A_2105 {strides = array<i32>} : memref<1x56x8x640xi32, #tpu.memory_space<vmem>>, vector<1x1x8x640xi32>,
    %swap3A_2106 = arith.constant 0 : index
    %swap3A_2107 = arith.constant 45 : index
    %swap3A_2108 = arith.constant 0 : index
    %swap3A_2109 = arith.constant 0 : index
    %swap3A_2110 = vector.load %arg4[%swap3A_2106, %swap3A_2107, %swap3A_2108, %swap3A_2109] : memref<1x56x8x640xf32, #tpu.memory_space<vmem>>, vector<1x1x8x640xf32>
    %swap3A_2111 = vector.shape_cast %swap3A_2110 : vector<1x1x8x640xf32> to vector<8x640xf32>
    %swap3A_2112 = vector.shape_cast %mul3A_2047 : vector<8x640xf32> to vector<1x1x8x640xf32>
    tpu.vector_store %arg4[%swap3A_2106, %swap3A_2107, %swap3A_2108, %swap3A_2109], %swap3A_2112 {strides = array<i32>} : memref<1x56x8x640xf32, #tpu.memory_space<vmem>>, vector<1x1x8x640xf32>,
    %swap3A_2113 = arith.constant 0 : index
    %swap3A_2114 = arith.constant 42 : index
    %swap3A_2115 = arith.constant 0 : index
    %swap3A_2116 = arith.constant 0 : index
    %swap3A_2117 = vector.load %arg3[%swap3A_2113, %swap3A_2114, %swap3A_2115, %swap3A_2116] : memref<1x56x8x640xi32, #tpu.memory_space<vmem>>, vector<1x1x8x640xi32>
    %swap3A_2118 = vector.shape_cast %swap3A_2117 : vector<1x1x8x640xi32> to vector<8x640xi32>
    %swap3A_2119 = vector.shape_cast %add3A_1916 : vector<8x640xi32> to vector<1x1x8x640xi32>
    tpu.vector_store %arg3[%swap3A_2113, %swap3A_2114, %swap3A_2115, %swap3A_2116], %swap3A_2119 {strides = array<i32>} : memref<1x56x8x640xi32, #tpu.memory_space<vmem>>, vector<1x1x8x640xi32>,
    %swap3A_2120 = arith.constant 0 : index
    %swap3A_2121 = arith.constant 42 : index
    %swap3A_2122 = arith.constant 0 : index
    %swap3A_2123 = arith.constant 0 : index
    %swap3A_2124 = vector.load %arg4[%swap3A_2120, %swap3A_2121, %swap3A_2122, %swap3A_2123] : memref<1x56x8x640xf32, #tpu.memory_space<vmem>>, vector<1x1x8x640xf32>
    %swap3A_2125 = vector.shape_cast %swap3A_2124 : vector<1x1x8x640xf32> to vector<8x640xf32>
    %swap3A_2126 = vector.shape_cast %mul3A_1944 : vector<8x640xf32> to vector<1x1x8x640xf32>
    tpu.vector_store %arg4[%swap3A_2120, %swap3A_2121, %swap3A_2122, %swap3A_2123], %swap3A_2126 {strides = array<i32>} : memref<1x56x8x640xf32, #tpu.memory_space<vmem>>, vector<1x1x8x640xf32>,
    %swap3A_2127 = arith.constant 0 : index
    %swap3A_2128 = arith.constant 46 : index
    %swap3A_2129 = arith.constant 0 : index
    %swap3A_2130 = arith.constant 0 : index
    %swap3A_2131 = vector.load %arg3[%swap3A_2127, %swap3A_2128, %swap3A_2129, %swap3A_2130] : memref<1x56x8x640xi32, #tpu.memory_space<vmem>>, vector<1x1x8x640xi32>
    %swap3A_2132 = vector.shape_cast %swap3A_2131 : vector<1x1x8x640xi32> to vector<8x640xi32>
    %swap3A_2133 = vector.shape_cast %add3A_2025 : vector<8x640xi32> to vector<1x1x8x640xi32>
    tpu.vector_store %arg3[%swap3A_2127, %swap3A_2128, %swap3A_2129, %swap3A_2130], %swap3A_2133 {strides = array<i32>} : memref<1x56x8x640xi32, #tpu.memory_space<vmem>>, vector<1x1x8x640xi32>,
    %swap3A_2134 = arith.constant 0 : index
    %swap3A_2135 = arith.constant 46 : index
    %swap3A_2136 = arith.constant 0 : index
    %swap3A_2137 = arith.constant 0 : index
    %swap3A_2138 = vector.load %arg4[%swap3A_2134, %swap3A_2135, %swap3A_2136, %swap3A_2137] : memref<1x56x8x640xf32, #tpu.memory_space<vmem>>, vector<1x1x8x640xf32>
    %swap3A_2139 = vector.shape_cast %swap3A_2138 : vector<1x1x8x640xf32> to vector<8x640xf32>
    %swap3A_2140 = vector.shape_cast %mul3A_2053 : vector<8x640xf32> to vector<1x1x8x640xf32>
    tpu.vector_store %arg4[%swap3A_2134, %swap3A_2135, %swap3A_2136, %swap3A_2137], %swap3A_2140 {strides = array<i32>} : memref<1x56x8x640xf32, #tpu.memory_space<vmem>>, vector<1x1x8x640xf32>,
    %swap3A_2141 = arith.constant 0 : index
    %swap3A_2142 = arith.constant 43 : index
    %swap3A_2143 = arith.constant 0 : index
    %swap3A_2144 = arith.constant 0 : index
    %swap3A_2145 = vector.load %arg3[%swap3A_2141, %swap3A_2142, %swap3A_2143, %swap3A_2144] : memref<1x56x8x640xi32, #tpu.memory_space<vmem>>, vector<1x1x8x640xi32>
    %swap3A_2146 = vector.shape_cast %swap3A_2145 : vector<1x1x8x640xi32> to vector<8x640xi32>
    %swap3A_2147 = vector.shape_cast %add3A_1923 : vector<8x640xi32> to vector<1x1x8x640xi32>
    tpu.vector_store %arg3[%swap3A_2141, %swap3A_2142, %swap3A_2143, %swap3A_2144], %swap3A_2147 {strides = array<i32>} : memref<1x56x8x640xi32, #tpu.memory_space<vmem>>, vector<1x1x8x640xi32>,
    %swap3A_2148 = arith.constant 0 : index
    %swap3A_2149 = arith.constant 43 : index
    %swap3A_2150 = arith.constant 0 : index
    %swap3A_2151 = arith.constant 0 : index
    %swap3A_2152 = vector.load %arg4[%swap3A_2148, %swap3A_2149, %swap3A_2150, %swap3A_2151] : memref<1x56x8x640xf32, #tpu.memory_space<vmem>>, vector<1x1x8x640xf32>
    %swap3A_2153 = vector.shape_cast %swap3A_2152 : vector<1x1x8x640xf32> to vector<8x640xf32>
    %swap3A_2154 = vector.shape_cast %mul3A_1947 : vector<8x640xf32> to vector<1x1x8x640xf32>
    tpu.vector_store %arg4[%swap3A_2148, %swap3A_2149, %swap3A_2150, %swap3A_2151], %swap3A_2154 {strides = array<i32>} : memref<1x56x8x640xf32, #tpu.memory_space<vmem>>, vector<1x1x8x640xf32>,
    %swap3A_2155 = arith.constant 0 : index
    %swap3A_2156 = arith.constant 47 : index
    %swap3A_2157 = arith.constant 0 : index
    %swap3A_2158 = arith.constant 0 : index
    %swap3A_2159 = vector.load %arg3[%swap3A_2155, %swap3A_2156, %swap3A_2157, %swap3A_2158] : memref<1x56x8x640xi32, #tpu.memory_space<vmem>>, vector<1x1x8x640xi32>
    %swap3A_2160 = vector.shape_cast %swap3A_2159 : vector<1x1x8x640xi32> to vector<8x640xi32>
    %swap3A_2161 = vector.shape_cast %add3A_2032 : vector<8x640xi32> to vector<1x1x8x640xi32>
    tpu.vector_store %arg3[%swap3A_2155, %swap3A_2156, %swap3A_2157, %swap3A_2158], %swap3A_2161 {strides = array<i32>} : memref<1x56x8x640xi32, #tpu.memory_space<vmem>>, vector<1x1x8x640xi32>,
    %swap3A_2162 = arith.constant 0 : index
    %swap3A_2163 = arith.constant 47 : index
    %swap3A_2164 = arith.constant 0 : index
    %swap3A_2165 = arith.constant 0 : index
    %swap3A_2166 = vector.load %arg4[%swap3A_2162, %swap3A_2163, %swap3A_2164, %swap3A_2165] : memref<1x56x8x640xf32, #tpu.memory_space<vmem>>, vector<1x1x8x640xf32>
    %swap3A_2167 = vector.shape_cast %swap3A_2166 : vector<1x1x8x640xf32> to vector<8x640xf32>
    %swap3A_2168 = vector.shape_cast %mul3A_2056 : vector<8x640xf32> to vector<1x1x8x640xf32>
    tpu.vector_store %arg4[%swap3A_2162, %swap3A_2163, %swap3A_2164, %swap3A_2165], %swap3A_2168 {strides = array<i32>} : memref<1x56x8x640xf32, #tpu.memory_space<vmem>>, vector<1x1x8x640xf32>,
    %sub3A_2169 = arith.subf %min3A_174, %min3A_167 : vector<8x640xf32>
    %div3A_2170 = arith.constant 7.000000e+00 : f32
    %div3A_2171 = vector.broadcast %div3A_2170 : f32 to vector<8x640xf32>
    %div3A_2172 = arith.divf %sub3A_2169, %div3A_2171 : vector<8x640xf32>
    %sub3A_2173 = arith.subf %min3A_188, %min3A_181 : vector<8x640xf32>
    %div3A_2174 = arith.constant 7.000000e+00 : f32
    %div3A_2175 = vector.broadcast %div3A_2174 : f32 to vector<8x640xf32>
    %div3A_2176 = arith.divf %sub3A_2173, %div3A_2175 : vector<8x640xf32>
    %mul3A_2177 = arith.constant 6.500000e+00 : f32
    %mul3A_2178 = vector.broadcast %mul3A_2177 : f32 to vector<8x640xf32>
    %mul3A_2179 = arith.mulf %mul3A_2178, %div3A_2172 : vector<8x640xf32>
    %add3A_2180 = arith.addf %min3A_167, %mul3A_2179 : vector<8x640xf32>
    %sub3A_2181 = arith.constant 5.000000e-01 : f32
    %sub3A_2182 = vector.broadcast %sub3A_2181 : f32 to vector<8x640xf32>
    %sub3A_2183 = arith.subf %add3A_2180, %sub3A_2182 : vector<8x640xf32>
    %mul3A_2184 = vector.broadcast %add3A_190 : f32 to vector<8x640xf32>
    %mul3A_2185 = arith.mulf %mul3A_2184, %div3A_2176 : vector<8x640xf32>
    %add3A_2186 = arith.addf %min3A_181, %mul3A_2185 : vector<8x640xf32>
    %sub3A_2187 = arith.constant 5.000000e-01 : f32
    %sub3A_2188 = vector.broadcast %sub3A_2187 : f32 to vector<8x640xf32>
    %sub3A_2189 = arith.subf %add3A_2186, %sub3A_2188 : vector<8x640xf32>
    %floor3A_2190 = math.floor %sub3A_2183 : vector<8x640xf32>
    %floor3A_2191 = math.floor %sub3A_2189 : vector<8x640xf32>
    %sub3A_2192 = arith.subf %sub3A_2183, %floor3A_2190 : vector<8x640xf32>
    %sub3A_2193 = arith.subf %sub3A_2189, %floor3A_2191 : vector<8x640xf32>
    %convert_element_type3A_2194 = arith.fptosi %floor3A_2190 : vector<8x640xf32> to vector<8x640xi32>
    %jit3A_2195 = arith.constant 0 : i32
    %jit3A_2196 = arith.constant 299 : i32
    %max3A_2197 = vector.broadcast %jit3A_2195 : i32 to vector<8x640xi32>
    %max3A_2198 = arith.maxsi %max3A_2197, %convert_element_type3A_2194 : vector<8x640xi32>
    %min3A_2199 = vector.broadcast %jit3A_2196 : i32 to vector<8x640xi32>
    %min3A_2200 = arith.minsi %min3A_2199, %max3A_2198 : vector<8x640xi32>
    %add3A_2201 = arith.constant 1 : i32
    %add3A_2202 = vector.broadcast %add3A_2201 : i32 to vector<8x640xi32>
    %add3A_2203 = arith.addi %min3A_2200, %add3A_2202 : vector<8x640xi32>
    %jit3A_2204 = arith.constant 0 : i32
    %jit3A_2205 = arith.constant 299 : i32
    %max3A_2206 = vector.broadcast %jit3A_2204 : i32 to vector<8x640xi32>
    %max3A_2207 = arith.maxsi %max3A_2206, %add3A_2203 : vector<8x640xi32>
    %min3A_2208 = vector.broadcast %jit3A_2205 : i32 to vector<8x640xi32>
    %min3A_2209 = arith.minsi %min3A_2208, %max3A_2207 : vector<8x640xi32>
    %convert_element_type3A_2210 = arith.fptosi %floor3A_2191 : vector<8x640xf32> to vector<8x640xi32>
    %jit3A_2211 = arith.constant 0 : i32
    %jit3A_2212 = arith.constant 89 : i32
    %max3A_2213 = vector.broadcast %jit3A_2211 : i32 to vector<8x640xi32>
    %max3A_2214 = arith.maxsi %max3A_2213, %convert_element_type3A_2210 : vector<8x640xi32>
    %min3A_2215 = vector.broadcast %jit3A_2212 : i32 to vector<8x640xi32>
    %min3A_2216 = arith.minsi %min3A_2215, %max3A_2214 : vector<8x640xi32>
    %add3A_2217 = arith.constant 1 : i32
    %add3A_2218 = vector.broadcast %add3A_2217 : i32 to vector<8x640xi32>
    %add3A_2219 = arith.addi %min3A_2216, %add3A_2218 : vector<8x640xi32>
    %jit3A_2220 = arith.constant 0 : i32
    %jit3A_2221 = arith.constant 89 : i32
    %max3A_2222 = vector.broadcast %jit3A_2220 : i32 to vector<8x640xi32>
    %max3A_2223 = arith.maxsi %max3A_2222, %add3A_2219 : vector<8x640xi32>
    %min3A_2224 = vector.broadcast %jit3A_2221 : i32 to vector<8x640xi32>
    %min3A_2225 = arith.minsi %min3A_2224, %max3A_2223 : vector<8x640xi32>
    %mul3A_2226 = arith.constant 300 : i32
    %mul3A_2227 = vector.broadcast %mul3A_2226 : i32 to vector<8x640xi32>
    %mul3A_2228 = arith.muli %min3A_2216, %mul3A_2227 : vector<8x640xi32>
    %add3A_2229 = arith.constant 0 : i32
    %add3A_2230 = vector.broadcast %add3A_2229 : i32 to vector<8x640xi32>
    %add3A_2231 = arith.addi %add3A_2230, %mul3A_2228 : vector<8x640xi32>
    %add3A_2232 = arith.addi %add3A_2231, %min3A_2200 : vector<8x640xi32>
    %mul3A_2233 = arith.constant 300 : i32
    %mul3A_2234 = vector.broadcast %mul3A_2233 : i32 to vector<8x640xi32>
    %mul3A_2235 = arith.muli %min3A_2216, %mul3A_2234 : vector<8x640xi32>
    %add3A_2236 = arith.constant 0 : i32
    %add3A_2237 = vector.broadcast %add3A_2236 : i32 to vector<8x640xi32>
    %add3A_2238 = arith.addi %add3A_2237, %mul3A_2235 : vector<8x640xi32>
    %add3A_2239 = arith.addi %add3A_2238, %min3A_2209 : vector<8x640xi32>
    %mul3A_2240 = arith.constant 300 : i32
    %mul3A_2241 = vector.broadcast %mul3A_2240 : i32 to vector<8x640xi32>
    %mul3A_2242 = arith.muli %min3A_2225, %mul3A_2241 : vector<8x640xi32>
    %add3A_2243 = arith.constant 0 : i32
    %add3A_2244 = vector.broadcast %add3A_2243 : i32 to vector<8x640xi32>
    %add3A_2245 = arith.addi %add3A_2244, %mul3A_2242 : vector<8x640xi32>
    %add3A_2246 = arith.addi %add3A_2245, %min3A_2200 : vector<8x640xi32>
    %mul3A_2247 = arith.constant 300 : i32
    %mul3A_2248 = vector.broadcast %mul3A_2247 : i32 to vector<8x640xi32>
    %mul3A_2249 = arith.muli %min3A_2225, %mul3A_2248 : vector<8x640xi32>
    %add3A_2250 = arith.constant 0 : i32
    %add3A_2251 = vector.broadcast %add3A_2250 : i32 to vector<8x640xi32>
    %add3A_2252 = arith.addi %add3A_2251, %mul3A_2249 : vector<8x640xi32>
    %add3A_2253 = arith.addi %add3A_2252, %min3A_2209 : vector<8x640xi32>
    %sub3A_2254 = arith.constant 1.000000e+00 : f32
    %sub3A_2255 = vector.broadcast %sub3A_2254 : f32 to vector<8x640xf32>
    %sub3A_2256 = arith.subf %sub3A_2255, %sub3A_2193 : vector<8x640xf32>
    %sub3A_2257 = arith.constant 1.000000e+00 : f32
    %sub3A_2258 = vector.broadcast %sub3A_2257 : f32 to vector<8x640xf32>
    %sub3A_2259 = arith.subf %sub3A_2258, %sub3A_2192 : vector<8x640xf32>
    %mul3A_2260 = arith.mulf %sub3A_2256, %sub3A_2259 : vector<8x640xf32>
    %mul3A_2261 = vector.broadcast %div3A : f32 to vector<8x640xf32>
    %mul3A_2262 = arith.mulf %mul3A_2260, %mul3A_2261 : vector<8x640xf32>
    %sub3A_2263 = arith.constant 1.000000e+00 : f32
    %sub3A_2264 = vector.broadcast %sub3A_2263 : f32 to vector<8x640xf32>
    %sub3A_2265 = arith.subf %sub3A_2264, %sub3A_2193 : vector<8x640xf32>
    %mul3A_2266 = arith.mulf %sub3A_2265, %sub3A_2192 : vector<8x640xf32>
    %mul3A_2267 = vector.broadcast %div3A : f32 to vector<8x640xf32>
    %mul3A_2268 = arith.mulf %mul3A_2266, %mul3A_2267 : vector<8x640xf32>
    %sub3A_2269 = arith.constant 1.000000e+00 : f32
    %sub3A_2270 = vector.broadcast %sub3A_2269 : f32 to vector<8x640xf32>
    %sub3A_2271 = arith.subf %sub3A_2270, %sub3A_2192 : vector<8x640xf32>
    %mul3A_2272 = arith.mulf %sub3A_2193, %sub3A_2271 : vector<8x640xf32>
    %mul3A_2273 = vector.broadcast %div3A : f32 to vector<8x640xf32>
    %mul3A_2274 = arith.mulf %mul3A_2272, %mul3A_2273 : vector<8x640xf32>
    %mul3A_2275 = arith.mulf %sub3A_2193, %sub3A_2192 : vector<8x640xf32>
    %mul3A_2276 = vector.broadcast %div3A : f32 to vector<8x640xf32>
    %mul3A_2277 = arith.mulf %mul3A_2275, %mul3A_2276 : vector<8x640xf32>
    %sub3A_2278 = arith.subf %min3A_71, %min3A_52 : vector<8x640xf32>
    %div3A_2279 = arith.constant 7.000000e+00 : f32
    %div3A_2280 = vector.broadcast %div3A_2279 : f32 to vector<8x640xf32>
    %div3A_2281 = arith.divf %sub3A_2278, %div3A_2280 : vector<8x640xf32>
    %sub3A_2282 = arith.subf %min3A_109, %min3A_90 : vector<8x640xf32>
    %div3A_2283 = arith.constant 7.000000e+00 : f32
    %div3A_2284 = vector.broadcast %div3A_2283 : f32 to vector<8x640xf32>
    %div3A_2285 = arith.divf %sub3A_2282, %div3A_2284 : vector<8x640xf32>
    %mul3A_2286 = arith.constant 6.500000e+00 : f32
    %mul3A_2287 = vector.broadcast %mul3A_2286 : f32 to vector<8x640xf32>
    %mul3A_2288 = arith.mulf %mul3A_2287, %div3A_2281 : vector<8x640xf32>
    %add3A_2289 = arith.addf %min3A_52, %mul3A_2288 : vector<8x640xf32>
    %sub3A_2290 = arith.constant 5.000000e-01 : f32
    %sub3A_2291 = vector.broadcast %sub3A_2290 : f32 to vector<8x640xf32>
    %sub3A_2292 = arith.subf %add3A_2289, %sub3A_2291 : vector<8x640xf32>
    %mul3A_2293 = vector.broadcast %add3A_190 : f32 to vector<8x640xf32>
    %mul3A_2294 = arith.mulf %mul3A_2293, %div3A_2285 : vector<8x640xf32>
    %add3A_2295 = arith.addf %min3A_90, %mul3A_2294 : vector<8x640xf32>
    %sub3A_2296 = arith.constant 5.000000e-01 : f32
    %sub3A_2297 = vector.broadcast %sub3A_2296 : f32 to vector<8x640xf32>
    %sub3A_2298 = arith.subf %add3A_2295, %sub3A_2297 : vector<8x640xf32>
    %floor3A_2299 = math.floor %sub3A_2292 : vector<8x640xf32>
    %floor3A_2300 = math.floor %sub3A_2298 : vector<8x640xf32>
    %sub3A_2301 = arith.subf %sub3A_2292, %floor3A_2299 : vector<8x640xf32>
    %sub3A_2302 = arith.subf %sub3A_2298, %floor3A_2300 : vector<8x640xf32>
    %convert_element_type3A_2303 = arith.fptosi %floor3A_2299 : vector<8x640xf32> to vector<8x640xi32>
    %jit3A_2304 = arith.constant 0 : i32
    %jit3A_2305 = arith.constant 199 : i32
    %max3A_2306 = vector.broadcast %jit3A_2304 : i32 to vector<8x640xi32>
    %max3A_2307 = arith.maxsi %max3A_2306, %convert_element_type3A_2303 : vector<8x640xi32>
    %min3A_2308 = vector.broadcast %jit3A_2305 : i32 to vector<8x640xi32>
    %min3A_2309 = arith.minsi %min3A_2308, %max3A_2307 : vector<8x640xi32>
    %add3A_2310 = arith.constant 1 : i32
    %add3A_2311 = vector.broadcast %add3A_2310 : i32 to vector<8x640xi32>
    %add3A_2312 = arith.addi %min3A_2309, %add3A_2311 : vector<8x640xi32>
    %jit3A_2313 = arith.constant 0 : i32
    %jit3A_2314 = arith.constant 199 : i32
    %max3A_2315 = vector.broadcast %jit3A_2313 : i32 to vector<8x640xi32>
    %max3A_2316 = arith.maxsi %max3A_2315, %add3A_2312 : vector<8x640xi32>
    %min3A_2317 = vector.broadcast %jit3A_2314 : i32 to vector<8x640xi32>
    %min3A_2318 = arith.minsi %min3A_2317, %max3A_2316 : vector<8x640xi32>
    %convert_element_type3A_2319 = arith.fptosi %floor3A_2300 : vector<8x640xf32> to vector<8x640xi32>
    %jit3A_2320 = arith.constant 0 : i32
    %jit3A_2321 = arith.constant 174 : i32
    %max3A_2322 = vector.broadcast %jit3A_2320 : i32 to vector<8x640xi32>
    %max3A_2323 = arith.maxsi %max3A_2322, %convert_element_type3A_2319 : vector<8x640xi32>
    %min3A_2324 = vector.broadcast %jit3A_2321 : i32 to vector<8x640xi32>
    %min3A_2325 = arith.minsi %min3A_2324, %max3A_2323 : vector<8x640xi32>
    %add3A_2326 = arith.constant 1 : i32
    %add3A_2327 = vector.broadcast %add3A_2326 : i32 to vector<8x640xi32>
    %add3A_2328 = arith.addi %min3A_2325, %add3A_2327 : vector<8x640xi32>
    %jit3A_2329 = arith.constant 0 : i32
    %jit3A_2330 = arith.constant 174 : i32
    %max3A_2331 = vector.broadcast %jit3A_2329 : i32 to vector<8x640xi32>
    %max3A_2332 = arith.maxsi %max3A_2331, %add3A_2328 : vector<8x640xi32>
    %min3A_2333 = vector.broadcast %jit3A_2330 : i32 to vector<8x640xi32>
    %min3A_2334 = arith.minsi %min3A_2333, %max3A_2332 : vector<8x640xi32>
    %mul3A_2335 = arith.constant 200 : i32
    %mul3A_2336 = vector.broadcast %mul3A_2335 : i32 to vector<8x640xi32>
    %mul3A_2337 = arith.muli %min3A_2325, %mul3A_2336 : vector<8x640xi32>
    %add3A_2338 = arith.constant 27000 : i32
    %add3A_2339 = vector.broadcast %add3A_2338 : i32 to vector<8x640xi32>
    %add3A_2340 = arith.addi %add3A_2339, %mul3A_2337 : vector<8x640xi32>
    %add3A_2341 = arith.addi %add3A_2340, %min3A_2309 : vector<8x640xi32>
    %mul3A_2342 = arith.constant 200 : i32
    %mul3A_2343 = vector.broadcast %mul3A_2342 : i32 to vector<8x640xi32>
    %mul3A_2344 = arith.muli %min3A_2325, %mul3A_2343 : vector<8x640xi32>
    %add3A_2345 = arith.constant 27000 : i32
    %add3A_2346 = vector.broadcast %add3A_2345 : i32 to vector<8x640xi32>
    %add3A_2347 = arith.addi %add3A_2346, %mul3A_2344 : vector<8x640xi32>
    %add3A_2348 = arith.addi %add3A_2347, %min3A_2318 : vector<8x640xi32>
    %mul3A_2349 = arith.constant 200 : i32
    %mul3A_2350 = vector.broadcast %mul3A_2349 : i32 to vector<8x640xi32>
    %mul3A_2351 = arith.muli %min3A_2334, %mul3A_2350 : vector<8x640xi32>
    %add3A_2352 = arith.constant 27000 : i32
    %add3A_2353 = vector.broadcast %add3A_2352 : i32 to vector<8x640xi32>
    %add3A_2354 = arith.addi %add3A_2353, %mul3A_2351 : vector<8x640xi32>
    %add3A_2355 = arith.addi %add3A_2354, %min3A_2309 : vector<8x640xi32>
    %mul3A_2356 = arith.constant 200 : i32
    %mul3A_2357 = vector.broadcast %mul3A_2356 : i32 to vector<8x640xi32>
    %mul3A_2358 = arith.muli %min3A_2334, %mul3A_2357 : vector<8x640xi32>
    %add3A_2359 = arith.constant 27000 : i32
    %add3A_2360 = vector.broadcast %add3A_2359 : i32 to vector<8x640xi32>
    %add3A_2361 = arith.addi %add3A_2360, %mul3A_2358 : vector<8x640xi32>
    %add3A_2362 = arith.addi %add3A_2361, %min3A_2318 : vector<8x640xi32>
    %sub3A_2363 = arith.constant 1.000000e+00 : f32
    %sub3A_2364 = vector.broadcast %sub3A_2363 : f32 to vector<8x640xf32>
    %sub3A_2365 = arith.subf %sub3A_2364, %sub3A_2302 : vector<8x640xf32>
    %sub3A_2366 = arith.constant 1.000000e+00 : f32
    %sub3A_2367 = vector.broadcast %sub3A_2366 : f32 to vector<8x640xf32>
    %sub3A_2368 = arith.subf %sub3A_2367, %sub3A_2301 : vector<8x640xf32>
    %mul3A_2369 = arith.mulf %sub3A_2365, %sub3A_2368 : vector<8x640xf32>
    %mul3A_2370 = vector.broadcast %div3A_38 : f32 to vector<8x640xf32>
    %mul3A_2371 = arith.mulf %mul3A_2369, %mul3A_2370 : vector<8x640xf32>
    %sub3A_2372 = arith.constant 1.000000e+00 : f32
    %sub3A_2373 = vector.broadcast %sub3A_2372 : f32 to vector<8x640xf32>
    %sub3A_2374 = arith.subf %sub3A_2373, %sub3A_2302 : vector<8x640xf32>
    %mul3A_2375 = arith.mulf %sub3A_2374, %sub3A_2301 : vector<8x640xf32>
    %mul3A_2376 = vector.broadcast %div3A_38 : f32 to vector<8x640xf32>
    %mul3A_2377 = arith.mulf %mul3A_2375, %mul3A_2376 : vector<8x640xf32>
    %sub3A_2378 = arith.constant 1.000000e+00 : f32
    %sub3A_2379 = vector.broadcast %sub3A_2378 : f32 to vector<8x640xf32>
    %sub3A_2380 = arith.subf %sub3A_2379, %sub3A_2301 : vector<8x640xf32>
    %mul3A_2381 = arith.mulf %sub3A_2302, %sub3A_2380 : vector<8x640xf32>
    %mul3A_2382 = vector.broadcast %div3A_38 : f32 to vector<8x640xf32>
    %mul3A_2383 = arith.mulf %mul3A_2381, %mul3A_2382 : vector<8x640xf32>
    %mul3A_2384 = arith.mulf %sub3A_2302, %sub3A_2301 : vector<8x640xf32>
    %mul3A_2385 = vector.broadcast %div3A_38 : f32 to vector<8x640xf32>
    %mul3A_2386 = arith.mulf %mul3A_2384, %mul3A_2385 : vector<8x640xf32>
    %swap3A_2387 = arith.constant 0 : index
    %swap3A_2388 = arith.constant 48 : index
    %swap3A_2389 = arith.constant 0 : index
    %swap3A_2390 = arith.constant 0 : index
    %swap3A_2391 = vector.load %arg3[%swap3A_2387, %swap3A_2388, %swap3A_2389, %swap3A_2390] : memref<1x56x8x640xi32, #tpu.memory_space<vmem>>, vector<1x1x8x640xi32>
    %swap3A_2392 = vector.shape_cast %swap3A_2391 : vector<1x1x8x640xi32> to vector<8x640xi32>
    %swap3A_2393 = vector.shape_cast %add3A_2232 : vector<8x640xi32> to vector<1x1x8x640xi32>
    tpu.vector_store %arg3[%swap3A_2387, %swap3A_2388, %swap3A_2389, %swap3A_2390], %swap3A_2393 {strides = array<i32>} : memref<1x56x8x640xi32, #tpu.memory_space<vmem>>, vector<1x1x8x640xi32>,
    %swap3A_2394 = arith.constant 0 : index
    %swap3A_2395 = arith.constant 48 : index
    %swap3A_2396 = arith.constant 0 : index
    %swap3A_2397 = arith.constant 0 : index
    %swap3A_2398 = vector.load %arg4[%swap3A_2394, %swap3A_2395, %swap3A_2396, %swap3A_2397] : memref<1x56x8x640xf32, #tpu.memory_space<vmem>>, vector<1x1x8x640xf32>
    %swap3A_2399 = vector.shape_cast %swap3A_2398 : vector<1x1x8x640xf32> to vector<8x640xf32>
    %swap3A_2400 = vector.shape_cast %mul3A_2262 : vector<8x640xf32> to vector<1x1x8x640xf32>
    tpu.vector_store %arg4[%swap3A_2394, %swap3A_2395, %swap3A_2396, %swap3A_2397], %swap3A_2400 {strides = array<i32>} : memref<1x56x8x640xf32, #tpu.memory_space<vmem>>, vector<1x1x8x640xf32>,
    %swap3A_2401 = arith.constant 0 : index
    %swap3A_2402 = arith.constant 52 : index
    %swap3A_2403 = arith.constant 0 : index
    %swap3A_2404 = arith.constant 0 : index
    %swap3A_2405 = vector.load %arg3[%swap3A_2401, %swap3A_2402, %swap3A_2403, %swap3A_2404] : memref<1x56x8x640xi32, #tpu.memory_space<vmem>>, vector<1x1x8x640xi32>
    %swap3A_2406 = vector.shape_cast %swap3A_2405 : vector<1x1x8x640xi32> to vector<8x640xi32>
    %swap3A_2407 = vector.shape_cast %add3A_2341 : vector<8x640xi32> to vector<1x1x8x640xi32>
    tpu.vector_store %arg3[%swap3A_2401, %swap3A_2402, %swap3A_2403, %swap3A_2404], %swap3A_2407 {strides = array<i32>} : memref<1x56x8x640xi32, #tpu.memory_space<vmem>>, vector<1x1x8x640xi32>,
    %swap3A_2408 = arith.constant 0 : index
    %swap3A_2409 = arith.constant 52 : index
    %swap3A_2410 = arith.constant 0 : index
    %swap3A_2411 = arith.constant 0 : index
    %swap3A_2412 = vector.load %arg4[%swap3A_2408, %swap3A_2409, %swap3A_2410, %swap3A_2411] : memref<1x56x8x640xf32, #tpu.memory_space<vmem>>, vector<1x1x8x640xf32>
    %swap3A_2413 = vector.shape_cast %swap3A_2412 : vector<1x1x8x640xf32> to vector<8x640xf32>
    %swap3A_2414 = vector.shape_cast %mul3A_2371 : vector<8x640xf32> to vector<1x1x8x640xf32>
    tpu.vector_store %arg4[%swap3A_2408, %swap3A_2409, %swap3A_2410, %swap3A_2411], %swap3A_2414 {strides = array<i32>} : memref<1x56x8x640xf32, #tpu.memory_space<vmem>>, vector<1x1x8x640xf32>,
    %swap3A_2415 = arith.constant 0 : index
    %swap3A_2416 = arith.constant 49 : index
    %swap3A_2417 = arith.constant 0 : index
    %swap3A_2418 = arith.constant 0 : index
    %swap3A_2419 = vector.load %arg3[%swap3A_2415, %swap3A_2416, %swap3A_2417, %swap3A_2418] : memref<1x56x8x640xi32, #tpu.memory_space<vmem>>, vector<1x1x8x640xi32>
    %swap3A_2420 = vector.shape_cast %swap3A_2419 : vector<1x1x8x640xi32> to vector<8x640xi32>
    %swap3A_2421 = vector.shape_cast %add3A_2239 : vector<8x640xi32> to vector<1x1x8x640xi32>
    tpu.vector_store %arg3[%swap3A_2415, %swap3A_2416, %swap3A_2417, %swap3A_2418], %swap3A_2421 {strides = array<i32>} : memref<1x56x8x640xi32, #tpu.memory_space<vmem>>, vector<1x1x8x640xi32>,
    %swap3A_2422 = arith.constant 0 : index
    %swap3A_2423 = arith.constant 49 : index
    %swap3A_2424 = arith.constant 0 : index
    %swap3A_2425 = arith.constant 0 : index
    %swap3A_2426 = vector.load %arg4[%swap3A_2422, %swap3A_2423, %swap3A_2424, %swap3A_2425] : memref<1x56x8x640xf32, #tpu.memory_space<vmem>>, vector<1x1x8x640xf32>
    %swap3A_2427 = vector.shape_cast %swap3A_2426 : vector<1x1x8x640xf32> to vector<8x640xf32>
    %swap3A_2428 = vector.shape_cast %mul3A_2268 : vector<8x640xf32> to vector<1x1x8x640xf32>
    tpu.vector_store %arg4[%swap3A_2422, %swap3A_2423, %swap3A_2424, %swap3A_2425], %swap3A_2428 {strides = array<i32>} : memref<1x56x8x640xf32, #tpu.memory_space<vmem>>, vector<1x1x8x640xf32>,
    %swap3A_2429 = arith.constant 0 : index
    %swap3A_2430 = arith.constant 53 : index
    %swap3A_2431 = arith.constant 0 : index
    %swap3A_2432 = arith.constant 0 : index
    %swap3A_2433 = vector.load %arg3[%swap3A_2429, %swap3A_2430, %swap3A_2431, %swap3A_2432] : memref<1x56x8x640xi32, #tpu.memory_space<vmem>>, vector<1x1x8x640xi32>
    %swap3A_2434 = vector.shape_cast %swap3A_2433 : vector<1x1x8x640xi32> to vector<8x640xi32>
    %swap3A_2435 = vector.shape_cast %add3A_2348 : vector<8x640xi32> to vector<1x1x8x640xi32>
    tpu.vector_store %arg3[%swap3A_2429, %swap3A_2430, %swap3A_2431, %swap3A_2432], %swap3A_2435 {strides = array<i32>} : memref<1x56x8x640xi32, #tpu.memory_space<vmem>>, vector<1x1x8x640xi32>,
    %swap3A_2436 = arith.constant 0 : index
    %swap3A_2437 = arith.constant 53 : index
    %swap3A_2438 = arith.constant 0 : index
    %swap3A_2439 = arith.constant 0 : index
    %swap3A_2440 = vector.load %arg4[%swap3A_2436, %swap3A_2437, %swap3A_2438, %swap3A_2439] : memref<1x56x8x640xf32, #tpu.memory_space<vmem>>, vector<1x1x8x640xf32>
    %swap3A_2441 = vector.shape_cast %swap3A_2440 : vector<1x1x8x640xf32> to vector<8x640xf32>
    %swap3A_2442 = vector.shape_cast %mul3A_2377 : vector<8x640xf32> to vector<1x1x8x640xf32>
    tpu.vector_store %arg4[%swap3A_2436, %swap3A_2437, %swap3A_2438, %swap3A_2439], %swap3A_2442 {strides = array<i32>} : memref<1x56x8x640xf32, #tpu.memory_space<vmem>>, vector<1x1x8x640xf32>,
    %swap3A_2443 = arith.constant 0 : index
    %swap3A_2444 = arith.constant 50 : index
    %swap3A_2445 = arith.constant 0 : index
    %swap3A_2446 = arith.constant 0 : index
    %swap3A_2447 = vector.load %arg3[%swap3A_2443, %swap3A_2444, %swap3A_2445, %swap3A_2446] : memref<1x56x8x640xi32, #tpu.memory_space<vmem>>, vector<1x1x8x640xi32>
    %swap3A_2448 = vector.shape_cast %swap3A_2447 : vector<1x1x8x640xi32> to vector<8x640xi32>
    %swap3A_2449 = vector.shape_cast %add3A_2246 : vector<8x640xi32> to vector<1x1x8x640xi32>
    tpu.vector_store %arg3[%swap3A_2443, %swap3A_2444, %swap3A_2445, %swap3A_2446], %swap3A_2449 {strides = array<i32>} : memref<1x56x8x640xi32, #tpu.memory_space<vmem>>, vector<1x1x8x640xi32>,
    %swap3A_2450 = arith.constant 0 : index
    %swap3A_2451 = arith.constant 50 : index
    %swap3A_2452 = arith.constant 0 : index
    %swap3A_2453 = arith.constant 0 : index
    %swap3A_2454 = vector.load %arg4[%swap3A_2450, %swap3A_2451, %swap3A_2452, %swap3A_2453] : memref<1x56x8x640xf32, #tpu.memory_space<vmem>>, vector<1x1x8x640xf32>
    %swap3A_2455 = vector.shape_cast %swap3A_2454 : vector<1x1x8x640xf32> to vector<8x640xf32>
    %swap3A_2456 = vector.shape_cast %mul3A_2274 : vector<8x640xf32> to vector<1x1x8x640xf32>
    tpu.vector_store %arg4[%swap3A_2450, %swap3A_2451, %swap3A_2452, %swap3A_2453], %swap3A_2456 {strides = array<i32>} : memref<1x56x8x640xf32, #tpu.memory_space<vmem>>, vector<1x1x8x640xf32>,
    %swap3A_2457 = arith.constant 0 : index
    %swap3A_2458 = arith.constant 54 : index
    %swap3A_2459 = arith.constant 0 : index
    %swap3A_2460 = arith.constant 0 : index
    %swap3A_2461 = vector.load %arg3[%swap3A_2457, %swap3A_2458, %swap3A_2459, %swap3A_2460] : memref<1x56x8x640xi32, #tpu.memory_space<vmem>>, vector<1x1x8x640xi32>
    %swap3A_2462 = vector.shape_cast %swap3A_2461 : vector<1x1x8x640xi32> to vector<8x640xi32>
    %swap3A_2463 = vector.shape_cast %add3A_2355 : vector<8x640xi32> to vector<1x1x8x640xi32>
    tpu.vector_store %arg3[%swap3A_2457, %swap3A_2458, %swap3A_2459, %swap3A_2460], %swap3A_2463 {strides = array<i32>} : memref<1x56x8x640xi32, #tpu.memory_space<vmem>>, vector<1x1x8x640xi32>,
    %swap3A_2464 = arith.constant 0 : index
    %swap3A_2465 = arith.constant 54 : index
    %swap3A_2466 = arith.constant 0 : index
    %swap3A_2467 = arith.constant 0 : index
    %swap3A_2468 = vector.load %arg4[%swap3A_2464, %swap3A_2465, %swap3A_2466, %swap3A_2467] : memref<1x56x8x640xf32, #tpu.memory_space<vmem>>, vector<1x1x8x640xf32>
    %swap3A_2469 = vector.shape_cast %swap3A_2468 : vector<1x1x8x640xf32> to vector<8x640xf32>
    %swap3A_2470 = vector.shape_cast %mul3A_2383 : vector<8x640xf32> to vector<1x1x8x640xf32>
    tpu.vector_store %arg4[%swap3A_2464, %swap3A_2465, %swap3A_2466, %swap3A_2467], %swap3A_2470 {strides = array<i32>} : memref<1x56x8x640xf32, #tpu.memory_space<vmem>>, vector<1x1x8x640xf32>,
    %swap3A_2471 = arith.constant 0 : index
    %swap3A_2472 = arith.constant 51 : index
    %swap3A_2473 = arith.constant 0 : index
    %swap3A_2474 = arith.constant 0 : index
    %swap3A_2475 = vector.load %arg3[%swap3A_2471, %swap3A_2472, %swap3A_2473, %swap3A_2474] : memref<1x56x8x640xi32, #tpu.memory_space<vmem>>, vector<1x1x8x640xi32>
    %swap3A_2476 = vector.shape_cast %swap3A_2475 : vector<1x1x8x640xi32> to vector<8x640xi32>
    %swap3A_2477 = vector.shape_cast %add3A_2253 : vector<8x640xi32> to vector<1x1x8x640xi32>
    tpu.vector_store %arg3[%swap3A_2471, %swap3A_2472, %swap3A_2473, %swap3A_2474], %swap3A_2477 {strides = array<i32>} : memref<1x56x8x640xi32, #tpu.memory_space<vmem>>, vector<1x1x8x640xi32>,
    %swap3A_2478 = arith.constant 0 : index
    %swap3A_2479 = arith.constant 51 : index
    %swap3A_2480 = arith.constant 0 : index
    %swap3A_2481 = arith.constant 0 : index
    %swap3A_2482 = vector.load %arg4[%swap3A_2478, %swap3A_2479, %swap3A_2480, %swap3A_2481] : memref<1x56x8x640xf32, #tpu.memory_space<vmem>>, vector<1x1x8x640xf32>
    %swap3A_2483 = vector.shape_cast %swap3A_2482 : vector<1x1x8x640xf32> to vector<8x640xf32>
    %swap3A_2484 = vector.shape_cast %mul3A_2277 : vector<8x640xf32> to vector<1x1x8x640xf32>
    tpu.vector_store %arg4[%swap3A_2478, %swap3A_2479, %swap3A_2480, %swap3A_2481], %swap3A_2484 {strides = array<i32>} : memref<1x56x8x640xf32, #tpu.memory_space<vmem>>, vector<1x1x8x640xf32>,
    %swap3A_2485 = arith.constant 0 : index
    %swap3A_2486 = arith.constant 55 : index
    %swap3A_2487 = arith.constant 0 : index
    %swap3A_2488 = arith.constant 0 : index
    %swap3A_2489 = vector.load %arg3[%swap3A_2485, %swap3A_2486, %swap3A_2487, %swap3A_2488] : memref<1x56x8x640xi32, #tpu.memory_space<vmem>>, vector<1x1x8x640xi32>
    %swap3A_2490 = vector.shape_cast %swap3A_2489 : vector<1x1x8x640xi32> to vector<8x640xi32>
    %swap3A_2491 = vector.shape_cast %add3A_2362 : vector<8x640xi32> to vector<1x1x8x640xi32>
    tpu.vector_store %arg3[%swap3A_2485, %swap3A_2486, %swap3A_2487, %swap3A_2488], %swap3A_2491 {strides = array<i32>} : memref<1x56x8x640xi32, #tpu.memory_space<vmem>>, vector<1x1x8x640xi32>,
    %swap3A_2492 = arith.constant 0 : index
    %swap3A_2493 = arith.constant 55 : index
    %swap3A_2494 = arith.constant 0 : index
    %swap3A_2495 = arith.constant 0 : index
    %swap3A_2496 = vector.load %arg4[%swap3A_2492, %swap3A_2493, %swap3A_2494, %swap3A_2495] : memref<1x56x8x640xf32, #tpu.memory_space<vmem>>, vector<1x1x8x640xf32>
    %swap3A_2497 = vector.shape_cast %swap3A_2496 : vector<1x1x8x640xf32> to vector<8x640xf32>
    %swap3A_2498 = vector.shape_cast %mul3A_2386 : vector<8x640xf32> to vector<1x1x8x640xf32>
    tpu.vector_store %arg4[%swap3A_2492, %swap3A_2493, %swap3A_2494, %swap3A_2495], %swap3A_2498 {strides = array<i32>} : memref<1x56x8x640xf32, #tpu.memory_space<vmem>>, vector<1x1x8x640xf32>,
    return
  }
  func.func @transform_0(%arg0: i32) -> (i32, i32, i32) {
    %c0_i32 = arith.constant 0 : i32
    %c0_i32_0 = arith.constant 0 : i32
    %c0_i32_1 = arith.constant 0 : i32
    %c0_i32_2 = arith.constant 0 : i32
    return %c0_i32, %c0_i32_0, %c0_i32_1 : i32, i32, i32
  }
  func.func @transform_1(%arg0: i32) -> (i32, i32) {
    %c0_i32 = arith.constant 0 : i32
    %c0_i32_0 = arith.constant 0 : i32
    %c0_i32_1 = arith.constant 0 : i32
    return %c0_i32, %c0_i32_0 : i32, i32
  }
  func.func @transform_2(%arg0: i32) -> (i32, i32, i32, i32) {
    %c0_i32 = arith.constant 0 : i32
    %c0_i32_0 = arith.constant 0 : i32
    %c0_i32_1 = arith.constant 0 : i32
    %c0_i32_2 = arith.constant 0 : i32
    return %arg0, %c0_i32, %c0_i32_0, %c0_i32_1 : i32, i32, i32, i32
  }
  func.func @transform_3(%arg0: i32) -> (i32, i32, i32, i32) {
    %c0_i32 = arith.constant 0 : i32
    %c0_i32_0 = arith.constant 0 : i32
    %c0_i32_1 = arith.constant 0 : i32
    %c0_i32_2 = arith.constant 0 : i32
    return %arg0, %c0_i32, %c0_i32_0, %c0_i32_1 : i32, i32, i32, i32
  }
}

module attributes {stable_mosaic.version = 14 : i64} {
  func.func @_mlp_body(%arg0: i32, %arg1: memref<512x1568xf32, #tpu.memory_space<vmem>>, %arg2: memref<1568x256xf32, #tpu.memory_space<vmem>>, %arg3: memref<1x256xf32, #tpu.memory_space<vmem>>, %arg4: memref<256x128xf32, #tpu.memory_space<vmem>>, %arg5: memref<1x128xf32, #tpu.memory_space<vmem>>, %arg6: memref<512x128xf32, #tpu.memory_space<vmem>>) attributes {dimension_semantics = [#tpu.dimension_semantics<arbitrary>], iteration_bounds = array<i64: 10>, scalar_prefetch = 0 : i64, scratch_operands = 0 : i64, tpu.core_type = #tpu.core_type<tc>, window_params = [{transform_indices = @transform_0, window_bounds = array<i64: 512, 1568>}, {pipeline_mode = #tpu.pipeline_mode<synchronous>, transform_indices = @transform_1, window_bounds = array<i64: 1568, 256>}, {pipeline_mode = #tpu.pipeline_mode<synchronous>, transform_indices = @transform_2, window_bounds = array<i64: 1, 256>}, {pipeline_mode = #tpu.pipeline_mode<synchronous>, transform_indices = @transform_3, window_bounds = array<i64: 256, 128>}, {pipeline_mode = #tpu.pipeline_mode<synchronous>, transform_indices = @transform_4, window_bounds = array<i64: 1, 128>}, {transform_indices = @transform_5, window_bounds = array<i64: 512, 128>}]} {
    %get3A = arith.constant 0 : index
    %get3A_0 = arith.constant 0 : index
    %get3A_1 = vector.load %arg1[%get3A, %get3A_0] : memref<512x1568xf32, #tpu.memory_space<vmem>>, vector<512x1568xf32>
    %get3A_2 = arith.constant 0 : index
    %get3A_3 = arith.constant 0 : index
    %get3A_4 = vector.load %arg2[%get3A_2, %get3A_3] : memref<1568x256xf32, #tpu.memory_space<vmem>>, vector<1568x256xf32>
    %dot_general3A = arith.constant dense<0.000000e+00> : vector<512x256xf32>
    %dot_general3A_5 = tpu.matmul %get3A_1, %get3A_4, %dot_general3A {dimension_numbers = #tpu.dot_dimension_numbers<[1], [0], [0], [1], [0, 0, 1, 1], [], []>, transpose_lhs_hint = false} : vector<512x1568xf32>, vector<1568x256xf32>, vector<512x256xf32> -> vector<512x256xf32>
    %get3A_6 = arith.constant 0 : index
    %get3A_7 = arith.constant 0 : index
    %get3A_8 = vector.load %arg3[%get3A_6, %get3A_7] : memref<1x256xf32, #tpu.memory_space<vmem>>, vector<1x256xf32>
    %add3A = vector.broadcast %get3A_8 : vector<1x256xf32> to vector<512x256xf32>
    %add3A_9 = arith.addf %dot_general3A_5, %add3A : vector<512x256xf32>
    %max3A = arith.constant 0.000000e+00 : f32
    %max3A_10 = vector.broadcast %max3A : f32 to vector<512x256xf32>
    %max3A_11 = arith.maximumf %add3A_9, %max3A_10 : vector<512x256xf32>
    %get3A_12 = arith.constant 0 : index
    %get3A_13 = arith.constant 0 : index
    %get3A_14 = vector.load %arg4[%get3A_12, %get3A_13] : memref<256x128xf32, #tpu.memory_space<vmem>>, vector<256x128xf32>
    %dot_general3A_15 = arith.constant dense<0.000000e+00> : vector<512x128xf32>
    %dot_general3A_16 = tpu.matmul %max3A_11, %get3A_14, %dot_general3A_15 {dimension_numbers = #tpu.dot_dimension_numbers<[1], [0], [0], [1], [0, 0, 1, 1], [], []>, transpose_lhs_hint = false} : vector<512x256xf32>, vector<256x128xf32>, vector<512x128xf32> -> vector<512x128xf32>
    %get3A_17 = arith.constant 0 : index
    %get3A_18 = arith.constant 0 : index
    %get3A_19 = vector.load %arg5[%get3A_17, %get3A_18] : memref<1x128xf32, #tpu.memory_space<vmem>>, vector<1x128xf32>
    %add3A_20 = vector.broadcast %get3A_19 : vector<1x128xf32> to vector<512x128xf32>
    %add3A_21 = arith.addf %dot_general3A_16, %add3A_20 : vector<512x128xf32>
    %swap3A = arith.constant 0 : index
    %swap3A_22 = arith.constant 0 : index
    %swap3A_23 = vector.load %arg6[%swap3A, %swap3A_22] : memref<512x128xf32, #tpu.memory_space<vmem>>, vector<512x128xf32>
    tpu.vector_store %arg6[%swap3A, %swap3A_22], %add3A_21 {strides = array<i32>} : memref<512x128xf32, #tpu.memory_space<vmem>>, vector<512x128xf32>,
    return
  }
  func.func @transform_0(%arg0: i32) -> (i32, i32) {
    %c0_i32 = arith.constant 0 : i32
    %c0_i32_0 = arith.constant 0 : i32
    return %arg0, %c0_i32 : i32, i32
  }
  func.func @transform_1(%arg0: i32) -> (i32, i32) {
    %c0_i32 = arith.constant 0 : i32
    %c0_i32_0 = arith.constant 0 : i32
    %c0_i32_1 = arith.constant 0 : i32
    return %c0_i32, %c0_i32_0 : i32, i32
  }
  func.func @transform_2(%arg0: i32) -> (i32, i32) {
    %c0_i32 = arith.constant 0 : i32
    %c0_i32_0 = arith.constant 0 : i32
    %c0_i32_1 = arith.constant 0 : i32
    return %c0_i32, %c0_i32_0 : i32, i32
  }
  func.func @transform_3(%arg0: i32) -> (i32, i32) {
    %c0_i32 = arith.constant 0 : i32
    %c0_i32_0 = arith.constant 0 : i32
    %c0_i32_1 = arith.constant 0 : i32
    return %c0_i32, %c0_i32_0 : i32, i32
  }
  func.func @transform_4(%arg0: i32) -> (i32, i32) {
    %c0_i32 = arith.constant 0 : i32
    %c0_i32_0 = arith.constant 0 : i32
    %c0_i32_1 = arith.constant 0 : i32
    return %c0_i32, %c0_i32_0 : i32, i32
  }
  func.func @transform_5(%arg0: i32) -> (i32, i32) {
    %c0_i32 = arith.constant 0 : i32
    %c0_i32_0 = arith.constant 0 : i32
    return %arg0, %c0_i32 : i32, i32
  }
}

module attributes {stable_mosaic.version = 14 : i64} {
  func.func @_nms_body(%arg0: memref<16x8x640xf32, #tpu.memory_space<vmem>>, %arg1: memref<6x8x640xf32, #tpu.memory_space<vmem>>, %arg2: memref<1x4xf32, #tpu.memory_space<vmem>>, %arg3: memref<100x128xf32, #tpu.memory_space<vmem>>) attributes {dimension_semantics = [], scalar_prefetch = 0 : i64, scratch_operands = 0 : i64, tpu.core_type = #tpu.core_type<tc>} {
    %get3A = arith.constant 0 : index
    %get3A_0 = arith.constant 0 : index
    %get3A_1 = arith.constant 0 : index
    %get3A_2 = vector.load %arg0[%get3A, %get3A_0, %get3A_1] : memref<16x8x640xf32, #tpu.memory_space<vmem>>, vector<1x8x640xf32>
    %get3A_3 = vector.shape_cast %get3A_2 : vector<1x8x640xf32> to vector<8x640xf32>
    %get3A_4 = arith.constant 1 : index
    %get3A_5 = arith.constant 0 : index
    %get3A_6 = arith.constant 0 : index
    %get3A_7 = vector.load %arg0[%get3A_4, %get3A_5, %get3A_6] : memref<16x8x640xf32, #tpu.memory_space<vmem>>, vector<1x8x640xf32>
    %get3A_8 = vector.shape_cast %get3A_7 : vector<1x8x640xf32> to vector<8x640xf32>
    %get3A_9 = arith.constant 2 : index
    %get3A_10 = arith.constant 0 : index
    %get3A_11 = arith.constant 0 : index
    %get3A_12 = vector.load %arg0[%get3A_9, %get3A_10, %get3A_11] : memref<16x8x640xf32, #tpu.memory_space<vmem>>, vector<1x8x640xf32>
    %get3A_13 = vector.shape_cast %get3A_12 : vector<1x8x640xf32> to vector<8x640xf32>
    %get3A_14 = arith.constant 3 : index
    %get3A_15 = arith.constant 0 : index
    %get3A_16 = arith.constant 0 : index
    %get3A_17 = vector.load %arg0[%get3A_14, %get3A_15, %get3A_16] : memref<16x8x640xf32, #tpu.memory_space<vmem>>, vector<1x8x640xf32>
    %get3A_18 = vector.shape_cast %get3A_17 : vector<1x8x640xf32> to vector<8x640xf32>
    %get3A_19 = arith.constant 4 : index
    %get3A_20 = arith.constant 0 : index
    %get3A_21 = arith.constant 0 : index
    %get3A_22 = vector.load %arg0[%get3A_19, %get3A_20, %get3A_21] : memref<16x8x640xf32, #tpu.memory_space<vmem>>, vector<1x8x640xf32>
    %get3A_23 = vector.shape_cast %get3A_22 : vector<1x8x640xf32> to vector<8x640xf32>
    %get3A_24 = arith.constant 5 : index
    %get3A_25 = arith.constant 0 : index
    %get3A_26 = arith.constant 0 : index
    %get3A_27 = vector.load %arg0[%get3A_24, %get3A_25, %get3A_26] : memref<16x8x640xf32, #tpu.memory_space<vmem>>, vector<1x8x640xf32>
    %get3A_28 = vector.shape_cast %get3A_27 : vector<1x8x640xf32> to vector<8x640xf32>
    %get3A_29 = arith.constant 6 : index
    %get3A_30 = arith.constant 0 : index
    %get3A_31 = arith.constant 0 : index
    %get3A_32 = vector.load %arg0[%get3A_29, %get3A_30, %get3A_31] : memref<16x8x640xf32, #tpu.memory_space<vmem>>, vector<1x8x640xf32>
    %get3A_33 = vector.shape_cast %get3A_32 : vector<1x8x640xf32> to vector<8x640xf32>
    %get3A_34 = arith.constant 7 : index
    %get3A_35 = arith.constant 0 : index
    %get3A_36 = arith.constant 0 : index
    %get3A_37 = vector.load %arg0[%get3A_34, %get3A_35, %get3A_36] : memref<16x8x640xf32, #tpu.memory_space<vmem>>, vector<1x8x640xf32>
    %get3A_38 = vector.shape_cast %get3A_37 : vector<1x8x640xf32> to vector<8x640xf32>
    %get3A_39 = arith.constant 8 : index
    %get3A_40 = arith.constant 0 : index
    %get3A_41 = arith.constant 0 : index
    %get3A_42 = vector.load %arg0[%get3A_39, %get3A_40, %get3A_41] : memref<16x8x640xf32, #tpu.memory_space<vmem>>, vector<1x8x640xf32>
    %get3A_43 = vector.shape_cast %get3A_42 : vector<1x8x640xf32> to vector<8x640xf32>
    %get3A_44 = arith.constant 9 : index
    %get3A_45 = arith.constant 0 : index
    %get3A_46 = arith.constant 0 : index
    %get3A_47 = vector.load %arg0[%get3A_44, %get3A_45, %get3A_46] : memref<16x8x640xf32, #tpu.memory_space<vmem>>, vector<1x8x640xf32>
    %get3A_48 = vector.shape_cast %get3A_47 : vector<1x8x640xf32> to vector<8x640xf32>
    %get3A_49 = arith.constant 10 : index
    %get3A_50 = arith.constant 0 : index
    %get3A_51 = arith.constant 0 : index
    %get3A_52 = vector.load %arg0[%get3A_49, %get3A_50, %get3A_51] : memref<16x8x640xf32, #tpu.memory_space<vmem>>, vector<1x8x640xf32>
    %get3A_53 = vector.shape_cast %get3A_52 : vector<1x8x640xf32> to vector<8x640xf32>
    %get3A_54 = arith.constant 11 : index
    %get3A_55 = arith.constant 0 : index
    %get3A_56 = arith.constant 0 : index
    %get3A_57 = vector.load %arg0[%get3A_54, %get3A_55, %get3A_56] : memref<16x8x640xf32, #tpu.memory_space<vmem>>, vector<1x8x640xf32>
    %get3A_58 = vector.shape_cast %get3A_57 : vector<1x8x640xf32> to vector<8x640xf32>
    %get3A_59 = arith.constant 12 : index
    %get3A_60 = arith.constant 0 : index
    %get3A_61 = arith.constant 0 : index
    %get3A_62 = vector.load %arg0[%get3A_59, %get3A_60, %get3A_61] : memref<16x8x640xf32, #tpu.memory_space<vmem>>, vector<1x8x640xf32>
    %get3A_63 = vector.shape_cast %get3A_62 : vector<1x8x640xf32> to vector<8x640xf32>
    %get3A_64 = arith.constant 13 : index
    %get3A_65 = arith.constant 0 : index
    %get3A_66 = arith.constant 0 : index
    %get3A_67 = vector.load %arg0[%get3A_64, %get3A_65, %get3A_66] : memref<16x8x640xf32, #tpu.memory_space<vmem>>, vector<1x8x640xf32>
    %get3A_68 = vector.shape_cast %get3A_67 : vector<1x8x640xf32> to vector<8x640xf32>
    %get3A_69 = arith.constant 0 : index
    %get3A_70 = arith.constant 0 : index
    %get3A_71 = arith.constant 0 : index
    %get3A_72 = vector.load %arg1[%get3A_69, %get3A_70, %get3A_71] : memref<6x8x640xf32, #tpu.memory_space<vmem>>, vector<1x8x640xf32>
    %get3A_73 = vector.shape_cast %get3A_72 : vector<1x8x640xf32> to vector<8x640xf32>
    %get3A_74 = arith.constant 1 : index
    %get3A_75 = arith.constant 0 : index
    %get3A_76 = arith.constant 0 : index
    %get3A_77 = vector.load %arg1[%get3A_74, %get3A_75, %get3A_76] : memref<6x8x640xf32, #tpu.memory_space<vmem>>, vector<1x8x640xf32>
    %get3A_78 = vector.shape_cast %get3A_77 : vector<1x8x640xf32> to vector<8x640xf32>
    %get3A_79 = arith.constant 2 : index
    %get3A_80 = arith.constant 0 : index
    %get3A_81 = arith.constant 0 : index
    %get3A_82 = vector.load %arg1[%get3A_79, %get3A_80, %get3A_81] : memref<6x8x640xf32, #tpu.memory_space<vmem>>, vector<1x8x640xf32>
    %get3A_83 = vector.shape_cast %get3A_82 : vector<1x8x640xf32> to vector<8x640xf32>
    %get3A_84 = arith.constant 3 : index
    %get3A_85 = arith.constant 0 : index
    %get3A_86 = arith.constant 0 : index
    %get3A_87 = vector.load %arg1[%get3A_84, %get3A_85, %get3A_86] : memref<6x8x640xf32, #tpu.memory_space<vmem>>, vector<1x8x640xf32>
    %get3A_88 = vector.shape_cast %get3A_87 : vector<1x8x640xf32> to vector<8x640xf32>
    %get3A_89 = arith.constant 4 : index
    %get3A_90 = arith.constant 0 : index
    %get3A_91 = arith.constant 0 : index
    %get3A_92 = vector.load %arg1[%get3A_89, %get3A_90, %get3A_91] : memref<6x8x640xf32, #tpu.memory_space<vmem>>, vector<1x8x640xf32>
    %get3A_93 = vector.shape_cast %get3A_92 : vector<1x8x640xf32> to vector<8x640xf32>
    %get3A_94 = arith.constant 5 : index
    %get3A_95 = arith.constant 0 : index
    %get3A_96 = arith.constant 0 : index
    %get3A_97 = vector.load %arg1[%get3A_94, %get3A_95, %get3A_96] : memref<6x8x640xf32, #tpu.memory_space<vmem>>, vector<1x8x640xf32>
    %get3A_98 = vector.shape_cast %get3A_97 : vector<1x8x640xf32> to vector<8x640xf32>
    %get3A_99 = arith.constant 0 : index
    %get3A_100 = arith.constant 0 : index
    %get3A_101 = vector.load %arg2[%get3A_99, %get3A_100] : memref<1x4xf32, #tpu.memory_space<vmem>>, vector<1x1xf32>
    %get3A_102 = vector.extract %get3A_101[0, 0] : f32 from vector<1x1xf32>
    %get3A_103 = arith.constant 0 : index
    %get3A_104 = arith.constant 1 : index
    %get3A_105 = vector.load %arg2[%get3A_103, %get3A_104] : memref<1x4xf32, #tpu.memory_space<vmem>>, vector<1x1xf32>
    %get3A_106 = vector.extract %get3A_105[0, 0] : f32 from vector<1x1xf32>
    %get3A_107 = arith.constant 0 : index
    %get3A_108 = arith.constant 2 : index
    %get3A_109 = vector.load %arg2[%get3A_107, %get3A_108] : memref<1x4xf32, #tpu.memory_space<vmem>>, vector<1x1xf32>
    %get3A_110 = vector.extract %get3A_109[0, 0] : f32 from vector<1x1xf32>
    %get3A_111 = arith.constant 0 : index
    %get3A_112 = arith.constant 3 : index
    %get3A_113 = vector.load %arg2[%get3A_111, %get3A_112] : memref<1x4xf32, #tpu.memory_space<vmem>>, vector<1x1xf32>
    %get3A_114 = vector.extract %get3A_113[0, 0] : f32 from vector<1x1xf32>
    %add3A = arith.addf %get3A_73, %get3A_13 : vector<8x640xf32>
    %add3A_115 = arith.addf %get3A_78, %get3A_18 : vector<8x640xf32>
    %add3A_116 = arith.addf %get3A_83, %get3A_23 : vector<8x640xf32>
    %add3A_117 = arith.addf %get3A_88, %get3A_28 : vector<8x640xf32>
    %add3A_118 = arith.addf %get3A_93, %get3A_33 : vector<8x640xf32>
    %add3A_119 = arith.addf %get3A_98, %get3A_38 : vector<8x640xf32>
    %mul3A = vector.broadcast %get3A_102 : f32 to vector<8x640xf32>
    %mul3A_120 = arith.mulf %mul3A, %add3A : vector<8x640xf32>
    %mul3A_121 = vector.broadcast %get3A_110 : f32 to vector<8x640xf32>
    %mul3A_122 = arith.mulf %mul3A_121, %add3A_116 : vector<8x640xf32>
    %add3A_123 = arith.addf %mul3A_120, %mul3A_122 : vector<8x640xf32>
    %add3A_124 = vector.broadcast %get3A_114 : f32 to vector<8x640xf32>
    %add3A_125 = arith.addf %add3A_123, %add3A_124 : vector<8x640xf32>
    %neg3A = arith.constant 0.000000e+00 : f32
    %neg3A_126 = vector.broadcast %neg3A : f32 to vector<8x640xf32>
    %neg3A_127 = arith.subf %neg3A_126, %add3A_125 : vector<8x640xf32>
    %div3A = vector.broadcast %get3A_106 : f32 to vector<8x640xf32>
    %div3A_128 = arith.divf %neg3A_127, %div3A : vector<8x640xf32>
    %atan23A = math.atan2 %get3A_68, %get3A_63 : vector<8x640xf32>
    %max3A = arith.maximumf %get3A_3, %get3A_8 : vector<8x640xf32>
    %sub3A = arith.subf %get3A_3, %max3A : vector<8x640xf32>
    %exp3A = math.exp %sub3A : vector<8x640xf32>
    %sub3A_129 = arith.subf %get3A_8, %max3A : vector<8x640xf32>
    %exp3A_130 = math.exp %sub3A_129 : vector<8x640xf32>
    %add3A_131 = arith.addf %exp3A, %exp3A_130 : vector<8x640xf32>
    %div3A_132 = arith.divf %exp3A, %add3A_131 : vector<8x640xf32>
    %div3A_133 = arith.divf %exp3A_130, %add3A_131 : vector<8x640xf32>
    %div3A_134 = arith.constant 2.000000e+00 : f32
    %div3A_135 = vector.broadcast %div3A_134 : f32 to vector<8x640xf32>
    %div3A_136 = arith.divf %add3A_117, %div3A_135 : vector<8x640xf32>
    %sub3A_137 = arith.subf %add3A, %div3A_136 : vector<8x640xf32>
    %div3A_138 = arith.constant 2.000000e+00 : f32
    %div3A_139 = vector.broadcast %div3A_138 : f32 to vector<8x640xf32>
    %div3A_140 = arith.divf %add3A_119, %div3A_139 : vector<8x640xf32>
    %sub3A_141 = arith.subf %add3A_116, %div3A_140 : vector<8x640xf32>
    %div3A_142 = arith.constant 2.000000e+00 : f32
    %div3A_143 = vector.broadcast %div3A_142 : f32 to vector<8x640xf32>
    %div3A_144 = arith.divf %add3A_117, %div3A_143 : vector<8x640xf32>
    %add3A_145 = arith.addf %add3A, %div3A_144 : vector<8x640xf32>
    %div3A_146 = arith.constant 2.000000e+00 : f32
    %div3A_147 = vector.broadcast %div3A_146 : f32 to vector<8x640xf32>
    %div3A_148 = arith.divf %add3A_119, %div3A_147 : vector<8x640xf32>
    %add3A_149 = arith.addf %add3A_116, %div3A_148 : vector<8x640xf32>
    %sub3A_150 = arith.subf %add3A_145, %sub3A_137 : vector<8x640xf32>
    %sub3A_151 = arith.subf %add3A_149, %sub3A_141 : vector<8x640xf32>
    %mul3A_152 = arith.mulf %sub3A_150, %sub3A_151 : vector<8x640xf32>
    %iota3A = tpu.iota {dimensions = array<i32: 0>} : vector<8x640xi32>
    %iota3A_153 = tpu.iota {dimensions = array<i32: 1>} : vector<8x640xi32>
    %mul3A_154 = arith.constant 640 : i32
    %mul3A_155 = vector.broadcast %mul3A_154 : i32 to vector<8x640xi32>
    %mul3A_156 = arith.muli %iota3A, %mul3A_155 : vector<8x640xi32>
    %add3A_157 = arith.addi %mul3A_156, %iota3A_153 : vector<8x640xi32>
    %lt3A = arith.constant 5000 : i32
    %lt3A_158 = vector.broadcast %lt3A : i32 to vector<8x640xi32>
    %lt3A_159 = arith.cmpi slt, %add3A_157, %lt3A_158 : vector<8x640xi32>
    %jit3A = arith.constant -3.000000e+38 : f32
    %broadcast_in_dim3A = vector.broadcast %jit3A : f32 to vector<8x640xf32>
    %select_n3A = arith.select %lt3A_159, %get3A_8, %broadcast_in_dim3A : vector<8x640xi1>, vector<8x640xf32>
    %reduce_max3A = vector.shape_cast %select_n3A : vector<8x640xf32> to vector<1x8x640xf32>
    %reduce_max3A_160 = arith.constant dense<0xFF800000> : vector<1xf32>
    %reduce_max3A_161 = vector.multi_reduction <maximumf>, %reduce_max3A, %reduce_max3A_160 [1, 2] : vector<1x8x640xf32> to vector<1xf32>
    %reduce_max3A_162 = vector.shape_cast %reduce_max3A_161 : vector<1xf32> to vector<1x1x1xf32>
    %reduce_max3A_163 = vector.extract %reduce_max3A_162[0, 0, 0] : f32 from vector<1x1x1xf32>
    %eq3A = vector.broadcast %reduce_max3A_163 : f32 to vector<8x640xf32>
    %eq3A_164 = arith.cmpf oeq, %select_n3A, %eq3A : vector<8x640xf32>
    %and3A = arith.andi %eq3A_164, %lt3A_159 : vector<8x640xi1>
    %jit3A_165 = arith.constant 1073741824 : i32
    %broadcast_in_dim3A_166 = vector.broadcast %jit3A_165 : i32 to vector<8x640xi32>
    %select_n3A_167 = arith.select %and3A, %add3A_157, %broadcast_in_dim3A_166 : vector<8x640xi1>, vector<8x640xi32>
    %reduce_min3A = vector.shape_cast %select_n3A_167 : vector<8x640xi32> to vector<1x8x640xi32>
    %reduce_min3A_168 = arith.constant dense<2147483647> : vector<1xi32>
    %reduce_min3A_169 = vector.multi_reduction <minsi>, %reduce_min3A, %reduce_min3A_168 [1, 2] : vector<1x8x640xi32> to vector<1xi32>
    %reduce_min3A_170 = vector.shape_cast %reduce_min3A_169 : vector<1xi32> to vector<1x1x1xi32>
    %reduce_min3A_171 = vector.extract %reduce_min3A_170[0, 0, 0] : i32 from vector<1x1x1xi32>
    %iota3A_172 = tpu.iota {dimensions = array<i32: 1>} : vector<1x128xi32>
    %convert_element_type3A = arith.extui %lt3A_159 : vector<8x640xi1> to vector<8x640xi32>
    %scan3A = arith.constant -3.000000e+38 : f32
    %scan3A_173 = arith.constant 1073741824 : i32
    %scan3A_174 = arith.constant 0 : i32
    %scan3A_175 = arith.constant 100 : i32
    %scan3A_176 = arith.addi %scan3A_174, %scan3A_175 : i32
    %scan3A_177 = arith.constant 1 : i32
    %scan3A_178 = scf.for %scan3A_180 = %scan3A_174 to %scan3A_176 step %scan3A_177 iter_args(%scan3A_181 = %convert_element_type3A) -> (vector<8x640xi32>)  : i32 {
      %ne3A = arith.constant 0 : i32
      %ne3A_182 = vector.broadcast %ne3A : i32 to vector<8x640xi32>
      %ne3A_183 = arith.cmpi ne, %scan3A_181, %ne3A_182 : vector<8x640xi32>
      %broadcast_in_dim3A_184 = vector.broadcast %scan3A : f32 to vector<8x640xf32>
      %select_n3A_185 = arith.select %ne3A_183, %get3A_8, %broadcast_in_dim3A_184 : vector<8x640xi1>, vector<8x640xf32>
      %reduce_max3A_186 = vector.shape_cast %select_n3A_185 : vector<8x640xf32> to vector<1x8x640xf32>
      %reduce_max3A_187 = arith.constant dense<0xFF800000> : vector<1xf32>
      %reduce_max3A_188 = vector.multi_reduction <maximumf>, %reduce_max3A_186, %reduce_max3A_187 [1, 2] : vector<1x8x640xf32> to vector<1xf32>
      %reduce_max3A_189 = vector.shape_cast %reduce_max3A_188 : vector<1xf32> to vector<1x1x1xf32>
      %reduce_max3A_190 = vector.extract %reduce_max3A_189[0, 0, 0] : f32 from vector<1x1x1xf32>
      %gt3A = arith.cmpf ogt, %reduce_max3A_190, %scan3A : f32
      %eq3A_191 = vector.broadcast %reduce_max3A_190 : f32 to vector<8x640xf32>
      %eq3A_192 = arith.cmpf oeq, %select_n3A_185, %eq3A_191 : vector<8x640xf32>
      %and3A_193 = arith.andi %eq3A_192, %ne3A_183 : vector<8x640xi1>
      %broadcast_in_dim3A_194 = vector.broadcast %scan3A_173 : i32 to vector<8x640xi32>
      %select_n3A_195 = arith.select %and3A_193, %add3A_157, %broadcast_in_dim3A_194 : vector<8x640xi1>, vector<8x640xi32>
      %reduce_min3A_196 = vector.shape_cast %select_n3A_195 : vector<8x640xi32> to vector<1x8x640xi32>
      %reduce_min3A_197 = arith.constant dense<2147483647> : vector<1xi32>
      %reduce_min3A_198 = vector.multi_reduction <minsi>, %reduce_min3A_196, %reduce_min3A_197 [1, 2] : vector<1x8x640xi32> to vector<1xi32>
      %reduce_min3A_199 = vector.shape_cast %reduce_min3A_198 : vector<1xi32> to vector<1x1x1xi32>
      %reduce_min3A_200 = vector.extract %reduce_min3A_199[0, 0, 0] : i32 from vector<1x1x1xi32>
      %select_n3A_201 = arith.select %gt3A, %reduce_min3A_200, %reduce_min3A_171 : i32
      %eq3A_202 = vector.broadcast %select_n3A_201 : i32 to vector<8x640xi32>
      %eq3A_203 = arith.cmpi eq, %add3A_157, %eq3A_202 : vector<8x640xi32>
      %convert_element_type3A_204 = arith.extui %eq3A_203 : vector<8x640xi1> to vector<8x640xi32>
      %convert_element_type3A_205 = arith.sitofp %convert_element_type3A_204 : vector<8x640xi32> to vector<8x640xf32>
      %mul3A_206 = arith.mulf %div3A_132, %convert_element_type3A_205 : vector<8x640xf32>
      %reduce_sum3A = vector.shape_cast %mul3A_206 : vector<8x640xf32> to vector<1x8x640xf32>
      %reduce_sum3A_207 = arith.constant dense<0.000000e+00> : vector<1xf32>
      %reduce_sum3A_208 = vector.multi_reduction <add>, %reduce_sum3A, %reduce_sum3A_207 [1, 2] : vector<1x8x640xf32> to vector<1xf32>
      %reduce_sum3A_209 = vector.shape_cast %reduce_sum3A_208 : vector<1xf32> to vector<1x1x1xf32>
      %reduce_sum3A_210 = vector.extract %reduce_sum3A_209[0, 0, 0] : f32 from vector<1x1x1xf32>
      %mul3A_211 = arith.mulf %div3A_133, %convert_element_type3A_205 : vector<8x640xf32>
      %reduce_sum3A_212 = vector.shape_cast %mul3A_211 : vector<8x640xf32> to vector<1x8x640xf32>
      %reduce_sum3A_213 = arith.constant dense<0.000000e+00> : vector<1xf32>
      %reduce_sum3A_214 = vector.multi_reduction <add>, %reduce_sum3A_212, %reduce_sum3A_213 [1, 2] : vector<1x8x640xf32> to vector<1xf32>
      %reduce_sum3A_215 = vector.shape_cast %reduce_sum3A_214 : vector<1xf32> to vector<1x1x1xf32>
      %reduce_sum3A_216 = vector.extract %reduce_sum3A_215[0, 0, 0] : f32 from vector<1x1x1xf32>
      %mul3A_217 = arith.mulf %add3A, %convert_element_type3A_205 : vector<8x640xf32>
      %reduce_sum3A_218 = vector.shape_cast %mul3A_217 : vector<8x640xf32> to vector<1x8x640xf32>
      %reduce_sum3A_219 = arith.constant dense<0.000000e+00> : vector<1xf32>
      %reduce_sum3A_220 = vector.multi_reduction <add>, %reduce_sum3A_218, %reduce_sum3A_219 [1, 2] : vector<1x8x640xf32> to vector<1xf32>
      %reduce_sum3A_221 = vector.shape_cast %reduce_sum3A_220 : vector<1xf32> to vector<1x1x1xf32>
      %reduce_sum3A_222 = vector.extract %reduce_sum3A_221[0, 0, 0] : f32 from vector<1x1x1xf32>
      %mul3A_223 = arith.mulf %add3A_115, %convert_element_type3A_205 : vector<8x640xf32>
      %reduce_sum3A_224 = vector.shape_cast %mul3A_223 : vector<8x640xf32> to vector<1x8x640xf32>
      %reduce_sum3A_225 = arith.constant dense<0.000000e+00> : vector<1xf32>
      %reduce_sum3A_226 = vector.multi_reduction <add>, %reduce_sum3A_224, %reduce_sum3A_225 [1, 2] : vector<1x8x640xf32> to vector<1xf32>
      %reduce_sum3A_227 = vector.shape_cast %reduce_sum3A_226 : vector<1xf32> to vector<1x1x1xf32>
      %reduce_sum3A_228 = vector.extract %reduce_sum3A_227[0, 0, 0] : f32 from vector<1x1x1xf32>
      %mul3A_229 = arith.mulf %add3A_116, %convert_element_type3A_205 : vector<8x640xf32>
      %reduce_sum3A_230 = vector.shape_cast %mul3A_229 : vector<8x640xf32> to vector<1x8x640xf32>
      %reduce_sum3A_231 = arith.constant dense<0.000000e+00> : vector<1xf32>
      %reduce_sum3A_232 = vector.multi_reduction <add>, %reduce_sum3A_230, %reduce_sum3A_231 [1, 2] : vector<1x8x640xf32> to vector<1xf32>
      %reduce_sum3A_233 = vector.shape_cast %reduce_sum3A_232 : vector<1xf32> to vector<1x1x1xf32>
      %reduce_sum3A_234 = vector.extract %reduce_sum3A_233[0, 0, 0] : f32 from vector<1x1x1xf32>
      %mul3A_235 = arith.mulf %add3A_117, %convert_element_type3A_205 : vector<8x640xf32>
      %reduce_sum3A_236 = vector.shape_cast %mul3A_235 : vector<8x640xf32> to vector<1x8x640xf32>
      %reduce_sum3A_237 = arith.constant dense<0.000000e+00> : vector<1xf32>
      %reduce_sum3A_238 = vector.multi_reduction <add>, %reduce_sum3A_236, %reduce_sum3A_237 [1, 2] : vector<1x8x640xf32> to vector<1xf32>
      %reduce_sum3A_239 = vector.shape_cast %reduce_sum3A_238 : vector<1xf32> to vector<1x1x1xf32>
      %reduce_sum3A_240 = vector.extract %reduce_sum3A_239[0, 0, 0] : f32 from vector<1x1x1xf32>
      %mul3A_241 = arith.mulf %add3A_118, %convert_element_type3A_205 : vector<8x640xf32>
      %reduce_sum3A_242 = vector.shape_cast %mul3A_241 : vector<8x640xf32> to vector<1x8x640xf32>
      %reduce_sum3A_243 = arith.constant dense<0.000000e+00> : vector<1xf32>
      %reduce_sum3A_244 = vector.multi_reduction <add>, %reduce_sum3A_242, %reduce_sum3A_243 [1, 2] : vector<1x8x640xf32> to vector<1xf32>
      %reduce_sum3A_245 = vector.shape_cast %reduce_sum3A_244 : vector<1xf32> to vector<1x1x1xf32>
      %reduce_sum3A_246 = vector.extract %reduce_sum3A_245[0, 0, 0] : f32 from vector<1x1x1xf32>
      %mul3A_247 = arith.mulf %add3A_119, %convert_element_type3A_205 : vector<8x640xf32>
      %reduce_sum3A_248 = vector.shape_cast %mul3A_247 : vector<8x640xf32> to vector<1x8x640xf32>
      %reduce_sum3A_249 = arith.constant dense<0.000000e+00> : vector<1xf32>
      %reduce_sum3A_250 = vector.multi_reduction <add>, %reduce_sum3A_248, %reduce_sum3A_249 [1, 2] : vector<1x8x640xf32> to vector<1xf32>
      %reduce_sum3A_251 = vector.shape_cast %reduce_sum3A_250 : vector<1xf32> to vector<1x1x1xf32>
      %reduce_sum3A_252 = vector.extract %reduce_sum3A_251[0, 0, 0] : f32 from vector<1x1x1xf32>
      %mul3A_253 = arith.mulf %get3A_13, %convert_element_type3A_205 : vector<8x640xf32>
      %reduce_sum3A_254 = vector.shape_cast %mul3A_253 : vector<8x640xf32> to vector<1x8x640xf32>
      %reduce_sum3A_255 = arith.constant dense<0.000000e+00> : vector<1xf32>
      %reduce_sum3A_256 = vector.multi_reduction <add>, %reduce_sum3A_254, %reduce_sum3A_255 [1, 2] : vector<1x8x640xf32> to vector<1xf32>
      %reduce_sum3A_257 = vector.shape_cast %reduce_sum3A_256 : vector<1xf32> to vector<1x1x1xf32>
      %reduce_sum3A_258 = vector.extract %reduce_sum3A_257[0, 0, 0] : f32 from vector<1x1x1xf32>
      %mul3A_259 = arith.mulf %get3A_18, %convert_element_type3A_205 : vector<8x640xf32>
      %reduce_sum3A_260 = vector.shape_cast %mul3A_259 : vector<8x640xf32> to vector<1x8x640xf32>
      %reduce_sum3A_261 = arith.constant dense<0.000000e+00> : vector<1xf32>
      %reduce_sum3A_262 = vector.multi_reduction <add>, %reduce_sum3A_260, %reduce_sum3A_261 [1, 2] : vector<1x8x640xf32> to vector<1xf32>
      %reduce_sum3A_263 = vector.shape_cast %reduce_sum3A_262 : vector<1xf32> to vector<1x1x1xf32>
      %reduce_sum3A_264 = vector.extract %reduce_sum3A_263[0, 0, 0] : f32 from vector<1x1x1xf32>
      %mul3A_265 = arith.mulf %get3A_23, %convert_element_type3A_205 : vector<8x640xf32>
      %reduce_sum3A_266 = vector.shape_cast %mul3A_265 : vector<8x640xf32> to vector<1x8x640xf32>
      %reduce_sum3A_267 = arith.constant dense<0.000000e+00> : vector<1xf32>
      %reduce_sum3A_268 = vector.multi_reduction <add>, %reduce_sum3A_266, %reduce_sum3A_267 [1, 2] : vector<1x8x640xf32> to vector<1xf32>
      %reduce_sum3A_269 = vector.shape_cast %reduce_sum3A_268 : vector<1xf32> to vector<1x1x1xf32>
      %reduce_sum3A_270 = vector.extract %reduce_sum3A_269[0, 0, 0] : f32 from vector<1x1x1xf32>
      %mul3A_271 = arith.mulf %get3A_28, %convert_element_type3A_205 : vector<8x640xf32>
      %reduce_sum3A_272 = vector.shape_cast %mul3A_271 : vector<8x640xf32> to vector<1x8x640xf32>
      %reduce_sum3A_273 = arith.constant dense<0.000000e+00> : vector<1xf32>
      %reduce_sum3A_274 = vector.multi_reduction <add>, %reduce_sum3A_272, %reduce_sum3A_273 [1, 2] : vector<1x8x640xf32> to vector<1xf32>
      %reduce_sum3A_275 = vector.shape_cast %reduce_sum3A_274 : vector<1xf32> to vector<1x1x1xf32>
      %reduce_sum3A_276 = vector.extract %reduce_sum3A_275[0, 0, 0] : f32 from vector<1x1x1xf32>
      %mul3A_277 = arith.mulf %get3A_33, %convert_element_type3A_205 : vector<8x640xf32>
      %reduce_sum3A_278 = vector.shape_cast %mul3A_277 : vector<8x640xf32> to vector<1x8x640xf32>
      %reduce_sum3A_279 = arith.constant dense<0.000000e+00> : vector<1xf32>
      %reduce_sum3A_280 = vector.multi_reduction <add>, %reduce_sum3A_278, %reduce_sum3A_279 [1, 2] : vector<1x8x640xf32> to vector<1xf32>
      %reduce_sum3A_281 = vector.shape_cast %reduce_sum3A_280 : vector<1xf32> to vector<1x1x1xf32>
      %reduce_sum3A_282 = vector.extract %reduce_sum3A_281[0, 0, 0] : f32 from vector<1x1x1xf32>
      %mul3A_283 = arith.mulf %get3A_38, %convert_element_type3A_205 : vector<8x640xf32>
      %reduce_sum3A_284 = vector.shape_cast %mul3A_283 : vector<8x640xf32> to vector<1x8x640xf32>
      %reduce_sum3A_285 = arith.constant dense<0.000000e+00> : vector<1xf32>
      %reduce_sum3A_286 = vector.multi_reduction <add>, %reduce_sum3A_284, %reduce_sum3A_285 [1, 2] : vector<1x8x640xf32> to vector<1xf32>
      %reduce_sum3A_287 = vector.shape_cast %reduce_sum3A_286 : vector<1xf32> to vector<1x1x1xf32>
      %reduce_sum3A_288 = vector.extract %reduce_sum3A_287[0, 0, 0] : f32 from vector<1x1x1xf32>
      %mul3A_289 = arith.mulf %get3A_43, %convert_element_type3A_205 : vector<8x640xf32>
      %reduce_sum3A_290 = vector.shape_cast %mul3A_289 : vector<8x640xf32> to vector<1x8x640xf32>
      %reduce_sum3A_291 = arith.constant dense<0.000000e+00> : vector<1xf32>
      %reduce_sum3A_292 = vector.multi_reduction <add>, %reduce_sum3A_290, %reduce_sum3A_291 [1, 2] : vector<1x8x640xf32> to vector<1xf32>
      %reduce_sum3A_293 = vector.shape_cast %reduce_sum3A_292 : vector<1xf32> to vector<1x1x1xf32>
      %reduce_sum3A_294 = vector.extract %reduce_sum3A_293[0, 0, 0] : f32 from vector<1x1x1xf32>
      %mul3A_295 = arith.mulf %get3A_48, %convert_element_type3A_205 : vector<8x640xf32>
      %reduce_sum3A_296 = vector.shape_cast %mul3A_295 : vector<8x640xf32> to vector<1x8x640xf32>
      %reduce_sum3A_297 = arith.constant dense<0.000000e+00> : vector<1xf32>
      %reduce_sum3A_298 = vector.multi_reduction <add>, %reduce_sum3A_296, %reduce_sum3A_297 [1, 2] : vector<1x8x640xf32> to vector<1xf32>
      %reduce_sum3A_299 = vector.shape_cast %reduce_sum3A_298 : vector<1xf32> to vector<1x1x1xf32>
      %reduce_sum3A_300 = vector.extract %reduce_sum3A_299[0, 0, 0] : f32 from vector<1x1x1xf32>
      %mul3A_301 = arith.mulf %get3A_53, %convert_element_type3A_205 : vector<8x640xf32>
      %reduce_sum3A_302 = vector.shape_cast %mul3A_301 : vector<8x640xf32> to vector<1x8x640xf32>
      %reduce_sum3A_303 = arith.constant dense<0.000000e+00> : vector<1xf32>
      %reduce_sum3A_304 = vector.multi_reduction <add>, %reduce_sum3A_302, %reduce_sum3A_303 [1, 2] : vector<1x8x640xf32> to vector<1xf32>
      %reduce_sum3A_305 = vector.shape_cast %reduce_sum3A_304 : vector<1xf32> to vector<1x1x1xf32>
      %reduce_sum3A_306 = vector.extract %reduce_sum3A_305[0, 0, 0] : f32 from vector<1x1x1xf32>
      %mul3A_307 = arith.mulf %get3A_58, %convert_element_type3A_205 : vector<8x640xf32>
      %reduce_sum3A_308 = vector.shape_cast %mul3A_307 : vector<8x640xf32> to vector<1x8x640xf32>
      %reduce_sum3A_309 = arith.constant dense<0.000000e+00> : vector<1xf32>
      %reduce_sum3A_310 = vector.multi_reduction <add>, %reduce_sum3A_308, %reduce_sum3A_309 [1, 2] : vector<1x8x640xf32> to vector<1xf32>
      %reduce_sum3A_311 = vector.shape_cast %reduce_sum3A_310 : vector<1xf32> to vector<1x1x1xf32>
      %reduce_sum3A_312 = vector.extract %reduce_sum3A_311[0, 0, 0] : f32 from vector<1x1x1xf32>
      %mul3A_313 = arith.mulf %div3A_128, %convert_element_type3A_205 : vector<8x640xf32>
      %reduce_sum3A_314 = vector.shape_cast %mul3A_313 : vector<8x640xf32> to vector<1x8x640xf32>
      %reduce_sum3A_315 = arith.constant dense<0.000000e+00> : vector<1xf32>
      %reduce_sum3A_316 = vector.multi_reduction <add>, %reduce_sum3A_314, %reduce_sum3A_315 [1, 2] : vector<1x8x640xf32> to vector<1xf32>
      %reduce_sum3A_317 = vector.shape_cast %reduce_sum3A_316 : vector<1xf32> to vector<1x1x1xf32>
      %reduce_sum3A_318 = vector.extract %reduce_sum3A_317[0, 0, 0] : f32 from vector<1x1x1xf32>
      %mul3A_319 = arith.mulf %atan23A, %convert_element_type3A_205 : vector<8x640xf32>
      %reduce_sum3A_320 = vector.shape_cast %mul3A_319 : vector<8x640xf32> to vector<1x8x640xf32>
      %reduce_sum3A_321 = arith.constant dense<0.000000e+00> : vector<1xf32>
      %reduce_sum3A_322 = vector.multi_reduction <add>, %reduce_sum3A_320, %reduce_sum3A_321 [1, 2] : vector<1x8x640xf32> to vector<1xf32>
      %reduce_sum3A_323 = vector.shape_cast %reduce_sum3A_322 : vector<1xf32> to vector<1x1x1xf32>
      %reduce_sum3A_324 = vector.extract %reduce_sum3A_323[0, 0, 0] : f32 from vector<1x1x1xf32>
      %mul3A_325 = arith.mulf %mul3A_152, %convert_element_type3A_205 : vector<8x640xf32>
      %reduce_sum3A_326 = vector.shape_cast %mul3A_325 : vector<8x640xf32> to vector<1x8x640xf32>
      %reduce_sum3A_327 = arith.constant dense<0.000000e+00> : vector<1xf32>
      %reduce_sum3A_328 = vector.multi_reduction <add>, %reduce_sum3A_326, %reduce_sum3A_327 [1, 2] : vector<1x8x640xf32> to vector<1xf32>
      %reduce_sum3A_329 = vector.shape_cast %reduce_sum3A_328 : vector<1xf32> to vector<1x1x1xf32>
      %reduce_sum3A_330 = vector.extract %reduce_sum3A_329[0, 0, 0] : f32 from vector<1x1x1xf32>
      %mul3A_331 = arith.mulf %sub3A_137, %convert_element_type3A_205 : vector<8x640xf32>
      %reduce_sum3A_332 = vector.shape_cast %mul3A_331 : vector<8x640xf32> to vector<1x8x640xf32>
      %reduce_sum3A_333 = arith.constant dense<0.000000e+00> : vector<1xf32>
      %reduce_sum3A_334 = vector.multi_reduction <add>, %reduce_sum3A_332, %reduce_sum3A_333 [1, 2] : vector<1x8x640xf32> to vector<1xf32>
      %reduce_sum3A_335 = vector.shape_cast %reduce_sum3A_334 : vector<1xf32> to vector<1x1x1xf32>
      %reduce_sum3A_336 = vector.extract %reduce_sum3A_335[0, 0, 0] : f32 from vector<1x1x1xf32>
      %mul3A_337 = arith.mulf %sub3A_141, %convert_element_type3A_205 : vector<8x640xf32>
      %reduce_sum3A_338 = vector.shape_cast %mul3A_337 : vector<8x640xf32> to vector<1x8x640xf32>
      %reduce_sum3A_339 = arith.constant dense<0.000000e+00> : vector<1xf32>
      %reduce_sum3A_340 = vector.multi_reduction <add>, %reduce_sum3A_338, %reduce_sum3A_339 [1, 2] : vector<1x8x640xf32> to vector<1xf32>
      %reduce_sum3A_341 = vector.shape_cast %reduce_sum3A_340 : vector<1xf32> to vector<1x1x1xf32>
      %reduce_sum3A_342 = vector.extract %reduce_sum3A_341[0, 0, 0] : f32 from vector<1x1x1xf32>
      %mul3A_343 = arith.mulf %add3A_145, %convert_element_type3A_205 : vector<8x640xf32>
      %reduce_sum3A_344 = vector.shape_cast %mul3A_343 : vector<8x640xf32> to vector<1x8x640xf32>
      %reduce_sum3A_345 = arith.constant dense<0.000000e+00> : vector<1xf32>
      %reduce_sum3A_346 = vector.multi_reduction <add>, %reduce_sum3A_344, %reduce_sum3A_345 [1, 2] : vector<1x8x640xf32> to vector<1xf32>
      %reduce_sum3A_347 = vector.shape_cast %reduce_sum3A_346 : vector<1xf32> to vector<1x1x1xf32>
      %reduce_sum3A_348 = vector.extract %reduce_sum3A_347[0, 0, 0] : f32 from vector<1x1x1xf32>
      %mul3A_349 = arith.mulf %add3A_149, %convert_element_type3A_205 : vector<8x640xf32>
      %reduce_sum3A_350 = vector.shape_cast %mul3A_349 : vector<8x640xf32> to vector<1x8x640xf32>
      %reduce_sum3A_351 = arith.constant dense<0.000000e+00> : vector<1xf32>
      %reduce_sum3A_352 = vector.multi_reduction <add>, %reduce_sum3A_350, %reduce_sum3A_351 [1, 2] : vector<1x8x640xf32> to vector<1xf32>
      %reduce_sum3A_353 = vector.shape_cast %reduce_sum3A_352 : vector<1xf32> to vector<1x1x1xf32>
      %reduce_sum3A_354 = vector.extract %reduce_sum3A_353[0, 0, 0] : f32 from vector<1x1x1xf32>
      %max3A_355 = vector.broadcast %reduce_sum3A_336 : f32 to vector<8x640xf32>
      %max3A_356 = arith.maximumf %max3A_355, %sub3A_137 : vector<8x640xf32>
      %max3A_357 = vector.broadcast %reduce_sum3A_342 : f32 to vector<8x640xf32>
      %max3A_358 = arith.maximumf %max3A_357, %sub3A_141 : vector<8x640xf32>
      %min3A = vector.broadcast %reduce_sum3A_348 : f32 to vector<8x640xf32>
      %min3A_359 = arith.minimumf %min3A, %add3A_145 : vector<8x640xf32>
      %min3A_360 = vector.broadcast %reduce_sum3A_354 : f32 to vector<8x640xf32>
      %min3A_361 = arith.minimumf %min3A_360, %add3A_149 : vector<8x640xf32>
      %sub3A_362 = arith.subf %min3A_359, %max3A_356 : vector<8x640xf32>
      %max3A_363 = arith.constant 0.000000e+00 : f32
      %max3A_364 = vector.broadcast %max3A_363 : f32 to vector<8x640xf32>
      %max3A_365 = arith.maximumf %sub3A_362, %max3A_364 : vector<8x640xf32>
      %sub3A_366 = arith.subf %min3A_361, %max3A_358 : vector<8x640xf32>
      %max3A_367 = arith.constant 0.000000e+00 : f32
      %max3A_368 = vector.broadcast %max3A_367 : f32 to vector<8x640xf32>
      %max3A_369 = arith.maximumf %sub3A_366, %max3A_368 : vector<8x640xf32>
      %mul3A_370 = arith.mulf %max3A_365, %max3A_369 : vector<8x640xf32>
      %add3A_371 = vector.broadcast %reduce_sum3A_330 : f32 to vector<8x640xf32>
      %add3A_372 = arith.addf %add3A_371, %mul3A_152 : vector<8x640xf32>
      %sub3A_373 = arith.subf %add3A_372, %mul3A_370 : vector<8x640xf32>
      %add3A_374 = arith.constant 9.99999993E-9 : f32
      %add3A_375 = vector.broadcast %add3A_374 : f32 to vector<8x640xf32>
      %add3A_376 = arith.addf %sub3A_373, %add3A_375 : vector<8x640xf32>
      %div3A_377 = arith.divf %mul3A_370, %add3A_376 : vector<8x640xf32>
      %gt3A_378 = arith.constant 0.00999999977 : f32
      %gt3A_379 = vector.broadcast %gt3A_378 : f32 to vector<8x640xf32>
      %gt3A_380 = arith.cmpf ogt, %div3A_377, %gt3A_379 : vector<8x640xf32>
      %or3A = arith.ori %gt3A_380, %eq3A_203 : vector<8x640xi1>
      %jit3A_381 = arith.constant 0 : i32
      %broadcast_in_dim3A_382 = vector.broadcast %jit3A_381 : i32 to vector<8x640xi32>
      %select_n3A_383 = arith.select %or3A, %broadcast_in_dim3A_382, %scan3A_181 : vector<8x640xi1>, vector<8x640xi32>
      %broadcast_in_dim3A_384 = arith.constant 0.000000e+00 : f32
      %broadcast_in_dim3A_385 = vector.broadcast %broadcast_in_dim3A_384 : f32 to vector<1x128xf32>
      %eq3A_386 = arith.constant 0 : i32
      %eq3A_387 = vector.broadcast %eq3A_386 : i32 to vector<1x128xi32>
      %eq3A_388 = arith.cmpi eq, %iota3A_172, %eq3A_387 : vector<1x128xi32>
      %broadcast_in_dim3A_389 = vector.broadcast %reduce_sum3A_210 : f32 to vector<1x128xf32>
      %select_n3A_390 = arith.select %eq3A_388, %broadcast_in_dim3A_389, %broadcast_in_dim3A_385 : vector<1x128xi1>, vector<1x128xf32>
      %eq3A_391 = arith.constant 1 : i32
      %eq3A_392 = vector.broadcast %eq3A_391 : i32 to vector<1x128xi32>
      %eq3A_393 = arith.cmpi eq, %iota3A_172, %eq3A_392 : vector<1x128xi32>
      %broadcast_in_dim3A_394 = vector.broadcast %reduce_sum3A_216 : f32 to vector<1x128xf32>
      %select_n3A_395 = arith.select %eq3A_393, %broadcast_in_dim3A_394, %select_n3A_390 : vector<1x128xi1>, vector<1x128xf32>
      %eq3A_396 = arith.constant 2 : i32
      %eq3A_397 = vector.broadcast %eq3A_396 : i32 to vector<1x128xi32>
      %eq3A_398 = arith.cmpi eq, %iota3A_172, %eq3A_397 : vector<1x128xi32>
      %broadcast_in_dim3A_399 = vector.broadcast %reduce_sum3A_222 : f32 to vector<1x128xf32>
      %select_n3A_400 = arith.select %eq3A_398, %broadcast_in_dim3A_399, %select_n3A_395 : vector<1x128xi1>, vector<1x128xf32>
      %eq3A_401 = arith.constant 3 : i32
      %eq3A_402 = vector.broadcast %eq3A_401 : i32 to vector<1x128xi32>
      %eq3A_403 = arith.cmpi eq, %iota3A_172, %eq3A_402 : vector<1x128xi32>
      %broadcast_in_dim3A_404 = vector.broadcast %reduce_sum3A_228 : f32 to vector<1x128xf32>
      %select_n3A_405 = arith.select %eq3A_403, %broadcast_in_dim3A_404, %select_n3A_400 : vector<1x128xi1>, vector<1x128xf32>
      %eq3A_406 = arith.constant 4 : i32
      %eq3A_407 = vector.broadcast %eq3A_406 : i32 to vector<1x128xi32>
      %eq3A_408 = arith.cmpi eq, %iota3A_172, %eq3A_407 : vector<1x128xi32>
      %broadcast_in_dim3A_409 = vector.broadcast %reduce_sum3A_234 : f32 to vector<1x128xf32>
      %select_n3A_410 = arith.select %eq3A_408, %broadcast_in_dim3A_409, %select_n3A_405 : vector<1x128xi1>, vector<1x128xf32>
      %eq3A_411 = arith.constant 5 : i32
      %eq3A_412 = vector.broadcast %eq3A_411 : i32 to vector<1x128xi32>
      %eq3A_413 = arith.cmpi eq, %iota3A_172, %eq3A_412 : vector<1x128xi32>
      %broadcast_in_dim3A_414 = vector.broadcast %reduce_sum3A_240 : f32 to vector<1x128xf32>
      %select_n3A_415 = arith.select %eq3A_413, %broadcast_in_dim3A_414, %select_n3A_410 : vector<1x128xi1>, vector<1x128xf32>
      %eq3A_416 = arith.constant 6 : i32
      %eq3A_417 = vector.broadcast %eq3A_416 : i32 to vector<1x128xi32>
      %eq3A_418 = arith.cmpi eq, %iota3A_172, %eq3A_417 : vector<1x128xi32>
      %broadcast_in_dim3A_419 = vector.broadcast %reduce_sum3A_246 : f32 to vector<1x128xf32>
      %select_n3A_420 = arith.select %eq3A_418, %broadcast_in_dim3A_419, %select_n3A_415 : vector<1x128xi1>, vector<1x128xf32>
      %eq3A_421 = arith.constant 7 : i32
      %eq3A_422 = vector.broadcast %eq3A_421 : i32 to vector<1x128xi32>
      %eq3A_423 = arith.cmpi eq, %iota3A_172, %eq3A_422 : vector<1x128xi32>
      %broadcast_in_dim3A_424 = vector.broadcast %reduce_sum3A_252 : f32 to vector<1x128xf32>
      %select_n3A_425 = arith.select %eq3A_423, %broadcast_in_dim3A_424, %select_n3A_420 : vector<1x128xi1>, vector<1x128xf32>
      %eq3A_426 = arith.constant 8 : i32
      %eq3A_427 = vector.broadcast %eq3A_426 : i32 to vector<1x128xi32>
      %eq3A_428 = arith.cmpi eq, %iota3A_172, %eq3A_427 : vector<1x128xi32>
      %broadcast_in_dim3A_429 = vector.broadcast %reduce_sum3A_258 : f32 to vector<1x128xf32>
      %select_n3A_430 = arith.select %eq3A_428, %broadcast_in_dim3A_429, %select_n3A_425 : vector<1x128xi1>, vector<1x128xf32>
      %eq3A_431 = arith.constant 9 : i32
      %eq3A_432 = vector.broadcast %eq3A_431 : i32 to vector<1x128xi32>
      %eq3A_433 = arith.cmpi eq, %iota3A_172, %eq3A_432 : vector<1x128xi32>
      %broadcast_in_dim3A_434 = vector.broadcast %reduce_sum3A_264 : f32 to vector<1x128xf32>
      %select_n3A_435 = arith.select %eq3A_433, %broadcast_in_dim3A_434, %select_n3A_430 : vector<1x128xi1>, vector<1x128xf32>
      %eq3A_436 = arith.constant 10 : i32
      %eq3A_437 = vector.broadcast %eq3A_436 : i32 to vector<1x128xi32>
      %eq3A_438 = arith.cmpi eq, %iota3A_172, %eq3A_437 : vector<1x128xi32>
      %broadcast_in_dim3A_439 = vector.broadcast %reduce_sum3A_270 : f32 to vector<1x128xf32>
      %select_n3A_440 = arith.select %eq3A_438, %broadcast_in_dim3A_439, %select_n3A_435 : vector<1x128xi1>, vector<1x128xf32>
      %eq3A_441 = arith.constant 11 : i32
      %eq3A_442 = vector.broadcast %eq3A_441 : i32 to vector<1x128xi32>
      %eq3A_443 = arith.cmpi eq, %iota3A_172, %eq3A_442 : vector<1x128xi32>
      %broadcast_in_dim3A_444 = vector.broadcast %reduce_sum3A_276 : f32 to vector<1x128xf32>
      %select_n3A_445 = arith.select %eq3A_443, %broadcast_in_dim3A_444, %select_n3A_440 : vector<1x128xi1>, vector<1x128xf32>
      %eq3A_446 = arith.constant 12 : i32
      %eq3A_447 = vector.broadcast %eq3A_446 : i32 to vector<1x128xi32>
      %eq3A_448 = arith.cmpi eq, %iota3A_172, %eq3A_447 : vector<1x128xi32>
      %broadcast_in_dim3A_449 = vector.broadcast %reduce_sum3A_282 : f32 to vector<1x128xf32>
      %select_n3A_450 = arith.select %eq3A_448, %broadcast_in_dim3A_449, %select_n3A_445 : vector<1x128xi1>, vector<1x128xf32>
      %eq3A_451 = arith.constant 13 : i32
      %eq3A_452 = vector.broadcast %eq3A_451 : i32 to vector<1x128xi32>
      %eq3A_453 = arith.cmpi eq, %iota3A_172, %eq3A_452 : vector<1x128xi32>
      %broadcast_in_dim3A_454 = vector.broadcast %reduce_sum3A_288 : f32 to vector<1x128xf32>
      %select_n3A_455 = arith.select %eq3A_453, %broadcast_in_dim3A_454, %select_n3A_450 : vector<1x128xi1>, vector<1x128xf32>
      %eq3A_456 = arith.constant 14 : i32
      %eq3A_457 = vector.broadcast %eq3A_456 : i32 to vector<1x128xi32>
      %eq3A_458 = arith.cmpi eq, %iota3A_172, %eq3A_457 : vector<1x128xi32>
      %broadcast_in_dim3A_459 = vector.broadcast %reduce_sum3A_294 : f32 to vector<1x128xf32>
      %select_n3A_460 = arith.select %eq3A_458, %broadcast_in_dim3A_459, %select_n3A_455 : vector<1x128xi1>, vector<1x128xf32>
      %eq3A_461 = arith.constant 15 : i32
      %eq3A_462 = vector.broadcast %eq3A_461 : i32 to vector<1x128xi32>
      %eq3A_463 = arith.cmpi eq, %iota3A_172, %eq3A_462 : vector<1x128xi32>
      %broadcast_in_dim3A_464 = vector.broadcast %reduce_sum3A_300 : f32 to vector<1x128xf32>
      %select_n3A_465 = arith.select %eq3A_463, %broadcast_in_dim3A_464, %select_n3A_460 : vector<1x128xi1>, vector<1x128xf32>
      %eq3A_466 = arith.constant 16 : i32
      %eq3A_467 = vector.broadcast %eq3A_466 : i32 to vector<1x128xi32>
      %eq3A_468 = arith.cmpi eq, %iota3A_172, %eq3A_467 : vector<1x128xi32>
      %broadcast_in_dim3A_469 = vector.broadcast %reduce_sum3A_306 : f32 to vector<1x128xf32>
      %select_n3A_470 = arith.select %eq3A_468, %broadcast_in_dim3A_469, %select_n3A_465 : vector<1x128xi1>, vector<1x128xf32>
      %eq3A_471 = arith.constant 17 : i32
      %eq3A_472 = vector.broadcast %eq3A_471 : i32 to vector<1x128xi32>
      %eq3A_473 = arith.cmpi eq, %iota3A_172, %eq3A_472 : vector<1x128xi32>
      %broadcast_in_dim3A_474 = vector.broadcast %reduce_sum3A_312 : f32 to vector<1x128xf32>
      %select_n3A_475 = arith.select %eq3A_473, %broadcast_in_dim3A_474, %select_n3A_470 : vector<1x128xi1>, vector<1x128xf32>
      %eq3A_476 = arith.constant 18 : i32
      %eq3A_477 = vector.broadcast %eq3A_476 : i32 to vector<1x128xi32>
      %eq3A_478 = arith.cmpi eq, %iota3A_172, %eq3A_477 : vector<1x128xi32>
      %broadcast_in_dim3A_479 = vector.broadcast %reduce_sum3A_318 : f32 to vector<1x128xf32>
      %select_n3A_480 = arith.select %eq3A_478, %broadcast_in_dim3A_479, %select_n3A_475 : vector<1x128xi1>, vector<1x128xf32>
      %eq3A_481 = arith.constant 19 : i32
      %eq3A_482 = vector.broadcast %eq3A_481 : i32 to vector<1x128xi32>
      %eq3A_483 = arith.cmpi eq, %iota3A_172, %eq3A_482 : vector<1x128xi32>
      %broadcast_in_dim3A_484 = vector.broadcast %reduce_sum3A_324 : f32 to vector<1x128xf32>
      %select_n3A_485 = arith.select %eq3A_483, %broadcast_in_dim3A_484, %select_n3A_480 : vector<1x128xi1>, vector<1x128xf32>
      %swap3A = arith.index_cast %scan3A_180 : i32 to index
      %swap3A_486 = arith.constant 0 : index
      %swap3A_487 = vector.load %arg3[%swap3A, %swap3A_486] : memref<100x128xf32, #tpu.memory_space<vmem>>, vector<1x128xf32>
      tpu.vector_store %arg3[%swap3A, %swap3A_486], %select_n3A_485 {strides = array<i32>} : memref<100x128xf32, #tpu.memory_space<vmem>>, vector<1x128xf32>,
      scf.yield %select_n3A_383 : vector<8x640xi32>
    }
    %scan3A_179 = arith.constant 100 : i32
    return
  }
}

</mosaic_0001>

<sc_bundles>
// kernel: kernel.6.cloned.1.call-start
scs
__scs_entry_jumppad:
0x0: {  	(pc) =	sbr.rel $0x88, $3  }
0x1: {  	(tag) =	ssettag $0x0;
	lr =	simm.s32 $0x1  }
0x2: {  	[smem:$0x3F93] =	sst lr;
	_ =	strace $0xD0000000  }
0x3: {  	_ = 	snop  }
0x4: {  	_ = 	snop  }
0x5: {  	_ = 	snop  }
0x6: {  	_ = 	snop  }
0x7: {  	_ = 	snop  }
__scs_overlays_trampoline_lowered:
0x8: {  	[smem:$0x3FA2] =	sst s0  }
0x9: {  	[smem:$0x3FA3] =	sst s1  }
0xa: {  	[smem:$0x3FA4] =	sst s2  }
0xb: {  	[smem:$0x3FA5] =	sst s3  }
0xc: {  	[smem:$0x3FA6] =	sst s4  }
0xd: {  	[smem:$0x3FA7] =	sst s5  }
0xe: {  	[smem:$0x3FA8] =	sst s6  }
0xf: {  	[smem:$0x3FA9] =	sst s7  }
0x10: {  	[smem:$0x3FAA] =	sst s8  }
0x11: {  	[smem:$0x3FAB] =	sst s9;
	s0 =	simm.s32 @!p0 $0x0  }
0x12: {  	s1 =	sld [smem:$0x3F91];
	s0 =	simm.s32 @p0 $0x1  }
0x13: {  	[smem:$0x3FAC] =	sst s0;
	s0 =	simm.s32 @!p1 $0x0  }
0x14: {  	s2 =	sld [smem:$0x3F90];
	s0 =	simm.s32 @p1 $0x1  }
0x15: {  	[smem:$0x3FAD] =	sst s0;
	s0 =	simm.s32 @!p2 $0x0  }
0x16: {  	s3 =	sld [smem:$0x3FDB];
	s0 =	simm.s32 @p2 $0x1  }
0x17: {  	s4 =	simm.s32 $0x1BF5;
	[smem:$0x3FAF] =	sst s0  }
0x18: {  	s0 =	sld [smem:$0x3F92];
	_ =	swait.ge [sflag:s4], $0x0  }
0x19: {  	s7 =	sld [smem:$0x3F93]  }
0x1a: {  	s8 =	sadd.s32 $0xFFFFE003, lr  }
0x1b: {  	s9 =	sadd.s32 $0xFFFFFEF7, lr;
	s5 =	simm.s32 $0xFFFFFFFF;
	p2 =	slt.u32 s8, $0xFFFFF086  }
0x1c: {  	p1 =	slt.u32 s9, $0xF7A;
	s5 =	simm.s32 @!p2 $0x0  }
0x1d: {  	s5 =	simm.s32 @p1 $0x1;
	p0 =	seq.s32 s7, s2  }
0x1e: {  	s7 =	smul.u32 @!p0 $0xF7A, s2;
	p2 =	seq.s32 @!p0 s5, $0x0  }
0x1f: {  	s9 =	smul.u32 $0xF7A, s1;
	s8 =	simm.s32 @!p0 $0x1BF5;
	p2 =	por !p2, p0  }
0x20: {  	[sflag:s8] =	ssyncset.s32 @!p0 $0xFFFFF086;
	s6 =	sadd.s32 @!p0 s3, s7;
	s7 =	simm.s32 @!p0 $0x108  }
0x21: {  	s3 =	sadd.s32 s3, s9;
	s6 =	sadd.s32 @!p0 $0x88, s6;
	s7 =	simm.s32 @p2 $0x1082  }
0x22: {  	[simem:s7], [sflag:s8] =	dma.local @!p0 [hbm:s6], $0xF7A  }
0x23: {  	s9 =	sor.u32 $0xD0000000, s2;
	s6 =	simm.s32 $0x108;
	_ =	swait.ge @!p0 [sflag:s8], $0x0  }
0x24: {  	s3 =	sadd.s32 $0x88, s3;
	s6 =	simm.s32 @!p1 $0x1082;
	[sflag:s4] =	ssyncset.s32 $0xFFFFF086  }
0x25: {  	[simem:s6], [sflag:s4] =	dma.local [hbm:s3], $0xF7A  }
0x26: {  	[smem:$0x3F93] =	sst s1;
	(tag) =	ssettag s2;
	_ =	strace s9  }
0x27: {  	s1 =	sld [smem:$0x3FA3]  }
0x28: {  	s2 =	sld [smem:$0x3FA4]  }
0x29: {  	s4 =	sld [smem:$0x3FA6]  }
0x2a: {  	p0 =	seq.s32 s5, $0x0;
	s5 =	sld [smem:$0x3FA7]  }
0x2b: {  	s6 =	sld [smem:$0x3FA8]  }
0x2c: {  	s7 =	sld [smem:$0x3FA9]  }
0x2d: {  	s3 =	simm.s32 $0x108;
	s8 =	sld [smem:$0x3FAA]  }
0x2e: {  	s3 =	simm.s32 @!p0 $0x1082;
	s9 =	sld [smem:$0x3FAB]  }
0x2f: {  	lr =	sadd.s32 s0, s3;
	s0 =	sld [smem:$0x3FA2]  }
0x30: {  	s3 =	sld [smem:$0x3FA5]  }
0x31: {  	[smem:$0x3FAE] =	sst s10  }
0x32: {  	s10 =	sld [smem:$0x3FAC];
	_ =	sdelay $0x3  }
0x33: {  	p0 =	seq.s32 s10, $0x1;
	s10 =	sld [smem:$0x3FAE];
	_ =	sdelay $0x3  }
0x34: {  	[smem:$0x3FAE] =	sst s10  }
0x35: {  	s10 =	sld [smem:$0x3FAD];
	_ =	sdelay $0x3  }
0x36: {  	p1 =	seq.s32 s10, $0x1;
	s10 =	sld [smem:$0x3FAE];
	_ =	sdelay $0x3  }
0x37: {  	[smem:$0x3FAE] =	sst s10  }
0x38: {  	s10 =	sld [smem:$0x3FAF]  }
0x39: {  	_ = 	snop;
	(pc) =	sbr.ind lr, $3  }
0x3a: {  	_ = 	snop  }
0x3b: {  	_ = 	snop  }
0x3c: {  	p2 =	seq.s32 s10, $0x1;
	s10 =	sld [smem:$0x3FAE]  }
0x3d: {  	_ =	shalt  }
0x3e: {  	_ =	shalt  }
0x3f: {  	_ =	shalt  }
0x40: {  	_ =	shalt  }
0x41: {  	_ =	shalt  }
0x42: {  	_ =	shalt  }
0x43: {  	_ =	shalt  }
0x44: {  	_ =	shalt  }
0x45: {  	_ =	shalt  }
0x46: {  	_ =	shalt  }
0x47: {  	_ =	shalt  }
0x48: {  	_ =	shalt  }
0x49: {  	_ =	shalt  }
0x4a: {  	_ =	shalt  }
0x4b: {  	_ =	shalt  }
0x4c: {  	_ =	shalt  }
0x4d: {  	_ =	shalt  }
0x4e: {  	_ =	shalt  }
0x4f: {  	_ =	shalt  }
0x50: {  	_ =	shalt  }
0x51: {  	_ =	shalt  }
0x52: {  	_ =	shalt  }
0x53: {  	_ =	shalt  }
0x54: {  	_ =	shalt  }
0x55: {  	_ =	shalt  }
0x56: {  	_ =	shalt  }
0x57: {  	_ =	shalt  }
0x58: {  	_ =	shalt  }
0x59: {  	_ =	shalt  }
0x5a: {  	_ =	shalt  }
0x5b: {  	_ =	shalt  }
0x5c: {  	_ =	shalt  }
0x5d: {  	_ =	shalt  }
0x5e: {  	_ =	shalt  }
0x5f: {  	_ =	shalt  }
0x60: {  	_ =	shalt  }
0x61: {  	_ =	shalt  }
0x62: {  	_ =	shalt  }
0x63: {  	_ =	shalt  }
0x64: {  	_ =	shalt  }
0x65: {  	_ =	shalt  }
0x66: {  	_ =	shalt  }
0x67: {  	_ =	shalt  }
0x68: {  	_ =	shalt  }
0x69: {  	_ =	shalt  }
0x6a: {  	_ =	shalt  }
0x6b: {  	_ =	shalt  }
0x6c: {  	_ =	shalt  }
0x6d: {  	_ =	shalt  }
0x6e: {  	_ =	shalt  }
0x6f: {  	_ =	shalt  }
0x70: {  	_ =	shalt  }
0x71: {  	_ =	shalt  }
0x72: {  	_ =	shalt  }
0x73: {  	_ =	shalt  }
0x74: {  	_ =	shalt  }
0x75: {  	_ =	shalt  }
0x76: {  	_ =	shalt  }
0x77: {  	_ =	shalt  }
0x78: {  	_ =	shalt  }
0x79: {  	_ =	shalt  }
0x7a: {  	_ =	shalt  }
0x7b: {  	_ =	shalt  }
0x7c: {  	_ =	shalt  }
0x7d: {  	_ =	shalt  }
0x7e: {  	_ =	shalt  }
0x7f: {  	_ =	shalt  }
0x80: {  	_ =	shalt  }
0x81: {  	_ =	shalt  }
0x82: {  	_ =	shalt  }
0x83: {  	_ =	shalt  }
0x84: {  	_ =	shalt  }
0x85: {  	_ =	shalt  }
0x86: {  	_ =	shalt  }
0x87: {  	_ =	shalt  }
.Lfunc_end0:
.L_simem_size_0:
called_computation_lowered:
.L_overlay_start_0:
0x88: {  	s2 =	sld [smem:$0x3FD9]  }
0x89: {  	s3 =	sld [smem:$0x3FFE];
	_ =	sdelay $0x1  }
0x8a: {  	s1 =	srdreg.scid  }
0x8b: {  	s0 =	sand.u32 $0x1, s1  }
0x8c: {  	s16 =	sshll.u32 s0, $0xA;
	s2 =	sadd.s32 s3, s2  }
0x8d: {  	s2 =	sadd.s32 s2, s16  }
0x8e: {  	[smem:$0x3FBA] =	sst s2  }
0x8f: {  	_ = 	snop  }
0x90: {  	(tm) =	ssettm $0x1  }
0x91: {  	s17 =	sld [smem:$0x3FFB];
	_ =	sdelay $0x3  }
0x92: {  	_ =	strace s17  }
0x93: {  	s2 =	sld [smem:$0x3FFC];
	_ =	sdelay $0x3  }
0x94: {  	_ =	strace s2  }
0x95: {  	s2 =	sld [smem:$0x3FFD];
	_ =	sdelay $0x3  }
0x96: {  	_ =	strace s2  }
0x97: {  	_ =	strace $0x8FFFFFFF  }
0x98: {  	s18 =	sld [smem:$0x3FDB];
	_ =	sdelay $0x1  }
0x99: {  	s19 =	simm.s32 $_scs_section_size  }
0x9a: {  	s4 =	simm.s32 $_size__tile_overlayer_lowered;
	s5 =	simm.s32 $_tile_overlayer_lowered  }
0x9b: {  	s22 =	simm.s32 $0x1BFF;
	s21 =	sshll.u32 s5, $0x1;
	s2 =	sadd.s32 s19, s18  }
0x9c: {  	s6 =	simm.s32 $0x0;
	s20 =	sshll.u32 s4, $0x1;
	s4 =	sadd.s32 s21, s2  }
0x9d: {  	[timem:s6], [sflag:s22] =	dma.local [hbm:s4], s20  }
0x9e: {  	_ =	swait.ge [sflag:s22], s20  }
0x9f: {  	s3 =	ssub.s32 $0x0, s20;
	[sflag:s22] =	ssyncset.done $0x0  }
0xa0: {  	[sflag:s22] =	ssyncadd.s32 s3;
	_ =	sdelay $0x1  }
0xa1: {  	s23 =	simm.s32 $0x1B8B  }
0xa2: {  	_ =	swait.ge [sflag:s23], $0x1  }
0xa3: {  	[sflag:s23] =	ssyncset.done $0x0  }
0xa4: {  	s25 =	simm.s32 $0x1B8E;
	s24 =	sld [smem:$0x3FFE];
	[sflag:s23] =	ssyncadd.s32 $0xFFFFFFFF  }
0xa5: {  	s26 =	simm.s32 $execute0_lowered;
	[smem:$0x3FD2] =	sst s25  }
0xa6: {  	s4 =	sshll.u32 s26, $0x1;
	_ =	strace $0x80000046;
	[dreg:$0x1] =	wrdreg $0xFFFFFFFF  }
0xa7: {  	s28 =	simm.s32 $_size_execute0_lowered;
	s2 =	sadd.s32 s2, s4;
	[dreg:$0x0] =	wrdreg $0x0  }
0xa8: {  	s4 =	sshll.u32 s28, $0x1;
	[dreg:$0x2] =	wrdreg s2  }
0xa9: {  	[dreg:$0x3] =	wrdreg s4  }
0xaa: {  	[dreg:$0x4] =	wrdreg $0xC0  }
0xab: {  	_ =	task [dreg:s6], $0x5FFFF  }
0xac: {  	[dreg:$0x1] =	wrdreg $0xFFFFFFFF  }
0xad: {  	[dreg:$0x0] =	wrdreg $0x60  }
0xae: {  	[dreg:$0x2] =	wrdreg s24  }
0xaf: {  	[dreg:$0x3] =	wrdreg $0x9  }
0xb0: {  	_ =	task.clear_ibuf [dreg:s6], $0x4FFFF;
	_ =	strace $0x90000046  }
0xb1: {  	s29 =	simm.s32 $0x9;
	_ =	strace $0x80000048  }
0xb2: {  	_ =	swait.ge [sflag:s29], $0x1  }
0xb3: {  	[sflag:s29] =	ssyncadd.s32 $0xFFFFFFFF  }
0xb4: {  	_ =	strace $0x90000048  }
0xb5: {  	_ =	sfence  }
0xb6: {  	s30 =	sld [smem:$0x0];
	_ =	sdelay $0x2  }
0xb7: {  	s31 =	sshll.u32 s1, $0xD;
	s1 =	sshrl.u32 s1, $0x2  }
0xb8: {  	s3 =	sand.u32 $0x4000, s31;
	s1 =	sadd.s32 s1, s30  }
0xb9: {  	s0 =	sor.u32 s3, s0;
	s1 =	sshll.u32 s1, $0x11  }
0xba: {  	s0 =	sor.u32 s1, s0  }
0xbb: {  	s0 =	sadd.s32 $0x8F2B, s0  }
0xbc: {  	[sflag:s0] =	ssyncadd.remote.s32 $0x1  }
0xbd: {  	_ =	sfence.sel $0xFFFF  }
0xbe: {  	[dreg:$0x0] =	wrdreg $0xFFFFFFFF;
	(pc) =	sbr.abs _section_cstart, $3  }
0xbf: {  	[dreg:$0x1] =	wrdreg $0xFFFFFFFF  }
0xc0: {  	_ =	task.clear_ibuf [dreg:s6], $0x2FFFF;
	_ =	strace $0x9FFFFFFF  }
0xc1: {  	(tm) =	ssettm $0x7FFFFFFF  }
tec
execute0_lowered:
.L_overlay_start_1:
0x0: {  	(tag) =	ssettag $0x1  }
0x1: {  	s0 =	rddreg [dreg:$0x0];
	s1 =	simm.s32 $0x0  }
0x2: {  	s2 =	srdreg.scid;
	s6 =	stileid.u32;
	s10 =	simm.s32 $0x1  }
0x3: {  	s11 =	simm.s32 $0x38;
	s12 =	simm.s32 $0x640;
	s13 =	simm.s32 $0xD40  }
0x4: {  	s14 =	simm.s32 $0x70;
	s15 =	simm.s32 $0x1440;
	s16 =	simm.s32 $0xA8  }
0x5: {  	s17 =	simm.s32 $0x1B40;
	s18 =	simm.s32 $0xE0;
	s19 =	simm.s32 $0x2240  }
0x6: {  	s20 =	simm.s32 $0x118;
	s21 =	simm.s32 $0x2940;
	s22 =	simm.s32 $0x150  }
0x7: {  	s23 =	simm.s32 $0x3040;
	s24 =	simm.s32 $0x2;
	s25 =	simm.s32 $0x6840  }
0x8: {  	s26 =	simm.s32 $0x3;
	s28 =	simm.s32 $0x0;
	s2 =	sand.u32 $0x1, s2  }
0x9: {  	[smem:$0x7FF] =	sst s1;
	s3 =	sadd.s32 $0x7F800, s0;
	s7 =	ssub.s32 $0x2, s2  }
0xa: {  	v0 =	vimm.s32 $0x0;
	v3 =	vlaneseq.u32;
	s4 =	sadd.s32 $0x41000, s0;
	s5 =	sadd.s32 $0x2800, s0;
	s8 =	sshrl.u32 s7, $0x1  }
0xb: {  	v1 =	vimm.s32 $0x1;
	v2 =	vimm.s32 $0x2;
	s9 =	sshll.u32 s6, $0x1;
	s6 =	sadd.s32 $0xBC200, s0;
	v3 =	vmul.u32 $0x31, v3;
	s31 =	ssub.s32 s7, s8  }
0xc: {  	v4 =	vimm.s32 $0x3;
	v5 =	vimm.s32 $0x4;
	v6 =	vimm.s32 $0x5;
	_ =	strace $0x80000047;
	s2 =	sor.u32 s2, s9;
	s0 =	smax.u32 s31, $0x1  }
0xd: {  	v7 =	vimm.s32 $0x6;
	v8 =	vimm.s32 $0x7;
	s9 =	simm.s32 $0x320;
	v9 =	vadd.s32 $0x310, v3;
	s7 =	smul.u32 $0xA0, s2;
	[dreg:$0x2] =	wrdreg s0  }
.LBB2_1:
0xe: {  	s29 =	simm.s32 $0x0  }
.LBB2_2:
0xf: {  	s30 =	sadd.s32 s7, s29  }
0x10: {  	s0 =	smul.u32 $0x32, s30;
	_ =	sdelay $0x1  }
0x11: {  	s31 =	simm.s32 $0x0;
	s2 =	sadd.s32 s4, s0  }
0x12: {  	[tilespmem:s31], [sflag:$0x1] =	stream.linear.gather [hbm4b:s2+s31], $0x190, $0x38;
	[tilespmem:$0x7480] =	vst v63  }
0x13: {  	s0 =	sadd.s32 s5, s0  }
0x14: {  	[tilespmem:s9], [sflag:$0x1] =	stream.linear.gather [hbm4b:s0+s31], $0x190, $0x38;
	[tilespmem:$0x7480] =	vst v63  }
0x15: {  	_ =	swait.ge [sflag:s10], $0x190  }
0x16: {  	[sflag:s10] =	ssyncset.done $0x0  }
0x17: {  	[sflag:s10] =	ssyncadd.s32 $0xFFFFFE70  }
0x18: {  	_ =	swait.ge [sflag:s10], $0x190  }
0x19: {  	[sflag:s10] =	ssyncset.done $0x0  }
0x1a: {  	[sflag:s10] =	ssyncadd.s32 $0xFFFFFE70  }
0x1b: {  	[tilespmem:s12], [sflag:$0x2] =	stream.indirect.gather [hbm4b:s3+s11], $0x20, s31, s11, $0xb8;
	[tilespmem:$0x7480] =	vst v63  }
0x1c: {  	_ = 	snop  }
0x1d: {  	[tilespmem:s13], [sflag:$0x2] =	stream.indirect.gather [hbm4b:s3+s11], $0x20, s11, s11, $0xb8;
	[tilespmem:$0x7480] =	vst v63  }
0x1e: {  	_ = 	snop  }
0x1f: {  	[tilespmem:s15], [sflag:$0x2] =	stream.indirect.gather [hbm4b:s3+s11], $0x20, s14, s11, $0xb8;
	[tilespmem:$0x7480] =	vst v63  }
0x20: {  	_ = 	snop  }
0x21: {  	[tilespmem:s17], [sflag:$0x2] =	stream.indirect.gather [hbm4b:s3+s11], $0x20, s16, s11, $0xb8;
	[tilespmem:$0x7480] =	vst v63  }
0x22: {  	_ = 	snop  }
0x23: {  	[tilespmem:s19], [sflag:$0x2] =	stream.indirect.gather [hbm4b:s3+s11], $0x20, s18, s11, $0xb8;
	[tilespmem:$0x7480] =	vst v63  }
0x24: {  	_ = 	snop  }
0x25: {  	[tilespmem:s21], [sflag:$0x2] =	stream.indirect.gather [hbm4b:s3+s11], $0x20, s20, s11, $0xb8;
	[tilespmem:$0x7480] =	vst v63  }
0x26: {  	_ = 	snop  }
0x27: {  	[tilespmem:s23], [sflag:$0x2] =	stream.indirect.gather [hbm4b:s3+s11], $0x20, s22, s11, $0xb8;
	[tilespmem:$0x7480] =	vst v63  }
0x28: {  	_ =	swait.ge [sflag:s24], $0x700  }
0x29: {  	[sflag:s24] =	ssyncset.done $0x0  }
0x2a: {  	[sflag:s24] =	ssyncadd.s32 $0xFFFFF900  }
0x2b: {  	_ =	swait.ge [sflag:s24], $0x700  }
0x2c: {  	[sflag:s24] =	ssyncset.done $0x0  }
0x2d: {  	[sflag:s24] =	ssyncadd.s32 $0xFFFFF900  }
0x2e: {  	_ =	swait.ge [sflag:s24], $0x700  }
0x2f: {  	[sflag:s24] =	ssyncset.done $0x0  }
0x30: {  	[sflag:s24] =	ssyncadd.s32 $0xFFFFF900  }
0x31: {  	_ =	swait.ge [sflag:s24], $0x700  }
0x32: {  	[sflag:s24] =	ssyncset.done $0x0  }
0x33: {  	[sflag:s24] =	ssyncadd.s32 $0xFFFFF900  }
0x34: {  	_ =	swait.ge [sflag:s24], $0x700  }
0x35: {  	[sflag:s24] =	ssyncset.done $0x0  }
0x36: {  	[sflag:s24] =	ssyncadd.s32 $0xFFFFF900  }
0x37: {  	_ =	swait.ge [sflag:s24], $0x700  }
0x38: {  	[sflag:s24] =	ssyncset.done $0x0  }
0x39: {  	[sflag:s24] =	ssyncadd.s32 $0xFFFFF900  }
0x3a: {  	_ =	swait.ge [sflag:s24], $0x700  }
0x3b: {  	[sflag:s24] =	ssyncset.done $0x0  }
0x3c: {  	s2 =	simm.s32 $0x9C0;
	s0 =	simm.s32 $0x338;
	[sflag:s24] =	ssyncadd.s32 $0xFFFFF900  }
.LBB2_3:
0x3d: {  	v10 =	vld [tilespmem:s0+$0xFFFFFFE8];
	_ =	sdelay $0x1  }
0x3e: {  	v11 =	vld [tilespmem:s2+$0xFFFFFC80]  }
0x3f: {  	v12 =	vld [tilespmem:s2+$0xFFFFFCA0]  }
0x40: {  	v13 =	vld [tilespmem:s2+$0xFFFFFD00]  }
0x41: {  	v14 =	vld [tilespmem:s2+$0xFFFFFD20];
	v15 =	vperm.xlane v10, v0  }
0x42: {  	v17 =	vld [tilespmem:s2+$0xFFFFFCC0];
	v16 =	vperm.xlane v10, v1;
	v18 =	vperm.xlane v10, v2  }
0x43: {  	v20 =	vld [tilespmem:s2+$0xFFFFFD40];
	v19 =	vperm.xlane v10, v5;
	v21 =	vperm.xlane v10, v6  }
0x44: {  	v23 =	vld [tilespmem:s2+$0xFFFFFCE0];
	v22 =	vperm.xlane v10, v7;
	v63 =	vperm.xlane v10, v4  }
0x45: {  	v24 =	vld [tilespmem:s2+$0xFFFFFD60];
	v11 =	vmul.f32 v11, v15;
	v12 =	vmul.f32 v12, v16  }
0x46: {  	v13 =	vmul.f32 v13, v19;
	v14 =	vmul.f32 v14, v21  }
0x47: {  	v10 =	vperm.xlane v10, v8;
	v17 =	vmul.f32 v17, v18  }
0x48: {  	v27 =	vmul.f32 v20, v22;
	v11 =	vadd.f32 v12, v11;
	v13 =	vadd.f32 v14, v13  }
0x49: {  	v28 =	vmul.f32 v23, v63  }
0x4a: {  	v29 =	vmul.f32 v24, v10;
	v11 =	vadd.f32 v17, v11;
	v13 =	vadd.f32 v27, v13  }
0x4b: {  	v30 =	vadd.s32 s31, v3  }
0x4c: {  	v11 =	vadd.f32 v28, v11;
	v13 =	vadd.f32 v29, v13;
	_ =	sdelay $0x1  }
0x4d: {  	v11 =	vadd.f32 v13, v11;
	_ =	sdelay $0x1  }
0x4e: {  	[tilespmem:v30+s25+$0x0] =	vst.idx.msk $0xffff, v11  }
0x4f: {  	v11 =	vld [tilespmem:s2+$0xFFFFFC90]  }
0x50: {  	v31 =	vld [tilespmem:s2+$0xFFFFFCB0]  }
0x51: {  	v32 =	vld [tilespmem:s2+$0xFFFFFD10]  }
0x52: {  	v33 =	vld [tilespmem:s2+$0xFFFFFD30]  }
0x53: {  	v20 =	vld [tilespmem:s2+$0xFFFFFCD0]  }
0x54: {  	v34 =	vld [tilespmem:s2+$0xFFFFFD50]  }
0x55: {  	v35 =	vld [tilespmem:s2+$0xFFFFFCF0]  }
0x56: {  	v36 =	vld [tilespmem:s2+$0xFFFFFD70];
	v11 =	vmul.f32 v11, v15;
	v13 =	vmul.f32 v31, v16  }
0x57: {  	v14 =	vmul.f32 v32, v19;
	v37 =	vmul.f32 v33, v21  }
0x58: {  	v38 =	vmul.f32 v20, v18  }
0x59: {  	v39 =	vmul.f32 v34, v22;
	v11 =	vadd.f32 v13, v11;
	v14 =	vadd.f32 v37, v14  }
0x5a: {  	v12 =	vmul.f32 v35, v63  }
0x5b: {  	v10 =	vmul.f32 v36, v10;
	v11 =	vadd.f32 v38, v11;
	v40 =	vadd.f32 v39, v14  }
0x5c: {  	v41 =	vadd.s32 s31, v9  }
0x5d: {  	v11 =	vadd.f32 v12, v11;
	v10 =	vadd.f32 v10, v40;
	_ =	sdelay $0x1  }
0x5e: {  	v10 =	vadd.f32 v10, v11;
	_ =	sdelay $0x1  }
0x5f: {  	[tilespmem:v41+s25+$0x0] =	vst.idx.msk $0xffff, v10  }
0x60: {  	v10 =	vld [tilespmem:s0+$0xFFFFFFF0];
	_ =	sdelay $0x1  }
0x61: {  	v11 =	vld [tilespmem:s2+$0xFFFFFD80]  }
0x62: {  	v42 =	vld [tilespmem:s2+$0xFFFFFDA0]  }
0x63: {  	v43 =	vld [tilespmem:s2+$0xFFFFFE00]  }
0x64: {  	v14 =	vld [tilespmem:s2+$0xFFFFFE20];
	v44 =	vperm.xlane v10, v0  }
0x65: {  	v46 =	vld [tilespmem:s2+$0xFFFFFDC0];
	v45 =	vperm.xlane v10, v1;
	v47 =	vperm.xlane v10, v2  }
0x66: {  	v49 =	vld [tilespmem:s2+$0xFFFFFE40];
	v48 =	vperm.xlane v10, v5;
	v50 =	vperm.xlane v10, v6  }
0x67: {  	v52 =	vld [tilespmem:s2+$0xFFFFFDE0];
	v51 =	vperm.xlane v10, v7;
	v54 =	vperm.xlane v10, v4  }
0x68: {  	v53 =	vld [tilespmem:s2+$0xFFFFFE60];
	v11 =	vmul.f32 v11, v44;
	v12 =	vmul.f32 v42, v45  }
0x69: {  	v13 =	vmul.f32 v43, v48;
	v14 =	vmul.f32 v14, v50  }
0x6a: {  	v10 =	vperm.xlane v10, v8;
	v17 =	vmul.f32 v46, v47  }
0x6b: {  	v55 =	vmul.f32 v49, v51;
	v11 =	vadd.f32 v12, v11;
	v13 =	vadd.f32 v14, v13  }
0x6c: {  	v56 =	vmul.f32 v52, v54  }
0x6d: {  	s8 =	sadd.s32 $0x1, s31;
	v57 =	vmul.f32 v53, v10;
	v11 =	vadd.f32 v17, v11;
	v13 =	vadd.f32 v55, v13  }
0x6e: {  	v58 =	vadd.s32 s8, v3  }
0x6f: {  	v11 =	vadd.f32 v56, v11;
	v13 =	vadd.f32 v57, v13;
	_ =	sdelay $0x1  }
0x70: {  	v11 =	vadd.f32 v13, v11;
	_ =	sdelay $0x1  }
0x71: {  	[tilespmem:v58+s25+$0x0] =	vst.idx.msk $0xffff, v11  }
0x72: {  	v11 =	vld [tilespmem:s2+$0xFFFFFD90]  }
0x73: {  	v59 =	vld [tilespmem:s2+$0xFFFFFDB0]  }
0x74: {  	v60 =	vld [tilespmem:s2+$0xFFFFFE10]  }
0x75: {  	v61 =	vld [tilespmem:s2+$0xFFFFFE30]  }
0x76: {  	v20 =	vld [tilespmem:s2+$0xFFFFFDD0]  }
0x77: {  	v62 =	vld [tilespmem:s2+$0xFFFFFE50]  }
0x78: {  	v63 =	vld [tilespmem:s2+$0xFFFFFDF0]  }
0x79: {  	v26 =	vld [tilespmem:s2+$0xFFFFFE70];
	v11 =	vmul.f32 v11, v44;
	v13 =	vmul.f32 v59, v45  }
0x7a: {  	v14 =	vmul.f32 v60, v48;
	v27 =	vmul.f32 v61, v50  }
0x7b: {  	v28 =	vmul.f32 v20, v47  }
0x7c: {  	v29 =	vmul.f32 v62, v51;
	v11 =	vadd.f32 v13, v11;
	v14 =	vadd.f32 v27, v14  }
0x7d: {  	v12 =	vmul.f32 v63, v54  }
0x7e: {  	v10 =	vmul.f32 v26, v10;
	v11 =	vadd.f32 v28, v11;
	v30 =	vadd.f32 v29, v14  }
0x7f: {  	v31 =	vadd.s32 s8, v9  }
0x80: {  	v11 =	vadd.f32 v12, v11;
	v10 =	vadd.f32 v10, v30;
	_ =	sdelay $0x1  }
0x81: {  	v10 =	vadd.f32 v10, v11;
	_ =	sdelay $0x1  }
0x82: {  	[tilespmem:v31+s25+$0x0] =	vst.idx.msk $0xffff, v10  }
0x83: {  	v10 =	vld [tilespmem:s0+$0xFFFFFFF8];
	_ =	sdelay $0x1  }
0x84: {  	v11 =	vld [tilespmem:s2+$0xFFFFFE80]  }
0x85: {  	v32 =	vld [tilespmem:s2+$0xFFFFFEA0]  }
0x86: {  	v33 =	vld [tilespmem:s2+$0xFFFFFF00]  }
0x87: {  	v14 =	vld [tilespmem:s2+$0xFFFFFF20];
	v34 =	vperm.xlane v10, v0  }
0x88: {  	v36 =	vld [tilespmem:s2+$0xFFFFFEC0];
	v35 =	vperm.xlane v10, v1;
	v37 =	vperm.xlane v10, v2  }
0x89: {  	v39 =	vld [tilespmem:s2+$0xFFFFFF40];
	v38 =	vperm.xlane v10, v5;
	v40 =	vperm.xlane v10, v6  }
0x8a: {  	v42 =	vld [tilespmem:s2+$0xFFFFFEE0];
	v41 =	vperm.xlane v10, v7;
	v44 =	vperm.xlane v10, v4  }
0x8b: {  	v43 =	vld [tilespmem:s2+$0xFFFFFF60];
	v11 =	vmul.f32 v11, v34;
	v12 =	vmul.f32 v32, v35  }
0x8c: {  	v13 =	vmul.f32 v33, v38;
	v14 =	vmul.f32 v14, v40  }
0x8d: {  	v10 =	vperm.xlane v10, v8;
	v17 =	vmul.f32 v36, v37  }
0x8e: {  	v45 =	vmul.f32 v39, v41;
	v11 =	vadd.f32 v12, v11;
	v13 =	vadd.f32 v14, v13  }
0x8f: {  	v46 =	vmul.f32 v42, v44  }
0x90: {  	s8 =	sadd.s32 $0x2, s31;
	v47 =	vmul.f32 v43, v10;
	v11 =	vadd.f32 v17, v11;
	v13 =	vadd.f32 v45, v13  }
0x91: {  	v48 =	vadd.s32 s8, v3  }
0x92: {  	v11 =	vadd.f32 v46, v11;
	v13 =	vadd.f32 v47, v13;
	_ =	sdelay $0x1  }
0x93: {  	v11 =	vadd.f32 v13, v11;
	_ =	sdelay $0x1  }
0x94: {  	[tilespmem:v48+s25+$0x0] =	vst.idx.msk $0xffff, v11  }
0x95: {  	v11 =	vld [tilespmem:s2+$0xFFFFFE90]  }
0x96: {  	v49 =	vld [tilespmem:s2+$0xFFFFFEB0]  }
0x97: {  	v50 =	vld [tilespmem:s2+$0xFFFFFF10]  }
0x98: {  	v51 =	vld [tilespmem:s2+$0xFFFFFF30]  }
0x99: {  	v20 =	vld [tilespmem:s2+$0xFFFFFED0]  }
0x9a: {  	v52 =	vld [tilespmem:s2+$0xFFFFFF50]  }
0x9b: {  	v53 =	vld [tilespmem:s2+$0xFFFFFEF0]  }
0x9c: {  	v54 =	vld [tilespmem:s2+$0xFFFFFF70];
	v11 =	vmul.f32 v11, v34;
	v13 =	vmul.f32 v49, v35  }
0x9d: {  	v14 =	vmul.f32 v50, v38;
	v55 =	vmul.f32 v51, v40  }
0x9e: {  	v56 =	vmul.f32 v20, v37  }
0x9f: {  	v57 =	vmul.f32 v52, v41;
	v11 =	vadd.f32 v13, v11;
	v14 =	vadd.f32 v55, v14  }
0xa0: {  	v12 =	vmul.f32 v53, v44  }
0xa1: {  	v10 =	vmul.f32 v54, v10;
	v11 =	vadd.f32 v56, v11;
	v58 =	vadd.f32 v57, v14  }
0xa2: {  	v59 =	vadd.s32 s8, v9  }
0xa3: {  	v11 =	vadd.f32 v12, v11;
	v10 =	vadd.f32 v10, v58;
	_ =	sdelay $0x1  }
0xa4: {  	v10 =	vadd.f32 v10, v11;
	_ =	sdelay $0x1  }
0xa5: {  	[tilespmem:v59+s25+$0x0] =	vst.idx.msk $0xffff, v10  }
0xa6: {  	v10 =	vld [tilespmem:s0+$0x0];
	_ =	sdelay $0x1  }
0xa7: {  	v11 =	vld [tilespmem:s2+$0xFFFFFF80]  }
0xa8: {  	v60 =	vld [tilespmem:s2+$0xFFFFFFA0]  }
0xa9: {  	v61 =	vld [tilespmem:s2+$0x0]  }
0xaa: {  	v14 =	vld [tilespmem:s2+$0x20];
	v62 =	vperm.xlane v10, v0  }
0xab: {  	v28 =	vld [tilespmem:s2+$0xFFFFFFC0];
	v63 =	vperm.xlane v10, v1;
	v29 =	vperm.xlane v10, v2  }
0xac: {  	v31 =	vld [tilespmem:s2+$0x40];
	v30 =	vperm.xlane v10, v5;
	v32 =	vperm.xlane v10, v6  }
0xad: {  	v34 =	vld [tilespmem:s2+$0xFFFFFFE0];
	v33 =	vperm.xlane v10, v7;
	v36 =	vperm.xlane v10, v4  }
0xae: {  	v35 =	vld [tilespmem:s2+$0x60];
	v11 =	vmul.f32 v11, v62;
	v12 =	vmul.f32 v60, v63  }
0xaf: {  	v13 =	vmul.f32 v61, v30;
	v14 =	vmul.f32 v14, v32  }
0xb0: {  	v10 =	vperm.xlane v10, v8;
	v17 =	vmul.f32 v28, v29  }
0xb1: {  	v37 =	vmul.f32 v31, v33;
	v11 =	vadd.f32 v12, v11;
	v13 =	vadd.f32 v14, v13  }
0xb2: {  	v38 =	vmul.f32 v34, v36  }
0xb3: {  	s8 =	sadd.s32 $0x3, s31;
	v39 =	vmul.f32 v35, v10;
	v11 =	vadd.f32 v17, v11;
	v13 =	vadd.f32 v37, v13  }
0xb4: {  	v40 =	vadd.s32 s8, v3  }
0xb5: {  	v11 =	vadd.f32 v38, v11;
	v13 =	vadd.f32 v39, v13;
	_ =	sdelay $0x1  }
0xb6: {  	v11 =	vadd.f32 v13, v11;
	_ =	sdelay $0x1  }
0xb7: {  	[tilespmem:v40+s25+$0x0] =	vst.idx.msk $0xffff, v11  }
0xb8: {  	v11 =	vld [tilespmem:s2+$0xFFFFFF90]  }
0xb9: {  	v41 =	vld [tilespmem:s2+$0xFFFFFFB0]  }
0xba: {  	v42 =	vld [tilespmem:s2+$0x10]  }
0xbb: {  	v43 =	vld [tilespmem:s2+$0x30]  }
0xbc: {  	v20 =	vld [tilespmem:s2+$0xFFFFFFD0]  }
0xbd: {  	v44 =	vld [tilespmem:s2+$0x50]  }
0xbe: {  	v45 =	vld [tilespmem:s2+$0xFFFFFFF0]  }
0xbf: {  	v46 =	vld [tilespmem:s2+$0x70];
	v11 =	vmul.f32 v11, v62;
	v13 =	vmul.f32 v41, v63  }
0xc0: {  	v14 =	vmul.f32 v42, v30;
	v47 =	vmul.f32 v43, v32  }
0xc1: {  	v48 =	vmul.f32 v20, v29  }
0xc2: {  	v49 =	vmul.f32 v44, v33;
	v11 =	vadd.f32 v13, v11;
	v14 =	vadd.f32 v47, v14  }
0xc3: {  	v12 =	vmul.f32 v45, v36  }
0xc4: {  	v10 =	vmul.f32 v46, v10;
	v11 =	vadd.f32 v48, v11;
	v50 =	vadd.f32 v49, v14  }
0xc5: {  	v51 =	vadd.s32 s8, v9  }
0xc6: {  	v11 =	vadd.f32 v12, v11;
	v10 =	vadd.f32 v10, v50;
	_ =	sdelay $0x1  }
0xc7: {  	v10 =	vadd.f32 v10, v11;
	_ =	sdelay $0x1  }
0xc8: {  	[tilespmem:v51+s25+$0x0] =	vst.idx.msk $0xffff, v10  }
0xc9: {  	v10 =	vld [tilespmem:s0+$0x8];
	_ =	sdelay $0x1  }
0xca: {  	v11 =	vld [tilespmem:s2+$0x80]  }
0xcb: {  	v52 =	vld [tilespmem:s2+$0xA0]  }
0xcc: {  	v53 =	vld [tilespmem:s2+$0x100]  }
0xcd: {  	v14 =	vld [tilespmem:s2+$0x120];
	v54 =	vperm.xlane v10, v0  }
0xce: {  	v56 =	vld [tilespmem:s2+$0xC0];
	v55 =	vperm.xlane v10, v1;
	v57 =	vperm.xlane v10, v2  }
0xcf: {  	v59 =	vld [tilespmem:s2+$0x140];
	v58 =	vperm.xlane v10, v5;
	v60 =	vperm.xlane v10, v6  }
0xd0: {  	v62 =	vld [tilespmem:s2+$0xE0];
	v61 =	vperm.xlane v10, v7;
	v28 =	vperm.xlane v10, v4  }
0xd1: {  	v63 =	vld [tilespmem:s2+$0x160];
	v11 =	vmul.f32 v11, v54;
	v12 =	vmul.f32 v52, v55  }
0xd2: {  	v13 =	vmul.f32 v53, v58;
	v14 =	vmul.f32 v14, v60  }
0xd3: {  	v10 =	vperm.xlane v10, v8;
	v17 =	vmul.f32 v56, v57  }
0xd4: {  	v29 =	vmul.f32 v59, v61;
	v11 =	vadd.f32 v12, v11;
	v13 =	vadd.f32 v14, v13  }
0xd5: {  	v30 =	vmul.f32 v62, v28  }
0xd6: {  	s8 =	sadd.s32 $0x4, s31;
	v31 =	vmul.f32 v63, v10;
	v11 =	vadd.f32 v17, v11;
	v13 =	vadd.f32 v29, v13  }
0xd7: {  	v32 =	vadd.s32 s8, v3  }
0xd8: {  	v11 =	vadd.f32 v30, v11;
	v13 =	vadd.f32 v31, v13;
	_ =	sdelay $0x1  }
0xd9: {  	v11 =	vadd.f32 v13, v11;
	_ =	sdelay $0x1  }
0xda: {  	[tilespmem:v32+s25+$0x0] =	vst.idx.msk $0xffff, v11  }
0xdb: {  	v11 =	vld [tilespmem:s2+$0x90]  }
0xdc: {  	v33 =	vld [tilespmem:s2+$0xB0]  }
0xdd: {  	v34 =	vld [tilespmem:s2+$0x110]  }
0xde: {  	v35 =	vld [tilespmem:s2+$0x130]  }
0xdf: {  	v20 =	vld [tilespmem:s2+$0xD0]  }
0xe0: {  	v36 =	vld [tilespmem:s2+$0x150]  }
0xe1: {  	v37 =	vld [tilespmem:s2+$0xF0]  }
0xe2: {  	v38 =	vld [tilespmem:s2+$0x170];
	v11 =	vmul.f32 v11, v54;
	v13 =	vmul.f32 v33, v55  }
0xe3: {  	v14 =	vmul.f32 v34, v58;
	v39 =	vmul.f32 v35, v60  }
0xe4: {  	v40 =	vmul.f32 v20, v57  }
0xe5: {  	v41 =	vmul.f32 v36, v61;
	v11 =	vadd.f32 v13, v11;
	v14 =	vadd.f32 v39, v14  }
0xe6: {  	v12 =	vmul.f32 v37, v28  }
0xe7: {  	v10 =	vmul.f32 v38, v10;
	v11 =	vadd.f32 v40, v11;
	v42 =	vadd.f32 v41, v14  }
0xe8: {  	v43 =	vadd.s32 s8, v9  }
0xe9: {  	v11 =	vadd.f32 v12, v11;
	v10 =	vadd.f32 v10, v42;
	_ =	sdelay $0x1  }
0xea: {  	v10 =	vadd.f32 v10, v11;
	_ =	sdelay $0x1  }
0xeb: {  	[tilespmem:v43+s25+$0x0] =	vst.idx.msk $0xffff, v10  }
0xec: {  	v10 =	vld [tilespmem:s0+$0x10];
	_ =	sdelay $0x1  }
0xed: {  	v11 =	vld [tilespmem:s2+$0x180]  }
0xee: {  	v44 =	vld [tilespmem:s2+$0x1A0]  }
0xef: {  	v45 =	vld [tilespmem:s2+$0x200]  }
0xf0: {  	v14 =	vld [tilespmem:s2+$0x220];
	v46 =	vperm.xlane v10, v0  }
0xf1: {  	v48 =	vld [tilespmem:s2+$0x1C0];
	v47 =	vperm.xlane v10, v1;
	v49 =	vperm.xlane v10, v2  }
0xf2: {  	v51 =	vld [tilespmem:s2+$0x240];
	v50 =	vperm.xlane v10, v5;
	v52 =	vperm.xlane v10, v6  }
0xf3: {  	v54 =	vld [tilespmem:s2+$0x1E0];
	v53 =	vperm.xlane v10, v7;
	v56 =	vperm.xlane v10, v4  }
0xf4: {  	v55 =	vld [tilespmem:s2+$0x260];
	v11 =	vmul.f32 v11, v46;
	v12 =	vmul.f32 v44, v47  }
0xf5: {  	v13 =	vmul.f32 v45, v50;
	v14 =	vmul.f32 v14, v52  }
0xf6: {  	v10 =	vperm.xlane v10, v8;
	v17 =	vmul.f32 v48, v49  }
0xf7: {  	v57 =	vmul.f32 v51, v53;
	v11 =	vadd.f32 v12, v11;
	v13 =	vadd.f32 v14, v13  }
0xf8: {  	v58 =	vmul.f32 v54, v56  }
0xf9: {  	s8 =	sadd.s32 $0x5, s31;
	v59 =	vmul.f32 v55, v10;
	v11 =	vadd.f32 v17, v11;
	v13 =	vadd.f32 v57, v13  }
0xfa: {  	v60 =	vadd.s32 s8, v3  }
0xfb: {  	v11 =	vadd.f32 v58, v11;
	v13 =	vadd.f32 v59, v13;
	_ =	sdelay $0x1  }
0xfc: {  	v11 =	vadd.f32 v13, v11;
	_ =	sdelay $0x1  }
0xfd: {  	[tilespmem:v60+s25+$0x0] =	vst.idx.msk $0xffff, v11  }
0xfe: {  	v11 =	vld [tilespmem:s2+$0x190]  }
0xff: {  	v61 =	vld [tilespmem:s2+$0x1B0]  }
0x100: {  	v62 =	vld [tilespmem:s2+$0x210]  }
0x101: {  	v63 =	vld [tilespmem:s2+$0x230]  }
0x102: {  	v20 =	vld [tilespmem:s2+$0x1D0]  }
0x103: {  	v28 =	vld [tilespmem:s2+$0x250]  }
0x104: {  	v29 =	vld [tilespmem:s2+$0x1F0]  }
0x105: {  	v30 =	vld [tilespmem:s2+$0x270];
	v11 =	vmul.f32 v11, v46;
	v13 =	vmul.f32 v61, v47  }
0x106: {  	v14 =	vmul.f32 v62, v50;
	v31 =	vmul.f32 v63, v52  }
0x107: {  	v32 =	vmul.f32 v20, v49  }
0x108: {  	v33 =	vmul.f32 v28, v53;
	v11 =	vadd.f32 v13, v11;
	v14 =	vadd.f32 v31, v14  }
0x109: {  	v12 =	vmul.f32 v29, v56  }
0x10a: {  	v10 =	vmul.f32 v30, v10;
	v11 =	vadd.f32 v32, v11;
	v34 =	vadd.f32 v33, v14  }
0x10b: {  	v35 =	vadd.s32 s8, v9  }
0x10c: {  	v11 =	vadd.f32 v12, v11;
	v10 =	vadd.f32 v10, v34;
	_ =	sdelay $0x1  }
0x10d: {  	v10 =	vadd.f32 v10, v11;
	_ =	sdelay $0x1  }
0x10e: {  	[tilespmem:v35+s25+$0x0] =	vst.idx.msk $0xffff, v10  }
0x10f: {  	v10 =	vld [tilespmem:s0+$0x18];
	_ =	sdelay $0x1  }
0x110: {  	v11 =	vld [tilespmem:s2+$0x280]  }
0x111: {  	v36 =	vld [tilespmem:s2+$0x2A0]  }
0x112: {  	v37 =	vld [tilespmem:s2+$0x300]  }
0x113: {  	v14 =	vld [tilespmem:s2+$0x320];
	v38 =	vperm.xlane v10, v0  }
0x114: {  	v40 =	vld [tilespmem:s2+$0x2C0];
	v39 =	vperm.xlane v10, v1;
	v41 =	vperm.xlane v10, v2  }
0x115: {  	v43 =	vld [tilespmem:s2+$0x340];
	v42 =	vperm.xlane v10, v5;
	v44 =	vperm.xlane v10, v6  }
0x116: {  	v46 =	vld [tilespmem:s2+$0x2E0];
	v45 =	vperm.xlane v10, v7;
	v48 =	vperm.xlane v10, v4  }
0x117: {  	v47 =	vld [tilespmem:s2+$0x360];
	v11 =	vmul.f32 v11, v38;
	v12 =	vmul.f32 v36, v39  }
0x118: {  	v13 =	vmul.f32 v37, v42;
	v14 =	vmul.f32 v14, v44  }
0x119: {  	v10 =	vperm.xlane v10, v8;
	v17 =	vmul.f32 v40, v41  }
0x11a: {  	v49 =	vmul.f32 v43, v45;
	v11 =	vadd.f32 v12, v11;
	v13 =	vadd.f32 v14, v13  }
0x11b: {  	v50 =	vmul.f32 v46, v48  }
0x11c: {  	s8 =	sadd.s32 $0x6, s31;
	v51 =	vmul.f32 v47, v10;
	v11 =	vadd.f32 v17, v11;
	v13 =	vadd.f32 v49, v13  }
0x11d: {  	v52 =	vadd.s32 s8, v3  }
0x11e: {  	v11 =	vadd.f32 v50, v11;
	v13 =	vadd.f32 v51, v13;
	_ =	sdelay $0x1  }
0x11f: {  	v11 =	vadd.f32 v13, v11;
	_ =	sdelay $0x1  }
0x120: {  	[tilespmem:v52+s25+$0x0] =	vst.idx.msk $0xffff, v11  }
0x121: {  	v11 =	vld [tilespmem:s2+$0x290]  }
0x122: {  	v53 =	vld [tilespmem:s2+$0x2B0]  }
0x123: {  	v54 =	vld [tilespmem:s2+$0x310]  }
0x124: {  	v55 =	vld [tilespmem:s2+$0x330]  }
0x125: {  	v20 =	vld [tilespmem:s2+$0x2D0]  }
0x126: {  	v56 =	vld [tilespmem:s2+$0x350]  }
0x127: {  	v57 =	vld [tilespmem:s2+$0x2F0]  }
0x128: {  	v58 =	vld [tilespmem:s2+$0x370];
	v11 =	vmul.f32 v11, v38;
	v13 =	vmul.f32 v53, v39  }
0x129: {  	v14 =	vmul.f32 v54, v42;
	v59 =	vmul.f32 v55, v44  }
0x12a: {  	v60 =	vmul.f32 v20, v41  }
0x12b: {  	v61 =	vmul.f32 v56, v45;
	v11 =	vadd.f32 v13, v11;
	v14 =	vadd.f32 v59, v14  }
0x12c: {  	v12 =	vmul.f32 v57, v48  }
0x12d: {  	v10 =	vmul.f32 v58, v10;
	v11 =	vadd.f32 v60, v11;
	v62 =	vadd.f32 v61, v14  }
0x12e: {  	p0 =	slt.u32 s31, $0x2A;
	v63 =	vadd.s32 s8, v9  }
.Ltmp0:
0x12f: {  	v11 =	vadd.f32 v12, v11;
	v10 =	vadd.f32 v10, v62;
	(pc) =	sbr.rel @p0 .LBB2_3-.Ltmp0, $3  }
0x130: {  	_ = 	snop  }
0x131: {  	v10 =	vadd.f32 v10, v11;
	_ =	sdelay $0x1  }
0x132: {  	s31 =	sadd.s32 $0x7, s31;
	s0 =	sadd.s32 $0x38, s0;
	s2 =	sadd.s32 $0x700, s2;
	[tilespmem:v63+s25+$0x0] =	vst.idx.msk $0xffff, v10  }
0x133: {  	s0 =	smul.u32 $0xC4, s30;
	s29 =	sadd.s32 $0x1, s29  }
0x134: {  	p0 =	sne.s32 s29, $0xA0  }
.Ltmp1:
0x135: {  	s0 =	sadd.s32 s6, s0;
	(pc) =	sbr.rel @p0 .LBB2_2-.Ltmp1, $4  }
0x136: {  	[hbm4b:s0+s1] =	stream.linear.scatter [tilespmem:s25], [sflag:$0x3], $0x620, $0x38;
	[tilespmem:$0x7480] =	vst v63  }
0x137: {  	_ =	swait.ge [sflag:s26], $0x620  }
0x138: {  	[sflag:s26] =	ssyncset.done $0x0  }
0x139: {  	[sflag:s26] =	ssyncadd.s32 $0xFFFFF9E0  }
0x13a: {  	s28 =	sadd.s32 $0x1, s28;
	s0 =	rddreg [dreg:$0x2]  }
0x13b: {  	p0 =	sne.s32 s28, s0  }
.Ltmp2:
0x13c: {  	_ = 	snop;
	(pc) =	sbr.rel @p0 .LBB2_1-.Ltmp2, $1  }
0x13d: {  	_ =	sdelay $0x3  }
0x13e: {  	_ =	sfence.sel $0x180000  }
0x13f: {  	[bflag:$0x0] =	sbarrier.arrive $0xFFFF  }
0x140: {  	_ =	strace $0x90000047  }
0x141: {  	s0 =	stileid.u32;
	[bflag:$0x2] =	sbarrier.arrive $0xFFFF  }
0x142: {  	p0 =	sne.s32 s0, $0x0;
	s0 =	rddreg [dreg:$0x1]  }
0x143: {  	s0 =	sadd.s32 @!p0 $0x100000, s0  }
0x144: {  	[sflag:s0] =	ssyncadd.tile.s32 @!p0 $0x1;
	_ =	shalt  }
.Lfunc_end2:
_tile_overlayer_lowered:
.L_overlay_start_2:
0x145: {  	(tag) =	ssettag $0x2  }
0x146: {  	s0 =	rddreg [dreg:$0x0];
	s2 =	stileid.u32  }
0x147: {  	s1 =	rddreg [dreg:$0x1];
	p0 =	sne.s32 s2, $0x0  }
0x148: {  	s3 =	rddreg [dreg:$0x2];
	[bflag:$0x3] =	sbarrier.arrive $0xFFFF;
	s2 =	simm.s32 @!p0 $0x1C04  }
0x149: {  	[timem:s3], [sflag:s2] =	dma.local @!p0 [hbm:s0], s1  }
0x14a: {  	s0 =	simm.s32 @!p0 $0x4  }
0x14b: {  	_ =	swait.ge @!p0 [sflag:s0], s1  }
0x14c: {  	s1 =	ssub.s32 @!p0 $0x0, s1;
	[sflag:s0] =	ssyncset.done @!p0 $0x0  }
0x14d: {  	[sflag:s0] =	ssyncadd.s32 @!p0 s1  }
0x14e: {  	[bflag:$0x3] =	sbarrier.arrive $0xFFFF  }
0x14f: {  	_ =	shalt  }

</sc_bundles>
